<compile_context>
chip_gen: v7x
topology: tpu7x:2x2x1
jax: 0.10.2.dev20260603
libtpu: 0.0.44.dev20260713+nightly
codegen_flags: <defaults>
</compile_context>

<pallas_src>
import functools

import jax
import jax.numpy as jnp
from jax import lax
from jax.experimental import pallas as pl
from jax.experimental.pallas import tpu as pltpu, tpu_sc as plsc

V = 1000000
D = 64
NB = 16384
NS = 50
B_TOTAL = NB * NS
NW = 32
B_PER_W = B_TOTAL // NW

_mesh = plsc.VectorSubcoreMesh(core_axis_name="c", subcore_axis_name="s")

TBLK = 18432


def _tt_body(wt_ref, o_ref, s_ref):
    s_ref[...] = wt_ref[...].T
    o_ref[:, 0:64] = s_ref[0::2, :]
    o_ref[:, 64:128] = s_ref[1::2, :]


_t_kernel = pl.pallas_call(
    _tt_body,
    grid=((V + TBLK - 1) // TBLK,),
    in_specs=[pl.BlockSpec((D, TBLK), lambda j: (0, j))],
    out_specs=pl.BlockSpec((TBLK // 2, 128), lambda j: (j, 0)),
    out_shape=jax.ShapeDtypeStruct((V // 2, 128), jnp.float32),
    scratch_shapes=[pltpu.VMEM((TBLK, 64), jnp.float32)],
    compiler_params=pltpu.CompilerParams(
        dimension_semantics=("parallel",)),
)


N_BLK2 = 4 * NS


@functools.partial(
    pl.kernel,
    out_type=jax.ShapeDtypeStruct((NS, 8, 128, 8, 128), jnp.float32),
    mesh=_mesh,
    compiler_params=pltpu.CompilerParams(use_tc_tiling_on_sc=False,
                                         needs_layout_passes=False),
    scratch_types=[
        pltpu.VMEM((B_PER_W,), jnp.int32),
        [pltpu.VMEM((128,), jnp.int32)] * 2,
        [pltpu.VMEM((128, D), jnp.float32)] * 2,
        [pltpu.VMEM((8, 8, 128), jnp.float32)] * 2,
        pltpu.VMEM((D,), jnp.float32),
        [pltpu.SemaphoreType.DMA] * 2,
        [pltpu.SemaphoreType.DMA] * 2,
    ],
)
def _g_kernel(x_hbm, w_hbm, b_hbm, out_hbm, idx_v, gidx, rowbuf, oblk,
              bias_v, sg, ss):
    wid = lax.axis_index("s") * 2 + lax.axis_index("c")
    base = wid * B_PER_W

    pltpu.sync_copy(b_hbm, bias_v)
    pltpu.sync_copy(x_hbm.at[pl.ds(base, B_PER_W)], idx_v)

    p50 = lax.iota(jnp.int32, 16) * 50
    rowvecs = [lax.iota(jnp.int32, 16) + 16 * g for g in range(8)]

    def build_gidx(t, b):
        s = t % 50
        cbl = t // 50
        for g in range(8):
            pos = p50 + lax.broadcast(cbl * 6400 + g * 800 + s, (16,))
            vals = plsc.load_gather(idx_v, [pos])
            gidx[b][pl.ds(g * 16, 16)] = vals

    def fire_gather(b):
        pltpu.async_copy(w_hbm.at[gidx[b]], rowbuf[b], sg[b])

    def wait_gather(b):
        pltpu.make_async_copy(w_hbm.at[pl.ds(0, 128)], rowbuf[b],
                              sg[b]).wait()

    def fire_store(t, b):
        s = t % 50
        cb = wid * 4 + t // 50
        pltpu.async_copy(oblk[b], out_hbm.at[s, :, cb], ss[b])

    def wait_store(b):
        pltpu.make_async_copy(oblk[b], out_hbm.at[0, :, 0], ss[b]).wait()

    def transpose_bias(b):
        @plsc.parallel_loop(0, D, unroll=8)
        def d_body(d):
            dsplat = lax.broadcast(d, (16,))
            bsplat = plsc.load_gather(bias_v, [dsplat])
            for g in range(8):
                rv = plsc.load_gather(rowbuf[b], [rowvecs[g], dsplat])
                oblk[b][d // 8, d % 8, pl.ds(g * 16, 16)] = rv + bsplat

    def visit(t, b, first):
        wait_gather(b)
        build_gidx(jnp.minimum(t + 1, N_BLK2 - 1), 1 - b)
        fire_gather(1 - b)
        if not first:
            wait_store(b)
        transpose_bias(b)
        fire_store(t, b)

    build_gidx(0, 0)
    fire_gather(0)
    visit(0, 0, True)
    visit(1, 1, True)

    def outer(p, carry):
        def visit_l(t, b):
            wait_gather(b)
            build_gidx(jnp.minimum(t + 1, N_BLK2 - 1), 1 - b)
            fire_gather(1 - b)
            wait_store(b)
            transpose_bias(b)
            fire_store(t, b)

        visit_l(2 * p, 0)
        visit_l(2 * p + 1, 1)
        return carry

    lax.fori_loop(1, N_BLK2 // 2, outer, 0)

    wait_gather(0)
    wait_store(0)
    wait_store(1)


def kernel(x, weight, bias):
    w2 = _t_kernel(weight.T)
    w_lin = w2.reshape(V, D)
    out5 = _g_kernel(x.reshape(-1), w_lin, bias)
    return out5.transpose(2, 4, 0, 1, 3).reshape(NB, NS, D)

# --- scband reference (transcript-rebuilt; emitter-appended) ---
"""Pipeline reference for scband-embedding-29137058136074 (READ-ONLY COPY).

The authoritative reference and input builder live on the scoring server;
editing this copy changes nothing except your own understanding.
"""

import jax, jax.numpy as jnp
import numpy as np

INPUT_SIZE = 1000000
OUTPUT_SIZE = 64


def setup_inputs(seed: int = 0) -> dict:
    key = jax.random.key(seed)
    k_idx, k_w = jax.random.split(key)
    x = jax.random.randint(k_idx, (16384, 50), 0, INPUT_SIZE, dtype=jnp.int64 if jax.config.jax_enable_x64 else jnp.int32)
    # kaiming normal init: std = sqrt(2 / fan_in); torch kaiming_normal_ default fan_in = input_size
    std = float(np.sqrt(2.0 / INPUT_SIZE))
    weight = jax.random.normal(k_w, (INPUT_SIZE, OUTPUT_SIZE), dtype=jnp.float32) * std
    bias = jnp.zeros((OUTPUT_SIZE,), dtype=jnp.float32)
    return {"x": x, "weight": weight, "bias": bias}


def reference(x, weight, bias):
    # Faithful translation of: self.weight[x] + self.bias
    return jnp.take(weight, x, axis=0) + bias

if __name__ == "__main__":
    import jax
    _d = setup_inputs()
    print(jax.jit(kernel)(*tuple(_d.values())))

</pallas_src>

<mosaic_0001>
#map = affine_map<(d0, d1) -> (0)>
#map1 = affine_map<(d0, d1) -> (0, 0)>
#map2 = affine_map<(d0, d1) -> (0, 0, 0, 0, 0)>
module attributes {stable_mosaic.version = 14 : i64} {
  func.func @_g_kernel(%arg0: i32, %arg1: i32, %arg2: memref<819200xi32, #tpu.memory_space<hbm>>, %arg3: memref<1000000x64xf32, #tpu.memory_space<hbm>>, %arg4: memref<64xf32, #tpu.memory_space<hbm>>, %arg5: memref<50x8x128x8x128xf32, #tpu.memory_space<hbm>>, %arg6: memref<25600xi32, #tpu.memory_space<vmem>>, %arg7: memref<128xi32, #tpu.memory_space<vmem>>, %arg8: memref<128xi32, #tpu.memory_space<vmem>>, %arg9: memref<128x64xf32, #tpu.memory_space<vmem>>, %arg10: memref<128x64xf32, #tpu.memory_space<vmem>>, %arg11: memref<8x8x128xf32, #tpu.memory_space<vmem>>, %arg12: memref<8x8x128xf32, #tpu.memory_space<vmem>>, %arg13: memref<64xf32, #tpu.memory_space<vmem>>, %arg14: memref<!tpu.dma_semaphore, #tpu.memory_space<semaphore_mem>>, %arg15: memref<!tpu.dma_semaphore, #tpu.memory_space<semaphore_mem>>, %arg16: memref<!tpu.dma_semaphore, #tpu.memory_space<semaphore_mem>>, %arg17: memref<!tpu.dma_semaphore, #tpu.memory_space<semaphore_mem>>) attributes {dimension_semantics = [#tpu.dimension_semantics<core_parallel>, #tpu.dimension_semantics<subcore_parallel>], iteration_bounds = array<i64: 2, 16>, scalar_prefetch = 0 : i64, scratch_operands = 12 : i64, tpu.core_type = #tpu.core_type<sc_vector_subcore>, window_params = [{transform_indices = #map}, {transform_indices = #map1}, {transform_indices = #map}, {transform_indices = #map2}]} {
    %mul3A = arith.constant 2 : i32
    %mul3A_0 = arith.muli %arg1, %mul3A : i32
    %add3A = arith.addi %mul3A_0, %arg0 : i32
    %mul3A_1 = arith.constant 25600 : i32
    %mul3A_2 = arith.muli %add3A, %mul3A_1 : i32
    "tpu.region"() ({
      %run_scoped3A = tpu.sem_alloc : memref<!tpu.dma_semaphore, #tpu.memory_space<semaphore_mem>>
      tpu.enqueue_dma source(%arg4 : memref<64xf32, #tpu.memory_space<hbm>>) target(%arg13 : memref<64xf32, #tpu.memory_space<vmem>>) target_semaphore(%run_scoped3A : memref<!tpu.dma_semaphore, #tpu.memory_space<semaphore_mem>>)
      tpu.wait_dma2 semaphore(%run_scoped3A : memref<!tpu.dma_semaphore, #tpu.memory_space<semaphore_mem>>) src(%arg4 : memref<64xf32, #tpu.memory_space<hbm>>) dst(%arg13 : memref<64xf32, #tpu.memory_space<vmem>>)
      tpu.yield
    }) : () -> ()
    "tpu.region"() ({
      %run_scoped3A = tpu.sem_alloc : memref<!tpu.dma_semaphore, #tpu.memory_space<semaphore_mem>>
      %dma_start3A_407 = tpu.memref_slice %arg2[%mul3A_2] : memref<819200xi32, #tpu.memory_space<hbm>> -> memref<25600xi32, #tpu.memory_space<hbm>>
      %dma_start3A_408 = tpu.memref_slice %arg2[%mul3A_2] : memref<819200xi32, #tpu.memory_space<hbm>> -> memref<25600xi32, #tpu.memory_space<hbm>>
      tpu.enqueue_dma source(%dma_start3A_408 : memref<25600xi32, #tpu.memory_space<hbm>>) target(%arg6 : memref<25600xi32, #tpu.memory_space<vmem>>) target_semaphore(%run_scoped3A : memref<!tpu.dma_semaphore, #tpu.memory_space<semaphore_mem>>)
      %dma_wait3A_409 = tpu.memref_slice %arg2[%mul3A_2] : memref<819200xi32, #tpu.memory_space<hbm>> -> memref<25600xi32, #tpu.memory_space<hbm>>
      %dma_wait3A_410 = tpu.memref_slice %arg2[%mul3A_2] : memref<819200xi32, #tpu.memory_space<hbm>> -> memref<25600xi32, #tpu.memory_space<hbm>>
      tpu.wait_dma2 semaphore(%run_scoped3A : memref<!tpu.dma_semaphore, #tpu.memory_space<semaphore_mem>>) src(%dma_wait3A_410 : memref<25600xi32, #tpu.memory_space<hbm>>) dst(%arg6 : memref<25600xi32, #tpu.memory_space<vmem>>)
      tpu.yield
    }) : () -> ()
    %iota3A = tpu.iota {dimensions = array<i32: 0>} : vector<16xi32>
    %mul3A_3 = arith.constant 50 : i32
    %mul3A_4 = vector.broadcast %mul3A_3 : i32 to vector<16xi32>
    %mul3A_5 = arith.muli %iota3A, %mul3A_4 : vector<16xi32>
    %iota3A_6 = tpu.iota {dimensions = array<i32: 0>} : vector<16xi32>
    %add3A_7 = arith.constant 0 : i32
    %add3A_8 = vector.broadcast %add3A_7 : i32 to vector<16xi32>
    %add3A_9 = arith.addi %iota3A_6, %add3A_8 : vector<16xi32>
    %iota3A_10 = tpu.iota {dimensions = array<i32: 0>} : vector<16xi32>
    %add3A_11 = arith.constant 16 : i32
    %add3A_12 = vector.broadcast %add3A_11 : i32 to vector<16xi32>
    %add3A_13 = arith.addi %iota3A_10, %add3A_12 : vector<16xi32>
    %iota3A_14 = tpu.iota {dimensions = array<i32: 0>} : vector<16xi32>
    %add3A_15 = arith.constant 32 : i32
    %add3A_16 = vector.broadcast %add3A_15 : i32 to vector<16xi32>
    %add3A_17 = arith.addi %iota3A_14, %add3A_16 : vector<16xi32>
    %iota3A_18 = tpu.iota {dimensions = array<i32: 0>} : vector<16xi32>
    %add3A_19 = arith.constant 48 : i32
    %add3A_20 = vector.broadcast %add3A_19 : i32 to vector<16xi32>
    %add3A_21 = arith.addi %iota3A_18, %add3A_20 : vector<16xi32>
    %iota3A_22 = tpu.iota {dimensions = array<i32: 0>} : vector<16xi32>
    %add3A_23 = arith.constant 64 : i32
    %add3A_24 = vector.broadcast %add3A_23 : i32 to vector<16xi32>
    %add3A_25 = arith.addi %iota3A_22, %add3A_24 : vector<16xi32>
    %iota3A_26 = tpu.iota {dimensions = array<i32: 0>} : vector<16xi32>
    %add3A_27 = arith.constant 80 : i32
    %add3A_28 = vector.broadcast %add3A_27 : i32 to vector<16xi32>
    %add3A_29 = arith.addi %iota3A_26, %add3A_28 : vector<16xi32>
    %iota3A_30 = tpu.iota {dimensions = array<i32: 0>} : vector<16xi32>
    %add3A_31 = arith.constant 96 : i32
    %add3A_32 = vector.broadcast %add3A_31 : i32 to vector<16xi32>
    %add3A_33 = arith.addi %iota3A_30, %add3A_32 : vector<16xi32>
    %iota3A_34 = tpu.iota {dimensions = array<i32: 0>} : vector<16xi32>
    %add3A_35 = arith.constant 112 : i32
    %add3A_36 = vector.broadcast %add3A_35 : i32 to vector<16xi32>
    %add3A_37 = arith.addi %iota3A_34, %add3A_36 : vector<16xi32>
    %broadcast_in_dim3A = arith.constant 0 : i32
    %broadcast_in_dim3A_38 = vector.broadcast %broadcast_in_dim3A : i32 to vector<16xi32>
    %add3A_39 = arith.addi %mul3A_5, %broadcast_in_dim3A_38 : vector<16xi32>
    %gather3A = tpu.vector_load_idx %arg6[%add3A_39] : memref<25600xi32, #tpu.memory_space<vmem>>[vector<16xi32>], vector<16xi32>,
    %swap3A = arith.constant 0 : index
    %swap3A_40 = tpu.vector_load %arg7[%swap3A] {strides = array<i32>} : memref<128xi32, #tpu.memory_space<vmem>>, vector<16xi32>,
    tpu.vector_store %arg7[%swap3A], %gather3A {strides = array<i32>} : memref<128xi32, #tpu.memory_space<vmem>>, vector<16xi32>,
    %broadcast_in_dim3A_41 = arith.constant 800 : i32
    %broadcast_in_dim3A_42 = vector.broadcast %broadcast_in_dim3A_41 : i32 to vector<16xi32>
    %add3A_43 = arith.addi %mul3A_5, %broadcast_in_dim3A_42 : vector<16xi32>
    %gather3A_44 = tpu.vector_load_idx %arg6[%add3A_43] : memref<25600xi32, #tpu.memory_space<vmem>>[vector<16xi32>], vector<16xi32>,
    %swap3A_45 = arith.constant 16 : index
    %swap3A_46 = tpu.vector_load %arg7[%swap3A_45] {strides = array<i32>} : memref<128xi32, #tpu.memory_space<vmem>>, vector<16xi32>,
    tpu.vector_store %arg7[%swap3A_45], %gather3A_44 {strides = array<i32>} : memref<128xi32, #tpu.memory_space<vmem>>, vector<16xi32>,
    %broadcast_in_dim3A_47 = arith.constant 1600 : i32
    %broadcast_in_dim3A_48 = vector.broadcast %broadcast_in_dim3A_47 : i32 to vector<16xi32>
    %add3A_49 = arith.addi %mul3A_5, %broadcast_in_dim3A_48 : vector<16xi32>
    %gather3A_50 = tpu.vector_load_idx %arg6[%add3A_49] : memref<25600xi32, #tpu.memory_space<vmem>>[vector<16xi32>], vector<16xi32>,
    %swap3A_51 = arith.constant 32 : index
    %swap3A_52 = tpu.vector_load %arg7[%swap3A_51] {strides = array<i32>} : memref<128xi32, #tpu.memory_space<vmem>>, vector<16xi32>,
    tpu.vector_store %arg7[%swap3A_51], %gather3A_50 {strides = array<i32>} : memref<128xi32, #tpu.memory_space<vmem>>, vector<16xi32>,
    %broadcast_in_dim3A_53 = arith.constant 2400 : i32
    %broadcast_in_dim3A_54 = vector.broadcast %broadcast_in_dim3A_53 : i32 to vector<16xi32>
    %add3A_55 = arith.addi %mul3A_5, %broadcast_in_dim3A_54 : vector<16xi32>
    %gather3A_56 = tpu.vector_load_idx %arg6[%add3A_55] : memref<25600xi32, #tpu.memory_space<vmem>>[vector<16xi32>], vector<16xi32>,
    %swap3A_57 = arith.constant 48 : index
    %swap3A_58 = tpu.vector_load %arg7[%swap3A_57] {strides = array<i32>} : memref<128xi32, #tpu.memory_space<vmem>>, vector<16xi32>,
    tpu.vector_store %arg7[%swap3A_57], %gather3A_56 {strides = array<i32>} : memref<128xi32, #tpu.memory_space<vmem>>, vector<16xi32>,
    %broadcast_in_dim3A_59 = arith.constant 3200 : i32
    %broadcast_in_dim3A_60 = vector.broadcast %broadcast_in_dim3A_59 : i32 to vector<16xi32>
    %add3A_61 = arith.addi %mul3A_5, %broadcast_in_dim3A_60 : vector<16xi32>
    %gather3A_62 = tpu.vector_load_idx %arg6[%add3A_61] : memref<25600xi32, #tpu.memory_space<vmem>>[vector<16xi32>], vector<16xi32>,
    %swap3A_63 = arith.constant 64 : index
    %swap3A_64 = tpu.vector_load %arg7[%swap3A_63] {strides = array<i32>} : memref<128xi32, #tpu.memory_space<vmem>>, vector<16xi32>,
    tpu.vector_store %arg7[%swap3A_63], %gather3A_62 {strides = array<i32>} : memref<128xi32, #tpu.memory_space<vmem>>, vector<16xi32>,
    %broadcast_in_dim3A_65 = arith.constant 4000 : i32
    %broadcast_in_dim3A_66 = vector.broadcast %broadcast_in_dim3A_65 : i32 to vector<16xi32>
    %add3A_67 = arith.addi %mul3A_5, %broadcast_in_dim3A_66 : vector<16xi32>
    %gather3A_68 = tpu.vector_load_idx %arg6[%add3A_67] : memref<25600xi32, #tpu.memory_space<vmem>>[vector<16xi32>], vector<16xi32>,
    %swap3A_69 = arith.constant 80 : index
    %swap3A_70 = tpu.vector_load %arg7[%swap3A_69] {strides = array<i32>} : memref<128xi32, #tpu.memory_space<vmem>>, vector<16xi32>,
    tpu.vector_store %arg7[%swap3A_69], %gather3A_68 {strides = array<i32>} : memref<128xi32, #tpu.memory_space<vmem>>, vector<16xi32>,
    %broadcast_in_dim3A_71 = arith.constant 4800 : i32
    %broadcast_in_dim3A_72 = vector.broadcast %broadcast_in_dim3A_71 : i32 to vector<16xi32>
    %add3A_73 = arith.addi %mul3A_5, %broadcast_in_dim3A_72 : vector<16xi32>
    %gather3A_74 = tpu.vector_load_idx %arg6[%add3A_73] : memref<25600xi32, #tpu.memory_space<vmem>>[vector<16xi32>], vector<16xi32>,
    %swap3A_75 = arith.constant 96 : index
    %swap3A_76 = tpu.vector_load %arg7[%swap3A_75] {strides = array<i32>} : memref<128xi32, #tpu.memory_space<vmem>>, vector<16xi32>,
    tpu.vector_store %arg7[%swap3A_75], %gather3A_74 {strides = array<i32>} : memref<128xi32, #tpu.memory_space<vmem>>, vector<16xi32>,
    %broadcast_in_dim3A_77 = arith.constant 5600 : i32
    %broadcast_in_dim3A_78 = vector.broadcast %broadcast_in_dim3A_77 : i32 to vector<16xi32>
    %add3A_79 = arith.addi %mul3A_5, %broadcast_in_dim3A_78 : vector<16xi32>
    %gather3A_80 = tpu.vector_load_idx %arg6[%add3A_79] : memref<25600xi32, #tpu.memory_space<vmem>>[vector<16xi32>], vector<16xi32>,
    %swap3A_81 = arith.constant 112 : index
    %swap3A_82 = tpu.vector_load %arg7[%swap3A_81] {strides = array<i32>} : memref<128xi32, #tpu.memory_space<vmem>>, vector<16xi32>,
    tpu.vector_store %arg7[%swap3A_81], %gather3A_80 {strides = array<i32>} : memref<128xi32, #tpu.memory_space<vmem>>, vector<16xi32>,
    %dma_start3A = arith.constant 0 : i32
    %dma_start3A_83 = arith.constant 0 : i32
    %dma_start3A_84 = tpu.memref_slice %arg3[%dma_start3A, %dma_start3A_83] : memref<1000000x64xf32, #tpu.memory_space<hbm>> -> memref<1000000x64xf32, #tpu.memory_space<hbm>>
    tpu.enqueue_indirect_dma source(%dma_start3A_84 : memref<1000000x64xf32, #tpu.memory_space<hbm>>) target(%arg9 : memref<128x64xf32, #tpu.memory_space<vmem>>) offsets(%arg7 : memref<128xi32, #tpu.memory_space<vmem>>) semaphore(%arg14 : memref<!tpu.dma_semaphore, #tpu.memory_space<semaphore_mem>>)
    %dma_wait3A = arith.constant 0 : i32
    %dma_wait3A_85 = arith.constant 0 : i32
    %dma_wait3A_86 = tpu.memref_slice %arg3[%dma_wait3A, %dma_wait3A_85] : memref<1000000x64xf32, #tpu.memory_space<hbm>> -> memref<128x64xf32, #tpu.memory_space<hbm>>
    %dma_wait3A_87 = arith.constant 0 : i32
    %dma_wait3A_88 = arith.constant 0 : i32
    %dma_wait3A_89 = tpu.memref_slice %arg3[%dma_wait3A_87, %dma_wait3A_88] : memref<1000000x64xf32, #tpu.memory_space<hbm>> -> memref<128x64xf32, #tpu.memory_space<hbm>>
    tpu.wait_dma2 semaphore(%arg14 : memref<!tpu.dma_semaphore, #tpu.memory_space<semaphore_mem>>) src(%dma_wait3A_89 : memref<128x64xf32, #tpu.memory_space<hbm>>) dst(%arg9 : memref<128x64xf32, #tpu.memory_space<vmem>>)
    %min3A = arith.constant 1 : i32
    %min3A_90 = arith.constant 199 : i32
    %min3A_91 = arith.minsi %min3A, %min3A_90 : i32
    %jit3A = arith.constant 50 : i32
    %eq3A = arith.constant 0 : i32
    %eq3A_92 = arith.cmpi eq, %jit3A, %eq3A : i32
    %jit3A_93 = arith.constant 1 : i32
    %select_n3A = arith.select %eq3A_92, %jit3A_93, %jit3A : i32
    %rem3A = arith.remsi %min3A_91, %select_n3A : i32
    %ne3A = arith.constant 0 : i32
    %ne3A_94 = arith.cmpi ne, %rem3A, %ne3A : i32
    %lt3A = arith.constant 0 : i32
    %lt3A_95 = arith.cmpi slt, %rem3A, %lt3A : i32
    %lt3A_96 = arith.constant 0 : i32
    %lt3A_97 = arith.cmpi slt, %select_n3A, %lt3A_96 : i32
    %ne3A_98 = arith.xori %lt3A_95, %lt3A_97 : i1
    %and3A = arith.andi %ne3A_98, %ne3A_94 : i1
    %add3A_99 = arith.addi %rem3A, %select_n3A : i32
    %select_n3A_100 = arith.select %and3A, %add3A_99, %rem3A : i32
    %jit3A_101 = arith.constant 50 : i32
    %div3A = arith.divsi %min3A_91, %jit3A_101 : i32
    %sign3A = arith.constant 0 : i32
    %sign3A_102 = arith.cmpi sgt, %min3A_91, %sign3A : i32
    %sign3A_103 = arith.extui %sign3A_102 : i1 to i32
    %sign3A_104 = arith.constant 0 : i32
    %sign3A_105 = arith.cmpi slt, %min3A_91, %sign3A_104 : i32
    %sign3A_106 = arith.extui %sign3A_105 : i1 to i32
    %sign3A_107 = arith.subi %sign3A_103, %sign3A_106 : i32
    %sign3A_108 = arith.constant 0 : i32
    %sign3A_109 = arith.cmpi sgt, %jit3A_101, %sign3A_108 : i32
    %sign3A_110 = arith.extui %sign3A_109 : i1 to i32
    %sign3A_111 = arith.constant 0 : i32
    %sign3A_112 = arith.cmpi slt, %jit3A_101, %sign3A_111 : i32
    %sign3A_113 = arith.extui %sign3A_112 : i1 to i32
    %sign3A_114 = arith.subi %sign3A_110, %sign3A_113 : i32
    %ne3A_115 = arith.cmpi ne, %sign3A_107, %sign3A_114 : i32
    %rem3A_116 = arith.remsi %min3A_91, %jit3A_101 : i32
    %ne3A_117 = arith.constant 0 : i32
    %ne3A_118 = arith.cmpi ne, %rem3A_116, %ne3A_117 : i32
    %and3A_119 = arith.andi %ne3A_115, %ne3A_118 : i1
    %sub3A = arith.constant 1 : i32
    %sub3A_120 = arith.subi %div3A, %sub3A : i32
    %select_n3A_121 = arith.select %and3A_119, %sub3A_120, %div3A : i32
    %mul3A_122 = arith.constant 6400 : i32
    %mul3A_123 = arith.muli %select_n3A_121, %mul3A_122 : i32
    %add3A_124 = arith.constant 0 : i32
    %add3A_125 = arith.addi %mul3A_123, %add3A_124 : i32
    %add3A_126 = arith.addi %add3A_125, %select_n3A_100 : i32
    %broadcast_in_dim3A_127 = vector.broadcast %add3A_126 : i32 to vector<16xi32>
    %add3A_128 = arith.addi %mul3A_5, %broadcast_in_dim3A_127 : vector<16xi32>
    %gather3A_129 = tpu.vector_load_idx %arg6[%add3A_128] : memref<25600xi32, #tpu.memory_space<vmem>>[vector<16xi32>], vector<16xi32>,
    %swap3A_130 = arith.constant 0 : index
    %swap3A_131 = tpu.vector_load %arg8[%swap3A_130] {strides = array<i32>} : memref<128xi32, #tpu.memory_space<vmem>>, vector<16xi32>,
    tpu.vector_store %arg8[%swap3A_130], %gather3A_129 {strides = array<i32>} : memref<128xi32, #tpu.memory_space<vmem>>, vector<16xi32>,
    %mul3A_132 = arith.constant 6400 : i32
    %mul3A_133 = arith.muli %select_n3A_121, %mul3A_132 : i32
    %add3A_134 = arith.constant 800 : i32
    %add3A_135 = arith.addi %mul3A_133, %add3A_134 : i32
    %add3A_136 = arith.addi %add3A_135, %select_n3A_100 : i32
    %broadcast_in_dim3A_137 = vector.broadcast %add3A_136 : i32 to vector<16xi32>
    %add3A_138 = arith.addi %mul3A_5, %broadcast_in_dim3A_137 : vector<16xi32>
    %gather3A_139 = tpu.vector_load_idx %arg6[%add3A_138] : memref<25600xi32, #tpu.memory_space<vmem>>[vector<16xi32>], vector<16xi32>,
    %swap3A_140 = arith.constant 16 : index
    %swap3A_141 = tpu.vector_load %arg8[%swap3A_140] {strides = array<i32>} : memref<128xi32, #tpu.memory_space<vmem>>, vector<16xi32>,
    tpu.vector_store %arg8[%swap3A_140], %gather3A_139 {strides = array<i32>} : memref<128xi32, #tpu.memory_space<vmem>>, vector<16xi32>,
    %mul3A_142 = arith.constant 6400 : i32
    %mul3A_143 = arith.muli %select_n3A_121, %mul3A_142 : i32
    %add3A_144 = arith.constant 1600 : i32
    %add3A_145 = arith.addi %mul3A_143, %add3A_144 : i32
    %add3A_146 = arith.addi %add3A_145, %select_n3A_100 : i32
    %broadcast_in_dim3A_147 = vector.broadcast %add3A_146 : i32 to vector<16xi32>
    %add3A_148 = arith.addi %mul3A_5, %broadcast_in_dim3A_147 : vector<16xi32>
    %gather3A_149 = tpu.vector_load_idx %arg6[%add3A_148] : memref<25600xi32, #tpu.memory_space<vmem>>[vector<16xi32>], vector<16xi32>,
    %swap3A_150 = arith.constant 32 : index
    %swap3A_151 = tpu.vector_load %arg8[%swap3A_150] {strides = array<i32>} : memref<128xi32, #tpu.memory_space<vmem>>, vector<16xi32>,
    tpu.vector_store %arg8[%swap3A_150], %gather3A_149 {strides = array<i32>} : memref<128xi32, #tpu.memory_space<vmem>>, vector<16xi32>,
    %mul3A_152 = arith.constant 6400 : i32
    %mul3A_153 = arith.muli %select_n3A_121, %mul3A_152 : i32
    %add3A_154 = arith.constant 2400 : i32
    %add3A_155 = arith.addi %mul3A_153, %add3A_154 : i32
    %add3A_156 = arith.addi %add3A_155, %select_n3A_100 : i32
    %broadcast_in_dim3A_157 = vector.broadcast %add3A_156 : i32 to vector<16xi32>
    %add3A_158 = arith.addi %mul3A_5, %broadcast_in_dim3A_157 : vector<16xi32>
    %gather3A_159 = tpu.vector_load_idx %arg6[%add3A_158] : memref<25600xi32, #tpu.memory_space<vmem>>[vector<16xi32>], vector<16xi32>,
    %swap3A_160 = arith.constant 48 : index
    %swap3A_161 = tpu.vector_load %arg8[%swap3A_160] {strides = array<i32>} : memref<128xi32, #tpu.memory_space<vmem>>, vector<16xi32>,
    tpu.vector_store %arg8[%swap3A_160], %gather3A_159 {strides = array<i32>} : memref<128xi32, #tpu.memory_space<vmem>>, vector<16xi32>,
    %mul3A_162 = arith.constant 6400 : i32
    %mul3A_163 = arith.muli %select_n3A_121, %mul3A_162 : i32
    %add3A_164 = arith.constant 3200 : i32
    %add3A_165 = arith.addi %mul3A_163, %add3A_164 : i32
    %add3A_166 = arith.addi %add3A_165, %select_n3A_100 : i32
    %broadcast_in_dim3A_167 = vector.broadcast %add3A_166 : i32 to vector<16xi32>
    %add3A_168 = arith.addi %mul3A_5, %broadcast_in_dim3A_167 : vector<16xi32>
    %gather3A_169 = tpu.vector_load_idx %arg6[%add3A_168] : memref<25600xi32, #tpu.memory_space<vmem>>[vector<16xi32>], vector<16xi32>,
    %swap3A_170 = arith.constant 64 : index
    %swap3A_171 = tpu.vector_load %arg8[%swap3A_170] {strides = array<i32>} : memref<128xi32, #tpu.memory_space<vmem>>, vector<16xi32>,
    tpu.vector_store %arg8[%swap3A_170], %gather3A_169 {strides = array<i32>} : memref<128xi32, #tpu.memory_space<vmem>>, vector<16xi32>,
    %mul3A_172 = arith.constant 6400 : i32
    %mul3A_173 = arith.muli %select_n3A_121, %mul3A_172 : i32
    %add3A_174 = arith.constant 4000 : i32
    %add3A_175 = arith.addi %mul3A_173, %add3A_174 : i32
    %add3A_176 = arith.addi %add3A_175, %select_n3A_100 : i32
    %broadcast_in_dim3A_177 = vector.broadcast %add3A_176 : i32 to vector<16xi32>
    %add3A_178 = arith.addi %mul3A_5, %broadcast_in_dim3A_177 : vector<16xi32>
    %gather3A_179 = tpu.vector_load_idx %arg6[%add3A_178] : memref<25600xi32, #tpu.memory_space<vmem>>[vector<16xi32>], vector<16xi32>,
    %swap3A_180 = arith.constant 80 : index
    %swap3A_181 = tpu.vector_load %arg8[%swap3A_180] {strides = array<i32>} : memref<128xi32, #tpu.memory_space<vmem>>, vector<16xi32>,
    tpu.vector_store %arg8[%swap3A_180], %gather3A_179 {strides = array<i32>} : memref<128xi32, #tpu.memory_space<vmem>>, vector<16xi32>,
    %mul3A_182 = arith.constant 6400 : i32
    %mul3A_183 = arith.muli %select_n3A_121, %mul3A_182 : i32
    %add3A_184 = arith.constant 4800 : i32
    %add3A_185 = arith.addi %mul3A_183, %add3A_184 : i32
    %add3A_186 = arith.addi %add3A_185, %select_n3A_100 : i32
    %broadcast_in_dim3A_187 = vector.broadcast %add3A_186 : i32 to vector<16xi32>
    %add3A_188 = arith.addi %mul3A_5, %broadcast_in_dim3A_187 : vector<16xi32>
    %gather3A_189 = tpu.vector_load_idx %arg6[%add3A_188] : memref<25600xi32, #tpu.memory_space<vmem>>[vector<16xi32>], vector<16xi32>,
    %swap3A_190 = arith.constant 96 : index
    %swap3A_191 = tpu.vector_load %arg8[%swap3A_190] {strides = array<i32>} : memref<128xi32, #tpu.memory_space<vmem>>, vector<16xi32>,
    tpu.vector_store %arg8[%swap3A_190], %gather3A_189 {strides = array<i32>} : memref<128xi32, #tpu.memory_space<vmem>>, vector<16xi32>,
    %mul3A_192 = arith.constant 6400 : i32
    %mul3A_193 = arith.muli %select_n3A_121, %mul3A_192 : i32
    %add3A_194 = arith.constant 5600 : i32
    %add3A_195 = arith.addi %mul3A_193, %add3A_194 : i32
    %add3A_196 = arith.addi %add3A_195, %select_n3A_100 : i32
    %broadcast_in_dim3A_197 = vector.broadcast %add3A_196 : i32 to vector<16xi32>
    %add3A_198 = arith.addi %mul3A_5, %broadcast_in_dim3A_197 : vector<16xi32>
    %gather3A_199 = tpu.vector_load_idx %arg6[%add3A_198] : memref<25600xi32, #tpu.memory_space<vmem>>[vector<16xi32>], vector<16xi32>,
    %swap3A_200 = arith.constant 112 : index
    %swap3A_201 = tpu.vector_load %arg8[%swap3A_200] {strides = array<i32>} : memref<128xi32, #tpu.memory_space<vmem>>, vector<16xi32>,
    tpu.vector_store %arg8[%swap3A_200], %gather3A_199 {strides = array<i32>} : memref<128xi32, #tpu.memory_space<vmem>>, vector<16xi32>,
    %dma_start3A_202 = arith.constant 0 : i32
    %dma_start3A_203 = arith.constant 0 : i32
    %dma_start3A_204 = tpu.memref_slice %arg3[%dma_start3A_202, %dma_start3A_203] : memref<1000000x64xf32, #tpu.memory_space<hbm>> -> memref<1000000x64xf32, #tpu.memory_space<hbm>>
    tpu.enqueue_indirect_dma source(%dma_start3A_204 : memref<1000000x64xf32, #tpu.memory_space<hbm>>) target(%arg10 : memref<128x64xf32, #tpu.memory_space<vmem>>) offsets(%arg8 : memref<128xi32, #tpu.memory_space<vmem>>) semaphore(%arg15 : memref<!tpu.dma_semaphore, #tpu.memory_space<semaphore_mem>>)
    %parallel_loop3A = arith.constant 0 : i32
    %parallel_loop3A_205 = arith.constant 64 : i32
    %parallel_loop3A_206 = arith.constant 1 : i32
    scf.for %parallel_loop3A_407 = %parallel_loop3A to %parallel_loop3A_205 step %parallel_loop3A_206  : i32 {
      %parallel_loop3A_408 = vector.broadcast %parallel_loop3A_407 : i32 to vector<16xi32>
      %parallel_loop3A_409 = tpu.vector_load_idx %arg13[%parallel_loop3A_408] : memref<64xf32, #tpu.memory_space<vmem>>[vector<16xi32>], vector<16xf32>,
      %parallel_loop3A_410 = tpu.vector_load_idx %arg9[%add3A_9, %parallel_loop3A_408] : memref<128x64xf32, #tpu.memory_space<vmem>>[vector<16xi32>, vector<16xi32>], vector<16xf32>,
      %parallel_loop3A_411 = arith.addf %parallel_loop3A_410, %parallel_loop3A_409 : vector<16xf32>
      %parallel_loop3A_412 = arith.constant 8 : i32
      %parallel_loop3A_413 = arith.divsi %parallel_loop3A_407, %parallel_loop3A_412 : i32
      %parallel_loop3A_414 = arith.constant 0 : i32
      %parallel_loop3A_415 = arith.cmpi sgt, %parallel_loop3A_407, %parallel_loop3A_414 : i32
      %parallel_loop3A_416 = arith.extui %parallel_loop3A_415 : i1 to i32
      %parallel_loop3A_417 = arith.constant 0 : i32
      %parallel_loop3A_418 = arith.cmpi slt, %parallel_loop3A_407, %parallel_loop3A_417 : i32
      %parallel_loop3A_419 = arith.extui %parallel_loop3A_418 : i1 to i32
      %parallel_loop3A_420 = arith.subi %parallel_loop3A_416, %parallel_loop3A_419 : i32
      %parallel_loop3A_421 = arith.constant 0 : i32
      %parallel_loop3A_422 = arith.cmpi sgt, %parallel_loop3A_412, %parallel_loop3A_421 : i32
      %parallel_loop3A_423 = arith.extui %parallel_loop3A_422 : i1 to i32
      %parallel_loop3A_424 = arith.constant 0 : i32
      %parallel_loop3A_425 = arith.cmpi slt, %parallel_loop3A_412, %parallel_loop3A_424 : i32
      %parallel_loop3A_426 = arith.extui %parallel_loop3A_425 : i1 to i32
      %parallel_loop3A_427 = arith.subi %parallel_loop3A_423, %parallel_loop3A_426 : i32
      %parallel_loop3A_428 = arith.cmpi ne, %parallel_loop3A_420, %parallel_loop3A_427 : i32
      %parallel_loop3A_429 = arith.remsi %parallel_loop3A_407, %parallel_loop3A_412 : i32
      %parallel_loop3A_430 = arith.constant 0 : i32
      %parallel_loop3A_431 = arith.cmpi ne, %parallel_loop3A_429, %parallel_loop3A_430 : i32
      %parallel_loop3A_432 = arith.andi %parallel_loop3A_428, %parallel_loop3A_431 : i1
      %parallel_loop3A_433 = arith.constant 1 : i32
      %parallel_loop3A_434 = arith.subi %parallel_loop3A_413, %parallel_loop3A_433 : i32
      %parallel_loop3A_435 = arith.select %parallel_loop3A_432, %parallel_loop3A_434, %parallel_loop3A_413 : i32
      %parallel_loop3A_436 = arith.constant 8 : i32
      %parallel_loop3A_437 = arith.constant 0 : i32
      %parallel_loop3A_438 = arith.cmpi eq, %parallel_loop3A_436, %parallel_loop3A_437 : i32
      %parallel_loop3A_439 = arith.constant 1 : i32
      %parallel_loop3A_440 = arith.select %parallel_loop3A_438, %parallel_loop3A_439, %parallel_loop3A_436 : i32
      %parallel_loop3A_441 = arith.remsi %parallel_loop3A_407, %parallel_loop3A_440 : i32
      %parallel_loop3A_442 = arith.constant 0 : i32
      %parallel_loop3A_443 = arith.cmpi ne, %parallel_loop3A_441, %parallel_loop3A_442 : i32
      %parallel_loop3A_444 = arith.constant 0 : i32
      %parallel_loop3A_445 = arith.cmpi slt, %parallel_loop3A_441, %parallel_loop3A_444 : i32
      %parallel_loop3A_446 = arith.constant 0 : i32
      %parallel_loop3A_447 = arith.cmpi slt, %parallel_loop3A_440, %parallel_loop3A_446 : i32
      %parallel_loop3A_448 = arith.xori %parallel_loop3A_445, %parallel_loop3A_447 : i1
      %parallel_loop3A_449 = arith.andi %parallel_loop3A_448, %parallel_loop3A_443 : i1
      %parallel_loop3A_450 = arith.addi %parallel_loop3A_441, %parallel_loop3A_440 : i32
      %parallel_loop3A_451 = arith.select %parallel_loop3A_449, %parallel_loop3A_450, %parallel_loop3A_441 : i32
      %parallel_loop3A_452 = arith.index_cast %parallel_loop3A_435 : i32 to index
      %parallel_loop3A_453 = arith.index_cast %parallel_loop3A_451 : i32 to index
      %parallel_loop3A_454 = arith.constant 0 : index
      %parallel_loop3A_455 = tpu.vector_load %arg11[%parallel_loop3A_452, %parallel_loop3A_453, %parallel_loop3A_454] {strides = array<i32>} : memref<8x8x128xf32, #tpu.memory_space<vmem>>, vector<16xf32>,
      tpu.vector_store %arg11[%parallel_loop3A_452, %parallel_loop3A_453, %parallel_loop3A_454], %parallel_loop3A_411 {strides = array<i32>} : memref<8x8x128xf32, #tpu.memory_space<vmem>>, vector<16xf32>,
      %parallel_loop3A_456 = tpu.vector_load_idx %arg9[%add3A_13, %parallel_loop3A_408] : memref<128x64xf32, #tpu.memory_space<vmem>>[vector<16xi32>, vector<16xi32>], vector<16xf32>,
      %parallel_loop3A_457 = arith.addf %parallel_loop3A_456, %parallel_loop3A_409 : vector<16xf32>
      %parallel_loop3A_458 = arith.constant 8 : i32
      %parallel_loop3A_459 = arith.divsi %parallel_loop3A_407, %parallel_loop3A_458 : i32
      %parallel_loop3A_460 = arith.constant 0 : i32
      %parallel_loop3A_461 = arith.cmpi sgt, %parallel_loop3A_407, %parallel_loop3A_460 : i32
      %parallel_loop3A_462 = arith.extui %parallel_loop3A_461 : i1 to i32
      %parallel_loop3A_463 = arith.constant 0 : i32
      %parallel_loop3A_464 = arith.cmpi slt, %parallel_loop3A_407, %parallel_loop3A_463 : i32
      %parallel_loop3A_465 = arith.extui %parallel_loop3A_464 : i1 to i32
      %parallel_loop3A_466 = arith.subi %parallel_loop3A_462, %parallel_loop3A_465 : i32
      %parallel_loop3A_467 = arith.constant 0 : i32
      %parallel_loop3A_468 = arith.cmpi sgt, %parallel_loop3A_458, %parallel_loop3A_467 : i32
      %parallel_loop3A_469 = arith.extui %parallel_loop3A_468 : i1 to i32
      %parallel_loop3A_470 = arith.constant 0 : i32
      %parallel_loop3A_471 = arith.cmpi slt, %parallel_loop3A_458, %parallel_loop3A_470 : i32
      %parallel_loop3A_472 = arith.extui %parallel_loop3A_471 : i1 to i32
      %parallel_loop3A_473 = arith.subi %parallel_loop3A_469, %parallel_loop3A_472 : i32
      %parallel_loop3A_474 = arith.cmpi ne, %parallel_loop3A_466, %parallel_loop3A_473 : i32
      %parallel_loop3A_475 = arith.remsi %parallel_loop3A_407, %parallel_loop3A_458 : i32
      %parallel_loop3A_476 = arith.constant 0 : i32
      %parallel_loop3A_477 = arith.cmpi ne, %parallel_loop3A_475, %parallel_loop3A_476 : i32
      %parallel_loop3A_478 = arith.andi %parallel_loop3A_474, %parallel_loop3A_477 : i1
      %parallel_loop3A_479 = arith.constant 1 : i32
      %parallel_loop3A_480 = arith.subi %parallel_loop3A_459, %parallel_loop3A_479 : i32
      %parallel_loop3A_481 = arith.select %parallel_loop3A_478, %parallel_loop3A_480, %parallel_loop3A_459 : i32
      %parallel_loop3A_482 = arith.constant 8 : i32
      %parallel_loop3A_483 = arith.constant 0 : i32
      %parallel_loop3A_484 = arith.cmpi eq, %parallel_loop3A_482, %parallel_loop3A_483 : i32
      %parallel_loop3A_485 = arith.constant 1 : i32
      %parallel_loop3A_486 = arith.select %parallel_loop3A_484, %parallel_loop3A_485, %parallel_loop3A_482 : i32
      %parallel_loop3A_487 = arith.remsi %parallel_loop3A_407, %parallel_loop3A_486 : i32
      %parallel_loop3A_488 = arith.constant 0 : i32
      %parallel_loop3A_489 = arith.cmpi ne, %parallel_loop3A_487, %parallel_loop3A_488 : i32
      %parallel_loop3A_490 = arith.constant 0 : i32
      %parallel_loop3A_491 = arith.cmpi slt, %parallel_loop3A_487, %parallel_loop3A_490 : i32
      %parallel_loop3A_492 = arith.constant 0 : i32
      %parallel_loop3A_493 = arith.cmpi slt, %parallel_loop3A_486, %parallel_loop3A_492 : i32
      %parallel_loop3A_494 = arith.xori %parallel_loop3A_491, %parallel_loop3A_493 : i1
      %parallel_loop3A_495 = arith.andi %parallel_loop3A_494, %parallel_loop3A_489 : i1
      %parallel_loop3A_496 = arith.addi %parallel_loop3A_487, %parallel_loop3A_486 : i32
      %parallel_loop3A_497 = arith.select %parallel_loop3A_495, %parallel_loop3A_496, %parallel_loop3A_487 : i32
      %parallel_loop3A_498 = arith.index_cast %parallel_loop3A_481 : i32 to index
      %parallel_loop3A_499 = arith.index_cast %parallel_loop3A_497 : i32 to index
      %parallel_loop3A_500 = arith.constant 16 : index
      %parallel_loop3A_501 = tpu.vector_load %arg11[%parallel_loop3A_498, %parallel_loop3A_499, %parallel_loop3A_500] {strides = array<i32>} : memref<8x8x128xf32, #tpu.memory_space<vmem>>, vector<16xf32>,
      tpu.vector_store %arg11[%parallel_loop3A_498, %parallel_loop3A_499, %parallel_loop3A_500], %parallel_loop3A_457 {strides = array<i32>} : memref<8x8x128xf32, #tpu.memory_space<vmem>>, vector<16xf32>,
      %parallel_loop3A_502 = tpu.vector_load_idx %arg9[%add3A_17, %parallel_loop3A_408] : memref<128x64xf32, #tpu.memory_space<vmem>>[vector<16xi32>, vector<16xi32>], vector<16xf32>,
      %parallel_loop3A_503 = arith.addf %parallel_loop3A_502, %parallel_loop3A_409 : vector<16xf32>
      %parallel_loop3A_504 = arith.constant 8 : i32
      %parallel_loop3A_505 = arith.divsi %parallel_loop3A_407, %parallel_loop3A_504 : i32
      %parallel_loop3A_506 = arith.constant 0 : i32
      %parallel_loop3A_507 = arith.cmpi sgt, %parallel_loop3A_407, %parallel_loop3A_506 : i32
      %parallel_loop3A_508 = arith.extui %parallel_loop3A_507 : i1 to i32
      %parallel_loop3A_509 = arith.constant 0 : i32
      %parallel_loop3A_510 = arith.cmpi slt, %parallel_loop3A_407, %parallel_loop3A_509 : i32
      %parallel_loop3A_511 = arith.extui %parallel_loop3A_510 : i1 to i32
      %parallel_loop3A_512 = arith.subi %parallel_loop3A_508, %parallel_loop3A_511 : i32
      %parallel_loop3A_513 = arith.constant 0 : i32
      %parallel_loop3A_514 = arith.cmpi sgt, %parallel_loop3A_504, %parallel_loop3A_513 : i32
      %parallel_loop3A_515 = arith.extui %parallel_loop3A_514 : i1 to i32
      %parallel_loop3A_516 = arith.constant 0 : i32
      %parallel_loop3A_517 = arith.cmpi slt, %parallel_loop3A_504, %parallel_loop3A_516 : i32
      %parallel_loop3A_518 = arith.extui %parallel_loop3A_517 : i1 to i32
      %parallel_loop3A_519 = arith.subi %parallel_loop3A_515, %parallel_loop3A_518 : i32
      %parallel_loop3A_520 = arith.cmpi ne, %parallel_loop3A_512, %parallel_loop3A_519 : i32
      %parallel_loop3A_521 = arith.remsi %parallel_loop3A_407, %parallel_loop3A_504 : i32
      %parallel_loop3A_522 = arith.constant 0 : i32
      %parallel_loop3A_523 = arith.cmpi ne, %parallel_loop3A_521, %parallel_loop3A_522 : i32
      %parallel_loop3A_524 = arith.andi %parallel_loop3A_520, %parallel_loop3A_523 : i1
      %parallel_loop3A_525 = arith.constant 1 : i32
      %parallel_loop3A_526 = arith.subi %parallel_loop3A_505, %parallel_loop3A_525 : i32
      %parallel_loop3A_527 = arith.select %parallel_loop3A_524, %parallel_loop3A_526, %parallel_loop3A_505 : i32
      %parallel_loop3A_528 = arith.constant 8 : i32
      %parallel_loop3A_529 = arith.constant 0 : i32
      %parallel_loop3A_530 = arith.cmpi eq, %parallel_loop3A_528, %parallel_loop3A_529 : i32
      %parallel_loop3A_531 = arith.constant 1 : i32
      %parallel_loop3A_532 = arith.select %parallel_loop3A_530, %parallel_loop3A_531, %parallel_loop3A_528 : i32
      %parallel_loop3A_533 = arith.remsi %parallel_loop3A_407, %parallel_loop3A_532 : i32
      %parallel_loop3A_534 = arith.constant 0 : i32
      %parallel_loop3A_535 = arith.cmpi ne, %parallel_loop3A_533, %parallel_loop3A_534 : i32
      %parallel_loop3A_536 = arith.constant 0 : i32
      %parallel_loop3A_537 = arith.cmpi slt, %parallel_loop3A_533, %parallel_loop3A_536 : i32
      %parallel_loop3A_538 = arith.constant 0 : i32
      %parallel_loop3A_539 = arith.cmpi slt, %parallel_loop3A_532, %parallel_loop3A_538 : i32
      %parallel_loop3A_540 = arith.xori %parallel_loop3A_537, %parallel_loop3A_539 : i1
      %parallel_loop3A_541 = arith.andi %parallel_loop3A_540, %parallel_loop3A_535 : i1
      %parallel_loop3A_542 = arith.addi %parallel_loop3A_533, %parallel_loop3A_532 : i32
      %parallel_loop3A_543 = arith.select %parallel_loop3A_541, %parallel_loop3A_542, %parallel_loop3A_533 : i32
      %parallel_loop3A_544 = arith.index_cast %parallel_loop3A_527 : i32 to index
      %parallel_loop3A_545 = arith.index_cast %parallel_loop3A_543 : i32 to index
      %parallel_loop3A_546 = arith.constant 32 : index
      %parallel_loop3A_547 = tpu.vector_load %arg11[%parallel_loop3A_544, %parallel_loop3A_545, %parallel_loop3A_546] {strides = array<i32>} : memref<8x8x128xf32, #tpu.memory_space<vmem>>, vector<16xf32>,
      tpu.vector_store %arg11[%parallel_loop3A_544, %parallel_loop3A_545, %parallel_loop3A_546], %parallel_loop3A_503 {strides = array<i32>} : memref<8x8x128xf32, #tpu.memory_space<vmem>>, vector<16xf32>,
      %parallel_loop3A_548 = tpu.vector_load_idx %arg9[%add3A_21, %parallel_loop3A_408] : memref<128x64xf32, #tpu.memory_space<vmem>>[vector<16xi32>, vector<16xi32>], vector<16xf32>,
      %parallel_loop3A_549 = arith.addf %parallel_loop3A_548, %parallel_loop3A_409 : vector<16xf32>
      %parallel_loop3A_550 = arith.constant 8 : i32
      %parallel_loop3A_551 = arith.divsi %parallel_loop3A_407, %parallel_loop3A_550 : i32
      %parallel_loop3A_552 = arith.constant 0 : i32
      %parallel_loop3A_553 = arith.cmpi sgt, %parallel_loop3A_407, %parallel_loop3A_552 : i32
      %parallel_loop3A_554 = arith.extui %parallel_loop3A_553 : i1 to i32
      %parallel_loop3A_555 = arith.constant 0 : i32
      %parallel_loop3A_556 = arith.cmpi slt, %parallel_loop3A_407, %parallel_loop3A_555 : i32
      %parallel_loop3A_557 = arith.extui %parallel_loop3A_556 : i1 to i32
      %parallel_loop3A_558 = arith.subi %parallel_loop3A_554, %parallel_loop3A_557 : i32
      %parallel_loop3A_559 = arith.constant 0 : i32
      %parallel_loop3A_560 = arith.cmpi sgt, %parallel_loop3A_550, %parallel_loop3A_559 : i32
      %parallel_loop3A_561 = arith.extui %parallel_loop3A_560 : i1 to i32
      %parallel_loop3A_562 = arith.constant 0 : i32
      %parallel_loop3A_563 = arith.cmpi slt, %parallel_loop3A_550, %parallel_loop3A_562 : i32
      %parallel_loop3A_564 = arith.extui %parallel_loop3A_563 : i1 to i32
      %parallel_loop3A_565 = arith.subi %parallel_loop3A_561, %parallel_loop3A_564 : i32
      %parallel_loop3A_566 = arith.cmpi ne, %parallel_loop3A_558, %parallel_loop3A_565 : i32
      %parallel_loop3A_567 = arith.remsi %parallel_loop3A_407, %parallel_loop3A_550 : i32
      %parallel_loop3A_568 = arith.constant 0 : i32
      %parallel_loop3A_569 = arith.cmpi ne, %parallel_loop3A_567, %parallel_loop3A_568 : i32
      %parallel_loop3A_570 = arith.andi %parallel_loop3A_566, %parallel_loop3A_569 : i1
      %parallel_loop3A_571 = arith.constant 1 : i32
      %parallel_loop3A_572 = arith.subi %parallel_loop3A_551, %parallel_loop3A_571 : i32
      %parallel_loop3A_573 = arith.select %parallel_loop3A_570, %parallel_loop3A_572, %parallel_loop3A_551 : i32
      %parallel_loop3A_574 = arith.constant 8 : i32
      %parallel_loop3A_575 = arith.constant 0 : i32
      %parallel_loop3A_576 = arith.cmpi eq, %parallel_loop3A_574, %parallel_loop3A_575 : i32
      %parallel_loop3A_577 = arith.constant 1 : i32
      %parallel_loop3A_578 = arith.select %parallel_loop3A_576, %parallel_loop3A_577, %parallel_loop3A_574 : i32
      %parallel_loop3A_579 = arith.remsi %parallel_loop3A_407, %parallel_loop3A_578 : i32
      %parallel_loop3A_580 = arith.constant 0 : i32
      %parallel_loop3A_581 = arith.cmpi ne, %parallel_loop3A_579, %parallel_loop3A_580 : i32
      %parallel_loop3A_582 = arith.constant 0 : i32
      %parallel_loop3A_583 = arith.cmpi slt, %parallel_loop3A_579, %parallel_loop3A_582 : i32
      %parallel_loop3A_584 = arith.constant 0 : i32
      %parallel_loop3A_585 = arith.cmpi slt, %parallel_loop3A_578, %parallel_loop3A_584 : i32
      %parallel_loop3A_586 = arith.xori %parallel_loop3A_583, %parallel_loop3A_585 : i1
      %parallel_loop3A_587 = arith.andi %parallel_loop3A_586, %parallel_loop3A_581 : i1
      %parallel_loop3A_588 = arith.addi %parallel_loop3A_579, %parallel_loop3A_578 : i32
      %parallel_loop3A_589 = arith.select %parallel_loop3A_587, %parallel_loop3A_588, %parallel_loop3A_579 : i32
      %parallel_loop3A_590 = arith.index_cast %parallel_loop3A_573 : i32 to index
      %parallel_loop3A_591 = arith.index_cast %parallel_loop3A_589 : i32 to index
      %parallel_loop3A_592 = arith.constant 48 : index
      %parallel_loop3A_593 = tpu.vector_load %arg11[%parallel_loop3A_590, %parallel_loop3A_591, %parallel_loop3A_592] {strides = array<i32>} : memref<8x8x128xf32, #tpu.memory_space<vmem>>, vector<16xf32>,
      tpu.vector_store %arg11[%parallel_loop3A_590, %parallel_loop3A_591, %parallel_loop3A_592], %parallel_loop3A_549 {strides = array<i32>} : memref<8x8x128xf32, #tpu.memory_space<vmem>>, vector<16xf32>,
      %parallel_loop3A_594 = tpu.vector_load_idx %arg9[%add3A_25, %parallel_loop3A_408] : memref<128x64xf32, #tpu.memory_space<vmem>>[vector<16xi32>, vector<16xi32>], vector<16xf32>,
      %parallel_loop3A_595 = arith.addf %parallel_loop3A_594, %parallel_loop3A_409 : vector<16xf32>
      %parallel_loop3A_596 = arith.constant 8 : i32
      %parallel_loop3A_597 = arith.divsi %parallel_loop3A_407, %parallel_loop3A_596 : i32
      %parallel_loop3A_598 = arith.constant 0 : i32
      %parallel_loop3A_599 = arith.cmpi sgt, %parallel_loop3A_407, %parallel_loop3A_598 : i32
      %parallel_loop3A_600 = arith.extui %parallel_loop3A_599 : i1 to i32
      %parallel_loop3A_601 = arith.constant 0 : i32
      %parallel_loop3A_602 = arith.cmpi slt, %parallel_loop3A_407, %parallel_loop3A_601 : i32
      %parallel_loop3A_603 = arith.extui %parallel_loop3A_602 : i1 to i32
      %parallel_loop3A_604 = arith.subi %parallel_loop3A_600, %parallel_loop3A_603 : i32
      %parallel_loop3A_605 = arith.constant 0 : i32
      %parallel_loop3A_606 = arith.cmpi sgt, %parallel_loop3A_596, %parallel_loop3A_605 : i32
      %parallel_loop3A_607 = arith.extui %parallel_loop3A_606 : i1 to i32
      %parallel_loop3A_608 = arith.constant 0 : i32
      %parallel_loop3A_609 = arith.cmpi slt, %parallel_loop3A_596, %parallel_loop3A_608 : i32
      %parallel_loop3A_610 = arith.extui %parallel_loop3A_609 : i1 to i32
      %parallel_loop3A_611 = arith.subi %parallel_loop3A_607, %parallel_loop3A_610 : i32
      %parallel_loop3A_612 = arith.cmpi ne, %parallel_loop3A_604, %parallel_loop3A_611 : i32
      %parallel_loop3A_613 = arith.remsi %parallel_loop3A_407, %parallel_loop3A_596 : i32
      %parallel_loop3A_614 = arith.constant 0 : i32
      %parallel_loop3A_615 = arith.cmpi ne, %parallel_loop3A_613, %parallel_loop3A_614 : i32
      %parallel_loop3A_616 = arith.andi %parallel_loop3A_612, %parallel_loop3A_615 : i1
      %parallel_loop3A_617 = arith.constant 1 : i32
      %parallel_loop3A_618 = arith.subi %parallel_loop3A_597, %parallel_loop3A_617 : i32
      %parallel_loop3A_619 = arith.select %parallel_loop3A_616, %parallel_loop3A_618, %parallel_loop3A_597 : i32
      %parallel_loop3A_620 = arith.constant 8 : i32
      %parallel_loop3A_621 = arith.constant 0 : i32
      %parallel_loop3A_622 = arith.cmpi eq, %parallel_loop3A_620, %parallel_loop3A_621 : i32
      %parallel_loop3A_623 = arith.constant 1 : i32
      %parallel_loop3A_624 = arith.select %parallel_loop3A_622, %parallel_loop3A_623, %parallel_loop3A_620 : i32
      %parallel_loop3A_625 = arith.remsi %parallel_loop3A_407, %parallel_loop3A_624 : i32
      %parallel_loop3A_626 = arith.constant 0 : i32
      %parallel_loop3A_627 = arith.cmpi ne, %parallel_loop3A_625, %parallel_loop3A_626 : i32
      %parallel_loop3A_628 = arith.constant 0 : i32
      %parallel_loop3A_629 = arith.cmpi slt, %parallel_loop3A_625, %parallel_loop3A_628 : i32
      %parallel_loop3A_630 = arith.constant 0 : i32
      %parallel_loop3A_631 = arith.cmpi slt, %parallel_loop3A_624, %parallel_loop3A_630 : i32
      %parallel_loop3A_632 = arith.xori %parallel_loop3A_629, %parallel_loop3A_631 : i1
      %parallel_loop3A_633 = arith.andi %parallel_loop3A_632, %parallel_loop3A_627 : i1
      %parallel_loop3A_634 = arith.addi %parallel_loop3A_625, %parallel_loop3A_624 : i32
      %parallel_loop3A_635 = arith.select %parallel_loop3A_633, %parallel_loop3A_634, %parallel_loop3A_625 : i32
      %parallel_loop3A_636 = arith.index_cast %parallel_loop3A_619 : i32 to index
      %parallel_loop3A_637 = arith.index_cast %parallel_loop3A_635 : i32 to index
      %parallel_loop3A_638 = arith.constant 64 : index
      %parallel_loop3A_639 = tpu.vector_load %arg11[%parallel_loop3A_636, %parallel_loop3A_637, %parallel_loop3A_638] {strides = array<i32>} : memref<8x8x128xf32, #tpu.memory_space<vmem>>, vector<16xf32>,
      tpu.vector_store %arg11[%parallel_loop3A_636, %parallel_loop3A_637, %parallel_loop3A_638], %parallel_loop3A_595 {strides = array<i32>} : memref<8x8x128xf32, #tpu.memory_space<vmem>>, vector<16xf32>,
      %parallel_loop3A_640 = tpu.vector_load_idx %arg9[%add3A_29, %parallel_loop3A_408] : memref<128x64xf32, #tpu.memory_space<vmem>>[vector<16xi32>, vector<16xi32>], vector<16xf32>,
      %parallel_loop3A_641 = arith.addf %parallel_loop3A_640, %parallel_loop3A_409 : vector<16xf32>
      %parallel_loop3A_642 = arith.constant 8 : i32
      %parallel_loop3A_643 = arith.divsi %parallel_loop3A_407, %parallel_loop3A_642 : i32
      %parallel_loop3A_644 = arith.constant 0 : i32
      %parallel_loop3A_645 = arith.cmpi sgt, %parallel_loop3A_407, %parallel_loop3A_644 : i32
      %parallel_loop3A_646 = arith.extui %parallel_loop3A_645 : i1 to i32
      %parallel_loop3A_647 = arith.constant 0 : i32
      %parallel_loop3A_648 = arith.cmpi slt, %parallel_loop3A_407, %parallel_loop3A_647 : i32
      %parallel_loop3A_649 = arith.extui %parallel_loop3A_648 : i1 to i32
      %parallel_loop3A_650 = arith.subi %parallel_loop3A_646, %parallel_loop3A_649 : i32
      %parallel_loop3A_651 = arith.constant 0 : i32
      %parallel_loop3A_652 = arith.cmpi sgt, %parallel_loop3A_642, %parallel_loop3A_651 : i32
      %parallel_loop3A_653 = arith.extui %parallel_loop3A_652 : i1 to i32
      %parallel_loop3A_654 = arith.constant 0 : i32
      %parallel_loop3A_655 = arith.cmpi slt, %parallel_loop3A_642, %parallel_loop3A_654 : i32
      %parallel_loop3A_656 = arith.extui %parallel_loop3A_655 : i1 to i32
      %parallel_loop3A_657 = arith.subi %parallel_loop3A_653, %parallel_loop3A_656 : i32
      %parallel_loop3A_658 = arith.cmpi ne, %parallel_loop3A_650, %parallel_loop3A_657 : i32
      %parallel_loop3A_659 = arith.remsi %parallel_loop3A_407, %parallel_loop3A_642 : i32
      %parallel_loop3A_660 = arith.constant 0 : i32
      %parallel_loop3A_661 = arith.cmpi ne, %parallel_loop3A_659, %parallel_loop3A_660 : i32
      %parallel_loop3A_662 = arith.andi %parallel_loop3A_658, %parallel_loop3A_661 : i1
      %parallel_loop3A_663 = arith.constant 1 : i32
      %parallel_loop3A_664 = arith.subi %parallel_loop3A_643, %parallel_loop3A_663 : i32
      %parallel_loop3A_665 = arith.select %parallel_loop3A_662, %parallel_loop3A_664, %parallel_loop3A_643 : i32
      %parallel_loop3A_666 = arith.constant 8 : i32
      %parallel_loop3A_667 = arith.constant 0 : i32
      %parallel_loop3A_668 = arith.cmpi eq, %parallel_loop3A_666, %parallel_loop3A_667 : i32
      %parallel_loop3A_669 = arith.constant 1 : i32
      %parallel_loop3A_670 = arith.select %parallel_loop3A_668, %parallel_loop3A_669, %parallel_loop3A_666 : i32
      %parallel_loop3A_671 = arith.remsi %parallel_loop3A_407, %parallel_loop3A_670 : i32
      %parallel_loop3A_672 = arith.constant 0 : i32
      %parallel_loop3A_673 = arith.cmpi ne, %parallel_loop3A_671, %parallel_loop3A_672 : i32
      %parallel_loop3A_674 = arith.constant 0 : i32
      %parallel_loop3A_675 = arith.cmpi slt, %parallel_loop3A_671, %parallel_loop3A_674 : i32
      %parallel_loop3A_676 = arith.constant 0 : i32
      %parallel_loop3A_677 = arith.cmpi slt, %parallel_loop3A_670, %parallel_loop3A_676 : i32
      %parallel_loop3A_678 = arith.xori %parallel_loop3A_675, %parallel_loop3A_677 : i1
      %parallel_loop3A_679 = arith.andi %parallel_loop3A_678, %parallel_loop3A_673 : i1
      %parallel_loop3A_680 = arith.addi %parallel_loop3A_671, %parallel_loop3A_670 : i32
      %parallel_loop3A_681 = arith.select %parallel_loop3A_679, %parallel_loop3A_680, %parallel_loop3A_671 : i32
      %parallel_loop3A_682 = arith.index_cast %parallel_loop3A_665 : i32 to index
      %parallel_loop3A_683 = arith.index_cast %parallel_loop3A_681 : i32 to index
      %parallel_loop3A_684 = arith.constant 80 : index
      %parallel_loop3A_685 = tpu.vector_load %arg11[%parallel_loop3A_682, %parallel_loop3A_683, %parallel_loop3A_684] {strides = array<i32>} : memref<8x8x128xf32, #tpu.memory_space<vmem>>, vector<16xf32>,
      tpu.vector_store %arg11[%parallel_loop3A_682, %parallel_loop3A_683, %parallel_loop3A_684], %parallel_loop3A_641 {strides = array<i32>} : memref<8x8x128xf32, #tpu.memory_space<vmem>>, vector<16xf32>,
      %parallel_loop3A_686 = tpu.vector_load_idx %arg9[%add3A_33, %parallel_loop3A_408] : memref<128x64xf32, #tpu.memory_space<vmem>>[vector<16xi32>, vector<16xi32>], vector<16xf32>,
      %parallel_loop3A_687 = arith.addf %parallel_loop3A_686, %parallel_loop3A_409 : vector<16xf32>
      %parallel_loop3A_688 = arith.constant 8 : i32
      %parallel_loop3A_689 = arith.divsi %parallel_loop3A_407, %parallel_loop3A_688 : i32
      %parallel_loop3A_690 = arith.constant 0 : i32
      %parallel_loop3A_691 = arith.cmpi sgt, %parallel_loop3A_407, %parallel_loop3A_690 : i32
      %parallel_loop3A_692 = arith.extui %parallel_loop3A_691 : i1 to i32
      %parallel_loop3A_693 = arith.constant 0 : i32
      %parallel_loop3A_694 = arith.cmpi slt, %parallel_loop3A_407, %parallel_loop3A_693 : i32
      %parallel_loop3A_695 = arith.extui %parallel_loop3A_694 : i1 to i32
      %parallel_loop3A_696 = arith.subi %parallel_loop3A_692, %parallel_loop3A_695 : i32
      %parallel_loop3A_697 = arith.constant 0 : i32
      %parallel_loop3A_698 = arith.cmpi sgt, %parallel_loop3A_688, %parallel_loop3A_697 : i32
      %parallel_loop3A_699 = arith.extui %parallel_loop3A_698 : i1 to i32
      %parallel_loop3A_700 = arith.constant 0 : i32
      %parallel_loop3A_701 = arith.cmpi slt, %parallel_loop3A_688, %parallel_loop3A_700 : i32
      %parallel_loop3A_702 = arith.extui %parallel_loop3A_701 : i1 to i32
      %parallel_loop3A_703 = arith.subi %parallel_loop3A_699, %parallel_loop3A_702 : i32
      %parallel_loop3A_704 = arith.cmpi ne, %parallel_loop3A_696, %parallel_loop3A_703 : i32
      %parallel_loop3A_705 = arith.remsi %parallel_loop3A_407, %parallel_loop3A_688 : i32
      %parallel_loop3A_706 = arith.constant 0 : i32
      %parallel_loop3A_707 = arith.cmpi ne, %parallel_loop3A_705, %parallel_loop3A_706 : i32
      %parallel_loop3A_708 = arith.andi %parallel_loop3A_704, %parallel_loop3A_707 : i1
      %parallel_loop3A_709 = arith.constant 1 : i32
      %parallel_loop3A_710 = arith.subi %parallel_loop3A_689, %parallel_loop3A_709 : i32
      %parallel_loop3A_711 = arith.select %parallel_loop3A_708, %parallel_loop3A_710, %parallel_loop3A_689 : i32
      %parallel_loop3A_712 = arith.constant 8 : i32
      %parallel_loop3A_713 = arith.constant 0 : i32
      %parallel_loop3A_714 = arith.cmpi eq, %parallel_loop3A_712, %parallel_loop3A_713 : i32
      %parallel_loop3A_715 = arith.constant 1 : i32
      %parallel_loop3A_716 = arith.select %parallel_loop3A_714, %parallel_loop3A_715, %parallel_loop3A_712 : i32
      %parallel_loop3A_717 = arith.remsi %parallel_loop3A_407, %parallel_loop3A_716 : i32
      %parallel_loop3A_718 = arith.constant 0 : i32
      %parallel_loop3A_719 = arith.cmpi ne, %parallel_loop3A_717, %parallel_loop3A_718 : i32
      %parallel_loop3A_720 = arith.constant 0 : i32
      %parallel_loop3A_721 = arith.cmpi slt, %parallel_loop3A_717, %parallel_loop3A_720 : i32
      %parallel_loop3A_722 = arith.constant 0 : i32
      %parallel_loop3A_723 = arith.cmpi slt, %parallel_loop3A_716, %parallel_loop3A_722 : i32
      %parallel_loop3A_724 = arith.xori %parallel_loop3A_721, %parallel_loop3A_723 : i1
      %parallel_loop3A_725 = arith.andi %parallel_loop3A_724, %parallel_loop3A_719 : i1
      %parallel_loop3A_726 = arith.addi %parallel_loop3A_717, %parallel_loop3A_716 : i32
      %parallel_loop3A_727 = arith.select %parallel_loop3A_725, %parallel_loop3A_726, %parallel_loop3A_717 : i32
      %parallel_loop3A_728 = arith.index_cast %parallel_loop3A_711 : i32 to index
      %parallel_loop3A_729 = arith.index_cast %parallel_loop3A_727 : i32 to index
      %parallel_loop3A_730 = arith.constant 96 : index
      %parallel_loop3A_731 = tpu.vector_load %arg11[%parallel_loop3A_728, %parallel_loop3A_729, %parallel_loop3A_730] {strides = array<i32>} : memref<8x8x128xf32, #tpu.memory_space<vmem>>, vector<16xf32>,
      tpu.vector_store %arg11[%parallel_loop3A_728, %parallel_loop3A_729, %parallel_loop3A_730], %parallel_loop3A_687 {strides = array<i32>} : memref<8x8x128xf32, #tpu.memory_space<vmem>>, vector<16xf32>,
      %parallel_loop3A_732 = tpu.vector_load_idx %arg9[%add3A_37, %parallel_loop3A_408] : memref<128x64xf32, #tpu.memory_space<vmem>>[vector<16xi32>, vector<16xi32>], vector<16xf32>,
      %parallel_loop3A_733 = arith.addf %parallel_loop3A_732, %parallel_loop3A_409 : vector<16xf32>
      %parallel_loop3A_734 = arith.constant 8 : i32
      %parallel_loop3A_735 = arith.divsi %parallel_loop3A_407, %parallel_loop3A_734 : i32
      %parallel_loop3A_736 = arith.constant 0 : i32
      %parallel_loop3A_737 = arith.cmpi sgt, %parallel_loop3A_407, %parallel_loop3A_736 : i32
      %parallel_loop3A_738 = arith.extui %parallel_loop3A_737 : i1 to i32
      %parallel_loop3A_739 = arith.constant 0 : i32
      %parallel_loop3A_740 = arith.cmpi slt, %parallel_loop3A_407, %parallel_loop3A_739 : i32
      %parallel_loop3A_741 = arith.extui %parallel_loop3A_740 : i1 to i32
      %parallel_loop3A_742 = arith.subi %parallel_loop3A_738, %parallel_loop3A_741 : i32
      %parallel_loop3A_743 = arith.constant 0 : i32
      %parallel_loop3A_744 = arith.cmpi sgt, %parallel_loop3A_734, %parallel_loop3A_743 : i32
      %parallel_loop3A_745 = arith.extui %parallel_loop3A_744 : i1 to i32
      %parallel_loop3A_746 = arith.constant 0 : i32
      %parallel_loop3A_747 = arith.cmpi slt, %parallel_loop3A_734, %parallel_loop3A_746 : i32
      %parallel_loop3A_748 = arith.extui %parallel_loop3A_747 : i1 to i32
      %parallel_loop3A_749 = arith.subi %parallel_loop3A_745, %parallel_loop3A_748 : i32
      %parallel_loop3A_750 = arith.cmpi ne, %parallel_loop3A_742, %parallel_loop3A_749 : i32
      %parallel_loop3A_751 = arith.remsi %parallel_loop3A_407, %parallel_loop3A_734 : i32
      %parallel_loop3A_752 = arith.constant 0 : i32
      %parallel_loop3A_753 = arith.cmpi ne, %parallel_loop3A_751, %parallel_loop3A_752 : i32
      %parallel_loop3A_754 = arith.andi %parallel_loop3A_750, %parallel_loop3A_753 : i1
      %parallel_loop3A_755 = arith.constant 1 : i32
      %parallel_loop3A_756 = arith.subi %parallel_loop3A_735, %parallel_loop3A_755 : i32
      %parallel_loop3A_757 = arith.select %parallel_loop3A_754, %parallel_loop3A_756, %parallel_loop3A_735 : i32
      %parallel_loop3A_758 = arith.constant 8 : i32
      %parallel_loop3A_759 = arith.constant 0 : i32
      %parallel_loop3A_760 = arith.cmpi eq, %parallel_loop3A_758, %parallel_loop3A_759 : i32
      %parallel_loop3A_761 = arith.constant 1 : i32
      %parallel_loop3A_762 = arith.select %parallel_loop3A_760, %parallel_loop3A_761, %parallel_loop3A_758 : i32
      %parallel_loop3A_763 = arith.remsi %parallel_loop3A_407, %parallel_loop3A_762 : i32
      %parallel_loop3A_764 = arith.constant 0 : i32
      %parallel_loop3A_765 = arith.cmpi ne, %parallel_loop3A_763, %parallel_loop3A_764 : i32
      %parallel_loop3A_766 = arith.constant 0 : i32
      %parallel_loop3A_767 = arith.cmpi slt, %parallel_loop3A_763, %parallel_loop3A_766 : i32
      %parallel_loop3A_768 = arith.constant 0 : i32
      %parallel_loop3A_769 = arith.cmpi slt, %parallel_loop3A_762, %parallel_loop3A_768 : i32
      %parallel_loop3A_770 = arith.xori %parallel_loop3A_767, %parallel_loop3A_769 : i1
      %parallel_loop3A_771 = arith.andi %parallel_loop3A_770, %parallel_loop3A_765 : i1
      %parallel_loop3A_772 = arith.addi %parallel_loop3A_763, %parallel_loop3A_762 : i32
      %parallel_loop3A_773 = arith.select %parallel_loop3A_771, %parallel_loop3A_772, %parallel_loop3A_763 : i32
      %parallel_loop3A_774 = arith.index_cast %parallel_loop3A_757 : i32 to index
      %parallel_loop3A_775 = arith.index_cast %parallel_loop3A_773 : i32 to index
      %parallel_loop3A_776 = arith.constant 112 : index
      %parallel_loop3A_777 = tpu.vector_load %arg11[%parallel_loop3A_774, %parallel_loop3A_775, %parallel_loop3A_776] {strides = array<i32>} : memref<8x8x128xf32, #tpu.memory_space<vmem>>, vector<16xf32>,
      tpu.vector_store %arg11[%parallel_loop3A_774, %parallel_loop3A_775, %parallel_loop3A_776], %parallel_loop3A_733 {strides = array<i32>} : memref<8x8x128xf32, #tpu.memory_space<vmem>>, vector<16xf32>,
    } {sc.loop_unroll_factor = 8 : i64, sc.parallel_access}
    %mul3A_207 = arith.constant 4 : i32
    %mul3A_208 = arith.muli %add3A, %mul3A_207 : i32
    %add3A_209 = arith.constant 0 : i32
    %add3A_210 = arith.addi %mul3A_208, %add3A_209 : i32
    %dma_start3A_211 = arith.constant 0 : i32
    %dma_start3A_212 = arith.constant 0 : i32
    %dma_start3A_213 = arith.constant 0 : i32
    %dma_start3A_214 = arith.constant 0 : i32
    %dma_start3A_215 = tpu.memref_slice %arg5[%dma_start3A_211, %dma_start3A_212, %add3A_210, %dma_start3A_213, %dma_start3A_214] : memref<50x8x128x8x128xf32, #tpu.memory_space<hbm>> -> memref<1x8x1x8x128xf32, #tpu.memory_space<hbm>>
    %dma_start3A_216 = tpu.memref_squeeze %dma_start3A_215 : memref<1x8x1x8x128xf32, #tpu.memory_space<hbm>> -> memref<8x8x128xf32, #tpu.memory_space<hbm>>
    %dma_start3A_217 = arith.constant 0 : i32
    %dma_start3A_218 = arith.constant 0 : i32
    %dma_start3A_219 = arith.constant 0 : i32
    %dma_start3A_220 = tpu.memref_slice %arg5[%dma_start3A_211, %dma_start3A_217, %add3A_210, %dma_start3A_218, %dma_start3A_219] : memref<50x8x128x8x128xf32, #tpu.memory_space<hbm>> -> memref<1x8x1x8x128xf32, #tpu.memory_space<hbm>>
    %dma_start3A_221 = tpu.memref_squeeze %dma_start3A_220 : memref<1x8x1x8x128xf32, #tpu.memory_space<hbm>> -> memref<8x8x128xf32, #tpu.memory_space<hbm>>
    tpu.enqueue_dma source(%arg11 : memref<8x8x128xf32, #tpu.memory_space<vmem>>) target(%dma_start3A_221 : memref<8x8x128xf32, #tpu.memory_space<hbm>>) target_semaphore(%arg16 : memref<!tpu.dma_semaphore, #tpu.memory_space<semaphore_mem>>)
    %dma_wait3A_222 = arith.constant 0 : i32
    %dma_wait3A_223 = arith.constant 0 : i32
    %dma_wait3A_224 = tpu.memref_slice %arg3[%dma_wait3A_222, %dma_wait3A_223] : memref<1000000x64xf32, #tpu.memory_space<hbm>> -> memref<128x64xf32, #tpu.memory_space<hbm>>
    %dma_wait3A_225 = arith.constant 0 : i32
    %dma_wait3A_226 = arith.constant 0 : i32
    %dma_wait3A_227 = tpu.memref_slice %arg3[%dma_wait3A_225, %dma_wait3A_226] : memref<1000000x64xf32, #tpu.memory_space<hbm>> -> memref<128x64xf32, #tpu.memory_space<hbm>>
    tpu.wait_dma2 semaphore(%arg15 : memref<!tpu.dma_semaphore, #tpu.memory_space<semaphore_mem>>) src(%dma_wait3A_227 : memref<128x64xf32, #tpu.memory_space<hbm>>) dst(%arg10 : memref<128x64xf32, #tpu.memory_space<vmem>>)
    %min3A_228 = arith.constant 2 : i32
    %min3A_229 = arith.constant 199 : i32
    %min3A_230 = arith.minsi %min3A_228, %min3A_229 : i32
    %jit3A_231 = arith.constant 50 : i32
    %eq3A_232 = arith.constant 0 : i32
    %eq3A_233 = arith.cmpi eq, %jit3A_231, %eq3A_232 : i32
    %jit3A_234 = arith.constant 1 : i32
    %select_n3A_235 = arith.select %eq3A_233, %jit3A_234, %jit3A_231 : i32
    %rem3A_236 = arith.remsi %min3A_230, %select_n3A_235 : i32
    %ne3A_237 = arith.constant 0 : i32
    %ne3A_238 = arith.cmpi ne, %rem3A_236, %ne3A_237 : i32
    %lt3A_239 = arith.constant 0 : i32
    %lt3A_240 = arith.cmpi slt, %rem3A_236, %lt3A_239 : i32
    %lt3A_241 = arith.constant 0 : i32
    %lt3A_242 = arith.cmpi slt, %select_n3A_235, %lt3A_241 : i32
    %ne3A_243 = arith.xori %lt3A_240, %lt3A_242 : i1
    %and3A_244 = arith.andi %ne3A_243, %ne3A_238 : i1
    %add3A_245 = arith.addi %rem3A_236, %select_n3A_235 : i32
    %select_n3A_246 = arith.select %and3A_244, %add3A_245, %rem3A_236 : i32
    %jit3A_247 = arith.constant 50 : i32
    %div3A_248 = arith.divsi %min3A_230, %jit3A_247 : i32
    %sign3A_249 = arith.constant 0 : i32
    %sign3A_250 = arith.cmpi sgt, %min3A_230, %sign3A_249 : i32
    %sign3A_251 = arith.extui %sign3A_250 : i1 to i32
    %sign3A_252 = arith.constant 0 : i32
    %sign3A_253 = arith.cmpi slt, %min3A_230, %sign3A_252 : i32
    %sign3A_254 = arith.extui %sign3A_253 : i1 to i32
    %sign3A_255 = arith.subi %sign3A_251, %sign3A_254 : i32
    %sign3A_256 = arith.constant 0 : i32
    %sign3A_257 = arith.cmpi sgt, %jit3A_247, %sign3A_256 : i32
    %sign3A_258 = arith.extui %sign3A_257 : i1 to i32
    %sign3A_259 = arith.constant 0 : i32
    %sign3A_260 = arith.cmpi slt, %jit3A_247, %sign3A_259 : i32
    %sign3A_261 = arith.extui %sign3A_260 : i1 to i32
    %sign3A_262 = arith.subi %sign3A_258, %sign3A_261 : i32
    %ne3A_263 = arith.cmpi ne, %sign3A_255, %sign3A_262 : i32
    %rem3A_264 = arith.remsi %min3A_230, %jit3A_247 : i32
    %ne3A_265 = arith.constant 0 : i32
    %ne3A_266 = arith.cmpi ne, %rem3A_264, %ne3A_265 : i32
    %and3A_267 = arith.andi %ne3A_263, %ne3A_266 : i1
    %sub3A_268 = arith.constant 1 : i32
    %sub3A_269 = arith.subi %div3A_248, %sub3A_268 : i32
    %select_n3A_270 = arith.select %and3A_267, %sub3A_269, %div3A_248 : i32
    %mul3A_271 = arith.constant 6400 : i32
    %mul3A_272 = arith.muli %select_n3A_270, %mul3A_271 : i32
    %add3A_273 = arith.constant 0 : i32
    %add3A_274 = arith.addi %mul3A_272, %add3A_273 : i32
    %add3A_275 = arith.addi %add3A_274, %select_n3A_246 : i32
    %broadcast_in_dim3A_276 = vector.broadcast %add3A_275 : i32 to vector<16xi32>
    %add3A_277 = arith.addi %mul3A_5, %broadcast_in_dim3A_276 : vector<16xi32>
    %gather3A_278 = tpu.vector_load_idx %arg6[%add3A_277] : memref<25600xi32, #tpu.memory_space<vmem>>[vector<16xi32>], vector<16xi32>,
    %swap3A_279 = arith.constant 0 : index
    %swap3A_280 = tpu.vector_load %arg7[%swap3A_279] {strides = array<i32>} : memref<128xi32, #tpu.memory_space<vmem>>, vector<16xi32>,
    tpu.vector_store %arg7[%swap3A_279], %gather3A_278 {strides = array<i32>} : memref<128xi32, #tpu.memory_space<vmem>>, vector<16xi32>,
    %mul3A_281 = arith.constant 6400 : i32
    %mul3A_282 = arith.muli %select_n3A_270, %mul3A_281 : i32
    %add3A_283 = arith.constant 800 : i32
    %add3A_284 = arith.addi %mul3A_282, %add3A_283 : i32
    %add3A_285 = arith.addi %add3A_284, %select_n3A_246 : i32
    %broadcast_in_dim3A_286 = vector.broadcast %add3A_285 : i32 to vector<16xi32>
    %add3A_287 = arith.addi %mul3A_5, %broadcast_in_dim3A_286 : vector<16xi32>
    %gather3A_288 = tpu.vector_load_idx %arg6[%add3A_287] : memref<25600xi32, #tpu.memory_space<vmem>>[vector<16xi32>], vector<16xi32>,
    %swap3A_289 = arith.constant 16 : index
    %swap3A_290 = tpu.vector_load %arg7[%swap3A_289] {strides = array<i32>} : memref<128xi32, #tpu.memory_space<vmem>>, vector<16xi32>,
    tpu.vector_store %arg7[%swap3A_289], %gather3A_288 {strides = array<i32>} : memref<128xi32, #tpu.memory_space<vmem>>, vector<16xi32>,
    %mul3A_291 = arith.constant 6400 : i32
    %mul3A_292 = arith.muli %select_n3A_270, %mul3A_291 : i32
    %add3A_293 = arith.constant 1600 : i32
    %add3A_294 = arith.addi %mul3A_292, %add3A_293 : i32
    %add3A_295 = arith.addi %add3A_294, %select_n3A_246 : i32
    %broadcast_in_dim3A_296 = vector.broadcast %add3A_295 : i32 to vector<16xi32>
    %add3A_297 = arith.addi %mul3A_5, %broadcast_in_dim3A_296 : vector<16xi32>
    %gather3A_298 = tpu.vector_load_idx %arg6[%add3A_297] : memref<25600xi32, #tpu.memory_space<vmem>>[vector<16xi32>], vector<16xi32>,
    %swap3A_299 = arith.constant 32 : index
    %swap3A_300 = tpu.vector_load %arg7[%swap3A_299] {strides = array<i32>} : memref<128xi32, #tpu.memory_space<vmem>>, vector<16xi32>,
    tpu.vector_store %arg7[%swap3A_299], %gather3A_298 {strides = array<i32>} : memref<128xi32, #tpu.memory_space<vmem>>, vector<16xi32>,
    %mul3A_301 = arith.constant 6400 : i32
    %mul3A_302 = arith.muli %select_n3A_270, %mul3A_301 : i32
    %add3A_303 = arith.constant 2400 : i32
    %add3A_304 = arith.addi %mul3A_302, %add3A_303 : i32
    %add3A_305 = arith.addi %add3A_304, %select_n3A_246 : i32
    %broadcast_in_dim3A_306 = vector.broadcast %add3A_305 : i32 to vector<16xi32>
    %add3A_307 = arith.addi %mul3A_5, %broadcast_in_dim3A_306 : vector<16xi32>
    %gather3A_308 = tpu.vector_load_idx %arg6[%add3A_307] : memref<25600xi32, #tpu.memory_space<vmem>>[vector<16xi32>], vector<16xi32>,
    %swap3A_309 = arith.constant 48 : index
    %swap3A_310 = tpu.vector_load %arg7[%swap3A_309] {strides = array<i32>} : memref<128xi32, #tpu.memory_space<vmem>>, vector<16xi32>,
    tpu.vector_store %arg7[%swap3A_309], %gather3A_308 {strides = array<i32>} : memref<128xi32, #tpu.memory_space<vmem>>, vector<16xi32>,
    %mul3A_311 = arith.constant 6400 : i32
    %mul3A_312 = arith.muli %select_n3A_270, %mul3A_311 : i32
    %add3A_313 = arith.constant 3200 : i32
    %add3A_314 = arith.addi %mul3A_312, %add3A_313 : i32
    %add3A_315 = arith.addi %add3A_314, %select_n3A_246 : i32
    %broadcast_in_dim3A_316 = vector.broadcast %add3A_315 : i32 to vector<16xi32>
    %add3A_317 = arith.addi %mul3A_5, %broadcast_in_dim3A_316 : vector<16xi32>
    %gather3A_318 = tpu.vector_load_idx %arg6[%add3A_317] : memref<25600xi32, #tpu.memory_space<vmem>>[vector<16xi32>], vector<16xi32>,
    %swap3A_319 = arith.constant 64 : index
    %swap3A_320 = tpu.vector_load %arg7[%swap3A_319] {strides = array<i32>} : memref<128xi32, #tpu.memory_space<vmem>>, vector<16xi32>,
    tpu.vector_store %arg7[%swap3A_319], %gather3A_318 {strides = array<i32>} : memref<128xi32, #tpu.memory_space<vmem>>, vector<16xi32>,
    %mul3A_321 = arith.constant 6400 : i32
    %mul3A_322 = arith.muli %select_n3A_270, %mul3A_321 : i32
    %add3A_323 = arith.constant 4000 : i32
    %add3A_324 = arith.addi %mul3A_322, %add3A_323 : i32
    %add3A_325 = arith.addi %add3A_324, %select_n3A_246 : i32
    %broadcast_in_dim3A_326 = vector.broadcast %add3A_325 : i32 to vector<16xi32>
    %add3A_327 = arith.addi %mul3A_5, %broadcast_in_dim3A_326 : vector<16xi32>
    %gather3A_328 = tpu.vector_load_idx %arg6[%add3A_327] : memref<25600xi32, #tpu.memory_space<vmem>>[vector<16xi32>], vector<16xi32>,
    %swap3A_329 = arith.constant 80 : index
    %swap3A_330 = tpu.vector_load %arg7[%swap3A_329] {strides = array<i32>} : memref<128xi32, #tpu.memory_space<vmem>>, vector<16xi32>,
    tpu.vector_store %arg7[%swap3A_329], %gather3A_328 {strides = array<i32>} : memref<128xi32, #tpu.memory_space<vmem>>, vector<16xi32>,
    %mul3A_331 = arith.constant 6400 : i32
    %mul3A_332 = arith.muli %select_n3A_270, %mul3A_331 : i32
    %add3A_333 = arith.constant 4800 : i32
    %add3A_334 = arith.addi %mul3A_332, %add3A_333 : i32
    %add3A_335 = arith.addi %add3A_334, %select_n3A_246 : i32
    %broadcast_in_dim3A_336 = vector.broadcast %add3A_335 : i32 to vector<16xi32>
    %add3A_337 = arith.addi %mul3A_5, %broadcast_in_dim3A_336 : vector<16xi32>
    %gather3A_338 = tpu.vector_load_idx %arg6[%add3A_337] : memref<25600xi32, #tpu.memory_space<vmem>>[vector<16xi32>], vector<16xi32>,
    %swap3A_339 = arith.constant 96 : index
    %swap3A_340 = tpu.vector_load %arg7[%swap3A_339] {strides = array<i32>} : memref<128xi32, #tpu.memory_space<vmem>>, vector<16xi32>,
    tpu.vector_store %arg7[%swap3A_339], %gather3A_338 {strides = array<i32>} : memref<128xi32, #tpu.memory_space<vmem>>, vector<16xi32>,
    %mul3A_341 = arith.constant 6400 : i32
    %mul3A_342 = arith.muli %select_n3A_270, %mul3A_341 : i32
    %add3A_343 = arith.constant 5600 : i32
    %add3A_344 = arith.addi %mul3A_342, %add3A_343 : i32
    %add3A_345 = arith.addi %add3A_344, %select_n3A_246 : i32
    %broadcast_in_dim3A_346 = vector.broadcast %add3A_345 : i32 to vector<16xi32>
    %add3A_347 = arith.addi %mul3A_5, %broadcast_in_dim3A_346 : vector<16xi32>
    %gather3A_348 = tpu.vector_load_idx %arg6[%add3A_347] : memref<25600xi32, #tpu.memory_space<vmem>>[vector<16xi32>], vector<16xi32>,
    %swap3A_349 = arith.constant 112 : index
    %swap3A_350 = tpu.vector_load %arg7[%swap3A_349] {strides = array<i32>} : memref<128xi32, #tpu.memory_space<vmem>>, vector<16xi32>,
    tpu.vector_store %arg7[%swap3A_349], %gather3A_348 {strides = array<i32>} : memref<128xi32, #tpu.memory_space<vmem>>, vector<16xi32>,
    %dma_start3A_351 = arith.constant 0 : i32
    %dma_start3A_352 = arith.constant 0 : i32
    %dma_start3A_353 = tpu.memref_slice %arg3[%dma_start3A_351, %dma_start3A_352] : memref<1000000x64xf32, #tpu.memory_space<hbm>> -> memref<1000000x64xf32, #tpu.memory_space<hbm>>
    tpu.enqueue_indirect_dma source(%dma_start3A_353 : memref<1000000x64xf32, #tpu.memory_space<hbm>>) target(%arg9 : memref<128x64xf32, #tpu.memory_space<vmem>>) offsets(%arg7 : memref<128xi32, #tpu.memory_space<vmem>>) semaphore(%arg14 : memref<!tpu.dma_semaphore, #tpu.memory_space<semaphore_mem>>)
    %parallel_loop3A_354 = arith.constant 0 : i32
    %parallel_loop3A_355 = arith.constant 64 : i32
    %parallel_loop3A_356 = arith.constant 1 : i32
    scf.for %parallel_loop3A_407 = %parallel_loop3A_354 to %parallel_loop3A_355 step %parallel_loop3A_356  : i32 {
      %parallel_loop3A_408 = vector.broadcast %parallel_loop3A_407 : i32 to vector<16xi32>
      %parallel_loop3A_409 = tpu.vector_load_idx %arg13[%parallel_loop3A_408] : memref<64xf32, #tpu.memory_space<vmem>>[vector<16xi32>], vector<16xf32>,
      %parallel_loop3A_410 = tpu.vector_load_idx %arg10[%add3A_9, %parallel_loop3A_408] : memref<128x64xf32, #tpu.memory_space<vmem>>[vector<16xi32>, vector<16xi32>], vector<16xf32>,
      %parallel_loop3A_411 = arith.addf %parallel_loop3A_410, %parallel_loop3A_409 : vector<16xf32>
      %parallel_loop3A_412 = arith.constant 8 : i32
      %parallel_loop3A_413 = arith.divsi %parallel_loop3A_407, %parallel_loop3A_412 : i32
      %parallel_loop3A_414 = arith.constant 0 : i32
      %parallel_loop3A_415 = arith.cmpi sgt, %parallel_loop3A_407, %parallel_loop3A_414 : i32
      %parallel_loop3A_416 = arith.extui %parallel_loop3A_415 : i1 to i32
      %parallel_loop3A_417 = arith.constant 0 : i32
      %parallel_loop3A_418 = arith.cmpi slt, %parallel_loop3A_407, %parallel_loop3A_417 : i32
      %parallel_loop3A_419 = arith.extui %parallel_loop3A_418 : i1 to i32
      %parallel_loop3A_420 = arith.subi %parallel_loop3A_416, %parallel_loop3A_419 : i32
      %parallel_loop3A_421 = arith.constant 0 : i32
      %parallel_loop3A_422 = arith.cmpi sgt, %parallel_loop3A_412, %parallel_loop3A_421 : i32
      %parallel_loop3A_423 = arith.extui %parallel_loop3A_422 : i1 to i32
      %parallel_loop3A_424 = arith.constant 0 : i32
      %parallel_loop3A_425 = arith.cmpi slt, %parallel_loop3A_412, %parallel_loop3A_424 : i32
      %parallel_loop3A_426 = arith.extui %parallel_loop3A_425 : i1 to i32
      %parallel_loop3A_427 = arith.subi %parallel_loop3A_423, %parallel_loop3A_426 : i32
      %parallel_loop3A_428 = arith.cmpi ne, %parallel_loop3A_420, %parallel_loop3A_427 : i32
      %parallel_loop3A_429 = arith.remsi %parallel_loop3A_407, %parallel_loop3A_412 : i32
      %parallel_loop3A_430 = arith.constant 0 : i32
      %parallel_loop3A_431 = arith.cmpi ne, %parallel_loop3A_429, %parallel_loop3A_430 : i32
      %parallel_loop3A_432 = arith.andi %parallel_loop3A_428, %parallel_loop3A_431 : i1
      %parallel_loop3A_433 = arith.constant 1 : i32
      %parallel_loop3A_434 = arith.subi %parallel_loop3A_413, %parallel_loop3A_433 : i32
      %parallel_loop3A_435 = arith.select %parallel_loop3A_432, %parallel_loop3A_434, %parallel_loop3A_413 : i32
      %parallel_loop3A_436 = arith.constant 8 : i32
      %parallel_loop3A_437 = arith.constant 0 : i32
      %parallel_loop3A_438 = arith.cmpi eq, %parallel_loop3A_436, %parallel_loop3A_437 : i32
      %parallel_loop3A_439 = arith.constant 1 : i32
      %parallel_loop3A_440 = arith.select %parallel_loop3A_438, %parallel_loop3A_439, %parallel_loop3A_436 : i32
      %parallel_loop3A_441 = arith.remsi %parallel_loop3A_407, %parallel_loop3A_440 : i32
      %parallel_loop3A_442 = arith.constant 0 : i32
      %parallel_loop3A_443 = arith.cmpi ne, %parallel_loop3A_441, %parallel_loop3A_442 : i32
      %parallel_loop3A_444 = arith.constant 0 : i32
      %parallel_loop3A_445 = arith.cmpi slt, %parallel_loop3A_441, %parallel_loop3A_444 : i32
      %parallel_loop3A_446 = arith.constant 0 : i32
      %parallel_loop3A_447 = arith.cmpi slt, %parallel_loop3A_440, %parallel_loop3A_446 : i32
      %parallel_loop3A_448 = arith.xori %parallel_loop3A_445, %parallel_loop3A_447 : i1
      %parallel_loop3A_449 = arith.andi %parallel_loop3A_448, %parallel_loop3A_443 : i1
      %parallel_loop3A_450 = arith.addi %parallel_loop3A_441, %parallel_loop3A_440 : i32
      %parallel_loop3A_451 = arith.select %parallel_loop3A_449, %parallel_loop3A_450, %parallel_loop3A_441 : i32
      %parallel_loop3A_452 = arith.index_cast %parallel_loop3A_435 : i32 to index
      %parallel_loop3A_453 = arith.index_cast %parallel_loop3A_451 : i32 to index
      %parallel_loop3A_454 = arith.constant 0 : index
      %parallel_loop3A_455 = tpu.vector_load %arg12[%parallel_loop3A_452, %parallel_loop3A_453, %parallel_loop3A_454] {strides = array<i32>} : memref<8x8x128xf32, #tpu.memory_space<vmem>>, vector<16xf32>,
      tpu.vector_store %arg12[%parallel_loop3A_452, %parallel_loop3A_453, %parallel_loop3A_454], %parallel_loop3A_411 {strides = array<i32>} : memref<8x8x128xf32, #tpu.memory_space<vmem>>, vector<16xf32>,
      %parallel_loop3A_456 = tpu.vector_load_idx %arg10[%add3A_13, %parallel_loop3A_408] : memref<128x64xf32, #tpu.memory_space<vmem>>[vector<16xi32>, vector<16xi32>], vector<16xf32>,
      %parallel_loop3A_457 = arith.addf %parallel_loop3A_456, %parallel_loop3A_409 : vector<16xf32>
      %parallel_loop3A_458 = arith.constant 8 : i32
      %parallel_loop3A_459 = arith.divsi %parallel_loop3A_407, %parallel_loop3A_458 : i32
      %parallel_loop3A_460 = arith.constant 0 : i32
      %parallel_loop3A_461 = arith.cmpi sgt, %parallel_loop3A_407, %parallel_loop3A_460 : i32
      %parallel_loop3A_462 = arith.extui %parallel_loop3A_461 : i1 to i32
      %parallel_loop3A_463 = arith.constant 0 : i32
      %parallel_loop3A_464 = arith.cmpi slt, %parallel_loop3A_407, %parallel_loop3A_463 : i32
      %parallel_loop3A_465 = arith.extui %parallel_loop3A_464 : i1 to i32
      %parallel_loop3A_466 = arith.subi %parallel_loop3A_462, %parallel_loop3A_465 : i32
      %parallel_loop3A_467 = arith.constant 0 : i32
      %parallel_loop3A_468 = arith.cmpi sgt, %parallel_loop3A_458, %parallel_loop3A_467 : i32
      %parallel_loop3A_469 = arith.extui %parallel_loop3A_468 : i1 to i32
      %parallel_loop3A_470 = arith.constant 0 : i32
      %parallel_loop3A_471 = arith.cmpi slt, %parallel_loop3A_458, %parallel_loop3A_470 : i32
      %parallel_loop3A_472 = arith.extui %parallel_loop3A_471 : i1 to i32
      %parallel_loop3A_473 = arith.subi %parallel_loop3A_469, %parallel_loop3A_472 : i32
      %parallel_loop3A_474 = arith.cmpi ne, %parallel_loop3A_466, %parallel_loop3A_473 : i32
      %parallel_loop3A_475 = arith.remsi %parallel_loop3A_407, %parallel_loop3A_458 : i32
      %parallel_loop3A_476 = arith.constant 0 : i32
      %parallel_loop3A_477 = arith.cmpi ne, %parallel_loop3A_475, %parallel_loop3A_476 : i32
      %parallel_loop3A_478 = arith.andi %parallel_loop3A_474, %parallel_loop3A_477 : i1
      %parallel_loop3A_479 = arith.constant 1 : i32
      %parallel_loop3A_480 = arith.subi %parallel_loop3A_459, %parallel_loop3A_479 : i32
      %parallel_loop3A_481 = arith.select %parallel_loop3A_478, %parallel_loop3A_480, %parallel_loop3A_459 : i32
      %parallel_loop3A_482 = arith.constant 8 : i32
      %parallel_loop3A_483 = arith.constant 0 : i32
      %parallel_loop3A_484 = arith.cmpi eq, %parallel_loop3A_482, %parallel_loop3A_483 : i32
      %parallel_loop3A_485 = arith.constant 1 : i32
      %parallel_loop3A_486 = arith.select %parallel_loop3A_484, %parallel_loop3A_485, %parallel_loop3A_482 : i32
      %parallel_loop3A_487 = arith.remsi %parallel_loop3A_407, %parallel_loop3A_486 : i32
      %parallel_loop3A_488 = arith.constant 0 : i32
      %parallel_loop3A_489 = arith.cmpi ne, %parallel_loop3A_487, %parallel_loop3A_488 : i32
      %parallel_loop3A_490 = arith.constant 0 : i32
      %parallel_loop3A_491 = arith.cmpi slt, %parallel_loop3A_487, %parallel_loop3A_490 : i32
      %parallel_loop3A_492 = arith.constant 0 : i32
      %parallel_loop3A_493 = arith.cmpi slt, %parallel_loop3A_486, %parallel_loop3A_492 : i32
      %parallel_loop3A_494 = arith.xori %parallel_loop3A_491, %parallel_loop3A_493 : i1
      %parallel_loop3A_495 = arith.andi %parallel_loop3A_494, %parallel_loop3A_489 : i1
      %parallel_loop3A_496 = arith.addi %parallel_loop3A_487, %parallel_loop3A_486 : i32
      %parallel_loop3A_497 = arith.select %parallel_loop3A_495, %parallel_loop3A_496, %parallel_loop3A_487 : i32
      %parallel_loop3A_498 = arith.index_cast %parallel_loop3A_481 : i32 to index
      %parallel_loop3A_499 = arith.index_cast %parallel_loop3A_497 : i32 to index
      %parallel_loop3A_500 = arith.constant 16 : index
      %parallel_loop3A_501 = tpu.vector_load %arg12[%parallel_loop3A_498, %parallel_loop3A_499, %parallel_loop3A_500] {strides = array<i32>} : memref<8x8x128xf32, #tpu.memory_space<vmem>>, vector<16xf32>,
      tpu.vector_store %arg12[%parallel_loop3A_498, %parallel_loop3A_499, %parallel_loop3A_500], %parallel_loop3A_457 {strides = array<i32>} : memref<8x8x128xf32, #tpu.memory_space<vmem>>, vector<16xf32>,
      %parallel_loop3A_502 = tpu.vector_load_idx %arg10[%add3A_17, %parallel_loop3A_408] : memref<128x64xf32, #tpu.memory_space<vmem>>[vector<16xi32>, vector<16xi32>], vector<16xf32>,
      %parallel_loop3A_503 = arith.addf %parallel_loop3A_502, %parallel_loop3A_409 : vector<16xf32>
      %parallel_loop3A_504 = arith.constant 8 : i32
      %parallel_loop3A_505 = arith.divsi %parallel_loop3A_407, %parallel_loop3A_504 : i32
      %parallel_loop3A_506 = arith.constant 0 : i32
      %parallel_loop3A_507 = arith.cmpi sgt, %parallel_loop3A_407, %parallel_loop3A_506 : i32
      %parallel_loop3A_508 = arith.extui %parallel_loop3A_507 : i1 to i32
      %parallel_loop3A_509 = arith.constant 0 : i32
      %parallel_loop3A_510 = arith.cmpi slt, %parallel_loop3A_407, %parallel_loop3A_509 : i32
      %parallel_loop3A_511 = arith.extui %parallel_loop3A_510 : i1 to i32
      %parallel_loop3A_512 = arith.subi %parallel_loop3A_508, %parallel_loop3A_511 : i32
      %parallel_loop3A_513 = arith.constant 0 : i32
      %parallel_loop3A_514 = arith.cmpi sgt, %parallel_loop3A_504, %parallel_loop3A_513 : i32
      %parallel_loop3A_515 = arith.extui %parallel_loop3A_514 : i1 to i32
      %parallel_loop3A_516 = arith.constant 0 : i32
      %parallel_loop3A_517 = arith.cmpi slt, %parallel_loop3A_504, %parallel_loop3A_516 : i32
      %parallel_loop3A_518 = arith.extui %parallel_loop3A_517 : i1 to i32
      %parallel_loop3A_519 = arith.subi %parallel_loop3A_515, %parallel_loop3A_518 : i32
      %parallel_loop3A_520 = arith.cmpi ne, %parallel_loop3A_512, %parallel_loop3A_519 : i32
      %parallel_loop3A_521 = arith.remsi %parallel_loop3A_407, %parallel_loop3A_504 : i32
      %parallel_loop3A_522 = arith.constant 0 : i32
      %parallel_loop3A_523 = arith.cmpi ne, %parallel_loop3A_521, %parallel_loop3A_522 : i32
      %parallel_loop3A_524 = arith.andi %parallel_loop3A_520, %parallel_loop3A_523 : i1
      %parallel_loop3A_525 = arith.constant 1 : i32
      %parallel_loop3A_526 = arith.subi %parallel_loop3A_505, %parallel_loop3A_525 : i32
      %parallel_loop3A_527 = arith.select %parallel_loop3A_524, %parallel_loop3A_526, %parallel_loop3A_505 : i32
      %parallel_loop3A_528 = arith.constant 8 : i32
      %parallel_loop3A_529 = arith.constant 0 : i32
      %parallel_loop3A_530 = arith.cmpi eq, %parallel_loop3A_528, %parallel_loop3A_529 : i32
      %parallel_loop3A_531 = arith.constant 1 : i32
      %parallel_loop3A_532 = arith.select %parallel_loop3A_530, %parallel_loop3A_531, %parallel_loop3A_528 : i32
      %parallel_loop3A_533 = arith.remsi %parallel_loop3A_407, %parallel_loop3A_532 : i32
      %parallel_loop3A_534 = arith.constant 0 : i32
      %parallel_loop3A_535 = arith.cmpi ne, %parallel_loop3A_533, %parallel_loop3A_534 : i32
      %parallel_loop3A_536 = arith.constant 0 : i32
      %parallel_loop3A_537 = arith.cmpi slt, %parallel_loop3A_533, %parallel_loop3A_536 : i32
      %parallel_loop3A_538 = arith.constant 0 : i32
      %parallel_loop3A_539 = arith.cmpi slt, %parallel_loop3A_532, %parallel_loop3A_538 : i32
      %parallel_loop3A_540 = arith.xori %parallel_loop3A_537, %parallel_loop3A_539 : i1
      %parallel_loop3A_541 = arith.andi %parallel_loop3A_540, %parallel_loop3A_535 : i1
      %parallel_loop3A_542 = arith.addi %parallel_loop3A_533, %parallel_loop3A_532 : i32
      %parallel_loop3A_543 = arith.select %parallel_loop3A_541, %parallel_loop3A_542, %parallel_loop3A_533 : i32
      %parallel_loop3A_544 = arith.index_cast %parallel_loop3A_527 : i32 to index
      %parallel_loop3A_545 = arith.index_cast %parallel_loop3A_543 : i32 to index
      %parallel_loop3A_546 = arith.constant 32 : index
      %parallel_loop3A_547 = tpu.vector_load %arg12[%parallel_loop3A_544, %parallel_loop3A_545, %parallel_loop3A_546] {strides = array<i32>} : memref<8x8x128xf32, #tpu.memory_space<vmem>>, vector<16xf32>,
      tpu.vector_store %arg12[%parallel_loop3A_544, %parallel_loop3A_545, %parallel_loop3A_546], %parallel_loop3A_503 {strides = array<i32>} : memref<8x8x128xf32, #tpu.memory_space<vmem>>, vector<16xf32>,
      %parallel_loop3A_548 = tpu.vector_load_idx %arg10[%add3A_21, %parallel_loop3A_408] : memref<128x64xf32, #tpu.memory_space<vmem>>[vector<16xi32>, vector<16xi32>], vector<16xf32>,
      %parallel_loop3A_549 = arith.addf %parallel_loop3A_548, %parallel_loop3A_409 : vector<16xf32>
      %parallel_loop3A_550 = arith.constant 8 : i32
      %parallel_loop3A_551 = arith.divsi %parallel_loop3A_407, %parallel_loop3A_550 : i32
      %parallel_loop3A_552 = arith.constant 0 : i32
      %parallel_loop3A_553 = arith.cmpi sgt, %parallel_loop3A_407, %parallel_loop3A_552 : i32
      %parallel_loop3A_554 = arith.extui %parallel_loop3A_553 : i1 to i32
      %parallel_loop3A_555 = arith.constant 0 : i32
      %parallel_loop3A_556 = arith.cmpi slt, %parallel_loop3A_407, %parallel_loop3A_555 : i32
      %parallel_loop3A_557 = arith.extui %parallel_loop3A_556 : i1 to i32
      %parallel_loop3A_558 = arith.subi %parallel_loop3A_554, %parallel_loop3A_557 : i32
      %parallel_loop3A_559 = arith.constant 0 : i32
      %parallel_loop3A_560 = arith.cmpi sgt, %parallel_loop3A_550, %parallel_loop3A_559 : i32
      %parallel_loop3A_561 = arith.extui %parallel_loop3A_560 : i1 to i32
      %parallel_loop3A_562 = arith.constant 0 : i32
      %parallel_loop3A_563 = arith.cmpi slt, %parallel_loop3A_550, %parallel_loop3A_562 : i32
      %parallel_loop3A_564 = arith.extui %parallel_loop3A_563 : i1 to i32
      %parallel_loop3A_565 = arith.subi %parallel_loop3A_561, %parallel_loop3A_564 : i32
      %parallel_loop3A_566 = arith.cmpi ne, %parallel_loop3A_558, %parallel_loop3A_565 : i32
      %parallel_loop3A_567 = arith.remsi %parallel_loop3A_407, %parallel_loop3A_550 : i32
      %parallel_loop3A_568 = arith.constant 0 : i32
      %parallel_loop3A_569 = arith.cmpi ne, %parallel_loop3A_567, %parallel_loop3A_568 : i32
      %parallel_loop3A_570 = arith.andi %parallel_loop3A_566, %parallel_loop3A_569 : i1
      %parallel_loop3A_571 = arith.constant 1 : i32
      %parallel_loop3A_572 = arith.subi %parallel_loop3A_551, %parallel_loop3A_571 : i32
      %parallel_loop3A_573 = arith.select %parallel_loop3A_570, %parallel_loop3A_572, %parallel_loop3A_551 : i32
      %parallel_loop3A_574 = arith.constant 8 : i32
      %parallel_loop3A_575 = arith.constant 0 : i32
      %parallel_loop3A_576 = arith.cmpi eq, %parallel_loop3A_574, %parallel_loop3A_575 : i32
      %parallel_loop3A_577 = arith.constant 1 : i32
      %parallel_loop3A_578 = arith.select %parallel_loop3A_576, %parallel_loop3A_577, %parallel_loop3A_574 : i32
      %parallel_loop3A_579 = arith.remsi %parallel_loop3A_407, %parallel_loop3A_578 : i32
      %parallel_loop3A_580 = arith.constant 0 : i32
      %parallel_loop3A_581 = arith.cmpi ne, %parallel_loop3A_579, %parallel_loop3A_580 : i32
      %parallel_loop3A_582 = arith.constant 0 : i32
      %parallel_loop3A_583 = arith.cmpi slt, %parallel_loop3A_579, %parallel_loop3A_582 : i32
      %parallel_loop3A_584 = arith.constant 0 : i32
      %parallel_loop3A_585 = arith.cmpi slt, %parallel_loop3A_578, %parallel_loop3A_584 : i32
      %parallel_loop3A_586 = arith.xori %parallel_loop3A_583, %parallel_loop3A_585 : i1
      %parallel_loop3A_587 = arith.andi %parallel_loop3A_586, %parallel_loop3A_581 : i1
      %parallel_loop3A_588 = arith.addi %parallel_loop3A_579, %parallel_loop3A_578 : i32
      %parallel_loop3A_589 = arith.select %parallel_loop3A_587, %parallel_loop3A_588, %parallel_loop3A_579 : i32
      %parallel_loop3A_590 = arith.index_cast %parallel_loop3A_573 : i32 to index
      %parallel_loop3A_591 = arith.index_cast %parallel_loop3A_589 : i32 to index
      %parallel_loop3A_592 = arith.constant 48 : index
      %parallel_loop3A_593 = tpu.vector_load %arg12[%parallel_loop3A_590, %parallel_loop3A_591, %parallel_loop3A_592] {strides = array<i32>} : memref<8x8x128xf32, #tpu.memory_space<vmem>>, vector<16xf32>,
      tpu.vector_store %arg12[%parallel_loop3A_590, %parallel_loop3A_591, %parallel_loop3A_592], %parallel_loop3A_549 {strides = array<i32>} : memref<8x8x128xf32, #tpu.memory_space<vmem>>, vector<16xf32>,
      %parallel_loop3A_594 = tpu.vector_load_idx %arg10[%add3A_25, %parallel_loop3A_408] : memref<128x64xf32, #tpu.memory_space<vmem>>[vector<16xi32>, vector<16xi32>], vector<16xf32>,
      %parallel_loop3A_595 = arith.addf %parallel_loop3A_594, %parallel_loop3A_409 : vector<16xf32>
      %parallel_loop3A_596 = arith.constant 8 : i32
      %parallel_loop3A_597 = arith.divsi %parallel_loop3A_407, %parallel_loop3A_596 : i32
      %parallel_loop3A_598 = arith.constant 0 : i32
      %parallel_loop3A_599 = arith.cmpi sgt, %parallel_loop3A_407, %parallel_loop3A_598 : i32
      %parallel_loop3A_600 = arith.extui %parallel_loop3A_599 : i1 to i32
      %parallel_loop3A_601 = arith.constant 0 : i32
      %parallel_loop3A_602 = arith.cmpi slt, %parallel_loop3A_407, %parallel_loop3A_601 : i32
      %parallel_loop3A_603 = arith.extui %parallel_loop3A_602 : i1 to i32
      %parallel_loop3A_604 = arith.subi %parallel_loop3A_600, %parallel_loop3A_603 : i32
      %parallel_loop3A_605 = arith.constant 0 : i32
      %parallel_loop3A_606 = arith.cmpi sgt, %parallel_loop3A_596, %parallel_loop3A_605 : i32
      %parallel_loop3A_607 = arith.extui %parallel_loop3A_606 : i1 to i32
      %parallel_loop3A_608 = arith.constant 0 : i32
      %parallel_loop3A_609 = arith.cmpi slt, %parallel_loop3A_596, %parallel_loop3A_608 : i32
      %parallel_loop3A_610 = arith.extui %parallel_loop3A_609 : i1 to i32
      %parallel_loop3A_611 = arith.subi %parallel_loop3A_607, %parallel_loop3A_610 : i32
      %parallel_loop3A_612 = arith.cmpi ne, %parallel_loop3A_604, %parallel_loop3A_611 : i32
      %parallel_loop3A_613 = arith.remsi %parallel_loop3A_407, %parallel_loop3A_596 : i32
      %parallel_loop3A_614 = arith.constant 0 : i32
      %parallel_loop3A_615 = arith.cmpi ne, %parallel_loop3A_613, %parallel_loop3A_614 : i32
      %parallel_loop3A_616 = arith.andi %parallel_loop3A_612, %parallel_loop3A_615 : i1
      %parallel_loop3A_617 = arith.constant 1 : i32
      %parallel_loop3A_618 = arith.subi %parallel_loop3A_597, %parallel_loop3A_617 : i32
      %parallel_loop3A_619 = arith.select %parallel_loop3A_616, %parallel_loop3A_618, %parallel_loop3A_597 : i32
      %parallel_loop3A_620 = arith.constant 8 : i32
      %parallel_loop3A_621 = arith.constant 0 : i32
      %parallel_loop3A_622 = arith.cmpi eq, %parallel_loop3A_620, %parallel_loop3A_621 : i32
      %parallel_loop3A_623 = arith.constant 1 : i32
      %parallel_loop3A_624 = arith.select %parallel_loop3A_622, %parallel_loop3A_623, %parallel_loop3A_620 : i32
      %parallel_loop3A_625 = arith.remsi %parallel_loop3A_407, %parallel_loop3A_624 : i32
      %parallel_loop3A_626 = arith.constant 0 : i32
      %parallel_loop3A_627 = arith.cmpi ne, %parallel_loop3A_625, %parallel_loop3A_626 : i32
      %parallel_loop3A_628 = arith.constant 0 : i32
      %parallel_loop3A_629 = arith.cmpi slt, %parallel_loop3A_625, %parallel_loop3A_628 : i32
      %parallel_loop3A_630 = arith.constant 0 : i32
      %parallel_loop3A_631 = arith.cmpi slt, %parallel_loop3A_624, %parallel_loop3A_630 : i32
      %parallel_loop3A_632 = arith.xori %parallel_loop3A_629, %parallel_loop3A_631 : i1
      %parallel_loop3A_633 = arith.andi %parallel_loop3A_632, %parallel_loop3A_627 : i1
      %parallel_loop3A_634 = arith.addi %parallel_loop3A_625, %parallel_loop3A_624 : i32
      %parallel_loop3A_635 = arith.select %parallel_loop3A_633, %parallel_loop3A_634, %parallel_loop3A_625 : i32
      %parallel_loop3A_636 = arith.index_cast %parallel_loop3A_619 : i32 to index
      %parallel_loop3A_637 = arith.index_cast %parallel_loop3A_635 : i32 to index
      %parallel_loop3A_638 = arith.constant 64 : index
      %parallel_loop3A_639 = tpu.vector_load %arg12[%parallel_loop3A_636, %parallel_loop3A_637, %parallel_loop3A_638] {strides = array<i32>} : memref<8x8x128xf32, #tpu.memory_space<vmem>>, vector<16xf32>,
      tpu.vector_store %arg12[%parallel_loop3A_636, %parallel_loop3A_637, %parallel_loop3A_638], %parallel_loop3A_595 {strides = array<i32>} : memref<8x8x128xf32, #tpu.memory_space<vmem>>, vector<16xf32>,
      %parallel_loop3A_640 = tpu.vector_load_idx %arg10[%add3A_29, %parallel_loop3A_408] : memref<128x64xf32, #tpu.memory_space<vmem>>[vector<16xi32>, vector<16xi32>], vector<16xf32>,
      %parallel_loop3A_641 = arith.addf %parallel_loop3A_640, %parallel_loop3A_409 : vector<16xf32>
      %parallel_loop3A_642 = arith.constant 8 : i32
      %parallel_loop3A_643 = arith.divsi %parallel_loop3A_407, %parallel_loop3A_642 : i32
      %parallel_loop3A_644 = arith.constant 0 : i32
      %parallel_loop3A_645 = arith.cmpi sgt, %parallel_loop3A_407, %parallel_loop3A_644 : i32
      %parallel_loop3A_646 = arith.extui %parallel_loop3A_645 : i1 to i32
      %parallel_loop3A_647 = arith.constant 0 : i32
      %parallel_loop3A_648 = arith.cmpi slt, %parallel_loop3A_407, %parallel_loop3A_647 : i32
      %parallel_loop3A_649 = arith.extui %parallel_loop3A_648 : i1 to i32
      %parallel_loop3A_650 = arith.subi %parallel_loop3A_646, %parallel_loop3A_649 : i32
      %parallel_loop3A_651 = arith.constant 0 : i32
      %parallel_loop3A_652 = arith.cmpi sgt, %parallel_loop3A_642, %parallel_loop3A_651 : i32
      %parallel_loop3A_653 = arith.extui %parallel_loop3A_652 : i1 to i32
      %parallel_loop3A_654 = arith.constant 0 : i32
      %parallel_loop3A_655 = arith.cmpi slt, %parallel_loop3A_642, %parallel_loop3A_654 : i32
      %parallel_loop3A_656 = arith.extui %parallel_loop3A_655 : i1 to i32
      %parallel_loop3A_657 = arith.subi %parallel_loop3A_653, %parallel_loop3A_656 : i32
      %parallel_loop3A_658 = arith.cmpi ne, %parallel_loop3A_650, %parallel_loop3A_657 : i32
      %parallel_loop3A_659 = arith.remsi %parallel_loop3A_407, %parallel_loop3A_642 : i32
      %parallel_loop3A_660 = arith.constant 0 : i32
      %parallel_loop3A_661 = arith.cmpi ne, %parallel_loop3A_659, %parallel_loop3A_660 : i32
      %parallel_loop3A_662 = arith.andi %parallel_loop3A_658, %parallel_loop3A_661 : i1
      %parallel_loop3A_663 = arith.constant 1 : i32
      %parallel_loop3A_664 = arith.subi %parallel_loop3A_643, %parallel_loop3A_663 : i32
      %parallel_loop3A_665 = arith.select %parallel_loop3A_662, %parallel_loop3A_664, %parallel_loop3A_643 : i32
      %parallel_loop3A_666 = arith.constant 8 : i32
      %parallel_loop3A_667 = arith.constant 0 : i32
      %parallel_loop3A_668 = arith.cmpi eq, %parallel_loop3A_666, %parallel_loop3A_667 : i32
      %parallel_loop3A_669 = arith.constant 1 : i32
      %parallel_loop3A_670 = arith.select %parallel_loop3A_668, %parallel_loop3A_669, %parallel_loop3A_666 : i32
      %parallel_loop3A_671 = arith.remsi %parallel_loop3A_407, %parallel_loop3A_670 : i32
      %parallel_loop3A_672 = arith.constant 0 : i32
      %parallel_loop3A_673 = arith.cmpi ne, %parallel_loop3A_671, %parallel_loop3A_672 : i32
      %parallel_loop3A_674 = arith.constant 0 : i32
      %parallel_loop3A_675 = arith.cmpi slt, %parallel_loop3A_671, %parallel_loop3A_674 : i32
      %parallel_loop3A_676 = arith.constant 0 : i32
      %parallel_loop3A_677 = arith.cmpi slt, %parallel_loop3A_670, %parallel_loop3A_676 : i32
      %parallel_loop3A_678 = arith.xori %parallel_loop3A_675, %parallel_loop3A_677 : i1
      %parallel_loop3A_679 = arith.andi %parallel_loop3A_678, %parallel_loop3A_673 : i1
      %parallel_loop3A_680 = arith.addi %parallel_loop3A_671, %parallel_loop3A_670 : i32
      %parallel_loop3A_681 = arith.select %parallel_loop3A_679, %parallel_loop3A_680, %parallel_loop3A_671 : i32
      %parallel_loop3A_682 = arith.index_cast %parallel_loop3A_665 : i32 to index
      %parallel_loop3A_683 = arith.index_cast %parallel_loop3A_681 : i32 to index
      %parallel_loop3A_684 = arith.constant 80 : index
      %parallel_loop3A_685 = tpu.vector_load %arg12[%parallel_loop3A_682, %parallel_loop3A_683, %parallel_loop3A_684] {strides = array<i32>} : memref<8x8x128xf32, #tpu.memory_space<vmem>>, vector<16xf32>,
      tpu.vector_store %arg12[%parallel_loop3A_682, %parallel_loop3A_683, %parallel_loop3A_684], %parallel_loop3A_641 {strides = array<i32>} : memref<8x8x128xf32, #tpu.memory_space<vmem>>, vector<16xf32>,
      %parallel_loop3A_686 = tpu.vector_load_idx %arg10[%add3A_33, %parallel_loop3A_408] : memref<128x64xf32, #tpu.memory_space<vmem>>[vector<16xi32>, vector<16xi32>], vector<16xf32>,
      %parallel_loop3A_687 = arith.addf %parallel_loop3A_686, %parallel_loop3A_409 : vector<16xf32>
      %parallel_loop3A_688 = arith.constant 8 : i32
      %parallel_loop3A_689 = arith.divsi %parallel_loop3A_407, %parallel_loop3A_688 : i32
      %parallel_loop3A_690 = arith.constant 0 : i32
      %parallel_loop3A_691 = arith.cmpi sgt, %parallel_loop3A_407, %parallel_loop3A_690 : i32
      %parallel_loop3A_692 = arith.extui %parallel_loop3A_691 : i1 to i32
      %parallel_loop3A_693 = arith.constant 0 : i32
      %parallel_loop3A_694 = arith.cmpi slt, %parallel_loop3A_407, %parallel_loop3A_693 : i32
      %parallel_loop3A_695 = arith.extui %parallel_loop3A_694 : i1 to i32
      %parallel_loop3A_696 = arith.subi %parallel_loop3A_692, %parallel_loop3A_695 : i32
      %parallel_loop3A_697 = arith.constant 0 : i32
      %parallel_loop3A_698 = arith.cmpi sgt, %parallel_loop3A_688, %parallel_loop3A_697 : i32
      %parallel_loop3A_699 = arith.extui %parallel_loop3A_698 : i1 to i32
      %parallel_loop3A_700 = arith.constant 0 : i32
      %parallel_loop3A_701 = arith.cmpi slt, %parallel_loop3A_688, %parallel_loop3A_700 : i32
      %parallel_loop3A_702 = arith.extui %parallel_loop3A_701 : i1 to i32
      %parallel_loop3A_703 = arith.subi %parallel_loop3A_699, %parallel_loop3A_702 : i32
      %parallel_loop3A_704 = arith.cmpi ne, %parallel_loop3A_696, %parallel_loop3A_703 : i32
      %parallel_loop3A_705 = arith.remsi %parallel_loop3A_407, %parallel_loop3A_688 : i32
      %parallel_loop3A_706 = arith.constant 0 : i32
      %parallel_loop3A_707 = arith.cmpi ne, %parallel_loop3A_705, %parallel_loop3A_706 : i32
      %parallel_loop3A_708 = arith.andi %parallel_loop3A_704, %parallel_loop3A_707 : i1
      %parallel_loop3A_709 = arith.constant 1 : i32
      %parallel_loop3A_710 = arith.subi %parallel_loop3A_689, %parallel_loop3A_709 : i32
      %parallel_loop3A_711 = arith.select %parallel_loop3A_708, %parallel_loop3A_710, %parallel_loop3A_689 : i32
      %parallel_loop3A_712 = arith.constant 8 : i32
      %parallel_loop3A_713 = arith.constant 0 : i32
      %parallel_loop3A_714 = arith.cmpi eq, %parallel_loop3A_712, %parallel_loop3A_713 : i32
      %parallel_loop3A_715 = arith.constant 1 : i32
      %parallel_loop3A_716 = arith.select %parallel_loop3A_714, %parallel_loop3A_715, %parallel_loop3A_712 : i32
      %parallel_loop3A_717 = arith.remsi %parallel_loop3A_407, %parallel_loop3A_716 : i32
      %parallel_loop3A_718 = arith.constant 0 : i32
      %parallel_loop3A_719 = arith.cmpi ne, %parallel_loop3A_717, %parallel_loop3A_718 : i32
      %parallel_loop3A_720 = arith.constant 0 : i32
      %parallel_loop3A_721 = arith.cmpi slt, %parallel_loop3A_717, %parallel_loop3A_720 : i32
      %parallel_loop3A_722 = arith.constant 0 : i32
      %parallel_loop3A_723 = arith.cmpi slt, %parallel_loop3A_716, %parallel_loop3A_722 : i32
      %parallel_loop3A_724 = arith.xori %parallel_loop3A_721, %parallel_loop3A_723 : i1
      %parallel_loop3A_725 = arith.andi %parallel_loop3A_724, %parallel_loop3A_719 : i1
      %parallel_loop3A_726 = arith.addi %parallel_loop3A_717, %parallel_loop3A_716 : i32
      %parallel_loop3A_727 = arith.select %parallel_loop3A_725, %parallel_loop3A_726, %parallel_loop3A_717 : i32
      %parallel_loop3A_728 = arith.index_cast %parallel_loop3A_711 : i32 to index
      %parallel_loop3A_729 = arith.index_cast %parallel_loop3A_727 : i32 to index
      %parallel_loop3A_730 = arith.constant 96 : index
      %parallel_loop3A_731 = tpu.vector_load %arg12[%parallel_loop3A_728, %parallel_loop3A_729, %parallel_loop3A_730] {strides = array<i32>} : memref<8x8x128xf32, #tpu.memory_space<vmem>>, vector<16xf32>,
      tpu.vector_store %arg12[%parallel_loop3A_728, %parallel_loop3A_729, %parallel_loop3A_730], %parallel_loop3A_687 {strides = array<i32>} : memref<8x8x128xf32, #tpu.memory_space<vmem>>, vector<16xf32>,
      %parallel_loop3A_732 = tpu.vector_load_idx %arg10[%add3A_37, %parallel_loop3A_408] : memref<128x64xf32, #tpu.memory_space<vmem>>[vector<16xi32>, vector<16xi32>], vector<16xf32>,
      %parallel_loop3A_733 = arith.addf %parallel_loop3A_732, %parallel_loop3A_409 : vector<16xf32>
      %parallel_loop3A_734 = arith.constant 8 : i32
      %parallel_loop3A_735 = arith.divsi %parallel_loop3A_407, %parallel_loop3A_734 : i32
      %parallel_loop3A_736 = arith.constant 0 : i32
      %parallel_loop3A_737 = arith.cmpi sgt, %parallel_loop3A_407, %parallel_loop3A_736 : i32
      %parallel_loop3A_738 = arith.extui %parallel_loop3A_737 : i1 to i32
      %parallel_loop3A_739 = arith.constant 0 : i32
      %parallel_loop3A_740 = arith.cmpi slt, %parallel_loop3A_407, %parallel_loop3A_739 : i32
      %parallel_loop3A_741 = arith.extui %parallel_loop3A_740 : i1 to i32
      %parallel_loop3A_742 = arith.subi %parallel_loop3A_738, %parallel_loop3A_741 : i32
      %parallel_loop3A_743 = arith.constant 0 : i32
      %parallel_loop3A_744 = arith.cmpi sgt, %parallel_loop3A_734, %parallel_loop3A_743 : i32
      %parallel_loop3A_745 = arith.extui %parallel_loop3A_744 : i1 to i32
      %parallel_loop3A_746 = arith.constant 0 : i32
      %parallel_loop3A_747 = arith.cmpi slt, %parallel_loop3A_734, %parallel_loop3A_746 : i32
      %parallel_loop3A_748 = arith.extui %parallel_loop3A_747 : i1 to i32
      %parallel_loop3A_749 = arith.subi %parallel_loop3A_745, %parallel_loop3A_748 : i32
      %parallel_loop3A_750 = arith.cmpi ne, %parallel_loop3A_742, %parallel_loop3A_749 : i32
      %parallel_loop3A_751 = arith.remsi %parallel_loop3A_407, %parallel_loop3A_734 : i32
      %parallel_loop3A_752 = arith.constant 0 : i32
      %parallel_loop3A_753 = arith.cmpi ne, %parallel_loop3A_751, %parallel_loop3A_752 : i32
      %parallel_loop3A_754 = arith.andi %parallel_loop3A_750, %parallel_loop3A_753 : i1
      %parallel_loop3A_755 = arith.constant 1 : i32
      %parallel_loop3A_756 = arith.subi %parallel_loop3A_735, %parallel_loop3A_755 : i32
      %parallel_loop3A_757 = arith.select %parallel_loop3A_754, %parallel_loop3A_756, %parallel_loop3A_735 : i32
      %parallel_loop3A_758 = arith.constant 8 : i32
      %parallel_loop3A_759 = arith.constant 0 : i32
      %parallel_loop3A_760 = arith.cmpi eq, %parallel_loop3A_758, %parallel_loop3A_759 : i32
      %parallel_loop3A_761 = arith.constant 1 : i32
      %parallel_loop3A_762 = arith.select %parallel_loop3A_760, %parallel_loop3A_761, %parallel_loop3A_758 : i32
      %parallel_loop3A_763 = arith.remsi %parallel_loop3A_407, %parallel_loop3A_762 : i32
      %parallel_loop3A_764 = arith.constant 0 : i32
      %parallel_loop3A_765 = arith.cmpi ne, %parallel_loop3A_763, %parallel_loop3A_764 : i32
      %parallel_loop3A_766 = arith.constant 0 : i32
      %parallel_loop3A_767 = arith.cmpi slt, %parallel_loop3A_763, %parallel_loop3A_766 : i32
      %parallel_loop3A_768 = arith.constant 0 : i32
      %parallel_loop3A_769 = arith.cmpi slt, %parallel_loop3A_762, %parallel_loop3A_768 : i32
      %parallel_loop3A_770 = arith.xori %parallel_loop3A_767, %parallel_loop3A_769 : i1
      %parallel_loop3A_771 = arith.andi %parallel_loop3A_770, %parallel_loop3A_765 : i1
      %parallel_loop3A_772 = arith.addi %parallel_loop3A_763, %parallel_loop3A_762 : i32
      %parallel_loop3A_773 = arith.select %parallel_loop3A_771, %parallel_loop3A_772, %parallel_loop3A_763 : i32
      %parallel_loop3A_774 = arith.index_cast %parallel_loop3A_757 : i32 to index
      %parallel_loop3A_775 = arith.index_cast %parallel_loop3A_773 : i32 to index
      %parallel_loop3A_776 = arith.constant 112 : index
      %parallel_loop3A_777 = tpu.vector_load %arg12[%parallel_loop3A_774, %parallel_loop3A_775, %parallel_loop3A_776] {strides = array<i32>} : memref<8x8x128xf32, #tpu.memory_space<vmem>>, vector<16xf32>,
      tpu.vector_store %arg12[%parallel_loop3A_774, %parallel_loop3A_775, %parallel_loop3A_776], %parallel_loop3A_733 {strides = array<i32>} : memref<8x8x128xf32, #tpu.memory_space<vmem>>, vector<16xf32>,
    } {sc.loop_unroll_factor = 8 : i64, sc.parallel_access}
    %mul3A_357 = arith.constant 4 : i32
    %mul3A_358 = arith.muli %add3A, %mul3A_357 : i32
    %add3A_359 = arith.constant 0 : i32
    %add3A_360 = arith.addi %mul3A_358, %add3A_359 : i32
    %dma_start3A_361 = arith.constant 1 : i32
    %dma_start3A_362 = arith.constant 0 : i32
    %dma_start3A_363 = arith.constant 0 : i32
    %dma_start3A_364 = arith.constant 0 : i32
    %dma_start3A_365 = tpu.memref_slice %arg5[%dma_start3A_361, %dma_start3A_362, %add3A_360, %dma_start3A_363, %dma_start3A_364] : memref<50x8x128x8x128xf32, #tpu.memory_space<hbm>> -> memref<1x8x1x8x128xf32, #tpu.memory_space<hbm>>
    %dma_start3A_366 = tpu.memref_squeeze %dma_start3A_365 : memref<1x8x1x8x128xf32, #tpu.memory_space<hbm>> -> memref<8x8x128xf32, #tpu.memory_space<hbm>>
    %dma_start3A_367 = arith.constant 0 : i32
    %dma_start3A_368 = arith.constant 0 : i32
    %dma_start3A_369 = arith.constant 0 : i32
    %dma_start3A_370 = tpu.memref_slice %arg5[%dma_start3A_361, %dma_start3A_367, %add3A_360, %dma_start3A_368, %dma_start3A_369] : memref<50x8x128x8x128xf32, #tpu.memory_space<hbm>> -> memref<1x8x1x8x128xf32, #tpu.memory_space<hbm>>
    %dma_start3A_371 = tpu.memref_squeeze %dma_start3A_370 : memref<1x8x1x8x128xf32, #tpu.memory_space<hbm>> -> memref<8x8x128xf32, #tpu.memory_space<hbm>>
    tpu.enqueue_dma source(%arg12 : memref<8x8x128xf32, #tpu.memory_space<vmem>>) target(%dma_start3A_371 : memref<8x8x128xf32, #tpu.memory_space<hbm>>) target_semaphore(%arg17 : memref<!tpu.dma_semaphore, #tpu.memory_space<semaphore_mem>>)
    %scan3A = arith.constant 0 : i32
    %scan3A_372 = arith.constant 1 : i32
    %scan3A_373 = arith.constant 99 : i32
    %scan3A_374 = arith.addi %scan3A_372, %scan3A_373 : i32
    %scan3A_375 = arith.constant 1 : i32
    scf.for %scan3A_407 = %scan3A_372 to %scan3A_374 step %scan3A_375  : i32 {
      %mul3A_408 = arith.constant 2 : i32
      %mul3A_409 = arith.muli %mul3A_408, %scan3A_407 : i32
      %dma_wait3A_410 = arith.constant 0 : i32
      %dma_wait3A_411 = arith.constant 0 : i32
      %dma_wait3A_412 = tpu.memref_slice %arg3[%dma_wait3A_410, %dma_wait3A_411] : memref<1000000x64xf32, #tpu.memory_space<hbm>> -> memref<128x64xf32, #tpu.memory_space<hbm>>
      %dma_wait3A_413 = arith.constant 0 : i32
      %dma_wait3A_414 = arith.constant 0 : i32
      %dma_wait3A_415 = tpu.memref_slice %arg3[%dma_wait3A_413, %dma_wait3A_414] : memref<1000000x64xf32, #tpu.memory_space<hbm>> -> memref<128x64xf32, #tpu.memory_space<hbm>>
      tpu.wait_dma2 semaphore(%arg14 : memref<!tpu.dma_semaphore, #tpu.memory_space<semaphore_mem>>) src(%dma_wait3A_415 : memref<128x64xf32, #tpu.memory_space<hbm>>) dst(%arg9 : memref<128x64xf32, #tpu.memory_space<vmem>>)
      %add3A_416 = arith.constant 1 : i32
      %add3A_417 = arith.addi %mul3A_409, %add3A_416 : i32
      %min3A_418 = arith.constant 199 : i32
      %min3A_419 = arith.minsi %add3A_417, %min3A_418 : i32
      %jit3A_420 = arith.constant 50 : i32
      %eq3A_421 = arith.constant 0 : i32
      %eq3A_422 = arith.cmpi eq, %jit3A_420, %eq3A_421 : i32
      %jit3A_423 = arith.constant 1 : i32
      %select_n3A_424 = arith.select %eq3A_422, %jit3A_423, %jit3A_420 : i32
      %rem3A_425 = arith.remsi %min3A_419, %select_n3A_424 : i32
      %ne3A_426 = arith.constant 0 : i32
      %ne3A_427 = arith.cmpi ne, %rem3A_425, %ne3A_426 : i32
      %lt3A_428 = arith.constant 0 : i32
      %lt3A_429 = arith.cmpi slt, %rem3A_425, %lt3A_428 : i32
      %lt3A_430 = arith.constant 0 : i32
      %lt3A_431 = arith.cmpi slt, %select_n3A_424, %lt3A_430 : i32
      %ne3A_432 = arith.xori %lt3A_429, %lt3A_431 : i1
      %and3A_433 = arith.andi %ne3A_432, %ne3A_427 : i1
      %add3A_434 = arith.addi %rem3A_425, %select_n3A_424 : i32
      %select_n3A_435 = arith.select %and3A_433, %add3A_434, %rem3A_425 : i32
      %jit3A_436 = arith.constant 50 : i32
      %div3A_437 = arith.divsi %min3A_419, %jit3A_436 : i32
      %sign3A_438 = arith.constant 0 : i32
      %sign3A_439 = arith.cmpi sgt, %min3A_419, %sign3A_438 : i32
      %sign3A_440 = arith.extui %sign3A_439 : i1 to i32
      %sign3A_441 = arith.constant 0 : i32
      %sign3A_442 = arith.cmpi slt, %min3A_419, %sign3A_441 : i32
      %sign3A_443 = arith.extui %sign3A_442 : i1 to i32
      %sign3A_444 = arith.subi %sign3A_440, %sign3A_443 : i32
      %sign3A_445 = arith.constant 0 : i32
      %sign3A_446 = arith.cmpi sgt, %jit3A_436, %sign3A_445 : i32
      %sign3A_447 = arith.extui %sign3A_446 : i1 to i32
      %sign3A_448 = arith.constant 0 : i32
      %sign3A_449 = arith.cmpi slt, %jit3A_436, %sign3A_448 : i32
      %sign3A_450 = arith.extui %sign3A_449 : i1 to i32
      %sign3A_451 = arith.subi %sign3A_447, %sign3A_450 : i32
      %ne3A_452 = arith.cmpi ne, %sign3A_444, %sign3A_451 : i32
      %rem3A_453 = arith.remsi %min3A_419, %jit3A_436 : i32
      %ne3A_454 = arith.constant 0 : i32
      %ne3A_455 = arith.cmpi ne, %rem3A_453, %ne3A_454 : i32
      %and3A_456 = arith.andi %ne3A_452, %ne3A_455 : i1
      %sub3A_457 = arith.constant 1 : i32
      %sub3A_458 = arith.subi %div3A_437, %sub3A_457 : i32
      %select_n3A_459 = arith.select %and3A_456, %sub3A_458, %div3A_437 : i32
      %mul3A_460 = arith.constant 6400 : i32
      %mul3A_461 = arith.muli %select_n3A_459, %mul3A_460 : i32
      %add3A_462 = arith.constant 0 : i32
      %add3A_463 = arith.addi %mul3A_461, %add3A_462 : i32
      %add3A_464 = arith.addi %add3A_463, %select_n3A_435 : i32
      %broadcast_in_dim3A_465 = vector.broadcast %add3A_464 : i32 to vector<16xi32>
      %add3A_466 = arith.addi %mul3A_5, %broadcast_in_dim3A_465 : vector<16xi32>
      %gather3A_467 = tpu.vector_load_idx %arg6[%add3A_466] : memref<25600xi32, #tpu.memory_space<vmem>>[vector<16xi32>], vector<16xi32>,
      %swap3A_468 = arith.constant 0 : index
      %swap3A_469 = tpu.vector_load %arg8[%swap3A_468] {strides = array<i32>} : memref<128xi32, #tpu.memory_space<vmem>>, vector<16xi32>,
      tpu.vector_store %arg8[%swap3A_468], %gather3A_467 {strides = array<i32>} : memref<128xi32, #tpu.memory_space<vmem>>, vector<16xi32>,
      %mul3A_470 = arith.constant 6400 : i32
      %mul3A_471 = arith.muli %select_n3A_459, %mul3A_470 : i32
      %add3A_472 = arith.constant 800 : i32
      %add3A_473 = arith.addi %mul3A_471, %add3A_472 : i32
      %add3A_474 = arith.addi %add3A_473, %select_n3A_435 : i32
      %broadcast_in_dim3A_475 = vector.broadcast %add3A_474 : i32 to vector<16xi32>
      %add3A_476 = arith.addi %mul3A_5, %broadcast_in_dim3A_475 : vector<16xi32>
      %gather3A_477 = tpu.vector_load_idx %arg6[%add3A_476] : memref<25600xi32, #tpu.memory_space<vmem>>[vector<16xi32>], vector<16xi32>,
      %swap3A_478 = arith.constant 16 : index
      %swap3A_479 = tpu.vector_load %arg8[%swap3A_478] {strides = array<i32>} : memref<128xi32, #tpu.memory_space<vmem>>, vector<16xi32>,
      tpu.vector_store %arg8[%swap3A_478], %gather3A_477 {strides = array<i32>} : memref<128xi32, #tpu.memory_space<vmem>>, vector<16xi32>,
      %mul3A_480 = arith.constant 6400 : i32
      %mul3A_481 = arith.muli %select_n3A_459, %mul3A_480 : i32
      %add3A_482 = arith.constant 1600 : i32
      %add3A_483 = arith.addi %mul3A_481, %add3A_482 : i32
      %add3A_484 = arith.addi %add3A_483, %select_n3A_435 : i32
      %broadcast_in_dim3A_485 = vector.broadcast %add3A_484 : i32 to vector<16xi32>
      %add3A_486 = arith.addi %mul3A_5, %broadcast_in_dim3A_485 : vector<16xi32>
      %gather3A_487 = tpu.vector_load_idx %arg6[%add3A_486] : memref<25600xi32, #tpu.memory_space<vmem>>[vector<16xi32>], vector<16xi32>,
      %swap3A_488 = arith.constant 32 : index
      %swap3A_489 = tpu.vector_load %arg8[%swap3A_488] {strides = array<i32>} : memref<128xi32, #tpu.memory_space<vmem>>, vector<16xi32>,
      tpu.vector_store %arg8[%swap3A_488], %gather3A_487 {strides = array<i32>} : memref<128xi32, #tpu.memory_space<vmem>>, vector<16xi32>,
      %mul3A_490 = arith.constant 6400 : i32
      %mul3A_491 = arith.muli %select_n3A_459, %mul3A_490 : i32
      %add3A_492 = arith.constant 2400 : i32
      %add3A_493 = arith.addi %mul3A_491, %add3A_492 : i32
      %add3A_494 = arith.addi %add3A_493, %select_n3A_435 : i32
      %broadcast_in_dim3A_495 = vector.broadcast %add3A_494 : i32 to vector<16xi32>
      %add3A_496 = arith.addi %mul3A_5, %broadcast_in_dim3A_495 : vector<16xi32>
      %gather3A_497 = tpu.vector_load_idx %arg6[%add3A_496] : memref<25600xi32, #tpu.memory_space<vmem>>[vector<16xi32>], vector<16xi32>,
      %swap3A_498 = arith.constant 48 : index
      %swap3A_499 = tpu.vector_load %arg8[%swap3A_498] {strides = array<i32>} : memref<128xi32, #tpu.memory_space<vmem>>, vector<16xi32>,
      tpu.vector_store %arg8[%swap3A_498], %gather3A_497 {strides = array<i32>} : memref<128xi32, #tpu.memory_space<vmem>>, vector<16xi32>,
      %mul3A_500 = arith.constant 6400 : i32
      %mul3A_501 = arith.muli %select_n3A_459, %mul3A_500 : i32
      %add3A_502 = arith.constant 3200 : i32
      %add3A_503 = arith.addi %mul3A_501, %add3A_502 : i32
      %add3A_504 = arith.addi %add3A_503, %select_n3A_435 : i32
      %broadcast_in_dim3A_505 = vector.broadcast %add3A_504 : i32 to vector<16xi32>
      %add3A_506 = arith.addi %mul3A_5, %broadcast_in_dim3A_505 : vector<16xi32>
      %gather3A_507 = tpu.vector_load_idx %arg6[%add3A_506] : memref<25600xi32, #tpu.memory_space<vmem>>[vector<16xi32>], vector<16xi32>,
      %swap3A_508 = arith.constant 64 : index
      %swap3A_509 = tpu.vector_load %arg8[%swap3A_508] {strides = array<i32>} : memref<128xi32, #tpu.memory_space<vmem>>, vector<16xi32>,
      tpu.vector_store %arg8[%swap3A_508], %gather3A_507 {strides = array<i32>} : memref<128xi32, #tpu.memory_space<vmem>>, vector<16xi32>,
      %mul3A_510 = arith.constant 6400 : i32
      %mul3A_511 = arith.muli %select_n3A_459, %mul3A_510 : i32
      %add3A_512 = arith.constant 4000 : i32
      %add3A_513 = arith.addi %mul3A_511, %add3A_512 : i32
      %add3A_514 = arith.addi %add3A_513, %select_n3A_435 : i32
      %broadcast_in_dim3A_515 = vector.broadcast %add3A_514 : i32 to vector<16xi32>
      %add3A_516 = arith.addi %mul3A_5, %broadcast_in_dim3A_515 : vector<16xi32>
      %gather3A_517 = tpu.vector_load_idx %arg6[%add3A_516] : memref<25600xi32, #tpu.memory_space<vmem>>[vector<16xi32>], vector<16xi32>,
      %swap3A_518 = arith.constant 80 : index
      %swap3A_519 = tpu.vector_load %arg8[%swap3A_518] {strides = array<i32>} : memref<128xi32, #tpu.memory_space<vmem>>, vector<16xi32>,
      tpu.vector_store %arg8[%swap3A_518], %gather3A_517 {strides = array<i32>} : memref<128xi32, #tpu.memory_space<vmem>>, vector<16xi32>,
      %mul3A_520 = arith.constant 6400 : i32
      %mul3A_521 = arith.muli %select_n3A_459, %mul3A_520 : i32
      %add3A_522 = arith.constant 4800 : i32
      %add3A_523 = arith.addi %mul3A_521, %add3A_522 : i32
      %add3A_524 = arith.addi %add3A_523, %select_n3A_435 : i32
      %broadcast_in_dim3A_525 = vector.broadcast %add3A_524 : i32 to vector<16xi32>
      %add3A_526 = arith.addi %mul3A_5, %broadcast_in_dim3A_525 : vector<16xi32>
      %gather3A_527 = tpu.vector_load_idx %arg6[%add3A_526] : memref<25600xi32, #tpu.memory_space<vmem>>[vector<16xi32>], vector<16xi32>,
      %swap3A_528 = arith.constant 96 : index
      %swap3A_529 = tpu.vector_load %arg8[%swap3A_528] {strides = array<i32>} : memref<128xi32, #tpu.memory_space<vmem>>, vector<16xi32>,
      tpu.vector_store %arg8[%swap3A_528], %gather3A_527 {strides = array<i32>} : memref<128xi32, #tpu.memory_space<vmem>>, vector<16xi32>,
      %mul3A_530 = arith.constant 6400 : i32
      %mul3A_531 = arith.muli %select_n3A_459, %mul3A_530 : i32
      %add3A_532 = arith.constant 5600 : i32
      %add3A_533 = arith.addi %mul3A_531, %add3A_532 : i32
      %add3A_534 = arith.addi %add3A_533, %select_n3A_435 : i32
      %broadcast_in_dim3A_535 = vector.broadcast %add3A_534 : i32 to vector<16xi32>
      %add3A_536 = arith.addi %mul3A_5, %broadcast_in_dim3A_535 : vector<16xi32>
      %gather3A_537 = tpu.vector_load_idx %arg6[%add3A_536] : memref<25600xi32, #tpu.memory_space<vmem>>[vector<16xi32>], vector<16xi32>,
      %swap3A_538 = arith.constant 112 : index
      %swap3A_539 = tpu.vector_load %arg8[%swap3A_538] {strides = array<i32>} : memref<128xi32, #tpu.memory_space<vmem>>, vector<16xi32>,
      tpu.vector_store %arg8[%swap3A_538], %gather3A_537 {strides = array<i32>} : memref<128xi32, #tpu.memory_space<vmem>>, vector<16xi32>,
      %dma_start3A_540 = arith.constant 0 : i32
      %dma_start3A_541 = arith.constant 0 : i32
      %dma_start3A_542 = tpu.memref_slice %arg3[%dma_start3A_540, %dma_start3A_541] : memref<1000000x64xf32, #tpu.memory_space<hbm>> -> memref<1000000x64xf32, #tpu.memory_space<hbm>>
      tpu.enqueue_indirect_dma source(%dma_start3A_542 : memref<1000000x64xf32, #tpu.memory_space<hbm>>) target(%arg10 : memref<128x64xf32, #tpu.memory_space<vmem>>) offsets(%arg8 : memref<128xi32, #tpu.memory_space<vmem>>) semaphore(%arg15 : memref<!tpu.dma_semaphore, #tpu.memory_space<semaphore_mem>>)
      %dma_wait3A_543 = arith.constant 0 : i32
      %dma_wait3A_544 = arith.constant 0 : i32
      %dma_wait3A_545 = arith.constant 0 : i32
      %dma_wait3A_546 = arith.constant 0 : i32
      %dma_wait3A_547 = arith.constant 0 : i32
      %dma_wait3A_548 = tpu.memref_slice %arg5[%dma_wait3A_543, %dma_wait3A_545, %dma_wait3A_544, %dma_wait3A_546, %dma_wait3A_547] : memref<50x8x128x8x128xf32, #tpu.memory_space<hbm>> -> memref<1x8x1x8x128xf32, #tpu.memory_space<hbm>>
      %dma_wait3A_549 = tpu.memref_squeeze %dma_wait3A_548 : memref<1x8x1x8x128xf32, #tpu.memory_space<hbm>> -> memref<8x8x128xf32, #tpu.memory_space<hbm>>
      %dma_wait3A_550 = arith.constant 0 : i32
      %dma_wait3A_551 = arith.constant 0 : i32
      %dma_wait3A_552 = arith.constant 0 : i32
      %dma_wait3A_553 = tpu.memref_slice %arg5[%dma_wait3A_543, %dma_wait3A_550, %dma_wait3A_544, %dma_wait3A_551, %dma_wait3A_552] : memref<50x8x128x8x128xf32, #tpu.memory_space<hbm>> -> memref<1x8x1x8x128xf32, #tpu.memory_space<hbm>>
      %dma_wait3A_554 = tpu.memref_squeeze %dma_wait3A_553 : memref<1x8x1x8x128xf32, #tpu.memory_space<hbm>> -> memref<8x8x128xf32, #tpu.memory_space<hbm>>
      tpu.wait_dma2 semaphore(%arg16 : memref<!tpu.dma_semaphore, #tpu.memory_space<semaphore_mem>>) src(%arg11 : memref<8x8x128xf32, #tpu.memory_space<vmem>>) dst(%dma_wait3A_554 : memref<8x8x128xf32, #tpu.memory_space<hbm>>)
      %parallel_loop3A_555 = arith.constant 0 : i32
      %parallel_loop3A_556 = arith.constant 64 : i32
      %parallel_loop3A_557 = arith.constant 1 : i32
      scf.for %parallel_loop3A_816 = %parallel_loop3A_555 to %parallel_loop3A_556 step %parallel_loop3A_557  : i32 {
        %parallel_loop3A_817 = vector.broadcast %parallel_loop3A_816 : i32 to vector<16xi32>
        %parallel_loop3A_818 = tpu.vector_load_idx %arg13[%parallel_loop3A_817] : memref<64xf32, #tpu.memory_space<vmem>>[vector<16xi32>], vector<16xf32>,
        %parallel_loop3A_819 = tpu.vector_load_idx %arg9[%add3A_9, %parallel_loop3A_817] : memref<128x64xf32, #tpu.memory_space<vmem>>[vector<16xi32>, vector<16xi32>], vector<16xf32>,
        %parallel_loop3A_820 = arith.addf %parallel_loop3A_819, %parallel_loop3A_818 : vector<16xf32>
        %parallel_loop3A_821 = arith.constant 8 : i32
        %parallel_loop3A_822 = arith.divsi %parallel_loop3A_816, %parallel_loop3A_821 : i32
        %parallel_loop3A_823 = arith.constant 0 : i32
        %parallel_loop3A_824 = arith.cmpi sgt, %parallel_loop3A_816, %parallel_loop3A_823 : i32
        %parallel_loop3A_825 = arith.extui %parallel_loop3A_824 : i1 to i32
        %parallel_loop3A_826 = arith.constant 0 : i32
        %parallel_loop3A_827 = arith.cmpi slt, %parallel_loop3A_816, %parallel_loop3A_826 : i32
        %parallel_loop3A_828 = arith.extui %parallel_loop3A_827 : i1 to i32
        %parallel_loop3A_829 = arith.subi %parallel_loop3A_825, %parallel_loop3A_828 : i32
        %parallel_loop3A_830 = arith.constant 0 : i32
        %parallel_loop3A_831 = arith.cmpi sgt, %parallel_loop3A_821, %parallel_loop3A_830 : i32
        %parallel_loop3A_832 = arith.extui %parallel_loop3A_831 : i1 to i32
        %parallel_loop3A_833 = arith.constant 0 : i32
        %parallel_loop3A_834 = arith.cmpi slt, %parallel_loop3A_821, %parallel_loop3A_833 : i32
        %parallel_loop3A_835 = arith.extui %parallel_loop3A_834 : i1 to i32
        %parallel_loop3A_836 = arith.subi %parallel_loop3A_832, %parallel_loop3A_835 : i32
        %parallel_loop3A_837 = arith.cmpi ne, %parallel_loop3A_829, %parallel_loop3A_836 : i32
        %parallel_loop3A_838 = arith.remsi %parallel_loop3A_816, %parallel_loop3A_821 : i32
        %parallel_loop3A_839 = arith.constant 0 : i32
        %parallel_loop3A_840 = arith.cmpi ne, %parallel_loop3A_838, %parallel_loop3A_839 : i32
        %parallel_loop3A_841 = arith.andi %parallel_loop3A_837, %parallel_loop3A_840 : i1
        %parallel_loop3A_842 = arith.constant 1 : i32
        %parallel_loop3A_843 = arith.subi %parallel_loop3A_822, %parallel_loop3A_842 : i32
        %parallel_loop3A_844 = arith.select %parallel_loop3A_841, %parallel_loop3A_843, %parallel_loop3A_822 : i32
        %parallel_loop3A_845 = arith.constant 8 : i32
        %parallel_loop3A_846 = arith.constant 0 : i32
        %parallel_loop3A_847 = arith.cmpi eq, %parallel_loop3A_845, %parallel_loop3A_846 : i32
        %parallel_loop3A_848 = arith.constant 1 : i32
        %parallel_loop3A_849 = arith.select %parallel_loop3A_847, %parallel_loop3A_848, %parallel_loop3A_845 : i32
        %parallel_loop3A_850 = arith.remsi %parallel_loop3A_816, %parallel_loop3A_849 : i32
        %parallel_loop3A_851 = arith.constant 0 : i32
        %parallel_loop3A_852 = arith.cmpi ne, %parallel_loop3A_850, %parallel_loop3A_851 : i32
        %parallel_loop3A_853 = arith.constant 0 : i32
        %parallel_loop3A_854 = arith.cmpi slt, %parallel_loop3A_850, %parallel_loop3A_853 : i32
        %parallel_loop3A_855 = arith.constant 0 : i32
        %parallel_loop3A_856 = arith.cmpi slt, %parallel_loop3A_849, %parallel_loop3A_855 : i32
        %parallel_loop3A_857 = arith.xori %parallel_loop3A_854, %parallel_loop3A_856 : i1
        %parallel_loop3A_858 = arith.andi %parallel_loop3A_857, %parallel_loop3A_852 : i1
        %parallel_loop3A_859 = arith.addi %parallel_loop3A_850, %parallel_loop3A_849 : i32
        %parallel_loop3A_860 = arith.select %parallel_loop3A_858, %parallel_loop3A_859, %parallel_loop3A_850 : i32
        %parallel_loop3A_861 = arith.index_cast %parallel_loop3A_844 : i32 to index
        %parallel_loop3A_862 = arith.index_cast %parallel_loop3A_860 : i32 to index
        %parallel_loop3A_863 = arith.constant 0 : index
        %parallel_loop3A_864 = tpu.vector_load %arg11[%parallel_loop3A_861, %parallel_loop3A_862, %parallel_loop3A_863] {strides = array<i32>} : memref<8x8x128xf32, #tpu.memory_space<vmem>>, vector<16xf32>,
        tpu.vector_store %arg11[%parallel_loop3A_861, %parallel_loop3A_862, %parallel_loop3A_863], %parallel_loop3A_820 {strides = array<i32>} : memref<8x8x128xf32, #tpu.memory_space<vmem>>, vector<16xf32>,
        %parallel_loop3A_865 = tpu.vector_load_idx %arg9[%add3A_13, %parallel_loop3A_817] : memref<128x64xf32, #tpu.memory_space<vmem>>[vector<16xi32>, vector<16xi32>], vector<16xf32>,
        %parallel_loop3A_866 = arith.addf %parallel_loop3A_865, %parallel_loop3A_818 : vector<16xf32>
        %parallel_loop3A_867 = arith.constant 8 : i32
        %parallel_loop3A_868 = arith.divsi %parallel_loop3A_816, %parallel_loop3A_867 : i32
        %parallel_loop3A_869 = arith.constant 0 : i32
        %parallel_loop3A_870 = arith.cmpi sgt, %parallel_loop3A_816, %parallel_loop3A_869 : i32
        %parallel_loop3A_871 = arith.extui %parallel_loop3A_870 : i1 to i32
        %parallel_loop3A_872 = arith.constant 0 : i32
        %parallel_loop3A_873 = arith.cmpi slt, %parallel_loop3A_816, %parallel_loop3A_872 : i32
        %parallel_loop3A_874 = arith.extui %parallel_loop3A_873 : i1 to i32
        %parallel_loop3A_875 = arith.subi %parallel_loop3A_871, %parallel_loop3A_874 : i32
        %parallel_loop3A_876 = arith.constant 0 : i32
        %parallel_loop3A_877 = arith.cmpi sgt, %parallel_loop3A_867, %parallel_loop3A_876 : i32
        %parallel_loop3A_878 = arith.extui %parallel_loop3A_877 : i1 to i32
        %parallel_loop3A_879 = arith.constant 0 : i32
        %parallel_loop3A_880 = arith.cmpi slt, %parallel_loop3A_867, %parallel_loop3A_879 : i32
        %parallel_loop3A_881 = arith.extui %parallel_loop3A_880 : i1 to i32
        %parallel_loop3A_882 = arith.subi %parallel_loop3A_878, %parallel_loop3A_881 : i32
        %parallel_loop3A_883 = arith.cmpi ne, %parallel_loop3A_875, %parallel_loop3A_882 : i32
        %parallel_loop3A_884 = arith.remsi %parallel_loop3A_816, %parallel_loop3A_867 : i32
        %parallel_loop3A_885 = arith.constant 0 : i32
        %parallel_loop3A_886 = arith.cmpi ne, %parallel_loop3A_884, %parallel_loop3A_885 : i32
        %parallel_loop3A_887 = arith.andi %parallel_loop3A_883, %parallel_loop3A_886 : i1
        %parallel_loop3A_888 = arith.constant 1 : i32
        %parallel_loop3A_889 = arith.subi %parallel_loop3A_868, %parallel_loop3A_888 : i32
        %parallel_loop3A_890 = arith.select %parallel_loop3A_887, %parallel_loop3A_889, %parallel_loop3A_868 : i32
        %parallel_loop3A_891 = arith.constant 8 : i32
        %parallel_loop3A_892 = arith.constant 0 : i32
        %parallel_loop3A_893 = arith.cmpi eq, %parallel_loop3A_891, %parallel_loop3A_892 : i32
        %parallel_loop3A_894 = arith.constant 1 : i32
        %parallel_loop3A_895 = arith.select %parallel_loop3A_893, %parallel_loop3A_894, %parallel_loop3A_891 : i32
        %parallel_loop3A_896 = arith.remsi %parallel_loop3A_816, %parallel_loop3A_895 : i32
        %parallel_loop3A_897 = arith.constant 0 : i32
        %parallel_loop3A_898 = arith.cmpi ne, %parallel_loop3A_896, %parallel_loop3A_897 : i32
        %parallel_loop3A_899 = arith.constant 0 : i32
        %parallel_loop3A_900 = arith.cmpi slt, %parallel_loop3A_896, %parallel_loop3A_899 : i32
        %parallel_loop3A_901 = arith.constant 0 : i32
        %parallel_loop3A_902 = arith.cmpi slt, %parallel_loop3A_895, %parallel_loop3A_901 : i32
        %parallel_loop3A_903 = arith.xori %parallel_loop3A_900, %parallel_loop3A_902 : i1
        %parallel_loop3A_904 = arith.andi %parallel_loop3A_903, %parallel_loop3A_898 : i1
        %parallel_loop3A_905 = arith.addi %parallel_loop3A_896, %parallel_loop3A_895 : i32
        %parallel_loop3A_906 = arith.select %parallel_loop3A_904, %parallel_loop3A_905, %parallel_loop3A_896 : i32
        %parallel_loop3A_907 = arith.index_cast %parallel_loop3A_890 : i32 to index
        %parallel_loop3A_908 = arith.index_cast %parallel_loop3A_906 : i32 to index
        %parallel_loop3A_909 = arith.constant 16 : index
        %parallel_loop3A_910 = tpu.vector_load %arg11[%parallel_loop3A_907, %parallel_loop3A_908, %parallel_loop3A_909] {strides = array<i32>} : memref<8x8x128xf32, #tpu.memory_space<vmem>>, vector<16xf32>,
        tpu.vector_store %arg11[%parallel_loop3A_907, %parallel_loop3A_908, %parallel_loop3A_909], %parallel_loop3A_866 {strides = array<i32>} : memref<8x8x128xf32, #tpu.memory_space<vmem>>, vector<16xf32>,
        %parallel_loop3A_911 = tpu.vector_load_idx %arg9[%add3A_17, %parallel_loop3A_817] : memref<128x64xf32, #tpu.memory_space<vmem>>[vector<16xi32>, vector<16xi32>], vector<16xf32>,
        %parallel_loop3A_912 = arith.addf %parallel_loop3A_911, %parallel_loop3A_818 : vector<16xf32>
        %parallel_loop3A_913 = arith.constant 8 : i32
        %parallel_loop3A_914 = arith.divsi %parallel_loop3A_816, %parallel_loop3A_913 : i32
        %parallel_loop3A_915 = arith.constant 0 : i32
        %parallel_loop3A_916 = arith.cmpi sgt, %parallel_loop3A_816, %parallel_loop3A_915 : i32
        %parallel_loop3A_917 = arith.extui %parallel_loop3A_916 : i1 to i32
        %parallel_loop3A_918 = arith.constant 0 : i32
        %parallel_loop3A_919 = arith.cmpi slt, %parallel_loop3A_816, %parallel_loop3A_918 : i32
        %parallel_loop3A_920 = arith.extui %parallel_loop3A_919 : i1 to i32
        %parallel_loop3A_921 = arith.subi %parallel_loop3A_917, %parallel_loop3A_920 : i32
        %parallel_loop3A_922 = arith.constant 0 : i32
        %parallel_loop3A_923 = arith.cmpi sgt, %parallel_loop3A_913, %parallel_loop3A_922 : i32
        %parallel_loop3A_924 = arith.extui %parallel_loop3A_923 : i1 to i32
        %parallel_loop3A_925 = arith.constant 0 : i32
        %parallel_loop3A_926 = arith.cmpi slt, %parallel_loop3A_913, %parallel_loop3A_925 : i32
        %parallel_loop3A_927 = arith.extui %parallel_loop3A_926 : i1 to i32
        %parallel_loop3A_928 = arith.subi %parallel_loop3A_924, %parallel_loop3A_927 : i32
        %parallel_loop3A_929 = arith.cmpi ne, %parallel_loop3A_921, %parallel_loop3A_928 : i32
        %parallel_loop3A_930 = arith.remsi %parallel_loop3A_816, %parallel_loop3A_913 : i32
        %parallel_loop3A_931 = arith.constant 0 : i32
        %parallel_loop3A_932 = arith.cmpi ne, %parallel_loop3A_930, %parallel_loop3A_931 : i32
        %parallel_loop3A_933 = arith.andi %parallel_loop3A_929, %parallel_loop3A_932 : i1
        %parallel_loop3A_934 = arith.constant 1 : i32
        %parallel_loop3A_935 = arith.subi %parallel_loop3A_914, %parallel_loop3A_934 : i32
        %parallel_loop3A_936 = arith.select %parallel_loop3A_933, %parallel_loop3A_935, %parallel_loop3A_914 : i32
        %parallel_loop3A_937 = arith.constant 8 : i32
        %parallel_loop3A_938 = arith.constant 0 : i32
        %parallel_loop3A_939 = arith.cmpi eq, %parallel_loop3A_937, %parallel_loop3A_938 : i32
        %parallel_loop3A_940 = arith.constant 1 : i32
        %parallel_loop3A_941 = arith.select %parallel_loop3A_939, %parallel_loop3A_940, %parallel_loop3A_937 : i32
        %parallel_loop3A_942 = arith.remsi %parallel_loop3A_816, %parallel_loop3A_941 : i32
        %parallel_loop3A_943 = arith.constant 0 : i32
        %parallel_loop3A_944 = arith.cmpi ne, %parallel_loop3A_942, %parallel_loop3A_943 : i32
        %parallel_loop3A_945 = arith.constant 0 : i32
        %parallel_loop3A_946 = arith.cmpi slt, %parallel_loop3A_942, %parallel_loop3A_945 : i32
        %parallel_loop3A_947 = arith.constant 0 : i32
        %parallel_loop3A_948 = arith.cmpi slt, %parallel_loop3A_941, %parallel_loop3A_947 : i32
        %parallel_loop3A_949 = arith.xori %parallel_loop3A_946, %parallel_loop3A_948 : i1
        %parallel_loop3A_950 = arith.andi %parallel_loop3A_949, %parallel_loop3A_944 : i1
        %parallel_loop3A_951 = arith.addi %parallel_loop3A_942, %parallel_loop3A_941 : i32
        %parallel_loop3A_952 = arith.select %parallel_loop3A_950, %parallel_loop3A_951, %parallel_loop3A_942 : i32
        %parallel_loop3A_953 = arith.index_cast %parallel_loop3A_936 : i32 to index
        %parallel_loop3A_954 = arith.index_cast %parallel_loop3A_952 : i32 to index
        %parallel_loop3A_955 = arith.constant 32 : index
        %parallel_loop3A_956 = tpu.vector_load %arg11[%parallel_loop3A_953, %parallel_loop3A_954, %parallel_loop3A_955] {strides = array<i32>} : memref<8x8x128xf32, #tpu.memory_space<vmem>>, vector<16xf32>,
        tpu.vector_store %arg11[%parallel_loop3A_953, %parallel_loop3A_954, %parallel_loop3A_955], %parallel_loop3A_912 {strides = array<i32>} : memref<8x8x128xf32, #tpu.memory_space<vmem>>, vector<16xf32>,
        %parallel_loop3A_957 = tpu.vector_load_idx %arg9[%add3A_21, %parallel_loop3A_817] : memref<128x64xf32, #tpu.memory_space<vmem>>[vector<16xi32>, vector<16xi32>], vector<16xf32>,
        %parallel_loop3A_958 = arith.addf %parallel_loop3A_957, %parallel_loop3A_818 : vector<16xf32>
        %parallel_loop3A_959 = arith.constant 8 : i32
        %parallel_loop3A_960 = arith.divsi %parallel_loop3A_816, %parallel_loop3A_959 : i32
        %parallel_loop3A_961 = arith.constant 0 : i32
        %parallel_loop3A_962 = arith.cmpi sgt, %parallel_loop3A_816, %parallel_loop3A_961 : i32
        %parallel_loop3A_963 = arith.extui %parallel_loop3A_962 : i1 to i32
        %parallel_loop3A_964 = arith.constant 0 : i32
        %parallel_loop3A_965 = arith.cmpi slt, %parallel_loop3A_816, %parallel_loop3A_964 : i32
        %parallel_loop3A_966 = arith.extui %parallel_loop3A_965 : i1 to i32
        %parallel_loop3A_967 = arith.subi %parallel_loop3A_963, %parallel_loop3A_966 : i32
        %parallel_loop3A_968 = arith.constant 0 : i32
        %parallel_loop3A_969 = arith.cmpi sgt, %parallel_loop3A_959, %parallel_loop3A_968 : i32
        %parallel_loop3A_970 = arith.extui %parallel_loop3A_969 : i1 to i32
        %parallel_loop3A_971 = arith.constant 0 : i32
        %parallel_loop3A_972 = arith.cmpi slt, %parallel_loop3A_959, %parallel_loop3A_971 : i32
        %parallel_loop3A_973 = arith.extui %parallel_loop3A_972 : i1 to i32
        %parallel_loop3A_974 = arith.subi %parallel_loop3A_970, %parallel_loop3A_973 : i32
        %parallel_loop3A_975 = arith.cmpi ne, %parallel_loop3A_967, %parallel_loop3A_974 : i32
        %parallel_loop3A_976 = arith.remsi %parallel_loop3A_816, %parallel_loop3A_959 : i32
        %parallel_loop3A_977 = arith.constant 0 : i32
        %parallel_loop3A_978 = arith.cmpi ne, %parallel_loop3A_976, %parallel_loop3A_977 : i32
        %parallel_loop3A_979 = arith.andi %parallel_loop3A_975, %parallel_loop3A_978 : i1
        %parallel_loop3A_980 = arith.constant 1 : i32
        %parallel_loop3A_981 = arith.subi %parallel_loop3A_960, %parallel_loop3A_980 : i32
        %parallel_loop3A_982 = arith.select %parallel_loop3A_979, %parallel_loop3A_981, %parallel_loop3A_960 : i32
        %parallel_loop3A_983 = arith.constant 8 : i32
        %parallel_loop3A_984 = arith.constant 0 : i32
        %parallel_loop3A_985 = arith.cmpi eq, %parallel_loop3A_983, %parallel_loop3A_984 : i32
        %parallel_loop3A_986 = arith.constant 1 : i32
        %parallel_loop3A_987 = arith.select %parallel_loop3A_985, %parallel_loop3A_986, %parallel_loop3A_983 : i32
        %parallel_loop3A_988 = arith.remsi %parallel_loop3A_816, %parallel_loop3A_987 : i32
        %parallel_loop3A_989 = arith.constant 0 : i32
        %parallel_loop3A_990 = arith.cmpi ne, %parallel_loop3A_988, %parallel_loop3A_989 : i32
        %parallel_loop3A_991 = arith.constant 0 : i32
        %parallel_loop3A_992 = arith.cmpi slt, %parallel_loop3A_988, %parallel_loop3A_991 : i32
        %parallel_loop3A_993 = arith.constant 0 : i32
        %parallel_loop3A_994 = arith.cmpi slt, %parallel_loop3A_987, %parallel_loop3A_993 : i32
        %parallel_loop3A_995 = arith.xori %parallel_loop3A_992, %parallel_loop3A_994 : i1
        %parallel_loop3A_996 = arith.andi %parallel_loop3A_995, %parallel_loop3A_990 : i1
        %parallel_loop3A_997 = arith.addi %parallel_loop3A_988, %parallel_loop3A_987 : i32
        %parallel_loop3A_998 = arith.select %parallel_loop3A_996, %parallel_loop3A_997, %parallel_loop3A_988 : i32
        %parallel_loop3A_999 = arith.index_cast %parallel_loop3A_982 : i32 to index
        %parallel_loop3A_1000 = arith.index_cast %parallel_loop3A_998 : i32 to index
        %parallel_loop3A_1001 = arith.constant 48 : index
        %parallel_loop3A_1002 = tpu.vector_load %arg11[%parallel_loop3A_999, %parallel_loop3A_1000, %parallel_loop3A_1001] {strides = array<i32>} : memref<8x8x128xf32, #tpu.memory_space<vmem>>, vector<16xf32>,
        tpu.vector_store %arg11[%parallel_loop3A_999, %parallel_loop3A_1000, %parallel_loop3A_1001], %parallel_loop3A_958 {strides = array<i32>} : memref<8x8x128xf32, #tpu.memory_space<vmem>>, vector<16xf32>,
        %parallel_loop3A_1003 = tpu.vector_load_idx %arg9[%add3A_25, %parallel_loop3A_817] : memref<128x64xf32, #tpu.memory_space<vmem>>[vector<16xi32>, vector<16xi32>], vector<16xf32>,
        %parallel_loop3A_1004 = arith.addf %parallel_loop3A_1003, %parallel_loop3A_818 : vector<16xf32>
        %parallel_loop3A_1005 = arith.constant 8 : i32
        %parallel_loop3A_1006 = arith.divsi %parallel_loop3A_816, %parallel_loop3A_1005 : i32
        %parallel_loop3A_1007 = arith.constant 0 : i32
        %parallel_loop3A_1008 = arith.cmpi sgt, %parallel_loop3A_816, %parallel_loop3A_1007 : i32
        %parallel_loop3A_1009 = arith.extui %parallel_loop3A_1008 : i1 to i32
        %parallel_loop3A_1010 = arith.constant 0 : i32
        %parallel_loop3A_1011 = arith.cmpi slt, %parallel_loop3A_816, %parallel_loop3A_1010 : i32
        %parallel_loop3A_1012 = arith.extui %parallel_loop3A_1011 : i1 to i32
        %parallel_loop3A_1013 = arith.subi %parallel_loop3A_1009, %parallel_loop3A_1012 : i32
        %parallel_loop3A_1014 = arith.constant 0 : i32
        %parallel_loop3A_1015 = arith.cmpi sgt, %parallel_loop3A_1005, %parallel_loop3A_1014 : i32
        %parallel_loop3A_1016 = arith.extui %parallel_loop3A_1015 : i1 to i32
        %parallel_loop3A_1017 = arith.constant 0 : i32
        %parallel_loop3A_1018 = arith.cmpi slt, %parallel_loop3A_1005, %parallel_loop3A_1017 : i32
        %parallel_loop3A_1019 = arith.extui %parallel_loop3A_1018 : i1 to i32
        %parallel_loop3A_1020 = arith.subi %parallel_loop3A_1016, %parallel_loop3A_1019 : i32
        %parallel_loop3A_1021 = arith.cmpi ne, %parallel_loop3A_1013, %parallel_loop3A_1020 : i32
        %parallel_loop3A_1022 = arith.remsi %parallel_loop3A_816, %parallel_loop3A_1005 : i32
        %parallel_loop3A_1023 = arith.constant 0 : i32
        %parallel_loop3A_1024 = arith.cmpi ne, %parallel_loop3A_1022, %parallel_loop3A_1023 : i32
        %parallel_loop3A_1025 = arith.andi %parallel_loop3A_1021, %parallel_loop3A_1024 : i1
        %parallel_loop3A_1026 = arith.constant 1 : i32
        %parallel_loop3A_1027 = arith.subi %parallel_loop3A_1006, %parallel_loop3A_1026 : i32
        %parallel_loop3A_1028 = arith.select %parallel_loop3A_1025, %parallel_loop3A_1027, %parallel_loop3A_1006 : i32
        %parallel_loop3A_1029 = arith.constant 8 : i32
        %parallel_loop3A_1030 = arith.constant 0 : i32
        %parallel_loop3A_1031 = arith.cmpi eq, %parallel_loop3A_1029, %parallel_loop3A_1030 : i32
        %parallel_loop3A_1032 = arith.constant 1 : i32
        %parallel_loop3A_1033 = arith.select %parallel_loop3A_1031, %parallel_loop3A_1032, %parallel_loop3A_1029 : i32
        %parallel_loop3A_1034 = arith.remsi %parallel_loop3A_816, %parallel_loop3A_1033 : i32
        %parallel_loop3A_1035 = arith.constant 0 : i32
        %parallel_loop3A_1036 = arith.cmpi ne, %parallel_loop3A_1034, %parallel_loop3A_1035 : i32
        %parallel_loop3A_1037 = arith.constant 0 : i32
        %parallel_loop3A_1038 = arith.cmpi slt, %parallel_loop3A_1034, %parallel_loop3A_1037 : i32
        %parallel_loop3A_1039 = arith.constant 0 : i32
        %parallel_loop3A_1040 = arith.cmpi slt, %parallel_loop3A_1033, %parallel_loop3A_1039 : i32
        %parallel_loop3A_1041 = arith.xori %parallel_loop3A_1038, %parallel_loop3A_1040 : i1
        %parallel_loop3A_1042 = arith.andi %parallel_loop3A_1041, %parallel_loop3A_1036 : i1
        %parallel_loop3A_1043 = arith.addi %parallel_loop3A_1034, %parallel_loop3A_1033 : i32
        %parallel_loop3A_1044 = arith.select %parallel_loop3A_1042, %parallel_loop3A_1043, %parallel_loop3A_1034 : i32
        %parallel_loop3A_1045 = arith.index_cast %parallel_loop3A_1028 : i32 to index
        %parallel_loop3A_1046 = arith.index_cast %parallel_loop3A_1044 : i32 to index
        %parallel_loop3A_1047 = arith.constant 64 : index
        %parallel_loop3A_1048 = tpu.vector_load %arg11[%parallel_loop3A_1045, %parallel_loop3A_1046, %parallel_loop3A_1047] {strides = array<i32>} : memref<8x8x128xf32, #tpu.memory_space<vmem>>, vector<16xf32>,
        tpu.vector_store %arg11[%parallel_loop3A_1045, %parallel_loop3A_1046, %parallel_loop3A_1047], %parallel_loop3A_1004 {strides = array<i32>} : memref<8x8x128xf32, #tpu.memory_space<vmem>>, vector<16xf32>,
        %parallel_loop3A_1049 = tpu.vector_load_idx %arg9[%add3A_29, %parallel_loop3A_817] : memref<128x64xf32, #tpu.memory_space<vmem>>[vector<16xi32>, vector<16xi32>], vector<16xf32>,
        %parallel_loop3A_1050 = arith.addf %parallel_loop3A_1049, %parallel_loop3A_818 : vector<16xf32>
        %parallel_loop3A_1051 = arith.constant 8 : i32
        %parallel_loop3A_1052 = arith.divsi %parallel_loop3A_816, %parallel_loop3A_1051 : i32
        %parallel_loop3A_1053 = arith.constant 0 : i32
        %parallel_loop3A_1054 = arith.cmpi sgt, %parallel_loop3A_816, %parallel_loop3A_1053 : i32
        %parallel_loop3A_1055 = arith.extui %parallel_loop3A_1054 : i1 to i32
        %parallel_loop3A_1056 = arith.constant 0 : i32
        %parallel_loop3A_1057 = arith.cmpi slt, %parallel_loop3A_816, %parallel_loop3A_1056 : i32
        %parallel_loop3A_1058 = arith.extui %parallel_loop3A_1057 : i1 to i32
        %parallel_loop3A_1059 = arith.subi %parallel_loop3A_1055, %parallel_loop3A_1058 : i32
        %parallel_loop3A_1060 = arith.constant 0 : i32
        %parallel_loop3A_1061 = arith.cmpi sgt, %parallel_loop3A_1051, %parallel_loop3A_1060 : i32
        %parallel_loop3A_1062 = arith.extui %parallel_loop3A_1061 : i1 to i32
        %parallel_loop3A_1063 = arith.constant 0 : i32
        %parallel_loop3A_1064 = arith.cmpi slt, %parallel_loop3A_1051, %parallel_loop3A_1063 : i32
        %parallel_loop3A_1065 = arith.extui %parallel_loop3A_1064 : i1 to i32
        %parallel_loop3A_1066 = arith.subi %parallel_loop3A_1062, %parallel_loop3A_1065 : i32
        %parallel_loop3A_1067 = arith.cmpi ne, %parallel_loop3A_1059, %parallel_loop3A_1066 : i32
        %parallel_loop3A_1068 = arith.remsi %parallel_loop3A_816, %parallel_loop3A_1051 : i32
        %parallel_loop3A_1069 = arith.constant 0 : i32
        %parallel_loop3A_1070 = arith.cmpi ne, %parallel_loop3A_1068, %parallel_loop3A_1069 : i32
        %parallel_loop3A_1071 = arith.andi %parallel_loop3A_1067, %parallel_loop3A_1070 : i1
        %parallel_loop3A_1072 = arith.constant 1 : i32
        %parallel_loop3A_1073 = arith.subi %parallel_loop3A_1052, %parallel_loop3A_1072 : i32
        %parallel_loop3A_1074 = arith.select %parallel_loop3A_1071, %parallel_loop3A_1073, %parallel_loop3A_1052 : i32
        %parallel_loop3A_1075 = arith.constant 8 : i32
        %parallel_loop3A_1076 = arith.constant 0 : i32
        %parallel_loop3A_1077 = arith.cmpi eq, %parallel_loop3A_1075, %parallel_loop3A_1076 : i32
        %parallel_loop3A_1078 = arith.constant 1 : i32
        %parallel_loop3A_1079 = arith.select %parallel_loop3A_1077, %parallel_loop3A_1078, %parallel_loop3A_1075 : i32
        %parallel_loop3A_1080 = arith.remsi %parallel_loop3A_816, %parallel_loop3A_1079 : i32
        %parallel_loop3A_1081 = arith.constant 0 : i32
        %parallel_loop3A_1082 = arith.cmpi ne, %parallel_loop3A_1080, %parallel_loop3A_1081 : i32
        %parallel_loop3A_1083 = arith.constant 0 : i32
        %parallel_loop3A_1084 = arith.cmpi slt, %parallel_loop3A_1080, %parallel_loop3A_1083 : i32
        %parallel_loop3A_1085 = arith.constant 0 : i32
        %parallel_loop3A_1086 = arith.cmpi slt, %parallel_loop3A_1079, %parallel_loop3A_1085 : i32
        %parallel_loop3A_1087 = arith.xori %parallel_loop3A_1084, %parallel_loop3A_1086 : i1
        %parallel_loop3A_1088 = arith.andi %parallel_loop3A_1087, %parallel_loop3A_1082 : i1
        %parallel_loop3A_1089 = arith.addi %parallel_loop3A_1080, %parallel_loop3A_1079 : i32
        %parallel_loop3A_1090 = arith.select %parallel_loop3A_1088, %parallel_loop3A_1089, %parallel_loop3A_1080 : i32
        %parallel_loop3A_1091 = arith.index_cast %parallel_loop3A_1074 : i32 to index
        %parallel_loop3A_1092 = arith.index_cast %parallel_loop3A_1090 : i32 to index
        %parallel_loop3A_1093 = arith.constant 80 : index
        %parallel_loop3A_1094 = tpu.vector_load %arg11[%parallel_loop3A_1091, %parallel_loop3A_1092, %parallel_loop3A_1093] {strides = array<i32>} : memref<8x8x128xf32, #tpu.memory_space<vmem>>, vector<16xf32>,
        tpu.vector_store %arg11[%parallel_loop3A_1091, %parallel_loop3A_1092, %parallel_loop3A_1093], %parallel_loop3A_1050 {strides = array<i32>} : memref<8x8x128xf32, #tpu.memory_space<vmem>>, vector<16xf32>,
        %parallel_loop3A_1095 = tpu.vector_load_idx %arg9[%add3A_33, %parallel_loop3A_817] : memref<128x64xf32, #tpu.memory_space<vmem>>[vector<16xi32>, vector<16xi32>], vector<16xf32>,
        %parallel_loop3A_1096 = arith.addf %parallel_loop3A_1095, %parallel_loop3A_818 : vector<16xf32>
        %parallel_loop3A_1097 = arith.constant 8 : i32
        %parallel_loop3A_1098 = arith.divsi %parallel_loop3A_816, %parallel_loop3A_1097 : i32
        %parallel_loop3A_1099 = arith.constant 0 : i32
        %parallel_loop3A_1100 = arith.cmpi sgt, %parallel_loop3A_816, %parallel_loop3A_1099 : i32
        %parallel_loop3A_1101 = arith.extui %parallel_loop3A_1100 : i1 to i32
        %parallel_loop3A_1102 = arith.constant 0 : i32
        %parallel_loop3A_1103 = arith.cmpi slt, %parallel_loop3A_816, %parallel_loop3A_1102 : i32
        %parallel_loop3A_1104 = arith.extui %parallel_loop3A_1103 : i1 to i32
        %parallel_loop3A_1105 = arith.subi %parallel_loop3A_1101, %parallel_loop3A_1104 : i32
        %parallel_loop3A_1106 = arith.constant 0 : i32
        %parallel_loop3A_1107 = arith.cmpi sgt, %parallel_loop3A_1097, %parallel_loop3A_1106 : i32
        %parallel_loop3A_1108 = arith.extui %parallel_loop3A_1107 : i1 to i32
        %parallel_loop3A_1109 = arith.constant 0 : i32
        %parallel_loop3A_1110 = arith.cmpi slt, %parallel_loop3A_1097, %parallel_loop3A_1109 : i32
        %parallel_loop3A_1111 = arith.extui %parallel_loop3A_1110 : i1 to i32
        %parallel_loop3A_1112 = arith.subi %parallel_loop3A_1108, %parallel_loop3A_1111 : i32
        %parallel_loop3A_1113 = arith.cmpi ne, %parallel_loop3A_1105, %parallel_loop3A_1112 : i32
        %parallel_loop3A_1114 = arith.remsi %parallel_loop3A_816, %parallel_loop3A_1097 : i32
        %parallel_loop3A_1115 = arith.constant 0 : i32
        %parallel_loop3A_1116 = arith.cmpi ne, %parallel_loop3A_1114, %parallel_loop3A_1115 : i32
        %parallel_loop3A_1117 = arith.andi %parallel_loop3A_1113, %parallel_loop3A_1116 : i1
        %parallel_loop3A_1118 = arith.constant 1 : i32
        %parallel_loop3A_1119 = arith.subi %parallel_loop3A_1098, %parallel_loop3A_1118 : i32
        %parallel_loop3A_1120 = arith.select %parallel_loop3A_1117, %parallel_loop3A_1119, %parallel_loop3A_1098 : i32
        %parallel_loop3A_1121 = arith.constant 8 : i32
        %parallel_loop3A_1122 = arith.constant 0 : i32
        %parallel_loop3A_1123 = arith.cmpi eq, %parallel_loop3A_1121, %parallel_loop3A_1122 : i32
        %parallel_loop3A_1124 = arith.constant 1 : i32
        %parallel_loop3A_1125 = arith.select %parallel_loop3A_1123, %parallel_loop3A_1124, %parallel_loop3A_1121 : i32
        %parallel_loop3A_1126 = arith.remsi %parallel_loop3A_816, %parallel_loop3A_1125 : i32
        %parallel_loop3A_1127 = arith.constant 0 : i32
        %parallel_loop3A_1128 = arith.cmpi ne, %parallel_loop3A_1126, %parallel_loop3A_1127 : i32
        %parallel_loop3A_1129 = arith.constant 0 : i32
        %parallel_loop3A_1130 = arith.cmpi slt, %parallel_loop3A_1126, %parallel_loop3A_1129 : i32
        %parallel_loop3A_1131 = arith.constant 0 : i32
        %parallel_loop3A_1132 = arith.cmpi slt, %parallel_loop3A_1125, %parallel_loop3A_1131 : i32
        %parallel_loop3A_1133 = arith.xori %parallel_loop3A_1130, %parallel_loop3A_1132 : i1
        %parallel_loop3A_1134 = arith.andi %parallel_loop3A_1133, %parallel_loop3A_1128 : i1
        %parallel_loop3A_1135 = arith.addi %parallel_loop3A_1126, %parallel_loop3A_1125 : i32
        %parallel_loop3A_1136 = arith.select %parallel_loop3A_1134, %parallel_loop3A_1135, %parallel_loop3A_1126 : i32
        %parallel_loop3A_1137 = arith.index_cast %parallel_loop3A_1120 : i32 to index
        %parallel_loop3A_1138 = arith.index_cast %parallel_loop3A_1136 : i32 to index
        %parallel_loop3A_1139 = arith.constant 96 : index
        %parallel_loop3A_1140 = tpu.vector_load %arg11[%parallel_loop3A_1137, %parallel_loop3A_1138, %parallel_loop3A_1139] {strides = array<i32>} : memref<8x8x128xf32, #tpu.memory_space<vmem>>, vector<16xf32>,
        tpu.vector_store %arg11[%parallel_loop3A_1137, %parallel_loop3A_1138, %parallel_loop3A_1139], %parallel_loop3A_1096 {strides = array<i32>} : memref<8x8x128xf32, #tpu.memory_space<vmem>>, vector<16xf32>,
        %parallel_loop3A_1141 = tpu.vector_load_idx %arg9[%add3A_37, %parallel_loop3A_817] : memref<128x64xf32, #tpu.memory_space<vmem>>[vector<16xi32>, vector<16xi32>], vector<16xf32>,
        %parallel_loop3A_1142 = arith.addf %parallel_loop3A_1141, %parallel_loop3A_818 : vector<16xf32>
        %parallel_loop3A_1143 = arith.constant 8 : i32
        %parallel_loop3A_1144 = arith.divsi %parallel_loop3A_816, %parallel_loop3A_1143 : i32
        %parallel_loop3A_1145 = arith.constant 0 : i32
        %parallel_loop3A_1146 = arith.cmpi sgt, %parallel_loop3A_816, %parallel_loop3A_1145 : i32
        %parallel_loop3A_1147 = arith.extui %parallel_loop3A_1146 : i1 to i32
        %parallel_loop3A_1148 = arith.constant 0 : i32
        %parallel_loop3A_1149 = arith.cmpi slt, %parallel_loop3A_816, %parallel_loop3A_1148 : i32
        %parallel_loop3A_1150 = arith.extui %parallel_loop3A_1149 : i1 to i32
        %parallel_loop3A_1151 = arith.subi %parallel_loop3A_1147, %parallel_loop3A_1150 : i32
        %parallel_loop3A_1152 = arith.constant 0 : i32
        %parallel_loop3A_1153 = arith.cmpi sgt, %parallel_loop3A_1143, %parallel_loop3A_1152 : i32
        %parallel_loop3A_1154 = arith.extui %parallel_loop3A_1153 : i1 to i32
        %parallel_loop3A_1155 = arith.constant 0 : i32
        %parallel_loop3A_1156 = arith.cmpi slt, %parallel_loop3A_1143, %parallel_loop3A_1155 : i32
        %parallel_loop3A_1157 = arith.extui %parallel_loop3A_1156 : i1 to i32
        %parallel_loop3A_1158 = arith.subi %parallel_loop3A_1154, %parallel_loop3A_1157 : i32
        %parallel_loop3A_1159 = arith.cmpi ne, %parallel_loop3A_1151, %parallel_loop3A_1158 : i32
        %parallel_loop3A_1160 = arith.remsi %parallel_loop3A_816, %parallel_loop3A_1143 : i32
        %parallel_loop3A_1161 = arith.constant 0 : i32
        %parallel_loop3A_1162 = arith.cmpi ne, %parallel_loop3A_1160, %parallel_loop3A_1161 : i32
        %parallel_loop3A_1163 = arith.andi %parallel_loop3A_1159, %parallel_loop3A_1162 : i1
        %parallel_loop3A_1164 = arith.constant 1 : i32
        %parallel_loop3A_1165 = arith.subi %parallel_loop3A_1144, %parallel_loop3A_1164 : i32
        %parallel_loop3A_1166 = arith.select %parallel_loop3A_1163, %parallel_loop3A_1165, %parallel_loop3A_1144 : i32
        %parallel_loop3A_1167 = arith.constant 8 : i32
        %parallel_loop3A_1168 = arith.constant 0 : i32
        %parallel_loop3A_1169 = arith.cmpi eq, %parallel_loop3A_1167, %parallel_loop3A_1168 : i32
        %parallel_loop3A_1170 = arith.constant 1 : i32
        %parallel_loop3A_1171 = arith.select %parallel_loop3A_1169, %parallel_loop3A_1170, %parallel_loop3A_1167 : i32
        %parallel_loop3A_1172 = arith.remsi %parallel_loop3A_816, %parallel_loop3A_1171 : i32
        %parallel_loop3A_1173 = arith.constant 0 : i32
        %parallel_loop3A_1174 = arith.cmpi ne, %parallel_loop3A_1172, %parallel_loop3A_1173 : i32
        %parallel_loop3A_1175 = arith.constant 0 : i32
        %parallel_loop3A_1176 = arith.cmpi slt, %parallel_loop3A_1172, %parallel_loop3A_1175 : i32
        %parallel_loop3A_1177 = arith.constant 0 : i32
        %parallel_loop3A_1178 = arith.cmpi slt, %parallel_loop3A_1171, %parallel_loop3A_1177 : i32
        %parallel_loop3A_1179 = arith.xori %parallel_loop3A_1176, %parallel_loop3A_1178 : i1
        %parallel_loop3A_1180 = arith.andi %parallel_loop3A_1179, %parallel_loop3A_1174 : i1
        %parallel_loop3A_1181 = arith.addi %parallel_loop3A_1172, %parallel_loop3A_1171 : i32
        %parallel_loop3A_1182 = arith.select %parallel_loop3A_1180, %parallel_loop3A_1181, %parallel_loop3A_1172 : i32
        %parallel_loop3A_1183 = arith.index_cast %parallel_loop3A_1166 : i32 to index
        %parallel_loop3A_1184 = arith.index_cast %parallel_loop3A_1182 : i32 to index
        %parallel_loop3A_1185 = arith.constant 112 : index
        %parallel_loop3A_1186 = tpu.vector_load %arg11[%parallel_loop3A_1183, %parallel_loop3A_1184, %parallel_loop3A_1185] {strides = array<i32>} : memref<8x8x128xf32, #tpu.memory_space<vmem>>, vector<16xf32>,
        tpu.vector_store %arg11[%parallel_loop3A_1183, %parallel_loop3A_1184, %parallel_loop3A_1185], %parallel_loop3A_1142 {strides = array<i32>} : memref<8x8x128xf32, #tpu.memory_space<vmem>>, vector<16xf32>,
      } {sc.loop_unroll_factor = 8 : i64, sc.parallel_access}
      %jit3A_558 = arith.constant 50 : i32
      %eq3A_559 = arith.constant 0 : i32
      %eq3A_560 = arith.cmpi eq, %jit3A_558, %eq3A_559 : i32
      %jit3A_561 = arith.constant 1 : i32
      %select_n3A_562 = arith.select %eq3A_560, %jit3A_561, %jit3A_558 : i32
      %rem3A_563 = arith.remsi %mul3A_409, %select_n3A_562 : i32
      %ne3A_564 = arith.constant 0 : i32
      %ne3A_565 = arith.cmpi ne, %rem3A_563, %ne3A_564 : i32
      %lt3A_566 = arith.constant 0 : i32
      %lt3A_567 = arith.cmpi slt, %rem3A_563, %lt3A_566 : i32
      %lt3A_568 = arith.constant 0 : i32
      %lt3A_569 = arith.cmpi slt, %select_n3A_562, %lt3A_568 : i32
      %ne3A_570 = arith.xori %lt3A_567, %lt3A_569 : i1
      %and3A_571 = arith.andi %ne3A_570, %ne3A_565 : i1
      %add3A_572 = arith.addi %rem3A_563, %select_n3A_562 : i32
      %select_n3A_573 = arith.select %and3A_571, %add3A_572, %rem3A_563 : i32
      %mul3A_574 = arith.constant 4 : i32
      %mul3A_575 = arith.muli %add3A, %mul3A_574 : i32
      %jit3A_576 = arith.constant 50 : i32
      %div3A_577 = arith.divsi %mul3A_409, %jit3A_576 : i32
      %sign3A_578 = arith.constant 0 : i32
      %sign3A_579 = arith.cmpi sgt, %mul3A_409, %sign3A_578 : i32
      %sign3A_580 = arith.extui %sign3A_579 : i1 to i32
      %sign3A_581 = arith.constant 0 : i32
      %sign3A_582 = arith.cmpi slt, %mul3A_409, %sign3A_581 : i32
      %sign3A_583 = arith.extui %sign3A_582 : i1 to i32
      %sign3A_584 = arith.subi %sign3A_580, %sign3A_583 : i32
      %sign3A_585 = arith.constant 0 : i32
      %sign3A_586 = arith.cmpi sgt, %jit3A_576, %sign3A_585 : i32
      %sign3A_587 = arith.extui %sign3A_586 : i1 to i32
      %sign3A_588 = arith.constant 0 : i32
      %sign3A_589 = arith.cmpi slt, %jit3A_576, %sign3A_588 : i32
      %sign3A_590 = arith.extui %sign3A_589 : i1 to i32
      %sign3A_591 = arith.subi %sign3A_587, %sign3A_590 : i32
      %ne3A_592 = arith.cmpi ne, %sign3A_584, %sign3A_591 : i32
      %rem3A_593 = arith.remsi %mul3A_409, %jit3A_576 : i32
      %ne3A_594 = arith.constant 0 : i32
      %ne3A_595 = arith.cmpi ne, %rem3A_593, %ne3A_594 : i32
      %and3A_596 = arith.andi %ne3A_592, %ne3A_595 : i1
      %sub3A_597 = arith.constant 1 : i32
      %sub3A_598 = arith.subi %div3A_577, %sub3A_597 : i32
      %select_n3A_599 = arith.select %and3A_596, %sub3A_598, %div3A_577 : i32
      %add3A_600 = arith.addi %mul3A_575, %select_n3A_599 : i32
      %dma_start3A_601 = arith.constant 0 : i32
      %dma_start3A_602 = arith.constant 0 : i32
      %dma_start3A_603 = arith.constant 0 : i32
      %dma_start3A_604 = tpu.memref_slice %arg5[%select_n3A_573, %dma_start3A_601, %add3A_600, %dma_start3A_602, %dma_start3A_603] : memref<50x8x128x8x128xf32, #tpu.memory_space<hbm>> -> memref<1x8x1x8x128xf32, #tpu.memory_space<hbm>>
      %dma_start3A_605 = tpu.memref_squeeze %dma_start3A_604 : memref<1x8x1x8x128xf32, #tpu.memory_space<hbm>> -> memref<8x8x128xf32, #tpu.memory_space<hbm>>
      %dma_start3A_606 = arith.constant 0 : i32
      %dma_start3A_607 = arith.constant 0 : i32
      %dma_start3A_608 = arith.constant 0 : i32
      %dma_start3A_609 = tpu.memref_slice %arg5[%select_n3A_573, %dma_start3A_606, %add3A_600, %dma_start3A_607, %dma_start3A_608] : memref<50x8x128x8x128xf32, #tpu.memory_space<hbm>> -> memref<1x8x1x8x128xf32, #tpu.memory_space<hbm>>
      %dma_start3A_610 = tpu.memref_squeeze %dma_start3A_609 : memref<1x8x1x8x128xf32, #tpu.memory_space<hbm>> -> memref<8x8x128xf32, #tpu.memory_space<hbm>>
      tpu.enqueue_dma source(%arg11 : memref<8x8x128xf32, #tpu.memory_space<vmem>>) target(%dma_start3A_610 : memref<8x8x128xf32, #tpu.memory_space<hbm>>) target_semaphore(%arg16 : memref<!tpu.dma_semaphore, #tpu.memory_space<semaphore_mem>>)
      %mul3A_611 = arith.constant 2 : i32
      %mul3A_612 = arith.muli %mul3A_611, %scan3A_407 : i32
      %add3A_613 = arith.constant 1 : i32
      %add3A_614 = arith.addi %mul3A_612, %add3A_613 : i32
      %dma_wait3A_615 = arith.constant 0 : i32
      %dma_wait3A_616 = arith.constant 0 : i32
      %dma_wait3A_617 = tpu.memref_slice %arg3[%dma_wait3A_615, %dma_wait3A_616] : memref<1000000x64xf32, #tpu.memory_space<hbm>> -> memref<128x64xf32, #tpu.memory_space<hbm>>
      %dma_wait3A_618 = arith.constant 0 : i32
      %dma_wait3A_619 = arith.constant 0 : i32
      %dma_wait3A_620 = tpu.memref_slice %arg3[%dma_wait3A_618, %dma_wait3A_619] : memref<1000000x64xf32, #tpu.memory_space<hbm>> -> memref<128x64xf32, #tpu.memory_space<hbm>>
      tpu.wait_dma2 semaphore(%arg15 : memref<!tpu.dma_semaphore, #tpu.memory_space<semaphore_mem>>) src(%dma_wait3A_620 : memref<128x64xf32, #tpu.memory_space<hbm>>) dst(%arg10 : memref<128x64xf32, #tpu.memory_space<vmem>>)
      %add3A_621 = arith.constant 1 : i32
      %add3A_622 = arith.addi %add3A_614, %add3A_621 : i32
      %min3A_623 = arith.constant 199 : i32
      %min3A_624 = arith.minsi %add3A_622, %min3A_623 : i32
      %jit3A_625 = arith.constant 50 : i32
      %eq3A_626 = arith.constant 0 : i32
      %eq3A_627 = arith.cmpi eq, %jit3A_625, %eq3A_626 : i32
      %jit3A_628 = arith.constant 1 : i32
      %select_n3A_629 = arith.select %eq3A_627, %jit3A_628, %jit3A_625 : i32
      %rem3A_630 = arith.remsi %min3A_624, %select_n3A_629 : i32
      %ne3A_631 = arith.constant 0 : i32
      %ne3A_632 = arith.cmpi ne, %rem3A_630, %ne3A_631 : i32
      %lt3A_633 = arith.constant 0 : i32
      %lt3A_634 = arith.cmpi slt, %rem3A_630, %lt3A_633 : i32
      %lt3A_635 = arith.constant 0 : i32
      %lt3A_636 = arith.cmpi slt, %select_n3A_629, %lt3A_635 : i32
      %ne3A_637 = arith.xori %lt3A_634, %lt3A_636 : i1
      %and3A_638 = arith.andi %ne3A_637, %ne3A_632 : i1
      %add3A_639 = arith.addi %rem3A_630, %select_n3A_629 : i32
      %select_n3A_640 = arith.select %and3A_638, %add3A_639, %rem3A_630 : i32
      %jit3A_641 = arith.constant 50 : i32
      %div3A_642 = arith.divsi %min3A_624, %jit3A_641 : i32
      %sign3A_643 = arith.constant 0 : i32
      %sign3A_644 = arith.cmpi sgt, %min3A_624, %sign3A_643 : i32
      %sign3A_645 = arith.extui %sign3A_644 : i1 to i32
      %sign3A_646 = arith.constant 0 : i32
      %sign3A_647 = arith.cmpi slt, %min3A_624, %sign3A_646 : i32
      %sign3A_648 = arith.extui %sign3A_647 : i1 to i32
      %sign3A_649 = arith.subi %sign3A_645, %sign3A_648 : i32
      %sign3A_650 = arith.constant 0 : i32
      %sign3A_651 = arith.cmpi sgt, %jit3A_641, %sign3A_650 : i32
      %sign3A_652 = arith.extui %sign3A_651 : i1 to i32
      %sign3A_653 = arith.constant 0 : i32
      %sign3A_654 = arith.cmpi slt, %jit3A_641, %sign3A_653 : i32
      %sign3A_655 = arith.extui %sign3A_654 : i1 to i32
      %sign3A_656 = arith.subi %sign3A_652, %sign3A_655 : i32
      %ne3A_657 = arith.cmpi ne, %sign3A_649, %sign3A_656 : i32
      %rem3A_658 = arith.remsi %min3A_624, %jit3A_641 : i32
      %ne3A_659 = arith.constant 0 : i32
      %ne3A_660 = arith.cmpi ne, %rem3A_658, %ne3A_659 : i32
      %and3A_661 = arith.andi %ne3A_657, %ne3A_660 : i1
      %sub3A_662 = arith.constant 1 : i32
      %sub3A_663 = arith.subi %div3A_642, %sub3A_662 : i32
      %select_n3A_664 = arith.select %and3A_661, %sub3A_663, %div3A_642 : i32
      %mul3A_665 = arith.constant 6400 : i32
      %mul3A_666 = arith.muli %select_n3A_664, %mul3A_665 : i32
      %add3A_667 = arith.constant 0 : i32
      %add3A_668 = arith.addi %mul3A_666, %add3A_667 : i32
      %add3A_669 = arith.addi %add3A_668, %select_n3A_640 : i32
      %broadcast_in_dim3A_670 = vector.broadcast %add3A_669 : i32 to vector<16xi32>
      %add3A_671 = arith.addi %mul3A_5, %broadcast_in_dim3A_670 : vector<16xi32>
      %gather3A_672 = tpu.vector_load_idx %arg6[%add3A_671] : memref<25600xi32, #tpu.memory_space<vmem>>[vector<16xi32>], vector<16xi32>,
      %swap3A_673 = arith.constant 0 : index
      %swap3A_674 = tpu.vector_load %arg7[%swap3A_673] {strides = array<i32>} : memref<128xi32, #tpu.memory_space<vmem>>, vector<16xi32>,
      tpu.vector_store %arg7[%swap3A_673], %gather3A_672 {strides = array<i32>} : memref<128xi32, #tpu.memory_space<vmem>>, vector<16xi32>,
      %mul3A_675 = arith.constant 6400 : i32
      %mul3A_676 = arith.muli %select_n3A_664, %mul3A_675 : i32
      %add3A_677 = arith.constant 800 : i32
      %add3A_678 = arith.addi %mul3A_676, %add3A_677 : i32
      %add3A_679 = arith.addi %add3A_678, %select_n3A_640 : i32
      %broadcast_in_dim3A_680 = vector.broadcast %add3A_679 : i32 to vector<16xi32>
      %add3A_681 = arith.addi %mul3A_5, %broadcast_in_dim3A_680 : vector<16xi32>
      %gather3A_682 = tpu.vector_load_idx %arg6[%add3A_681] : memref<25600xi32, #tpu.memory_space<vmem>>[vector<16xi32>], vector<16xi32>,
      %swap3A_683 = arith.constant 16 : index
      %swap3A_684 = tpu.vector_load %arg7[%swap3A_683] {strides = array<i32>} : memref<128xi32, #tpu.memory_space<vmem>>, vector<16xi32>,
      tpu.vector_store %arg7[%swap3A_683], %gather3A_682 {strides = array<i32>} : memref<128xi32, #tpu.memory_space<vmem>>, vector<16xi32>,
      %mul3A_685 = arith.constant 6400 : i32
      %mul3A_686 = arith.muli %select_n3A_664, %mul3A_685 : i32
      %add3A_687 = arith.constant 1600 : i32
      %add3A_688 = arith.addi %mul3A_686, %add3A_687 : i32
      %add3A_689 = arith.addi %add3A_688, %select_n3A_640 : i32
      %broadcast_in_dim3A_690 = vector.broadcast %add3A_689 : i32 to vector<16xi32>
      %add3A_691 = arith.addi %mul3A_5, %broadcast_in_dim3A_690 : vector<16xi32>
      %gather3A_692 = tpu.vector_load_idx %arg6[%add3A_691] : memref<25600xi32, #tpu.memory_space<vmem>>[vector<16xi32>], vector<16xi32>,
      %swap3A_693 = arith.constant 32 : index
      %swap3A_694 = tpu.vector_load %arg7[%swap3A_693] {strides = array<i32>} : memref<128xi32, #tpu.memory_space<vmem>>, vector<16xi32>,
      tpu.vector_store %arg7[%swap3A_693], %gather3A_692 {strides = array<i32>} : memref<128xi32, #tpu.memory_space<vmem>>, vector<16xi32>,
      %mul3A_695 = arith.constant 6400 : i32
      %mul3A_696 = arith.muli %select_n3A_664, %mul3A_695 : i32
      %add3A_697 = arith.constant 2400 : i32
      %add3A_698 = arith.addi %mul3A_696, %add3A_697 : i32
      %add3A_699 = arith.addi %add3A_698, %select_n3A_640 : i32
      %broadcast_in_dim3A_700 = vector.broadcast %add3A_699 : i32 to vector<16xi32>
      %add3A_701 = arith.addi %mul3A_5, %broadcast_in_dim3A_700 : vector<16xi32>
      %gather3A_702 = tpu.vector_load_idx %arg6[%add3A_701] : memref<25600xi32, #tpu.memory_space<vmem>>[vector<16xi32>], vector<16xi32>,
      %swap3A_703 = arith.constant 48 : index
      %swap3A_704 = tpu.vector_load %arg7[%swap3A_703] {strides = array<i32>} : memref<128xi32, #tpu.memory_space<vmem>>, vector<16xi32>,
      tpu.vector_store %arg7[%swap3A_703], %gather3A_702 {strides = array<i32>} : memref<128xi32, #tpu.memory_space<vmem>>, vector<16xi32>,
      %mul3A_705 = arith.constant 6400 : i32
      %mul3A_706 = arith.muli %select_n3A_664, %mul3A_705 : i32
      %add3A_707 = arith.constant 3200 : i32
      %add3A_708 = arith.addi %mul3A_706, %add3A_707 : i32
      %add3A_709 = arith.addi %add3A_708, %select_n3A_640 : i32
      %broadcast_in_dim3A_710 = vector.broadcast %add3A_709 : i32 to vector<16xi32>
      %add3A_711 = arith.addi %mul3A_5, %broadcast_in_dim3A_710 : vector<16xi32>
      %gather3A_712 = tpu.vector_load_idx %arg6[%add3A_711] : memref<25600xi32, #tpu.memory_space<vmem>>[vector<16xi32>], vector<16xi32>,
      %swap3A_713 = arith.constant 64 : index
      %swap3A_714 = tpu.vector_load %arg7[%swap3A_713] {strides = array<i32>} : memref<128xi32, #tpu.memory_space<vmem>>, vector<16xi32>,
      tpu.vector_store %arg7[%swap3A_713], %gather3A_712 {strides = array<i32>} : memref<128xi32, #tpu.memory_space<vmem>>, vector<16xi32>,
      %mul3A_715 = arith.constant 6400 : i32
      %mul3A_716 = arith.muli %select_n3A_664, %mul3A_715 : i32
      %add3A_717 = arith.constant 4000 : i32
      %add3A_718 = arith.addi %mul3A_716, %add3A_717 : i32
      %add3A_719 = arith.addi %add3A_718, %select_n3A_640 : i32
      %broadcast_in_dim3A_720 = vector.broadcast %add3A_719 : i32 to vector<16xi32>
      %add3A_721 = arith.addi %mul3A_5, %broadcast_in_dim3A_720 : vector<16xi32>
      %gather3A_722 = tpu.vector_load_idx %arg6[%add3A_721] : memref<25600xi32, #tpu.memory_space<vmem>>[vector<16xi32>], vector<16xi32>,
      %swap3A_723 = arith.constant 80 : index
      %swap3A_724 = tpu.vector_load %arg7[%swap3A_723] {strides = array<i32>} : memref<128xi32, #tpu.memory_space<vmem>>, vector<16xi32>,
      tpu.vector_store %arg7[%swap3A_723], %gather3A_722 {strides = array<i32>} : memref<128xi32, #tpu.memory_space<vmem>>, vector<16xi32>,
      %mul3A_725 = arith.constant 6400 : i32
      %mul3A_726 = arith.muli %select_n3A_664, %mul3A_725 : i32
      %add3A_727 = arith.constant 4800 : i32
      %add3A_728 = arith.addi %mul3A_726, %add3A_727 : i32
      %add3A_729 = arith.addi %add3A_728, %select_n3A_640 : i32
      %broadcast_in_dim3A_730 = vector.broadcast %add3A_729 : i32 to vector<16xi32>
      %add3A_731 = arith.addi %mul3A_5, %broadcast_in_dim3A_730 : vector<16xi32>
      %gather3A_732 = tpu.vector_load_idx %arg6[%add3A_731] : memref<25600xi32, #tpu.memory_space<vmem>>[vector<16xi32>], vector<16xi32>,
      %swap3A_733 = arith.constant 96 : index
      %swap3A_734 = tpu.vector_load %arg7[%swap3A_733] {strides = array<i32>} : memref<128xi32, #tpu.memory_space<vmem>>, vector<16xi32>,
      tpu.vector_store %arg7[%swap3A_733], %gather3A_732 {strides = array<i32>} : memref<128xi32, #tpu.memory_space<vmem>>, vector<16xi32>,
      %mul3A_735 = arith.constant 6400 : i32
      %mul3A_736 = arith.muli %select_n3A_664, %mul3A_735 : i32
      %add3A_737 = arith.constant 5600 : i32
      %add3A_738 = arith.addi %mul3A_736, %add3A_737 : i32
      %add3A_739 = arith.addi %add3A_738, %select_n3A_640 : i32
      %broadcast_in_dim3A_740 = vector.broadcast %add3A_739 : i32 to vector<16xi32>
      %add3A_741 = arith.addi %mul3A_5, %broadcast_in_dim3A_740 : vector<16xi32>
      %gather3A_742 = tpu.vector_load_idx %arg6[%add3A_741] : memref<25600xi32, #tpu.memory_space<vmem>>[vector<16xi32>], vector<16xi32>,
      %swap3A_743 = arith.constant 112 : index
      %swap3A_744 = tpu.vector_load %arg7[%swap3A_743] {strides = array<i32>} : memref<128xi32, #tpu.memory_space<vmem>>, vector<16xi32>,
      tpu.vector_store %arg7[%swap3A_743], %gather3A_742 {strides = array<i32>} : memref<128xi32, #tpu.memory_space<vmem>>, vector<16xi32>,
      %dma_start3A_745 = arith.constant 0 : i32
      %dma_start3A_746 = arith.constant 0 : i32
      %dma_start3A_747 = tpu.memref_slice %arg3[%dma_start3A_745, %dma_start3A_746] : memref<1000000x64xf32, #tpu.memory_space<hbm>> -> memref<1000000x64xf32, #tpu.memory_space<hbm>>
      tpu.enqueue_indirect_dma source(%dma_start3A_747 : memref<1000000x64xf32, #tpu.memory_space<hbm>>) target(%arg9 : memref<128x64xf32, #tpu.memory_space<vmem>>) offsets(%arg7 : memref<128xi32, #tpu.memory_space<vmem>>) semaphore(%arg14 : memref<!tpu.dma_semaphore, #tpu.memory_space<semaphore_mem>>)
      %dma_wait3A_748 = arith.constant 0 : i32
      %dma_wait3A_749 = arith.constant 0 : i32
      %dma_wait3A_750 = arith.constant 0 : i32
      %dma_wait3A_751 = arith.constant 0 : i32
      %dma_wait3A_752 = arith.constant 0 : i32
      %dma_wait3A_753 = tpu.memref_slice %arg5[%dma_wait3A_748, %dma_wait3A_750, %dma_wait3A_749, %dma_wait3A_751, %dma_wait3A_752] : memref<50x8x128x8x128xf32, #tpu.memory_space<hbm>> -> memref<1x8x1x8x128xf32, #tpu.memory_space<hbm>>
      %dma_wait3A_754 = tpu.memref_squeeze %dma_wait3A_753 : memref<1x8x1x8x128xf32, #tpu.memory_space<hbm>> -> memref<8x8x128xf32, #tpu.memory_space<hbm>>
      %dma_wait3A_755 = arith.constant 0 : i32
      %dma_wait3A_756 = arith.constant 0 : i32
      %dma_wait3A_757 = arith.constant 0 : i32
      %dma_wait3A_758 = tpu.memref_slice %arg5[%dma_wait3A_748, %dma_wait3A_755, %dma_wait3A_749, %dma_wait3A_756, %dma_wait3A_757] : memref<50x8x128x8x128xf32, #tpu.memory_space<hbm>> -> memref<1x8x1x8x128xf32, #tpu.memory_space<hbm>>
      %dma_wait3A_759 = tpu.memref_squeeze %dma_wait3A_758 : memref<1x8x1x8x128xf32, #tpu.memory_space<hbm>> -> memref<8x8x128xf32, #tpu.memory_space<hbm>>
      tpu.wait_dma2 semaphore(%arg17 : memref<!tpu.dma_semaphore, #tpu.memory_space<semaphore_mem>>) src(%arg12 : memref<8x8x128xf32, #tpu.memory_space<vmem>>) dst(%dma_wait3A_759 : memref<8x8x128xf32, #tpu.memory_space<hbm>>)
      %parallel_loop3A_760 = arith.constant 0 : i32
      %parallel_loop3A_761 = arith.constant 64 : i32
      %parallel_loop3A_762 = arith.constant 1 : i32
      scf.for %parallel_loop3A_816 = %parallel_loop3A_760 to %parallel_loop3A_761 step %parallel_loop3A_762  : i32 {
        %parallel_loop3A_817 = vector.broadcast %parallel_loop3A_816 : i32 to vector<16xi32>
        %parallel_loop3A_818 = tpu.vector_load_idx %arg13[%parallel_loop3A_817] : memref<64xf32, #tpu.memory_space<vmem>>[vector<16xi32>], vector<16xf32>,
        %parallel_loop3A_819 = tpu.vector_load_idx %arg10[%add3A_9, %parallel_loop3A_817] : memref<128x64xf32, #tpu.memory_space<vmem>>[vector<16xi32>, vector<16xi32>], vector<16xf32>,
        %parallel_loop3A_820 = arith.addf %parallel_loop3A_819, %parallel_loop3A_818 : vector<16xf32>
        %parallel_loop3A_821 = arith.constant 8 : i32
        %parallel_loop3A_822 = arith.divsi %parallel_loop3A_816, %parallel_loop3A_821 : i32
        %parallel_loop3A_823 = arith.constant 0 : i32
        %parallel_loop3A_824 = arith.cmpi sgt, %parallel_loop3A_816, %parallel_loop3A_823 : i32
        %parallel_loop3A_825 = arith.extui %parallel_loop3A_824 : i1 to i32
        %parallel_loop3A_826 = arith.constant 0 : i32
        %parallel_loop3A_827 = arith.cmpi slt, %parallel_loop3A_816, %parallel_loop3A_826 : i32
        %parallel_loop3A_828 = arith.extui %parallel_loop3A_827 : i1 to i32
        %parallel_loop3A_829 = arith.subi %parallel_loop3A_825, %parallel_loop3A_828 : i32
        %parallel_loop3A_830 = arith.constant 0 : i32
        %parallel_loop3A_831 = arith.cmpi sgt, %parallel_loop3A_821, %parallel_loop3A_830 : i32
        %parallel_loop3A_832 = arith.extui %parallel_loop3A_831 : i1 to i32
        %parallel_loop3A_833 = arith.constant 0 : i32
        %parallel_loop3A_834 = arith.cmpi slt, %parallel_loop3A_821, %parallel_loop3A_833 : i32
        %parallel_loop3A_835 = arith.extui %parallel_loop3A_834 : i1 to i32
        %parallel_loop3A_836 = arith.subi %parallel_loop3A_832, %parallel_loop3A_835 : i32
        %parallel_loop3A_837 = arith.cmpi ne, %parallel_loop3A_829, %parallel_loop3A_836 : i32
        %parallel_loop3A_838 = arith.remsi %parallel_loop3A_816, %parallel_loop3A_821 : i32
        %parallel_loop3A_839 = arith.constant 0 : i32
        %parallel_loop3A_840 = arith.cmpi ne, %parallel_loop3A_838, %parallel_loop3A_839 : i32
        %parallel_loop3A_841 = arith.andi %parallel_loop3A_837, %parallel_loop3A_840 : i1
        %parallel_loop3A_842 = arith.constant 1 : i32
        %parallel_loop3A_843 = arith.subi %parallel_loop3A_822, %parallel_loop3A_842 : i32
        %parallel_loop3A_844 = arith.select %parallel_loop3A_841, %parallel_loop3A_843, %parallel_loop3A_822 : i32
        %parallel_loop3A_845 = arith.constant 8 : i32
        %parallel_loop3A_846 = arith.constant 0 : i32
        %parallel_loop3A_847 = arith.cmpi eq, %parallel_loop3A_845, %parallel_loop3A_846 : i32
        %parallel_loop3A_848 = arith.constant 1 : i32
        %parallel_loop3A_849 = arith.select %parallel_loop3A_847, %parallel_loop3A_848, %parallel_loop3A_845 : i32
        %parallel_loop3A_850 = arith.remsi %parallel_loop3A_816, %parallel_loop3A_849 : i32
        %parallel_loop3A_851 = arith.constant 0 : i32
        %parallel_loop3A_852 = arith.cmpi ne, %parallel_loop3A_850, %parallel_loop3A_851 : i32
        %parallel_loop3A_853 = arith.constant 0 : i32
        %parallel_loop3A_854 = arith.cmpi slt, %parallel_loop3A_850, %parallel_loop3A_853 : i32
        %parallel_loop3A_855 = arith.constant 0 : i32
        %parallel_loop3A_856 = arith.cmpi slt, %parallel_loop3A_849, %parallel_loop3A_855 : i32
        %parallel_loop3A_857 = arith.xori %parallel_loop3A_854, %parallel_loop3A_856 : i1
        %parallel_loop3A_858 = arith.andi %parallel_loop3A_857, %parallel_loop3A_852 : i1
        %parallel_loop3A_859 = arith.addi %parallel_loop3A_850, %parallel_loop3A_849 : i32
        %parallel_loop3A_860 = arith.select %parallel_loop3A_858, %parallel_loop3A_859, %parallel_loop3A_850 : i32
        %parallel_loop3A_861 = arith.index_cast %parallel_loop3A_844 : i32 to index
        %parallel_loop3A_862 = arith.index_cast %parallel_loop3A_860 : i32 to index
        %parallel_loop3A_863 = arith.constant 0 : index
        %parallel_loop3A_864 = tpu.vector_load %arg12[%parallel_loop3A_861, %parallel_loop3A_862, %parallel_loop3A_863] {strides = array<i32>} : memref<8x8x128xf32, #tpu.memory_space<vmem>>, vector<16xf32>,
        tpu.vector_store %arg12[%parallel_loop3A_861, %parallel_loop3A_862, %parallel_loop3A_863], %parallel_loop3A_820 {strides = array<i32>} : memref<8x8x128xf32, #tpu.memory_space<vmem>>, vector<16xf32>,
        %parallel_loop3A_865 = tpu.vector_load_idx %arg10[%add3A_13, %parallel_loop3A_817] : memref<128x64xf32, #tpu.memory_space<vmem>>[vector<16xi32>, vector<16xi32>], vector<16xf32>,
        %parallel_loop3A_866 = arith.addf %parallel_loop3A_865, %parallel_loop3A_818 : vector<16xf32>
        %parallel_loop3A_867 = arith.constant 8 : i32
        %parallel_loop3A_868 = arith.divsi %parallel_loop3A_816, %parallel_loop3A_867 : i32
        %parallel_loop3A_869 = arith.constant 0 : i32
        %parallel_loop3A_870 = arith.cmpi sgt, %parallel_loop3A_816, %parallel_loop3A_869 : i32
        %parallel_loop3A_871 = arith.extui %parallel_loop3A_870 : i1 to i32
        %parallel_loop3A_872 = arith.constant 0 : i32
        %parallel_loop3A_873 = arith.cmpi slt, %parallel_loop3A_816, %parallel_loop3A_872 : i32
        %parallel_loop3A_874 = arith.extui %parallel_loop3A_873 : i1 to i32
        %parallel_loop3A_875 = arith.subi %parallel_loop3A_871, %parallel_loop3A_874 : i32
        %parallel_loop3A_876 = arith.constant 0 : i32
        %parallel_loop3A_877 = arith.cmpi sgt, %parallel_loop3A_867, %parallel_loop3A_876 : i32
        %parallel_loop3A_878 = arith.extui %parallel_loop3A_877 : i1 to i32
        %parallel_loop3A_879 = arith.constant 0 : i32
        %parallel_loop3A_880 = arith.cmpi slt, %parallel_loop3A_867, %parallel_loop3A_879 : i32
        %parallel_loop3A_881 = arith.extui %parallel_loop3A_880 : i1 to i32
        %parallel_loop3A_882 = arith.subi %parallel_loop3A_878, %parallel_loop3A_881 : i32
        %parallel_loop3A_883 = arith.cmpi ne, %parallel_loop3A_875, %parallel_loop3A_882 : i32
        %parallel_loop3A_884 = arith.remsi %parallel_loop3A_816, %parallel_loop3A_867 : i32
        %parallel_loop3A_885 = arith.constant 0 : i32
        %parallel_loop3A_886 = arith.cmpi ne, %parallel_loop3A_884, %parallel_loop3A_885 : i32
        %parallel_loop3A_887 = arith.andi %parallel_loop3A_883, %parallel_loop3A_886 : i1
        %parallel_loop3A_888 = arith.constant 1 : i32
        %parallel_loop3A_889 = arith.subi %parallel_loop3A_868, %parallel_loop3A_888 : i32
        %parallel_loop3A_890 = arith.select %parallel_loop3A_887, %parallel_loop3A_889, %parallel_loop3A_868 : i32
        %parallel_loop3A_891 = arith.constant 8 : i32
        %parallel_loop3A_892 = arith.constant 0 : i32
        %parallel_loop3A_893 = arith.cmpi eq, %parallel_loop3A_891, %parallel_loop3A_892 : i32
        %parallel_loop3A_894 = arith.constant 1 : i32
        %parallel_loop3A_895 = arith.select %parallel_loop3A_893, %parallel_loop3A_894, %parallel_loop3A_891 : i32
        %parallel_loop3A_896 = arith.remsi %parallel_loop3A_816, %parallel_loop3A_895 : i32
        %parallel_loop3A_897 = arith.constant 0 : i32
        %parallel_loop3A_898 = arith.cmpi ne, %parallel_loop3A_896, %parallel_loop3A_897 : i32
        %parallel_loop3A_899 = arith.constant 0 : i32
        %parallel_loop3A_900 = arith.cmpi slt, %parallel_loop3A_896, %parallel_loop3A_899 : i32
        %parallel_loop3A_901 = arith.constant 0 : i32
        %parallel_loop3A_902 = arith.cmpi slt, %parallel_loop3A_895, %parallel_loop3A_901 : i32
        %parallel_loop3A_903 = arith.xori %parallel_loop3A_900, %parallel_loop3A_902 : i1
        %parallel_loop3A_904 = arith.andi %parallel_loop3A_903, %parallel_loop3A_898 : i1
        %parallel_loop3A_905 = arith.addi %parallel_loop3A_896, %parallel_loop3A_895 : i32
        %parallel_loop3A_906 = arith.select %parallel_loop3A_904, %parallel_loop3A_905, %parallel_loop3A_896 : i32
        %parallel_loop3A_907 = arith.index_cast %parallel_loop3A_890 : i32 to index
        %parallel_loop3A_908 = arith.index_cast %parallel_loop3A_906 : i32 to index
        %parallel_loop3A_909 = arith.constant 16 : index
        %parallel_loop3A_910 = tpu.vector_load %arg12[%parallel_loop3A_907, %parallel_loop3A_908, %parallel_loop3A_909] {strides = array<i32>} : memref<8x8x128xf32, #tpu.memory_space<vmem>>, vector<16xf32>,
        tpu.vector_store %arg12[%parallel_loop3A_907, %parallel_loop3A_908, %parallel_loop3A_909], %parallel_loop3A_866 {strides = array<i32>} : memref<8x8x128xf32, #tpu.memory_space<vmem>>, vector<16xf32>,
        %parallel_loop3A_911 = tpu.vector_load_idx %arg10[%add3A_17, %parallel_loop3A_817] : memref<128x64xf32, #tpu.memory_space<vmem>>[vector<16xi32>, vector<16xi32>], vector<16xf32>,
        %parallel_loop3A_912 = arith.addf %parallel_loop3A_911, %parallel_loop3A_818 : vector<16xf32>
        %parallel_loop3A_913 = arith.constant 8 : i32
        %parallel_loop3A_914 = arith.divsi %parallel_loop3A_816, %parallel_loop3A_913 : i32
        %parallel_loop3A_915 = arith.constant 0 : i32
        %parallel_loop3A_916 = arith.cmpi sgt, %parallel_loop3A_816, %parallel_loop3A_915 : i32
        %parallel_loop3A_917 = arith.extui %parallel_loop3A_916 : i1 to i32
        %parallel_loop3A_918 = arith.constant 0 : i32
        %parallel_loop3A_919 = arith.cmpi slt, %parallel_loop3A_816, %parallel_loop3A_918 : i32
        %parallel_loop3A_920 = arith.extui %parallel_loop3A_919 : i1 to i32
        %parallel_loop3A_921 = arith.subi %parallel_loop3A_917, %parallel_loop3A_920 : i32
        %parallel_loop3A_922 = arith.constant 0 : i32
        %parallel_loop3A_923 = arith.cmpi sgt, %parallel_loop3A_913, %parallel_loop3A_922 : i32
        %parallel_loop3A_924 = arith.extui %parallel_loop3A_923 : i1 to i32
        %parallel_loop3A_925 = arith.constant 0 : i32
        %parallel_loop3A_926 = arith.cmpi slt, %parallel_loop3A_913, %parallel_loop3A_925 : i32
        %parallel_loop3A_927 = arith.extui %parallel_loop3A_926 : i1 to i32
        %parallel_loop3A_928 = arith.subi %parallel_loop3A_924, %parallel_loop3A_927 : i32
        %parallel_loop3A_929 = arith.cmpi ne, %parallel_loop3A_921, %parallel_loop3A_928 : i32
        %parallel_loop3A_930 = arith.remsi %parallel_loop3A_816, %parallel_loop3A_913 : i32
        %parallel_loop3A_931 = arith.constant 0 : i32
        %parallel_loop3A_932 = arith.cmpi ne, %parallel_loop3A_930, %parallel_loop3A_931 : i32
        %parallel_loop3A_933 = arith.andi %parallel_loop3A_929, %parallel_loop3A_932 : i1
        %parallel_loop3A_934 = arith.constant 1 : i32
        %parallel_loop3A_935 = arith.subi %parallel_loop3A_914, %parallel_loop3A_934 : i32
        %parallel_loop3A_936 = arith.select %parallel_loop3A_933, %parallel_loop3A_935, %parallel_loop3A_914 : i32
        %parallel_loop3A_937 = arith.constant 8 : i32
        %parallel_loop3A_938 = arith.constant 0 : i32
        %parallel_loop3A_939 = arith.cmpi eq, %parallel_loop3A_937, %parallel_loop3A_938 : i32
        %parallel_loop3A_940 = arith.constant 1 : i32
        %parallel_loop3A_941 = arith.select %parallel_loop3A_939, %parallel_loop3A_940, %parallel_loop3A_937 : i32
        %parallel_loop3A_942 = arith.remsi %parallel_loop3A_816, %parallel_loop3A_941 : i32
        %parallel_loop3A_943 = arith.constant 0 : i32
        %parallel_loop3A_944 = arith.cmpi ne, %parallel_loop3A_942, %parallel_loop3A_943 : i32
        %parallel_loop3A_945 = arith.constant 0 : i32
        %parallel_loop3A_946 = arith.cmpi slt, %parallel_loop3A_942, %parallel_loop3A_945 : i32
        %parallel_loop3A_947 = arith.constant 0 : i32
        %parallel_loop3A_948 = arith.cmpi slt, %parallel_loop3A_941, %parallel_loop3A_947 : i32
        %parallel_loop3A_949 = arith.xori %parallel_loop3A_946, %parallel_loop3A_948 : i1
        %parallel_loop3A_950 = arith.andi %parallel_loop3A_949, %parallel_loop3A_944 : i1
        %parallel_loop3A_951 = arith.addi %parallel_loop3A_942, %parallel_loop3A_941 : i32
        %parallel_loop3A_952 = arith.select %parallel_loop3A_950, %parallel_loop3A_951, %parallel_loop3A_942 : i32
        %parallel_loop3A_953 = arith.index_cast %parallel_loop3A_936 : i32 to index
        %parallel_loop3A_954 = arith.index_cast %parallel_loop3A_952 : i32 to index
        %parallel_loop3A_955 = arith.constant 32 : index
        %parallel_loop3A_956 = tpu.vector_load %arg12[%parallel_loop3A_953, %parallel_loop3A_954, %parallel_loop3A_955] {strides = array<i32>} : memref<8x8x128xf32, #tpu.memory_space<vmem>>, vector<16xf32>,
        tpu.vector_store %arg12[%parallel_loop3A_953, %parallel_loop3A_954, %parallel_loop3A_955], %parallel_loop3A_912 {strides = array<i32>} : memref<8x8x128xf32, #tpu.memory_space<vmem>>, vector<16xf32>,
        %parallel_loop3A_957 = tpu.vector_load_idx %arg10[%add3A_21, %parallel_loop3A_817] : memref<128x64xf32, #tpu.memory_space<vmem>>[vector<16xi32>, vector<16xi32>], vector<16xf32>,
        %parallel_loop3A_958 = arith.addf %parallel_loop3A_957, %parallel_loop3A_818 : vector<16xf32>
        %parallel_loop3A_959 = arith.constant 8 : i32
        %parallel_loop3A_960 = arith.divsi %parallel_loop3A_816, %parallel_loop3A_959 : i32
        %parallel_loop3A_961 = arith.constant 0 : i32
        %parallel_loop3A_962 = arith.cmpi sgt, %parallel_loop3A_816, %parallel_loop3A_961 : i32
        %parallel_loop3A_963 = arith.extui %parallel_loop3A_962 : i1 to i32
        %parallel_loop3A_964 = arith.constant 0 : i32
        %parallel_loop3A_965 = arith.cmpi slt, %parallel_loop3A_816, %parallel_loop3A_964 : i32
        %parallel_loop3A_966 = arith.extui %parallel_loop3A_965 : i1 to i32
        %parallel_loop3A_967 = arith.subi %parallel_loop3A_963, %parallel_loop3A_966 : i32
        %parallel_loop3A_968 = arith.constant 0 : i32
        %parallel_loop3A_969 = arith.cmpi sgt, %parallel_loop3A_959, %parallel_loop3A_968 : i32
        %parallel_loop3A_970 = arith.extui %parallel_loop3A_969 : i1 to i32
        %parallel_loop3A_971 = arith.constant 0 : i32
        %parallel_loop3A_972 = arith.cmpi slt, %parallel_loop3A_959, %parallel_loop3A_971 : i32
        %parallel_loop3A_973 = arith.extui %parallel_loop3A_972 : i1 to i32
        %parallel_loop3A_974 = arith.subi %parallel_loop3A_970, %parallel_loop3A_973 : i32
        %parallel_loop3A_975 = arith.cmpi ne, %parallel_loop3A_967, %parallel_loop3A_974 : i32
        %parallel_loop3A_976 = arith.remsi %parallel_loop3A_816, %parallel_loop3A_959 : i32
        %parallel_loop3A_977 = arith.constant 0 : i32
        %parallel_loop3A_978 = arith.cmpi ne, %parallel_loop3A_976, %parallel_loop3A_977 : i32
        %parallel_loop3A_979 = arith.andi %parallel_loop3A_975, %parallel_loop3A_978 : i1
        %parallel_loop3A_980 = arith.constant 1 : i32
        %parallel_loop3A_981 = arith.subi %parallel_loop3A_960, %parallel_loop3A_980 : i32
        %parallel_loop3A_982 = arith.select %parallel_loop3A_979, %parallel_loop3A_981, %parallel_loop3A_960 : i32
        %parallel_loop3A_983 = arith.constant 8 : i32
        %parallel_loop3A_984 = arith.constant 0 : i32
        %parallel_loop3A_985 = arith.cmpi eq, %parallel_loop3A_983, %parallel_loop3A_984 : i32
        %parallel_loop3A_986 = arith.constant 1 : i32
        %parallel_loop3A_987 = arith.select %parallel_loop3A_985, %parallel_loop3A_986, %parallel_loop3A_983 : i32
        %parallel_loop3A_988 = arith.remsi %parallel_loop3A_816, %parallel_loop3A_987 : i32
        %parallel_loop3A_989 = arith.constant 0 : i32
        %parallel_loop3A_990 = arith.cmpi ne, %parallel_loop3A_988, %parallel_loop3A_989 : i32
        %parallel_loop3A_991 = arith.constant 0 : i32
        %parallel_loop3A_992 = arith.cmpi slt, %parallel_loop3A_988, %parallel_loop3A_991 : i32
        %parallel_loop3A_993 = arith.constant 0 : i32
        %parallel_loop3A_994 = arith.cmpi slt, %parallel_loop3A_987, %parallel_loop3A_993 : i32
        %parallel_loop3A_995 = arith.xori %parallel_loop3A_992, %parallel_loop3A_994 : i1
        %parallel_loop3A_996 = arith.andi %parallel_loop3A_995, %parallel_loop3A_990 : i1
        %parallel_loop3A_997 = arith.addi %parallel_loop3A_988, %parallel_loop3A_987 : i32
        %parallel_loop3A_998 = arith.select %parallel_loop3A_996, %parallel_loop3A_997, %parallel_loop3A_988 : i32
        %parallel_loop3A_999 = arith.index_cast %parallel_loop3A_982 : i32 to index
        %parallel_loop3A_1000 = arith.index_cast %parallel_loop3A_998 : i32 to index
        %parallel_loop3A_1001 = arith.constant 48 : index
        %parallel_loop3A_1002 = tpu.vector_load %arg12[%parallel_loop3A_999, %parallel_loop3A_1000, %parallel_loop3A_1001] {strides = array<i32>} : memref<8x8x128xf32, #tpu.memory_space<vmem>>, vector<16xf32>,
        tpu.vector_store %arg12[%parallel_loop3A_999, %parallel_loop3A_1000, %parallel_loop3A_1001], %parallel_loop3A_958 {strides = array<i32>} : memref<8x8x128xf32, #tpu.memory_space<vmem>>, vector<16xf32>,
        %parallel_loop3A_1003 = tpu.vector_load_idx %arg10[%add3A_25, %parallel_loop3A_817] : memref<128x64xf32, #tpu.memory_space<vmem>>[vector<16xi32>, vector<16xi32>], vector<16xf32>,
        %parallel_loop3A_1004 = arith.addf %parallel_loop3A_1003, %parallel_loop3A_818 : vector<16xf32>
        %parallel_loop3A_1005 = arith.constant 8 : i32
        %parallel_loop3A_1006 = arith.divsi %parallel_loop3A_816, %parallel_loop3A_1005 : i32
        %parallel_loop3A_1007 = arith.constant 0 : i32
        %parallel_loop3A_1008 = arith.cmpi sgt, %parallel_loop3A_816, %parallel_loop3A_1007 : i32
        %parallel_loop3A_1009 = arith.extui %parallel_loop3A_1008 : i1 to i32
        %parallel_loop3A_1010 = arith.constant 0 : i32
        %parallel_loop3A_1011 = arith.cmpi slt, %parallel_loop3A_816, %parallel_loop3A_1010 : i32
        %parallel_loop3A_1012 = arith.extui %parallel_loop3A_1011 : i1 to i32
        %parallel_loop3A_1013 = arith.subi %parallel_loop3A_1009, %parallel_loop3A_1012 : i32
        %parallel_loop3A_1014 = arith.constant 0 : i32
        %parallel_loop3A_1015 = arith.cmpi sgt, %parallel_loop3A_1005, %parallel_loop3A_1014 : i32
        %parallel_loop3A_1016 = arith.extui %parallel_loop3A_1015 : i1 to i32
        %parallel_loop3A_1017 = arith.constant 0 : i32
        %parallel_loop3A_1018 = arith.cmpi slt, %parallel_loop3A_1005, %parallel_loop3A_1017 : i32
        %parallel_loop3A_1019 = arith.extui %parallel_loop3A_1018 : i1 to i32
        %parallel_loop3A_1020 = arith.subi %parallel_loop3A_1016, %parallel_loop3A_1019 : i32
        %parallel_loop3A_1021 = arith.cmpi ne, %parallel_loop3A_1013, %parallel_loop3A_1020 : i32
        %parallel_loop3A_1022 = arith.remsi %parallel_loop3A_816, %parallel_loop3A_1005 : i32
        %parallel_loop3A_1023 = arith.constant 0 : i32
        %parallel_loop3A_1024 = arith.cmpi ne, %parallel_loop3A_1022, %parallel_loop3A_1023 : i32
        %parallel_loop3A_1025 = arith.andi %parallel_loop3A_1021, %parallel_loop3A_1024 : i1
        %parallel_loop3A_1026 = arith.constant 1 : i32
        %parallel_loop3A_1027 = arith.subi %parallel_loop3A_1006, %parallel_loop3A_1026 : i32
        %parallel_loop3A_1028 = arith.select %parallel_loop3A_1025, %parallel_loop3A_1027, %parallel_loop3A_1006 : i32
        %parallel_loop3A_1029 = arith.constant 8 : i32
        %parallel_loop3A_1030 = arith.constant 0 : i32
        %parallel_loop3A_1031 = arith.cmpi eq, %parallel_loop3A_1029, %parallel_loop3A_1030 : i32
        %parallel_loop3A_1032 = arith.constant 1 : i32
        %parallel_loop3A_1033 = arith.select %parallel_loop3A_1031, %parallel_loop3A_1032, %parallel_loop3A_1029 : i32
        %parallel_loop3A_1034 = arith.remsi %parallel_loop3A_816, %parallel_loop3A_1033 : i32
        %parallel_loop3A_1035 = arith.constant 0 : i32
        %parallel_loop3A_1036 = arith.cmpi ne, %parallel_loop3A_1034, %parallel_loop3A_1035 : i32
        %parallel_loop3A_1037 = arith.constant 0 : i32
        %parallel_loop3A_1038 = arith.cmpi slt, %parallel_loop3A_1034, %parallel_loop3A_1037 : i32
        %parallel_loop3A_1039 = arith.constant 0 : i32
        %parallel_loop3A_1040 = arith.cmpi slt, %parallel_loop3A_1033, %parallel_loop3A_1039 : i32
        %parallel_loop3A_1041 = arith.xori %parallel_loop3A_1038, %parallel_loop3A_1040 : i1
        %parallel_loop3A_1042 = arith.andi %parallel_loop3A_1041, %parallel_loop3A_1036 : i1
        %parallel_loop3A_1043 = arith.addi %parallel_loop3A_1034, %parallel_loop3A_1033 : i32
        %parallel_loop3A_1044 = arith.select %parallel_loop3A_1042, %parallel_loop3A_1043, %parallel_loop3A_1034 : i32
        %parallel_loop3A_1045 = arith.index_cast %parallel_loop3A_1028 : i32 to index
        %parallel_loop3A_1046 = arith.index_cast %parallel_loop3A_1044 : i32 to index
        %parallel_loop3A_1047 = arith.constant 64 : index
        %parallel_loop3A_1048 = tpu.vector_load %arg12[%parallel_loop3A_1045, %parallel_loop3A_1046, %parallel_loop3A_1047] {strides = array<i32>} : memref<8x8x128xf32, #tpu.memory_space<vmem>>, vector<16xf32>,
        tpu.vector_store %arg12[%parallel_loop3A_1045, %parallel_loop3A_1046, %parallel_loop3A_1047], %parallel_loop3A_1004 {strides = array<i32>} : memref<8x8x128xf32, #tpu.memory_space<vmem>>, vector<16xf32>,
        %parallel_loop3A_1049 = tpu.vector_load_idx %arg10[%add3A_29, %parallel_loop3A_817] : memref<128x64xf32, #tpu.memory_space<vmem>>[vector<16xi32>, vector<16xi32>], vector<16xf32>,
        %parallel_loop3A_1050 = arith.addf %parallel_loop3A_1049, %parallel_loop3A_818 : vector<16xf32>
        %parallel_loop3A_1051 = arith.constant 8 : i32
        %parallel_loop3A_1052 = arith.divsi %parallel_loop3A_816, %parallel_loop3A_1051 : i32
        %parallel_loop3A_1053 = arith.constant 0 : i32
        %parallel_loop3A_1054 = arith.cmpi sgt, %parallel_loop3A_816, %parallel_loop3A_1053 : i32
        %parallel_loop3A_1055 = arith.extui %parallel_loop3A_1054 : i1 to i32
        %parallel_loop3A_1056 = arith.constant 0 : i32
        %parallel_loop3A_1057 = arith.cmpi slt, %parallel_loop3A_816, %parallel_loop3A_1056 : i32
        %parallel_loop3A_1058 = arith.extui %parallel_loop3A_1057 : i1 to i32
        %parallel_loop3A_1059 = arith.subi %parallel_loop3A_1055, %parallel_loop3A_1058 : i32
        %parallel_loop3A_1060 = arith.constant 0 : i32
        %parallel_loop3A_1061 = arith.cmpi sgt, %parallel_loop3A_1051, %parallel_loop3A_1060 : i32
        %parallel_loop3A_1062 = arith.extui %parallel_loop3A_1061 : i1 to i32
        %parallel_loop3A_1063 = arith.constant 0 : i32
        %parallel_loop3A_1064 = arith.cmpi slt, %parallel_loop3A_1051, %parallel_loop3A_1063 : i32
        %parallel_loop3A_1065 = arith.extui %parallel_loop3A_1064 : i1 to i32
        %parallel_loop3A_1066 = arith.subi %parallel_loop3A_1062, %parallel_loop3A_1065 : i32
        %parallel_loop3A_1067 = arith.cmpi ne, %parallel_loop3A_1059, %parallel_loop3A_1066 : i32
        %parallel_loop3A_1068 = arith.remsi %parallel_loop3A_816, %parallel_loop3A_1051 : i32
        %parallel_loop3A_1069 = arith.constant 0 : i32
        %parallel_loop3A_1070 = arith.cmpi ne, %parallel_loop3A_1068, %parallel_loop3A_1069 : i32
        %parallel_loop3A_1071 = arith.andi %parallel_loop3A_1067, %parallel_loop3A_1070 : i1
        %parallel_loop3A_1072 = arith.constant 1 : i32
        %parallel_loop3A_1073 = arith.subi %parallel_loop3A_1052, %parallel_loop3A_1072 : i32
        %parallel_loop3A_1074 = arith.select %parallel_loop3A_1071, %parallel_loop3A_1073, %parallel_loop3A_1052 : i32
        %parallel_loop3A_1075 = arith.constant 8 : i32
        %parallel_loop3A_1076 = arith.constant 0 : i32
        %parallel_loop3A_1077 = arith.cmpi eq, %parallel_loop3A_1075, %parallel_loop3A_1076 : i32
        %parallel_loop3A_1078 = arith.constant 1 : i32
        %parallel_loop3A_1079 = arith.select %parallel_loop3A_1077, %parallel_loop3A_1078, %parallel_loop3A_1075 : i32
        %parallel_loop3A_1080 = arith.remsi %parallel_loop3A_816, %parallel_loop3A_1079 : i32
        %parallel_loop3A_1081 = arith.constant 0 : i32
        %parallel_loop3A_1082 = arith.cmpi ne, %parallel_loop3A_1080, %parallel_loop3A_1081 : i32
        %parallel_loop3A_1083 = arith.constant 0 : i32
        %parallel_loop3A_1084 = arith.cmpi slt, %parallel_loop3A_1080, %parallel_loop3A_1083 : i32
        %parallel_loop3A_1085 = arith.constant 0 : i32
        %parallel_loop3A_1086 = arith.cmpi slt, %parallel_loop3A_1079, %parallel_loop3A_1085 : i32
        %parallel_loop3A_1087 = arith.xori %parallel_loop3A_1084, %parallel_loop3A_1086 : i1
        %parallel_loop3A_1088 = arith.andi %parallel_loop3A_1087, %parallel_loop3A_1082 : i1
        %parallel_loop3A_1089 = arith.addi %parallel_loop3A_1080, %parallel_loop3A_1079 : i32
        %parallel_loop3A_1090 = arith.select %parallel_loop3A_1088, %parallel_loop3A_1089, %parallel_loop3A_1080 : i32
        %parallel_loop3A_1091 = arith.index_cast %parallel_loop3A_1074 : i32 to index
        %parallel_loop3A_1092 = arith.index_cast %parallel_loop3A_1090 : i32 to index
        %parallel_loop3A_1093 = arith.constant 80 : index
        %parallel_loop3A_1094 = tpu.vector_load %arg12[%parallel_loop3A_1091, %parallel_loop3A_1092, %parallel_loop3A_1093] {strides = array<i32>} : memref<8x8x128xf32, #tpu.memory_space<vmem>>, vector<16xf32>,
        tpu.vector_store %arg12[%parallel_loop3A_1091, %parallel_loop3A_1092, %parallel_loop3A_1093], %parallel_loop3A_1050 {strides = array<i32>} : memref<8x8x128xf32, #tpu.memory_space<vmem>>, vector<16xf32>,
        %parallel_loop3A_1095 = tpu.vector_load_idx %arg10[%add3A_33, %parallel_loop3A_817] : memref<128x64xf32, #tpu.memory_space<vmem>>[vector<16xi32>, vector<16xi32>], vector<16xf32>,
        %parallel_loop3A_1096 = arith.addf %parallel_loop3A_1095, %parallel_loop3A_818 : vector<16xf32>
        %parallel_loop3A_1097 = arith.constant 8 : i32
        %parallel_loop3A_1098 = arith.divsi %parallel_loop3A_816, %parallel_loop3A_1097 : i32
        %parallel_loop3A_1099 = arith.constant 0 : i32
        %parallel_loop3A_1100 = arith.cmpi sgt, %parallel_loop3A_816, %parallel_loop3A_1099 : i32
        %parallel_loop3A_1101 = arith.extui %parallel_loop3A_1100 : i1 to i32
        %parallel_loop3A_1102 = arith.constant 0 : i32
        %parallel_loop3A_1103 = arith.cmpi slt, %parallel_loop3A_816, %parallel_loop3A_1102 : i32
        %parallel_loop3A_1104 = arith.extui %parallel_loop3A_1103 : i1 to i32
        %parallel_loop3A_1105 = arith.subi %parallel_loop3A_1101, %parallel_loop3A_1104 : i32
        %parallel_loop3A_1106 = arith.constant 0 : i32
        %parallel_loop3A_1107 = arith.cmpi sgt, %parallel_loop3A_1097, %parallel_loop3A_1106 : i32
        %parallel_loop3A_1108 = arith.extui %parallel_loop3A_1107 : i1 to i32
        %parallel_loop3A_1109 = arith.constant 0 : i32
        %parallel_loop3A_1110 = arith.cmpi slt, %parallel_loop3A_1097, %parallel_loop3A_1109 : i32
        %parallel_loop3A_1111 = arith.extui %parallel_loop3A_1110 : i1 to i32
        %parallel_loop3A_1112 = arith.subi %parallel_loop3A_1108, %parallel_loop3A_1111 : i32
        %parallel_loop3A_1113 = arith.cmpi ne, %parallel_loop3A_1105, %parallel_loop3A_1112 : i32
        %parallel_loop3A_1114 = arith.remsi %parallel_loop3A_816, %parallel_loop3A_1097 : i32
        %parallel_loop3A_1115 = arith.constant 0 : i32
        %parallel_loop3A_1116 = arith.cmpi ne, %parallel_loop3A_1114, %parallel_loop3A_1115 : i32
        %parallel_loop3A_1117 = arith.andi %parallel_loop3A_1113, %parallel_loop3A_1116 : i1
        %parallel_loop3A_1118 = arith.constant 1 : i32
        %parallel_loop3A_1119 = arith.subi %parallel_loop3A_1098, %parallel_loop3A_1118 : i32
        %parallel_loop3A_1120 = arith.select %parallel_loop3A_1117, %parallel_loop3A_1119, %parallel_loop3A_1098 : i32
        %parallel_loop3A_1121 = arith.constant 8 : i32
        %parallel_loop3A_1122 = arith.constant 0 : i32
        %parallel_loop3A_1123 = arith.cmpi eq, %parallel_loop3A_1121, %parallel_loop3A_1122 : i32
        %parallel_loop3A_1124 = arith.constant 1 : i32
        %parallel_loop3A_1125 = arith.select %parallel_loop3A_1123, %parallel_loop3A_1124, %parallel_loop3A_1121 : i32
        %parallel_loop3A_1126 = arith.remsi %parallel_loop3A_816, %parallel_loop3A_1125 : i32
        %parallel_loop3A_1127 = arith.constant 0 : i32
        %parallel_loop3A_1128 = arith.cmpi ne, %parallel_loop3A_1126, %parallel_loop3A_1127 : i32
        %parallel_loop3A_1129 = arith.constant 0 : i32
        %parallel_loop3A_1130 = arith.cmpi slt, %parallel_loop3A_1126, %parallel_loop3A_1129 : i32
        %parallel_loop3A_1131 = arith.constant 0 : i32
        %parallel_loop3A_1132 = arith.cmpi slt, %parallel_loop3A_1125, %parallel_loop3A_1131 : i32
        %parallel_loop3A_1133 = arith.xori %parallel_loop3A_1130, %parallel_loop3A_1132 : i1
        %parallel_loop3A_1134 = arith.andi %parallel_loop3A_1133, %parallel_loop3A_1128 : i1
        %parallel_loop3A_1135 = arith.addi %parallel_loop3A_1126, %parallel_loop3A_1125 : i32
        %parallel_loop3A_1136 = arith.select %parallel_loop3A_1134, %parallel_loop3A_1135, %parallel_loop3A_1126 : i32
        %parallel_loop3A_1137 = arith.index_cast %parallel_loop3A_1120 : i32 to index
        %parallel_loop3A_1138 = arith.index_cast %parallel_loop3A_1136 : i32 to index
        %parallel_loop3A_1139 = arith.constant 96 : index
        %parallel_loop3A_1140 = tpu.vector_load %arg12[%parallel_loop3A_1137, %parallel_loop3A_1138, %parallel_loop3A_1139] {strides = array<i32>} : memref<8x8x128xf32, #tpu.memory_space<vmem>>, vector<16xf32>,
        tpu.vector_store %arg12[%parallel_loop3A_1137, %parallel_loop3A_1138, %parallel_loop3A_1139], %parallel_loop3A_1096 {strides = array<i32>} : memref<8x8x128xf32, #tpu.memory_space<vmem>>, vector<16xf32>,
        %parallel_loop3A_1141 = tpu.vector_load_idx %arg10[%add3A_37, %parallel_loop3A_817] : memref<128x64xf32, #tpu.memory_space<vmem>>[vector<16xi32>, vector<16xi32>], vector<16xf32>,
        %parallel_loop3A_1142 = arith.addf %parallel_loop3A_1141, %parallel_loop3A_818 : vector<16xf32>
        %parallel_loop3A_1143 = arith.constant 8 : i32
        %parallel_loop3A_1144 = arith.divsi %parallel_loop3A_816, %parallel_loop3A_1143 : i32
        %parallel_loop3A_1145 = arith.constant 0 : i32
        %parallel_loop3A_1146 = arith.cmpi sgt, %parallel_loop3A_816, %parallel_loop3A_1145 : i32
        %parallel_loop3A_1147 = arith.extui %parallel_loop3A_1146 : i1 to i32
        %parallel_loop3A_1148 = arith.constant 0 : i32
        %parallel_loop3A_1149 = arith.cmpi slt, %parallel_loop3A_816, %parallel_loop3A_1148 : i32
        %parallel_loop3A_1150 = arith.extui %parallel_loop3A_1149 : i1 to i32
        %parallel_loop3A_1151 = arith.subi %parallel_loop3A_1147, %parallel_loop3A_1150 : i32
        %parallel_loop3A_1152 = arith.constant 0 : i32
        %parallel_loop3A_1153 = arith.cmpi sgt, %parallel_loop3A_1143, %parallel_loop3A_1152 : i32
        %parallel_loop3A_1154 = arith.extui %parallel_loop3A_1153 : i1 to i32
        %parallel_loop3A_1155 = arith.constant 0 : i32
        %parallel_loop3A_1156 = arith.cmpi slt, %parallel_loop3A_1143, %parallel_loop3A_1155 : i32
        %parallel_loop3A_1157 = arith.extui %parallel_loop3A_1156 : i1 to i32
        %parallel_loop3A_1158 = arith.subi %parallel_loop3A_1154, %parallel_loop3A_1157 : i32
        %parallel_loop3A_1159 = arith.cmpi ne, %parallel_loop3A_1151, %parallel_loop3A_1158 : i32
        %parallel_loop3A_1160 = arith.remsi %parallel_loop3A_816, %parallel_loop3A_1143 : i32
        %parallel_loop3A_1161 = arith.constant 0 : i32
        %parallel_loop3A_1162 = arith.cmpi ne, %parallel_loop3A_1160, %parallel_loop3A_1161 : i32
        %parallel_loop3A_1163 = arith.andi %parallel_loop3A_1159, %parallel_loop3A_1162 : i1
        %parallel_loop3A_1164 = arith.constant 1 : i32
        %parallel_loop3A_1165 = arith.subi %parallel_loop3A_1144, %parallel_loop3A_1164 : i32
        %parallel_loop3A_1166 = arith.select %parallel_loop3A_1163, %parallel_loop3A_1165, %parallel_loop3A_1144 : i32
        %parallel_loop3A_1167 = arith.constant 8 : i32
        %parallel_loop3A_1168 = arith.constant 0 : i32
        %parallel_loop3A_1169 = arith.cmpi eq, %parallel_loop3A_1167, %parallel_loop3A_1168 : i32
        %parallel_loop3A_1170 = arith.constant 1 : i32
        %parallel_loop3A_1171 = arith.select %parallel_loop3A_1169, %parallel_loop3A_1170, %parallel_loop3A_1167 : i32
        %parallel_loop3A_1172 = arith.remsi %parallel_loop3A_816, %parallel_loop3A_1171 : i32
        %parallel_loop3A_1173 = arith.constant 0 : i32
        %parallel_loop3A_1174 = arith.cmpi ne, %parallel_loop3A_1172, %parallel_loop3A_1173 : i32
        %parallel_loop3A_1175 = arith.constant 0 : i32
        %parallel_loop3A_1176 = arith.cmpi slt, %parallel_loop3A_1172, %parallel_loop3A_1175 : i32
        %parallel_loop3A_1177 = arith.constant 0 : i32
        %parallel_loop3A_1178 = arith.cmpi slt, %parallel_loop3A_1171, %parallel_loop3A_1177 : i32
        %parallel_loop3A_1179 = arith.xori %parallel_loop3A_1176, %parallel_loop3A_1178 : i1
        %parallel_loop3A_1180 = arith.andi %parallel_loop3A_1179, %parallel_loop3A_1174 : i1
        %parallel_loop3A_1181 = arith.addi %parallel_loop3A_1172, %parallel_loop3A_1171 : i32
        %parallel_loop3A_1182 = arith.select %parallel_loop3A_1180, %parallel_loop3A_1181, %parallel_loop3A_1172 : i32
        %parallel_loop3A_1183 = arith.index_cast %parallel_loop3A_1166 : i32 to index
        %parallel_loop3A_1184 = arith.index_cast %parallel_loop3A_1182 : i32 to index
        %parallel_loop3A_1185 = arith.constant 112 : index
        %parallel_loop3A_1186 = tpu.vector_load %arg12[%parallel_loop3A_1183, %parallel_loop3A_1184, %parallel_loop3A_1185] {strides = array<i32>} : memref<8x8x128xf32, #tpu.memory_space<vmem>>, vector<16xf32>,
        tpu.vector_store %arg12[%parallel_loop3A_1183, %parallel_loop3A_1184, %parallel_loop3A_1185], %parallel_loop3A_1142 {strides = array<i32>} : memref<8x8x128xf32, #tpu.memory_space<vmem>>, vector<16xf32>,
      } {sc.loop_unroll_factor = 8 : i64, sc.parallel_access}
      %jit3A_763 = arith.constant 50 : i32
      %eq3A_764 = arith.constant 0 : i32
      %eq3A_765 = arith.cmpi eq, %jit3A_763, %eq3A_764 : i32
      %jit3A_766 = arith.constant 1 : i32
      %select_n3A_767 = arith.select %eq3A_765, %jit3A_766, %jit3A_763 : i32
      %rem3A_768 = arith.remsi %add3A_614, %select_n3A_767 : i32
      %ne3A_769 = arith.constant 0 : i32
      %ne3A_770 = arith.cmpi ne, %rem3A_768, %ne3A_769 : i32
      %lt3A_771 = arith.constant 0 : i32
      %lt3A_772 = arith.cmpi slt, %rem3A_768, %lt3A_771 : i32
      %lt3A_773 = arith.constant 0 : i32
      %lt3A_774 = arith.cmpi slt, %select_n3A_767, %lt3A_773 : i32
      %ne3A_775 = arith.xori %lt3A_772, %lt3A_774 : i1
      %and3A_776 = arith.andi %ne3A_775, %ne3A_770 : i1
      %add3A_777 = arith.addi %rem3A_768, %select_n3A_767 : i32
      %select_n3A_778 = arith.select %and3A_776, %add3A_777, %rem3A_768 : i32
      %mul3A_779 = arith.constant 4 : i32
      %mul3A_780 = arith.muli %add3A, %mul3A_779 : i32
      %jit3A_781 = arith.constant 50 : i32
      %div3A_782 = arith.divsi %add3A_614, %jit3A_781 : i32
      %sign3A_783 = arith.constant 0 : i32
      %sign3A_784 = arith.cmpi sgt, %add3A_614, %sign3A_783 : i32
      %sign3A_785 = arith.extui %sign3A_784 : i1 to i32
      %sign3A_786 = arith.constant 0 : i32
      %sign3A_787 = arith.cmpi slt, %add3A_614, %sign3A_786 : i32
      %sign3A_788 = arith.extui %sign3A_787 : i1 to i32
      %sign3A_789 = arith.subi %sign3A_785, %sign3A_788 : i32
      %sign3A_790 = arith.constant 0 : i32
      %sign3A_791 = arith.cmpi sgt, %jit3A_781, %sign3A_790 : i32
      %sign3A_792 = arith.extui %sign3A_791 : i1 to i32
      %sign3A_793 = arith.constant 0 : i32
      %sign3A_794 = arith.cmpi slt, %jit3A_781, %sign3A_793 : i32
      %sign3A_795 = arith.extui %sign3A_794 : i1 to i32
      %sign3A_796 = arith.subi %sign3A_792, %sign3A_795 : i32
      %ne3A_797 = arith.cmpi ne, %sign3A_789, %sign3A_796 : i32
      %rem3A_798 = arith.remsi %add3A_614, %jit3A_781 : i32
      %ne3A_799 = arith.constant 0 : i32
      %ne3A_800 = arith.cmpi ne, %rem3A_798, %ne3A_799 : i32
      %and3A_801 = arith.andi %ne3A_797, %ne3A_800 : i1
      %sub3A_802 = arith.constant 1 : i32
      %sub3A_803 = arith.subi %div3A_782, %sub3A_802 : i32
      %select_n3A_804 = arith.select %and3A_801, %sub3A_803, %div3A_782 : i32
      %add3A_805 = arith.addi %mul3A_780, %select_n3A_804 : i32
      %dma_start3A_806 = arith.constant 0 : i32
      %dma_start3A_807 = arith.constant 0 : i32
      %dma_start3A_808 = arith.constant 0 : i32
      %dma_start3A_809 = tpu.memref_slice %arg5[%select_n3A_778, %dma_start3A_806, %add3A_805, %dma_start3A_807, %dma_start3A_808] : memref<50x8x128x8x128xf32, #tpu.memory_space<hbm>> -> memref<1x8x1x8x128xf32, #tpu.memory_space<hbm>>
      %dma_start3A_810 = tpu.memref_squeeze %dma_start3A_809 : memref<1x8x1x8x128xf32, #tpu.memory_space<hbm>> -> memref<8x8x128xf32, #tpu.memory_space<hbm>>
      %dma_start3A_811 = arith.constant 0 : i32
      %dma_start3A_812 = arith.constant 0 : i32
      %dma_start3A_813 = arith.constant 0 : i32
      %dma_start3A_814 = tpu.memref_slice %arg5[%select_n3A_778, %dma_start3A_811, %add3A_805, %dma_start3A_812, %dma_start3A_813] : memref<50x8x128x8x128xf32, #tpu.memory_space<hbm>> -> memref<1x8x1x8x128xf32, #tpu.memory_space<hbm>>
      %dma_start3A_815 = tpu.memref_squeeze %dma_start3A_814 : memref<1x8x1x8x128xf32, #tpu.memory_space<hbm>> -> memref<8x8x128xf32, #tpu.memory_space<hbm>>
      tpu.enqueue_dma source(%arg12 : memref<8x8x128xf32, #tpu.memory_space<vmem>>) target(%dma_start3A_815 : memref<8x8x128xf32, #tpu.memory_space<hbm>>) target_semaphore(%arg17 : memref<!tpu.dma_semaphore, #tpu.memory_space<semaphore_mem>>)
    }
    %scan3A_376 = arith.constant 99 : i32
    %dma_wait3A_377 = arith.constant 0 : i32
    %dma_wait3A_378 = arith.constant 0 : i32
    %dma_wait3A_379 = tpu.memref_slice %arg3[%dma_wait3A_377, %dma_wait3A_378] : memref<1000000x64xf32, #tpu.memory_space<hbm>> -> memref<128x64xf32, #tpu.memory_space<hbm>>
    %dma_wait3A_380 = arith.constant 0 : i32
    %dma_wait3A_381 = arith.constant 0 : i32
    %dma_wait3A_382 = tpu.memref_slice %arg3[%dma_wait3A_380, %dma_wait3A_381] : memref<1000000x64xf32, #tpu.memory_space<hbm>> -> memref<128x64xf32, #tpu.memory_space<hbm>>
    tpu.wait_dma2 semaphore(%arg14 : memref<!tpu.dma_semaphore, #tpu.memory_space<semaphore_mem>>) src(%dma_wait3A_382 : memref<128x64xf32, #tpu.memory_space<hbm>>) dst(%arg9 : memref<128x64xf32, #tpu.memory_space<vmem>>)
    %dma_wait3A_383 = arith.constant 0 : i32
    %dma_wait3A_384 = arith.constant 0 : i32
    %dma_wait3A_385 = arith.constant 0 : i32
    %dma_wait3A_386 = arith.constant 0 : i32
    %dma_wait3A_387 = arith.constant 0 : i32
    %dma_wait3A_388 = tpu.memref_slice %arg5[%dma_wait3A_383, %dma_wait3A_385, %dma_wait3A_384, %dma_wait3A_386, %dma_wait3A_387] : memref<50x8x128x8x128xf32, #tpu.memory_space<hbm>> -> memref<1x8x1x8x128xf32, #tpu.memory_space<hbm>>
    %dma_wait3A_389 = tpu.memref_squeeze %dma_wait3A_388 : memref<1x8x1x8x128xf32, #tpu.memory_space<hbm>> -> memref<8x8x128xf32, #tpu.memory_space<hbm>>
    %dma_wait3A_390 = arith.constant 0 : i32
    %dma_wait3A_391 = arith.constant 0 : i32
    %dma_wait3A_392 = arith.constant 0 : i32
    %dma_wait3A_393 = tpu.memref_slice %arg5[%dma_wait3A_383, %dma_wait3A_390, %dma_wait3A_384, %dma_wait3A_391, %dma_wait3A_392] : memref<50x8x128x8x128xf32, #tpu.memory_space<hbm>> -> memref<1x8x1x8x128xf32, #tpu.memory_space<hbm>>
    %dma_wait3A_394 = tpu.memref_squeeze %dma_wait3A_393 : memref<1x8x1x8x128xf32, #tpu.memory_space<hbm>> -> memref<8x8x128xf32, #tpu.memory_space<hbm>>
    tpu.wait_dma2 semaphore(%arg16 : memref<!tpu.dma_semaphore, #tpu.memory_space<semaphore_mem>>) src(%arg11 : memref<8x8x128xf32, #tpu.memory_space<vmem>>) dst(%dma_wait3A_394 : memref<8x8x128xf32, #tpu.memory_space<hbm>>)
    %dma_wait3A_395 = arith.constant 0 : i32
    %dma_wait3A_396 = arith.constant 0 : i32
    %dma_wait3A_397 = arith.constant 0 : i32
    %dma_wait3A_398 = arith.constant 0 : i32
    %dma_wait3A_399 = arith.constant 0 : i32
    %dma_wait3A_400 = tpu.memref_slice %arg5[%dma_wait3A_395, %dma_wait3A_397, %dma_wait3A_396, %dma_wait3A_398, %dma_wait3A_399] : memref<50x8x128x8x128xf32, #tpu.memory_space<hbm>> -> memref<1x8x1x8x128xf32, #tpu.memory_space<hbm>>
    %dma_wait3A_401 = tpu.memref_squeeze %dma_wait3A_400 : memref<1x8x1x8x128xf32, #tpu.memory_space<hbm>> -> memref<8x8x128xf32, #tpu.memory_space<hbm>>
    %dma_wait3A_402 = arith.constant 0 : i32
    %dma_wait3A_403 = arith.constant 0 : i32
    %dma_wait3A_404 = arith.constant 0 : i32
    %dma_wait3A_405 = tpu.memref_slice %arg5[%dma_wait3A_395, %dma_wait3A_402, %dma_wait3A_396, %dma_wait3A_403, %dma_wait3A_404] : memref<50x8x128x8x128xf32, #tpu.memory_space<hbm>> -> memref<1x8x1x8x128xf32, #tpu.memory_space<hbm>>
    %dma_wait3A_406 = tpu.memref_squeeze %dma_wait3A_405 : memref<1x8x1x8x128xf32, #tpu.memory_space<hbm>> -> memref<8x8x128xf32, #tpu.memory_space<hbm>>
    tpu.wait_dma2 semaphore(%arg17 : memref<!tpu.dma_semaphore, #tpu.memory_space<semaphore_mem>>) src(%arg12 : memref<8x8x128xf32, #tpu.memory_space<vmem>>) dst(%dma_wait3A_406 : memref<8x8x128xf32, #tpu.memory_space<hbm>>)
    return
  }
}

module attributes {stable_mosaic.version = 14 : i64} {
  func.func @_tt_body(%arg0: i32, %arg1: memref<64x18432xf32, #tpu.memory_space<vmem>>, %arg2: memref<9216x128xf32, #tpu.memory_space<vmem>>, %arg3: memref<18432x64xf32, #tpu.memory_space<vmem>>) attributes {dimension_semantics = [#tpu.dimension_semantics<parallel>], iteration_bounds = array<i64: 55>, scalar_prefetch = 0 : i64, scratch_operands = 1 : i64, tpu.core_type = #tpu.core_type<tc>, window_params = [{transform_indices = @transform_0, window_bounds = array<i64: 64, 18432>}, {transform_indices = @transform_1, window_bounds = array<i64: 9216, 128>}]} {
    %get3A = arith.constant 0 : index
    %get3A_0 = arith.constant 0 : index
    %get3A_1 = vector.load %arg1[%get3A, %get3A_0] : memref<64x18432xf32, #tpu.memory_space<vmem>>, vector<64x18432xf32>
    %transpose3A = tpu.transpose %get3A_1, [1, 0] : vector<64x18432xf32> -> vector<18432x64xf32>
    %swap3A = arith.constant 0 : index
    %swap3A_2 = arith.constant 0 : index
    %swap3A_3 = vector.load %arg3[%swap3A, %swap3A_2] : memref<18432x64xf32, #tpu.memory_space<vmem>>, vector<18432x64xf32>
    tpu.vector_store %arg3[%swap3A, %swap3A_2], %transpose3A {strides = array<i32>} : memref<18432x64xf32, #tpu.memory_space<vmem>>, vector<18432x64xf32>,
    %get3A_4 = arith.constant 0 : index
    %get3A_5 = arith.constant 0 : index
    %get3A_6 = tpu.strided_load %arg3[%get3A_4, %get3A_5] {strides = array<i32: 2, 1>} : memref<18432x64xf32, #tpu.memory_space<vmem>>, vector<9216x64xf32>
    %swap3A_7 = arith.constant 0 : index
    %swap3A_8 = arith.constant 0 : index
    %swap3A_9 = vector.load %arg2[%swap3A_7, %swap3A_8] : memref<9216x128xf32, #tpu.memory_space<vmem>>, vector<9216x64xf32>
    tpu.vector_store %arg2[%swap3A_7, %swap3A_8], %get3A_6 {strides = array<i32>} : memref<9216x128xf32, #tpu.memory_space<vmem>>, vector<9216x64xf32>,
    %get3A_10 = arith.constant 1 : index
    %get3A_11 = arith.constant 0 : index
    %get3A_12 = tpu.strided_load %arg3[%get3A_10, %get3A_11] {strides = array<i32: 2, 1>} : memref<18432x64xf32, #tpu.memory_space<vmem>>, vector<9216x64xf32>
    %swap3A_13 = arith.constant 0 : index
    %swap3A_14 = arith.constant 64 : index
    %swap3A_15 = vector.load %arg2[%swap3A_13, %swap3A_14] : memref<9216x128xf32, #tpu.memory_space<vmem>>, vector<9216x64xf32>
    tpu.vector_store %arg2[%swap3A_13, %swap3A_14], %get3A_12 {strides = array<i32>} : memref<9216x128xf32, #tpu.memory_space<vmem>>, vector<9216x64xf32>,
    return
  }
  func.func @transform_0(%arg0: i32) -> (i32, i32) {
    %c0_i32 = arith.constant 0 : i32
    %c0_i32_0 = arith.constant 0 : i32
    return %c0_i32, %arg0 : i32, i32
  }
  func.func @transform_1(%arg0: i32) -> (i32, i32) {
    %c0_i32 = arith.constant 0 : i32
    %c0_i32_0 = arith.constant 0 : i32
    return %arg0, %c0_i32 : i32, i32
  }
}

</mosaic_0001>

<sc_bundles>
// kernel: kernel.4.cloned.1.call-start
scs
__scs_entry_jumppad:
0x0: {  	(pc) =	sbr.rel $0x88, $3  }
0x1: {  	(tag) =	ssettag $0x0;
	lr =	simm.s32 $0x1  }
0x2: {  	[smem:$0x3F9E] =	sst lr;
	_ =	strace $0xD0000000  }
0x3: {  	_ = 	snop  }
0x4: {  	_ = 	snop  }
0x5: {  	_ = 	snop  }
0x6: {  	_ = 	snop  }
0x7: {  	_ = 	snop  }
__scs_overlays_trampoline_lowered:
0x8: {  	[smem:$0x3FAD] =	sst s0  }
0x9: {  	[smem:$0x3FAE] =	sst s1  }
0xa: {  	[smem:$0x3FAF] =	sst s2  }
0xb: {  	[smem:$0x3FB0] =	sst s3  }
0xc: {  	[smem:$0x3FB1] =	sst s4  }
0xd: {  	[smem:$0x3FB2] =	sst s5  }
0xe: {  	[smem:$0x3FB3] =	sst s6  }
0xf: {  	[smem:$0x3FB4] =	sst s7  }
0x10: {  	[smem:$0x3FB5] =	sst s8  }
0x11: {  	[smem:$0x3FB6] =	sst s9;
	s0 =	simm.s32 @!p0 $0x0  }
0x12: {  	s1 =	sld [smem:$0x3F9C];
	s0 =	simm.s32 @p0 $0x1  }
0x13: {  	[smem:$0x3FB7] =	sst s0;
	s0 =	simm.s32 @!p1 $0x0  }
0x14: {  	s2 =	sld [smem:$0x3F9B];
	s0 =	simm.s32 @p1 $0x1  }
0x15: {  	[smem:$0x3FB8] =	sst s0;
	s0 =	simm.s32 @!p2 $0x0  }
0x16: {  	s3 =	sld [smem:$0x3FDB];
	s0 =	simm.s32 @p2 $0x1  }
0x17: {  	s4 =	simm.s32 $0x1BF5;
	[smem:$0x3FBA] =	sst s0  }
0x18: {  	s0 =	sld [smem:$0x3F9D];
	_ =	swait.ge [sflag:s4], $0x0  }
0x19: {  	s7 =	sld [smem:$0x3F9E]  }
0x1a: {  	s8 =	sadd.s32 $0xFFFFE003, lr  }
0x1b: {  	s9 =	sadd.s32 $0xFFFFFEF7, lr;
	s5 =	simm.s32 $0xFFFFFFFF;
	p2 =	slt.u32 s8, $0xFFFFF086  }
0x1c: {  	p1 =	slt.u32 s9, $0xF7A;
	s5 =	simm.s32 @!p2 $0x0  }
0x1d: {  	s5 =	simm.s32 @p1 $0x1;
	p0 =	seq.s32 s7, s2  }
0x1e: {  	s7 =	smul.u32 @!p0 $0xF7A, s2;
	p2 =	seq.s32 @!p0 s5, $0x0  }
0x1f: {  	s9 =	smul.u32 $0xF7A, s1;
	s8 =	simm.s32 @!p0 $0x1BF5;
	p2 =	por !p2, p0  }
0x20: {  	[sflag:s8] =	ssyncset.s32 @!p0 $0xFFFFF086;
	s6 =	sadd.s32 @!p0 s3, s7;
	s7 =	simm.s32 @!p0 $0x108  }
0x21: {  	s3 =	sadd.s32 s3, s9;
	s6 =	sadd.s32 @!p0 $0x88, s6;
	s7 =	simm.s32 @p2 $0x1082  }
0x22: {  	[simem:s7], [sflag:s8] =	dma.local @!p0 [hbm:s6], $0xF7A  }
0x23: {  	s9 =	sor.u32 $0xD0000000, s2;
	s6 =	simm.s32 $0x108;
	_ =	swait.ge @!p0 [sflag:s8], $0x0  }
0x24: {  	s3 =	sadd.s32 $0x88, s3;
	s6 =	simm.s32 @!p1 $0x1082;
	[sflag:s4] =	ssyncset.s32 $0xFFFFF086  }
0x25: {  	[simem:s6], [sflag:s4] =	dma.local [hbm:s3], $0xF7A  }
0x26: {  	[smem:$0x3F9E] =	sst s1;
	(tag) =	ssettag s2;
	_ =	strace s9  }
0x27: {  	s1 =	sld [smem:$0x3FAE]  }
0x28: {  	s2 =	sld [smem:$0x3FAF]  }
0x29: {  	s4 =	sld [smem:$0x3FB1]  }
0x2a: {  	p0 =	seq.s32 s5, $0x0;
	s5 =	sld [smem:$0x3FB2]  }
0x2b: {  	s6 =	sld [smem:$0x3FB3]  }
0x2c: {  	s7 =	sld [smem:$0x3FB4]  }
0x2d: {  	s3 =	simm.s32 $0x108;
	s8 =	sld [smem:$0x3FB5]  }
0x2e: {  	s3 =	simm.s32 @!p0 $0x1082;
	s9 =	sld [smem:$0x3FB6]  }
0x2f: {  	lr =	sadd.s32 s0, s3;
	s0 =	sld [smem:$0x3FAD]  }
0x30: {  	s3 =	sld [smem:$0x3FB0]  }
0x31: {  	[smem:$0x3FB9] =	sst s10  }
0x32: {  	s10 =	sld [smem:$0x3FB7];
	_ =	sdelay $0x3  }
0x33: {  	p0 =	seq.s32 s10, $0x1;
	s10 =	sld [smem:$0x3FB9];
	_ =	sdelay $0x3  }
0x34: {  	[smem:$0x3FB9] =	sst s10  }
0x35: {  	s10 =	sld [smem:$0x3FB8];
	_ =	sdelay $0x3  }
0x36: {  	p1 =	seq.s32 s10, $0x1;
	s10 =	sld [smem:$0x3FB9];
	_ =	sdelay $0x3  }
0x37: {  	[smem:$0x3FB9] =	sst s10  }
0x38: {  	s10 =	sld [smem:$0x3FBA]  }
0x39: {  	_ = 	snop;
	(pc) =	sbr.ind lr, $3  }
0x3a: {  	_ = 	snop  }
0x3b: {  	_ = 	snop  }
0x3c: {  	p2 =	seq.s32 s10, $0x1;
	s10 =	sld [smem:$0x3FB9]  }
0x3d: {  	_ =	shalt  }
0x3e: {  	_ =	shalt  }
0x3f: {  	_ =	shalt  }
0x40: {  	_ =	shalt  }
0x41: {  	_ =	shalt  }
0x42: {  	_ =	shalt  }
0x43: {  	_ =	shalt  }
0x44: {  	_ =	shalt  }
0x45: {  	_ =	shalt  }
0x46: {  	_ =	shalt  }
0x47: {  	_ =	shalt  }
0x48: {  	_ =	shalt  }
0x49: {  	_ =	shalt  }
0x4a: {  	_ =	shalt  }
0x4b: {  	_ =	shalt  }
0x4c: {  	_ =	shalt  }
0x4d: {  	_ =	shalt  }
0x4e: {  	_ =	shalt  }
0x4f: {  	_ =	shalt  }
0x50: {  	_ =	shalt  }
0x51: {  	_ =	shalt  }
0x52: {  	_ =	shalt  }
0x53: {  	_ =	shalt  }
0x54: {  	_ =	shalt  }
0x55: {  	_ =	shalt  }
0x56: {  	_ =	shalt  }
0x57: {  	_ =	shalt  }
0x58: {  	_ =	shalt  }
0x59: {  	_ =	shalt  }
0x5a: {  	_ =	shalt  }
0x5b: {  	_ =	shalt  }
0x5c: {  	_ =	shalt  }
0x5d: {  	_ =	shalt  }
0x5e: {  	_ =	shalt  }
0x5f: {  	_ =	shalt  }
0x60: {  	_ =	shalt  }
0x61: {  	_ =	shalt  }
0x62: {  	_ =	shalt  }
0x63: {  	_ =	shalt  }
0x64: {  	_ =	shalt  }
0x65: {  	_ =	shalt  }
0x66: {  	_ =	shalt  }
0x67: {  	_ =	shalt  }
0x68: {  	_ =	shalt  }
0x69: {  	_ =	shalt  }
0x6a: {  	_ =	shalt  }
0x6b: {  	_ =	shalt  }
0x6c: {  	_ =	shalt  }
0x6d: {  	_ =	shalt  }
0x6e: {  	_ =	shalt  }
0x6f: {  	_ =	shalt  }
0x70: {  	_ =	shalt  }
0x71: {  	_ =	shalt  }
0x72: {  	_ =	shalt  }
0x73: {  	_ =	shalt  }
0x74: {  	_ =	shalt  }
0x75: {  	_ =	shalt  }
0x76: {  	_ =	shalt  }
0x77: {  	_ =	shalt  }
0x78: {  	_ =	shalt  }
0x79: {  	_ =	shalt  }
0x7a: {  	_ =	shalt  }
0x7b: {  	_ =	shalt  }
0x7c: {  	_ =	shalt  }
0x7d: {  	_ =	shalt  }
0x7e: {  	_ =	shalt  }
0x7f: {  	_ =	shalt  }
0x80: {  	_ =	shalt  }
0x81: {  	_ =	shalt  }
0x82: {  	_ =	shalt  }
0x83: {  	_ =	shalt  }
0x84: {  	_ =	shalt  }
0x85: {  	_ =	shalt  }
0x86: {  	_ =	shalt  }
0x87: {  	_ =	shalt  }
.Lfunc_end0:
.L_simem_size_0:
called_computation_lowered:
.L_overlay_start_0:
0x88: {  	s2 =	sld [smem:$0x3FD9]  }
0x89: {  	s3 =	sld [smem:$0x3FFE];
	_ =	sdelay $0x1  }
0x8a: {  	s1 =	srdreg.scid  }
0x8b: {  	s0 =	sand.u32 $0x1, s1  }
0x8c: {  	s17 =	sshll.u32 s0, $0xA;
	s2 =	sadd.s32 s3, s2  }
0x8d: {  	s2 =	sadd.s32 s2, s17  }
0x8e: {  	[smem:$0x3FC5] =	sst s2  }
0x8f: {  	_ = 	snop  }
0x90: {  	s2 =	sld [smem:$0x3FC7]  }
0x91: {  	s18 =	sld [smem:$0x3FD0];
	(tm) =	ssettm $0x1  }
0x92: {  	s4 =	sld [smem:$0x3FFB];
	_ =	sdelay $0x3  }
0x93: {  	_ =	strace s4  }
0x94: {  	s4 =	sld [smem:$0x3FFC];
	_ =	sdelay $0x3  }
0x95: {  	_ =	strace s4  }
0x96: {  	s4 =	sld [smem:$0x3FFD];
	_ =	sdelay $0x3  }
0x97: {  	_ =	strace s4  }
0x98: {  	_ =	strace $0x8FFFFFFF  }
0x99: {  	s19 =	sld [smem:$0x3FDB];
	_ =	sdelay $0x1  }
0x9a: {  	s5 =	simm.s32 $_scs_section_size  }
0x9b: {  	s6 =	simm.s32 $_size__tile_overlayer_lowered;
	s7 =	simm.s32 $_tile_overlayer_lowered  }
0x9c: {  	s22 =	simm.s32 $0x1BFF;
	s21 =	sshll.u32 s7, $0x1;
	s4 =	sadd.s32 s5, s19  }
0x9d: {  	s8 =	simm.s32 $0x0;
	s20 =	sshll.u32 s6, $0x1;
	s6 =	sadd.s32 s21, s4  }
0x9e: {  	[timem:s8], [sflag:s22] =	dma.local [hbm:s6], s20  }
0x9f: {  	_ =	swait.ge [sflag:s22], s20  }
0xa0: {  	s5 =	ssub.s32 $0x0, s20;
	[sflag:s22] =	ssyncset.done $0x0  }
0xa1: {  	[sflag:s22] =	ssyncadd.s32 s5;
	_ =	sdelay $0x1  }
0xa2: {  	s23 =	simm.s32 $0x1B8B  }
0xa3: {  	_ =	swait.ge [sflag:s23], $0x1  }
0xa4: {  	[sflag:s23] =	ssyncset.done $0x0  }
0xa5: {  	s25 =	simm.s32 $0x1B8E;
	s24 =	sld [smem:$0x3FFE];
	[sflag:s23] =	ssyncadd.s32 $0xFFFFFFFF  }
0xa6: {  	s26 =	simm.s32 $execute0_lowered;
	[smem:$0x3FD2] =	sst s25  }
0xa7: {  	s6 =	sshll.u32 s26, $0x1;
	_ =	strace $0x80000046;
	[dreg:$0x1] =	wrdreg $0xFFFFFFFF  }
0xa8: {  	s28 =	simm.s32 $_size_execute0_lowered;
	s4 =	sadd.s32 s4, s6;
	[dreg:$0x0] =	wrdreg $0x0  }
0xa9: {  	s6 =	sshll.u32 s28, $0x1;
	[dreg:$0x2] =	wrdreg s4  }
0xaa: {  	[dreg:$0x3] =	wrdreg s6  }
0xab: {  	[dreg:$0x4] =	wrdreg $0xC0  }
0xac: {  	_ =	task [dreg:s8], $0x5FFFF  }
0xad: {  	[dreg:$0x1] =	wrdreg $0xFFFFFFFF  }
0xae: {  	[dreg:$0x0] =	wrdreg $0x60  }
0xaf: {  	[dreg:$0x2] =	wrdreg s24  }
0xb0: {  	[dreg:$0x3] =	wrdreg s2  }
0xb1: {  	[dreg:$0x4] =	wrdreg s18  }
0xb2: {  	[dreg:$0x5] =	wrdreg $0x9  }
0xb3: {  	_ =	task.clear_ibuf [dreg:s8], $0x6FFFF;
	_ =	strace $0x90000046  }
0xb4: {  	s29 =	simm.s32 $0x9;
	_ =	strace $0x80000048  }
0xb5: {  	_ =	swait.ge [sflag:s29], $0x1  }
0xb6: {  	[sflag:s29] =	ssyncadd.s32 $0xFFFFFFFF  }
0xb7: {  	_ =	strace $0x90000048  }
0xb8: {  	_ =	sfence  }
0xb9: {  	s30 =	sld [smem:$0x0];
	_ =	sdelay $0x2  }
0xba: {  	s31 =	sshll.u32 s1, $0xD;
	s1 =	sshrl.u32 s1, $0x2  }
0xbb: {  	s3 =	sand.u32 $0x4000, s31;
	s1 =	sadd.s32 s1, s30  }
0xbc: {  	s0 =	sor.u32 s3, s0;
	s1 =	sshll.u32 s1, $0x11  }
0xbd: {  	s0 =	sor.u32 s1, s0  }
0xbe: {  	s0 =	sadd.s32 $0x8F2B, s0  }
0xbf: {  	[sflag:s0] =	ssyncadd.remote.s32 $0x1  }
0xc0: {  	_ =	sfence.sel $0xFFFF  }
0xc1: {  	[dreg:$0x0] =	wrdreg $0xFFFFFFFF;
	(pc) =	sbr.abs _section_cstart, $3  }
0xc2: {  	[dreg:$0x1] =	wrdreg $0xFFFFFFFF  }
0xc3: {  	_ =	task.clear_ibuf [dreg:s8], $0x2FFFF;
	_ =	strace $0x9FFFFFFF  }
0xc4: {  	(tm) =	ssettm $0x7FFFFFFF  }
0xc5: {  	_ =	shalt  }
tec
execute0_lowered:
.L_overlay_start_1:
0x0: {  	(tag) =	ssettag $0x1  }
0x1: {  	v0 =	vlaneseq.u32  }
0x2: {  	v1 =	vmul.u32 $0x32, v0;
	_ =	sdelay $0x1  }
0x3: {  	v2 =	vadd.s32 $0x320, v1;
	[tilespmem:$0x1FD50] =	vst v1  }
0x4: {  	v8 =	vadd.s32 $0x640, v1;
	[tilespmem:$0x1FC70] =	vst v2  }
0x5: {  	v9 =	vadd.s32 $0x960, v1;
	[tilespmem:$0x1FC80] =	vst v8  }
0x6: {  	v10 =	vadd.s32 $0xC80, v1;
	[tilespmem:$0x1FC90] =	vst v9  }
0x7: {  	v11 =	vadd.s32 $0xFA0, v1;
	[tilespmem:$0x1FCA0] =	vst v10  }
0x8: {  	v24 =	vadd.s32 $0x12C0, v1;
	[tilespmem:$0x1FCB0] =	vst v11  }
0x9: {  	v25 =	vadd.s32 $0x15E0, v1;
	[tilespmem:$0x1FCC0] =	vst v24  }
0xa: {  	v26 =	vor.u32 $0x1, v1;
	[tilespmem:$0x1FCD0] =	vst v25  }
0xb: {  	v32 =	vadd.s32 $0x321, v1;
	[tilespmem:$0x1FCE0] =	vst v26  }
0xc: {  	v33 =	vadd.s32 $0x641, v1;
	[tilespmem:$0x1FCF0] =	vst v32  }
0xd: {  	v34 =	vadd.s32 $0x961, v1;
	[tilespmem:$0x1FD00] =	vst v33  }
0xe: {  	v35 =	vadd.s32 $0xC81, v1;
	[tilespmem:$0x1FD10] =	vst v34  }
0xf: {  	v36 =	vadd.s32 $0xFA1, v1;
	[tilespmem:$0x1FD20] =	vst v35  }
0x10: {  	v60 =	vmul.u32 $0x40, v0;
	v37 =	vadd.s32 $0x12C1, v1;
	[tilespmem:$0x1FD30] =	vst v36  }
0x11: {  	v38 =	vadd.s32 $0x15E1, v1;
	[tilespmem:$0x1FD40] =	vst v37  }
0x12: {  	v39 =	vor.u32 $0x801, v60;
	[tilespmem:$0x1FD60] =	vst v38  }
0x13: {  	v40 =	vor.u32 $0xC01, v60;
	[tilespmem:$0x1FD70] =	vst v39  }
0x14: {  	v41 =	vor.u32 $0x1001, v60;
	[tilespmem:$0x1FD80] =	vst v40  }
0x15: {  	v42 =	vor.u32 $0x1401, v60;
	[tilespmem:$0x1FD90] =	vst v41  }
0x16: {  	v43 =	vor.u32 $0x1801, v60;
	[tilespmem:$0x1FDA0] =	vst v42  }
0x17: {  	v44 =	vor.u32 $0x1C01, v60;
	[tilespmem:$0x1FDB0] =	vst v43  }
0x18: {  	v45 =	vor.u32 $0x402, v60;
	[tilespmem:$0x1FDC0] =	vst v44  }
0x19: {  	v46 =	vor.u32 $0x802, v60;
	[tilespmem:$0x1FDD0] =	vst v45  }
0x1a: {  	s3 =	srdreg.scid;
	v47 =	vor.u32 $0xC02, v60;
	[tilespmem:$0x1FDE0] =	vst v46  }
0x1b: {  	s2 =	rddreg [dreg:$0x0];
	s4 =	sand.u32 $0x1, s3;
	s3 =	simm.s32 $0x0;
	v49 =	vor.u32 $0x1002, v60;
	[tilespmem:$0x1FDF0] =	vst v47  }
0x1c: {  	[smem:$0x7FF] =	sst s3;
	v50 =	vor.u32 $0x1402, v60;
	[tilespmem:$0x1FE00] =	vst v49  }
0x1d: {  	s6 =	rddreg [dreg:$0x2];
	v51 =	vor.u32 $0x1802, v60;
	_ =	strace $0x80000047;
	[tilespmem:$0x1FE10] =	vst v50  }
0x1e: {  	v52 =	vor.u32 $0x1C02, v60;
	[tilespmem:$0x1FE20] =	vst v51  }
0x1f: {  	v53 =	vor.u32 $0x803, v60;
	[tilespmem:$0x1FE30] =	vst v52  }
0x20: {  	v55 =	vor.u32 $0x4, v60;
	[tilespmem:$0x1FE40] =	vst v53  }
0x21: {  	v5 =	vor.u32 $0x3, v60;
	[tilespmem:$0x1FE50] =	vst v55  }
0x22: {  	v18 =	vor.u32 $0x403, v60;
	[tilespmem:$0x1FE60] =	vst v5  }
0x23: {  	v22 =	vor.u32 $0x804, v60;
	[tilespmem:$0x1FE70] =	vst v18  }
0x24: {  	v29 =	vor.u32 $0xC04, v60;
	[tilespmem:$0x1FE90] =	vst v22  }
0x25: {  	v32 =	vor.u32 $0x5, v60;
	[tilespmem:$0x1FEA0] =	vst v29  }
0x26: {  	v13 =	vor.u32 $0x405, v60;
	[tilespmem:$0x1FEB0] =	vst v32  }
0x27: {  	v17 =	vor.u32 $0x805, v60;
	[tilespmem:$0x1FEC0] =	vst v13  }
0x28: {  	v43 =	vor.u32 $0x1404, v60;
	[tilespmem:$0x1FED0] =	vst v17  }
0x29: {  	v14 =	vor.u32 $0x1804, v60;
	[tilespmem:$0x1FEE0] =	vst v43  }
0x2a: {  	v42 =	vor.u32 $0x1004, v60;
	[tilespmem:$0x1FEF0] =	vst v14  }
0x2b: {  	v38 =	vor.u32 $0xC05, v60;
	[tilespmem:$0x1FF00] =	vst v42  }
0x2c: {  	v40 =	vor.u32 $0xC03, v60;
	[tilespmem:$0x1FF10] =	vst v38  }
0x2d: {  	v47 =	vor.u32 $0x1005, v60;
	[tilespmem:$0x1FF20] =	vst v40  }
0x2e: {  	v48 =	vor.u32 $0x2, v60;
	[tilespmem:$0x1FF30] =	vst v47  }
0x2f: {  	v49 =	vor.u32 $0x1C04, v60;
	[tilespmem:$0x1FF70] =	vst v48  }
0x30: {  	v12 =	vor.u32 $0x1C03, v60;
	[tilespmem:$0x1FF80] =	vst v49  }
0x31: {  	v56 =	vor.u32 $0x1C05, v60;
	[tilespmem:$0x1FF90] =	vst v12  }
0x32: {  	s0 =	stileid.u32;
	s10 =	simm.s32 $0x5;
	s11 =	simm.s32 $0x80;
	v31 =	vor.u32 $0x1000, v60;
	[tilespmem:$0x1FFA0] =	vst v56  }
0x33: {  	s12 =	simm.s32 $0x6400;
	s13 =	simm.s32 $0x6500;
	s14 =	simm.s32 $0x1;
	v8 =	vor.u32 $0x1805, v60;
	[tilespmem:$0x1FFB0] =	vst v31  }
0x34: {  	s15 =	simm.s32 $0x6480;
	s16 =	simm.s32 $0x8500;
	s17 =	simm.s32 $0x400;
	v54 =	vor.u32 $0x1400, v60;
	[tilespmem:$0x1FFC0] =	vst v8  }
0x35: {  	s18 =	simm.s32 $0x20000;
	s19 =	simm.s32 $0xA500;
	s20 =	simm.s32 $0x2;
	v15 =	vor.u32 $0x1803, v60;
	[tilespmem:$0x1FFD0] =	vst v54  }
0x36: {  	s21 =	simm.s32 $0xC500;
	s22 =	simm.s32 $0x3;
	s30 =	sshll.u32 s0, $0x1;
	v37 =	vor.u32 $0x1800, v60;
	[tilespmem:$0x1FFE0] =	vst v15  }
0x37: {  	s23 =	simm.s32 $0x4;
	s24 =	simm.s32 $0x0;
	s5 =	sor.u32 s4, s30;
	v52 =	vor.u32 $0x404, v60;
	[tilespmem:$0x1FFF0] =	vst v37  }
0x38: {  	s8 =	ssub.s32 $0x2, s4;
	s7 =	smul.u32 $0xC80, s5;
	s9 =	sshll.u32 s5, $0x9;
	v50 =	vor.u32 $0x1003, v60;
	[tilespmem:$0x1FE80] =	vst v52  }
0x39: {  	s4 =	sadd.s32 $0x19400, s2;
	v61 =	vor.u32 $0x400, v60;
	s31 =	sshrl.u32 s8, $0x1;
	s6 =	sadd.s32 s6, s9;
	v51 =	vor.u32 $0x1405, v60;
	[tilespmem:$0x1FF40] =	vst v50  }
0x3a: {  	v62 =	vor.u32 $0x800, v60;
	v63 =	vor.u32 $0xC00, v60;
	s9 =	simm.s32 $0xE500;
	s7 =	sadd.s32 s7, s2;
	s2 =	ssub.s32 s8, s31;
	v53 =	vor.u32 $0x1403, v60;
	[tilespmem:$0x1FF50] =	vst v51  }
0x3b: {  	v57 =	vor.u32 $0x1C00, v60;
	v58 =	vor.u32 $0x1, v60;
	v59 =	vor.u32 $0x401, v60;
	s5 =	sadd.s32 $0x400, s7;
	s7 =	sadd.s32 $0x20000, s6;
	s8 =	smax.u32 s2, $0x1;
	[tilespmem:$0x1FF60] =	vst v53  }
.LBB2_1:
0x3c: {  	s0 =	rddreg [dreg:$0x1]  }
0x3d: {  	[tilespmem:s9], [sflag:$0x5] =	stream.linear.gather [hbm4b:s0+s3], $0x40, $0x38;
	[tilespmem:$0xE540] =	vst v63  }
0x3e: {  	_ =	swait.ge [sflag:s10], $0x40  }
0x3f: {  	[sflag:s10] =	ssyncset.done $0x0  }
0x40: {  	[sflag:s10] =	ssyncadd.s32 $0xFFFFFFC0  }
0x41: {  	[tilespmem:s3], [sflag:$0x5] =	stream.linear.gather [hbm4b:s5+s3], $0x6400, $0x38;
	[tilespmem:$0xE540] =	vst v63  }
0x42: {  	_ =	swait.ge [sflag:s10], $0x6400  }
0x43: {  	v0 =	vld [tilespmem:$0x1FD50];
	_ =	sdelay $0x5  }
0x44: {  	[sflag:s10] =	ssyncset.done $0x0  }
0x45: {  	[sflag:s10] =	ssyncadd.s32 $0xFFFF9C00  }
0x46: {  	v0 =	vld.idx.msk [tilespmem:v0+s3+$0x0], $0xffff;
	_ =	sdelay $0x4  }
0x47: {  	[tilespmem:$0x6400] =	vst v0;
	v0 =	vld [tilespmem:$0x1FC70];
	_ =	sdelay $0x7  }
0x48: {  	v0 =	vld.idx.msk [tilespmem:v0+s3+$0x0], $0xffff;
	_ =	sdelay $0x4  }
0x49: {  	[tilespmem:$0x6410] =	vst v0;
	v0 =	vld [tilespmem:$0x1FC80];
	_ =	sdelay $0x7  }
0x4a: {  	v0 =	vld.idx.msk [tilespmem:v0+s3+$0x0], $0xffff;
	_ =	sdelay $0x4  }
0x4b: {  	[tilespmem:$0x6420] =	vst v0;
	v0 =	vld [tilespmem:$0x1FC90];
	_ =	sdelay $0x7  }
0x4c: {  	v0 =	vld.idx.msk [tilespmem:v0+s3+$0x0], $0xffff;
	_ =	sdelay $0x4  }
0x4d: {  	[tilespmem:$0x6430] =	vst v0;
	v0 =	vld [tilespmem:$0x1FCA0];
	_ =	sdelay $0x7  }
0x4e: {  	v0 =	vld.idx.msk [tilespmem:v0+s3+$0x0], $0xffff;
	_ =	sdelay $0x4  }
0x4f: {  	[tilespmem:$0x6440] =	vst v0;
	v0 =	vld [tilespmem:$0x1FCB0];
	_ =	sdelay $0x7  }
0x50: {  	v0 =	vld.idx.msk [tilespmem:v0+s3+$0x0], $0xffff;
	_ =	sdelay $0x4  }
0x51: {  	[tilespmem:$0x6450] =	vst v0;
	v0 =	vld [tilespmem:$0x1FCC0];
	_ =	sdelay $0x7  }
0x52: {  	v0 =	vld.idx.msk [tilespmem:v0+s3+$0x0], $0xffff;
	_ =	sdelay $0x4  }
0x53: {  	[tilespmem:$0x6460] =	vst v0;
	v0 =	vld [tilespmem:$0x1FCD0];
	_ =	sdelay $0x7  }
0x54: {  	v0 =	vld.idx.msk [tilespmem:v0+s3+$0x0], $0xffff;
	_ =	sdelay $0x4  }
0x55: {  	[tilespmem:$0x6470] =	vst v0  }
0x56: {  	[tilespmem:s13], [sflag:$0x1] =	stream.indirect.gather [hbm4b:s4+s11], $0x40, s12, s11, $0xb8;
	[tilespmem:$0xE540] =	vst v63  }
0x57: {  	_ =	swait.ge [sflag:s14], $0x2000  }
0x58: {  	v0 =	vld [tilespmem:$0x1FCE0];
	_ =	sdelay $0x5  }
0x59: {  	[sflag:s14] =	ssyncset.done $0x0  }
0x5a: {  	[sflag:s14] =	ssyncadd.s32 $0xFFFFE000  }
0x5b: {  	v0 =	vld.idx.msk [tilespmem:v0+s3+$0x0], $0xffff;
	_ =	sdelay $0x4  }
0x5c: {  	[tilespmem:$0x6480] =	vst v0;
	v0 =	vld [tilespmem:$0x1FCF0];
	_ =	sdelay $0x7  }
0x5d: {  	v0 =	vld.idx.msk [tilespmem:v0+s3+$0x0], $0xffff;
	_ =	sdelay $0x4  }
0x5e: {  	[tilespmem:$0x6490] =	vst v0;
	v0 =	vld [tilespmem:$0x1FD00];
	_ =	sdelay $0x7  }
0x5f: {  	v0 =	vld.idx.msk [tilespmem:v0+s3+$0x0], $0xffff;
	_ =	sdelay $0x4  }
0x60: {  	[tilespmem:$0x64A0] =	vst v0;
	v0 =	vld [tilespmem:$0x1FD10];
	_ =	sdelay $0x7  }
0x61: {  	v0 =	vld.idx.msk [tilespmem:v0+s3+$0x0], $0xffff;
	_ =	sdelay $0x4  }
0x62: {  	[tilespmem:$0x64B0] =	vst v0;
	v0 =	vld [tilespmem:$0x1FD20];
	_ =	sdelay $0x7  }
0x63: {  	v0 =	vld.idx.msk [tilespmem:v0+s3+$0x0], $0xffff;
	_ =	sdelay $0x4  }
0x64: {  	[tilespmem:$0x64C0] =	vst v0;
	v0 =	vld [tilespmem:$0x1FD30];
	_ =	sdelay $0x7  }
0x65: {  	v0 =	vld.idx.msk [tilespmem:v0+s3+$0x0], $0xffff;
	_ =	sdelay $0x4  }
0x66: {  	[tilespmem:$0x64D0] =	vst v0;
	v0 =	vld [tilespmem:$0x1FD40];
	_ =	sdelay $0x7  }
0x67: {  	v0 =	vld.idx.msk [tilespmem:v0+s3+$0x0], $0xffff;
	_ =	sdelay $0x1  }
0x68: {  	s2 =	simm.s32 $0x0  }
0x69: {  	v1 =	vmov s2  }
0x6a: {  	v1 =	vshrl.u32 v1, $0x3  }
0x6b: {  	[tilespmem:$0x64E0] =	vst v0;
	v0 =	vshll.u32 v1, $0x3;
	v1 =	vld [tilespmem:$0x1FD60];
	_ =	sdelay $0x7  }
0x6c: {  	v34 =	vbroadcast v0, $0x0;
	v1 =	vld.idx.msk [tilespmem:v1+s3+$0x0], $0xffff;
	_ =	sdelay $0x1  }
0x6d: {  	v54 =	vld [tilespmem:$0x1FE50];
	v0 =	vor.u32 v58, v34  }
0x6e: {  	v2 =	vor.u32 v48, v34  }
0x6f: {  	v3 =	vor.u32 $0x3, v34  }
0x70: {  	v4 =	vor.u32 v5, v34;
	[tilespmem:$0x64F0] =	vst v1  }
0x71: {  	v20 =	vld [tilespmem:$0x1FDD0];
	v5 =	vor.u32 $0x5, v34;
	[tilespmem:s16], [sflag:$0x2] =	stream.indirect.gather [hbm4b:s4+s11], $0x40, s15, s11, $0xb8  }
0x72: {  	v7 =	vor.u32 v54, v34;
	v6 =	vld.idx.msk [tilespmem:v0+s13+$0x0], $0xffff  }
0x73: {  	v39 =	vor.u32 $0x7, v60;
	v9 =	vor.u32 $0x1, v34;
	v8 =	vld.idx.msk [tilespmem:v2+s13+$0x0], $0xffff  }
0x74: {  	v10 =	vor.u32 v39, v34;
	v46 =	vld.idx.msk [tilespmem:v3+s9+$0x0], $0xffff  }
0x75: {  	v0 =	vor.u32 v32, v34;
	v4 =	vld.idx.msk [tilespmem:v4+s13+$0x0], $0xffff  }
0x76: {  	v11 =	vor.u32 $0x4, v34;
	v45 =	vld.idx.msk [tilespmem:v5+s9+$0x0], $0xffff  }
0x77: {  	v3 =	vor.u32 $0x2, v34;
	v7 =	vld.idx.msk [tilespmem:v7+s13+$0x0], $0xffff  }
0x78: {  	v5 =	vor.u32 $0x7, v34;
	v21 =	vld.idx.msk [tilespmem:v9+s9+$0x0], $0xffff  }
0x79: {  	v10 =	vld.idx.msk [tilespmem:v10+s13+$0x0], $0xffff  }
0x7a: {  	v28 =	vor.u32 $0x6, v60;
	v0 =	vld.idx.msk [tilespmem:v0+s13+$0x0], $0xffff  }
0x7b: {  	v12 =	vor.u32 v28, v34;
	v56 =	vld.idx.msk [tilespmem:v11+s9+$0x0], $0xffff  }
0x7c: {  	v44 =	vmov v13;
	v9 =	vor.u32 v13, v34;
	v13 =	vor.u32 $0x6, v34;
	v25 =	vld.idx.msk [tilespmem:v3+s9+$0x0], $0xffff  }
0x7d: {  	v24 =	vld.idx.msk [tilespmem:v5+s9+$0x0], $0xffff;
	v4 =	vadd.f32 v4, v46  }
0x7e: {  	s25 =	simm.s32 $0xA700;
	v14 =	vor.u32 v18, v34;
	v6 =	vadd.f32 v6, v21  }
0x7f: {  	v5 =	vor.u32 v59, v34;
	[tilespmem:s25+$0xFFFFFF80] =	vst v4;
	v1 =	vadd.f32 v0, v45  }
0x80: {  	v12 =	vld.idx.msk [tilespmem:v12+s13+$0x0], $0xffff;
	v7 =	vadd.f32 v7, v56;
	[tilespmem:s25+$0xFFFFFE80] =	vst v6  }
0x81: {  	v55 =	vor.u32 $0x407, v60;
	v11 =	vor.u32 v20, v34;
	v53 =	vld.idx.msk [tilespmem:v13+s9+$0x0], $0xffff;
	v8 =	vadd.f32 v8, v25;
	[tilespmem:s25+$0x80] =	vst v1  }
0x82: {  	[tilespmem:s25+$0x0] =	vst v7;
	v10 =	vadd.f32 v10, v24;
	v1 =	vor.u32 v55, v34;
	v9 =	vld.idx.msk [tilespmem:v9+s13+$0x0], $0xffff  }
0x83: {  	v6 =	vld.idx.msk [tilespmem:v14+s13+$0x0], $0xffff;
	[tilespmem:s25+$0xFFFFFF00] =	vst v8  }
0x84: {  	v16 =	vor.u32 v52, v34;
	v8 =	vld.idx.msk [tilespmem:v5+s13+$0x0], $0xffff;
	[tilespmem:s25+$0x180] =	vst v10  }
0x85: {  	v13 =	vor.u32 v60, v34;
	v0 =	vld [tilespmem:$0x1FE40]  }
0x86: {  	v4 =	vld.idx.msk [tilespmem:v11+s13+$0x0], $0xffff  }
0x87: {  	v5 =	vadd.f32 v9, v45;
	v9 =	vld.idx.msk [tilespmem:v1+s13+$0x0], $0xffff  }
0x88: {  	v1 =	vld [tilespmem:$0x1FD70]  }
0x89: {  	v30 =	vmov v48;
	v48 =	vor.u32 $0x406, v60;
	v14 =	vor.u32 v17, v34;
	v2 =	vld.idx.msk [tilespmem:v16+s13+$0x0], $0xffff  }
0x8a: {  	v13 =	vld.idx.msk [tilespmem:v13+s13+$0x0], $0xffff;
	v12 =	vadd.f32 v12, v53;
	v16 =	vor.u32 v0, v34;
	v0 =	vor.u32 $0x807, v60;
	[tilespmem:s25+$0x90] =	vst v5  }
0x8b: {  	v10 =	vor.u32 v48, v34;
	v8 =	vadd.f32 v8, v21;
	[tilespmem:$0x1FC60] =	vst v0;
	v3 =	vld [tilespmem:$0x1FDE0]  }
0x8c: {  	v6 =	vadd.f32 v6, v46;
	[tilespmem:s25+$0x100] =	vst v12  }
0x8d: {  	v5 =	vadd.f32 v4, v25;
	[tilespmem:s25+$0xFFFFFE90] =	vst v8;
	v7 =	vor.u32 v1, v34  }
0x8e: {  	v14 =	vld.idx.msk [tilespmem:v14+s13+$0x0], $0xffff;
	[tilespmem:s25+$0xFFFFFF90] =	vst v6;
	v8 =	vadd.f32 v9, v24  }
0x8f: {  	v19 =	vor.u32 v0, v34;
	v26 =	vld.idx.msk [tilespmem:v34+s9+$0x0], $0xffff;
	[tilespmem:s25+$0xFFFFFF10] =	vst v5  }
0x90: {  	v10 =	vld.idx.msk [tilespmem:v10+s13+$0x0], $0xffff;
	[tilespmem:s25+$0x190] =	vst v8;
	v18 =	vor.u32 v3, v34  }
0x91: {  	s26 =	simm.s32 $0x8;
	v11 =	vmov v22;
	v22 =	vor.u32 v22, v34;
	v4 =	vor.u32 v38, v34;
	v0 =	vld [tilespmem:$0x1FD80]  }
0x92: {  	v9 =	vmov s26;
	v23 =	vld.idx.msk [tilespmem:v7+s13+$0x0], $0xffff;
	v7 =	vadd.f32 v2, v56;
	v2 =	vor.u32 $0x806, v60  }
0x93: {  	v16 =	vld.idx.msk [tilespmem:v16+s13+$0x0], $0xffff;
	v9 =	vshrl.u32 v9, $0x3;
	v8 =	vadd.f32 v14, v45;
	[tilespmem:$0x1FB50] =	vst v2  }
0x94: {  	v27 =	vor.u32 v61, v34;
	v9 =	vshll.u32 v9, $0x3;
	v13 =	vadd.f32 v13, v26;
	v6 =	vld.idx.msk [tilespmem:v19+s13+$0x0], $0xffff;
	[tilespmem:s25+$0x10] =	vst v7  }
0x95: {  	v12 =	vbroadcast v9, $0x0;
	v9 =	vor.u32 v2, v34;
	[tilespmem:s25+$0xA0] =	vst v8;
	v14 =	vld.idx.msk [tilespmem:v18+s13+$0x0], $0xffff  }
0x96: {  	v8 =	vadd.f32 v10, v53;
	[tilespmem:s25+$0xFFFFFE00] =	vst v13;
	v18 =	vor.u32 v0, v34;
	v19 =	vld.idx.msk [tilespmem:v22+s13+$0x0], $0xffff;
	v0 =	vor.u32 $0xC07, v60  }
0x97: {  	v22 =	vld.idx.msk [tilespmem:v4+s13+$0x0], $0xffff;
	[tilespmem:$0x1FB60] =	vst v0;
	v13 =	vadd.f32 v23, v21  }
0x98: {  	v10 =	vor.u32 v58, v12;
	[tilespmem:s25+$0x110] =	vst v8  }
0x99: {  	v23 =	vld.idx.msk [tilespmem:v27+s13+$0x0], $0xffff;
	[tilespmem:s25+$0xFFFFFEA0] =	vst v13;
	v4 =	vadd.f32 v6, v24  }
0x9a: {  	v9 =	vld.idx.msk [tilespmem:v9+s13+$0x0], $0xffff;
	[tilespmem:$0x1FB70] =	vst v28  }
0x9b: {  	[tilespmem:s25+$0x1A0] =	vst v4  }
0x9c: {  	v4 =	vld [tilespmem:$0x1FE60]  }
0x9d: {  	v5 =	vor.u32 v0, v34;
	v0 =	vld.idx.msk [tilespmem:v10+s13+$0x0], $0xffff;
	_ =	sdelay $0x1  }
0x9e: {  	v8 =	vor.u32 v30, v12  }
0x9f: {  	v13 =	vor.u32 v29, v34  }
0xa0: {  	v27 =	vor.u32 v28, v12;
	v10 =	vor.u32 v4, v12;
	v4 =	vld [tilespmem:$0x1FDF0]  }
0xa1: {  	v6 =	vor.u32 $0xC06, v60;
	v28 =	vor.u32 $0x3, v12;
	v19 =	vadd.f32 v19, v56;
	v18 =	vld.idx.msk [tilespmem:v18+s13+$0x0], $0xffff;
	[tilespmem:$0x1FC00] =	vst v0  }
0xa2: {  	v29 =	vor.u32 v6, v34;
	v7 =	vld.idx.msk [tilespmem:v5+s13+$0x0], $0xffff  }
0xa3: {  	[tilespmem:s25+$0x20] =	vst v19;
	v33 =	vld.idx.msk [tilespmem:v8+s13+$0x0], $0xffff  }
0xa4: {  	v9 =	vadd.f32 v9, v53;
	v19 =	vor.u32 v62, v34;
	v13 =	vld.idx.msk [tilespmem:v13+s13+$0x0], $0xffff;
	[tilespmem:$0x1FB80] =	vst v6  }
0xa5: {  	v30 =	vld.idx.msk [tilespmem:v27+s13+$0x0], $0xffff;
	v5 =	vor.u32 v4, v34  }
0xa6: {  	v23 =	vadd.f32 v23, v26;
	v27 =	vor.u32 v54, v12;
	v2 =	vld.idx.msk [tilespmem:v28+s9+$0x0], $0xffff;
	[tilespmem:s25+$0x120] =	vst v9  }
0xa7: {  	v14 =	vadd.f32 v14, v25;
	v29 =	vld.idx.msk [tilespmem:v29+s13+$0x0], $0xffff  }
0xa8: {  	[tilespmem:s25+$0xFFFFFE10] =	vst v23;
	v35 =	vld.idx.msk [tilespmem:v10+s13+$0x0], $0xffff  }
0xa9: {  	v0 =	vor.u32 $0x1007, v60;
	[tilespmem:s25+$0xFFFFFF20] =	vst v14;
	v28 =	vld.idx.msk [tilespmem:v19+s13+$0x0], $0xffff  }
0xaa: {  	v23 =	vld.idx.msk [tilespmem:v5+s13+$0x0], $0xffff;
	[tilespmem:$0x1FB90] =	vst v0  }
0xab: {  	v36 =	vor.u32 v0, v34;
	v0 =	vld.idx.msk [tilespmem:v27+s13+$0x0], $0xffff;
	_ =	sdelay $0x3  }
0xac: {  	v13 =	vadd.f32 v13, v56  }
0xad: {  	v6 =	vmov v4;
	v4 =	vadd.f32 v7, v24;
	[tilespmem:$0x1FC40] =	vst v0  }
0xae: {  	v14 =	vor.u32 $0x5, v12;
	v0 =	vld [tilespmem:$0x1FD90];
	[tilespmem:s25+$0x30] =	vst v13  }
0xaf: {  	v42 =	vor.u32 v42, v34;
	[tilespmem:s25+$0x1B0] =	vst v4  }
0xb0: {  	v10 =	vor.u32 v32, v12;
	v5 =	vld [tilespmem:$0x1FE30];
	_ =	sdelay $0x2  }
0xb1: {  	v37 =	vor.u32 $0x6, v12;
	v9 =	vld.idx.msk [tilespmem:v14+s9+$0x0], $0xffff  }
0xb2: {  	v19 =	vmov v1;
	v4 =	vld.idx.msk [tilespmem:v42+s13+$0x0], $0xffff;
	v14 =	vor.u32 v0, v34  }
0xb3: {  	v27 =	vor.u32 v63, v34;
	v0 =	vld.idx.msk [tilespmem:v10+s13+$0x0], $0xffff;
	v10 =	vadd.f32 v18, v21;
	v1 =	vor.u32 v5, v34  }
0xb4: {  	v28 =	vadd.f32 v28, v26;
	v32 =	vld.idx.msk [tilespmem:v36+s13+$0x0], $0xffff;
	[tilespmem:$0x1FBA0] =	vst v1  }
0xb5: {  	v38 =	vor.u32 $0x1, v12;
	[tilespmem:s25+$0xFFFFFEB0] =	vst v10  }
0xb6: {  	v18 =	vor.u32 v60, v12;
	v1 =	vld.idx.msk [tilespmem:v37+s9+$0x0], $0xffff;
	[tilespmem:s25+$0xFFFFFE20] =	vst v28  }
0xb7: {  	v16 =	vadd.f32 v16, v46;
	v23 =	vadd.f32 v23, v25;
	v10 =	vor.u32 $0x1006, v60;
	v14 =	vld.idx.msk [tilespmem:v14+s13+$0x0], $0xffff;
	[tilespmem:$0x1FBB0] =	vst v39  }
0xb8: {  	v36 =	vor.u32 v40, v34;
	v40 =	vadd.f32 v22, v45;
	v22 =	vld.idx.msk [tilespmem:v27+s13+$0x0], $0xffff;
	[tilespmem:$0x1FBC0] =	vst v10  }
0xb9: {  	v37 =	vor.u32 $0x2, v12;
	v27 =	vadd.f32 v29, v53;
	[tilespmem:s25+$0xFFFFFFA0] =	vst v16  }
0xba: {  	v41 =	vor.u32 v10, v34;
	v28 =	vld.idx.msk [tilespmem:v38+s9+$0x0], $0xffff;
	[tilespmem:s25+$0xFFFFFF30] =	vst v23  }
0xbb: {  	v38 =	vor.u32 v43, v34;
	v18 =	vld.idx.msk [tilespmem:v18+s13+$0x0], $0xffff;
	[tilespmem:s25+$0x130] =	vst v27  }
0xbc: {  	v8 =	vmov v3;
	v3 =	vadd.f32 v0, v9;
	v0 =	vld [tilespmem:$0x1FE00]  }
0xbd: {  	v4 =	vadd.f32 v4, v56;
	v43 =	vor.u32 v44, v12;
	v23 =	vld.idx.msk [tilespmem:v36+s13+$0x0], $0xffff  }
0xbe: {  	v27 =	vld.idx.msk [tilespmem:v37+s9+$0x0], $0xffff  }
0xbf: {  	s2 =	simm.s32 $0xAB00;
	v16 =	vor.u32 $0x4, v12;
	[tilespmem:s25+$0x40] =	vst v4;
	v37 =	vld.idx.msk [tilespmem:v41+s13+$0x0], $0xffff  }
0xc0: {  	v29 =	vor.u32 v47, v34;
	v4 =	vor.u32 $0x1407, v60;
	[tilespmem:s2+$0x80] =	vst v3;
	v14 =	vadd.f32 v14, v21;
	v38 =	vld.idx.msk [tilespmem:v38+s13+$0x0], $0xffff  }
0xc1: {  	v41 =	vor.u32 v4, v34;
	[tilespmem:$0x1FBD0] =	vst v4;
	v4 =	vld [tilespmem:$0x1FE70];
	v36 =	vor.u32 v0, v34  }
0xc2: {  	v3 =	vadd.f32 v32, v24;
	v43 =	vld.idx.msk [tilespmem:v43+s13+$0x0], $0xffff;
	[tilespmem:s25+$0xFFFFFEC0] =	vst v14  }
0xc3: {  	v14 =	vadd.f32 v22, v26;
	v0 =	vld [tilespmem:$0x1FDA0];
	[tilespmem:s25+$0xB0] =	vst v40  }
0xc4: {  	v22 =	vld.idx.msk [tilespmem:v16+s9+$0x0], $0xffff;
	[tilespmem:s25+$0x1C0] =	vst v3  }
0xc5: {  	v39 =	vor.u32 v39, v12;
	v10 =	vor.u32 $0x1406, v60;
	v23 =	vadd.f32 v23, v46;
	v47 =	vld.idx.msk [tilespmem:v29+s13+$0x0], $0xffff;
	[tilespmem:s25+$0xFFFFFE30] =	vst v14  }
0xc6: {  	v14 =	vld.idx.msk [tilespmem:v36+s13+$0x0], $0xffff;
	[tilespmem:$0x1FBE0] =	vst v10  }
0xc7: {  	v29 =	vadd.f32 v37, v53;
	[tilespmem:s25+$0xFFFFFFB0] =	vst v23  }
0xc8: {  	v16 =	vor.u32 v0, v34;
	v0 =	vld [tilespmem:$0x1FEF0]  }
0xc9: {  	v37 =	vld.idx.msk [tilespmem:v41+s13+$0x0], $0xffff;
	v23 =	vadd.f32 v38, v56;
	[tilespmem:s25+$0x140] =	vst v29  }
0xca: {  	v38 =	vld.idx.msk [tilespmem:v39+s13+$0x0], $0xffff;
	v41 =	vadd.f32 v43, v9;
	[tilespmem:$0x1FBF0] =	vst v48  }
0xcb: {  	v40 =	vor.u32 $0x7, v12;
	[tilespmem:s25+$0x50] =	vst v23  }
0xcc: {  	[tilespmem:s2+$0x90] =	vst v41  }
0xcd: {  	v39 =	vor.u32 v0, v34;
	v0 =	vld [tilespmem:$0x1FE10]  }
0xce: {  	v35 =	vadd.f32 v35, v2  }
0xcf: {  	v36 =	vor.u32 v10, v34;
	v43 =	vor.u32 v48, v12;
	v48 =	vadd.f32 v30, v1  }
0xd0: {  	v30 =	vld.idx.msk [tilespmem:v40+s9+$0x0], $0xffff;
	[tilespmem:s2+$0xFFFFFF80] =	vst v35  }
0xd1: {  	v13 =	vld.idx.msk [tilespmem:v12+s9+$0x0], $0xffff;
	[tilespmem:s2+$0x100] =	vst v48  }
0xd2: {  	v40 =	vor.u32 v0, v34;
	v0 =	vld [tilespmem:$0x1FC00]  }
0xd3: {  	v16 =	vld.idx.msk [tilespmem:v16+s13+$0x0], $0xffff;
	v14 =	vadd.f32 v14, v25  }
0xd4: {  	v41 =	vld.idx.msk [tilespmem:v36+s13+$0x0], $0xffff  }
0xd5: {  	v33 =	vadd.f32 v33, v27;
	v29 =	vld [tilespmem:$0x1FE40];
	[tilespmem:s25+$0xFFFFFF40] =	vst v14  }
0xd6: {  	v15 =	vmov v17;
	v39 =	vld.idx.msk [tilespmem:v39+s13+$0x0], $0xffff;
	v14 =	vadd.f32 v37, v24;
	[tilespmem:$0x1FC10] =	vst v55  }
0xd7: {  	v23 =	vor.u32 v15, v12;
	v35 =	vor.u32 v31, v34;
	[tilespmem:s2+$0xFFFFFF00] =	vst v33;
	v31 =	vadd.f32 v0, v28  }
0xd8: {  	[tilespmem:s25+$0x1D0] =	vst v14  }
0xd9: {  	v7 =	vor.u32 v5, v12;
	v5 =	vmov v45;
	[tilespmem:s2+$0xFFFFFE80] =	vst v31  }
0xda: {  	v44 =	vor.u32 v20, v12;
	v20 =	vor.u32 v55, v12;
	v45 =	vor.u32 v4, v12;
	v55 =	vmovc v7;
	v7 =	vld [tilespmem:$0x1FDB0]  }
0xdb: {  	v42 =	vor.u32 v59, v12;
	v16 =	vadd.f32 v16, v21;
	v36 =	vld.idx.msk [tilespmem:v43+s13+$0x0], $0xffff  }
0xdc: {  	v23 =	vld.idx.msk [tilespmem:v23+s13+$0x0], $0xffff  }
0xdd: {  	v17 =	vor.u32 v52, v12;
	v3 =	vor.u32 $0x1807, v60;
	v35 =	vld.idx.msk [tilespmem:v35+s13+$0x0], $0xffff;
	v31 =	vadd.f32 v47, v5;
	[tilespmem:s25+$0xFFFFFED0] =	vst v16  }
0xde: {  	v10 =	vmov v52;
	v52 =	vor.u32 v50, v34;
	v38 =	vadd.f32 v38, v30;
	v37 =	vld.idx.msk [tilespmem:v40+s13+$0x0], $0xffff;
	[tilespmem:$0x1FC20] =	vst v3  }
0xdf: {  	v41 =	vadd.f32 v41, v53;
	v14 =	vmov v54;
	v45 =	vld.idx.msk [tilespmem:v45+s13+$0x0], $0xffff;
	[tilespmem:s25+$0xC0] =	vst v31;
	v54 =	vor.u32 v7, v34  }
0xe0: {  	v18 =	vadd.f32 v18, v13;
	v42 =	vld.idx.msk [tilespmem:v42+s13+$0x0], $0xffff;
	[tilespmem:s2+$0x180] =	vst v38  }
0xe1: {  	v48 =	vadd.f32 v39, v56;
	v39 =	vld.idx.msk [tilespmem:v44+s13+$0x0], $0xffff;
	[tilespmem:s25+$0x150] =	vst v41  }
0xe2: {  	v16 =	vor.u32 v3, v34;
	v0 =	vld [tilespmem:$0x1FFD0];
	[tilespmem:s2+$0xFFFFFE00] =	vst v18  }
0xe3: {  	v3 =	vor.u32 v6, v12;
	v40 =	vld.idx.msk [tilespmem:v52+s13+$0x0], $0xffff;
	v18 =	vadd.f32 v37, v25;
	[tilespmem:s25+$0x60] =	vst v48  }
0xe4: {  	v35 =	vadd.f32 v35, v26;
	v37 =	vld.idx.msk [tilespmem:v54+s13+$0x0], $0xffff;
	[tilespmem:$0x1FC30] =	vst v3  }
0xe5: {  	[tilespmem:s25+$0xFFFFFF50] =	vst v18  }
0xe6: {  	v3 =	vld [tilespmem:$0x1FC40];
	[tilespmem:s25+$0xFFFFFE40] =	vst v35  }
0xe7: {  	v32 =	vor.u32 v8, v12;
	v8 =	vmovc v53;
	v53 =	vmov v2;
	v18 =	vadd.f32 v45, v2;
	v2 =	vld [tilespmem:$0x1FF90];
	_ =	sdelay $0x1  }
0xe8: {  	v31 =	vor.u32 v51, v34  }
0xe9: {  	v23 =	vadd.f32 v23, v9  }
0xea: {  	v43 =	vor.u32 v49, v34;
	v44 =	vld.idx.msk [tilespmem:v16+s13+$0x0], $0xffff  }
0xeb: {  	v41 =	vor.u32 v0, v34;
	v35 =	vor.u32 v2, v34;
	v2 =	vld [tilespmem:$0x1FF60];
	[tilespmem:s2+$0xA0] =	vst v23  }
0xec: {  	v15 =	vor.u32 v29, v12;
	v0 =	vmov v6;
	v6 =	vld [tilespmem:$0x1FE20]  }
0xed: {  	v45 =	vld.idx.msk [tilespmem:v31+s13+$0x0], $0xffff  }
0xee: {  	v20 =	vld.idx.msk [tilespmem:v20+s13+$0x0], $0xffff;
	v16 =	vadd.f32 v3, v22  }
0xef: {  	v7 =	vor.u32 $0x1C07, v60;
	v48 =	vld.idx.msk [tilespmem:v43+s13+$0x0], $0xffff;
	[tilespmem:s2+$0xFFFFFF90] =	vst v18;
	v18 =	vadd.f32 v40, v46  }
0xf0: {  	v52 =	vor.u32 v7, v34;
	v41 =	vld.idx.msk [tilespmem:v41+s13+$0x0], $0xffff;
	v23 =	vadd.f32 v37, v21;
	[tilespmem:s2+$0x0] =	vst v16  }
0xf1: {  	v38 =	vld.idx.msk [tilespmem:v15+s13+$0x0], $0xffff;
	[tilespmem:s25+$0xFFFFFFC0] =	vst v18;
	v51 =	vor.u32 v6, v34;
	v6 =	vmov v7;
	v7 =	vor.u32 $0x1806, v60  }
0xf2: {  	v43 =	vld.idx.msk [tilespmem:v17+s13+$0x0], $0xffff;
	[tilespmem:$0x1FC50] =	vst v7  }
0xf3: {  	[tilespmem:s25+$0xFFFFFEE0] =	vst v23  }
0xf4: {  	v50 =	vor.u32 v2, v34;
	v2 =	vld [tilespmem:$0x1FFC0];
	_ =	sdelay $0x1  }
0xf5: {  	v18 =	vadd.f32 v44, v24;
	_ =	sdelay $0x1  }
0xf6: {  	[tilespmem:s25+$0x1E0] =	vst v18  }
0xf7: {  	v44 =	vor.u32 v2, v34;
	v2 =	vld [tilespmem:$0x1FFA0]  }
0xf8: {  	v49 =	vadd.f32 v42, v28  }
0xf9: {  	v39 =	vadd.f32 v39, v27  }
0xfa: {  	[tilespmem:s2+$0xFFFFFE90] =	vst v49  }
0xfb: {  	v17 =	vor.u32 v7, v34;
	v7 =	vld [tilespmem:$0x1FDC0];
	[tilespmem:s2+$0xFFFFFF10] =	vst v39  }
0xfc: {  	v40 =	vor.u32 v2, v34;
	v2 =	vld [tilespmem:$0x1FFF0];
	_ =	sdelay $0x1  }
0xfd: {  	v18 =	vadd.f32 v45, v5  }
0xfe: {  	v45 =	vld.idx.msk [tilespmem:v51+s13+$0x0], $0xffff;
	v51 =	vadd.f32 v41, v26  }
0xff: {  	v33 =	vor.u32 v11, v12;
	v23 =	vld.idx.msk [tilespmem:v50+s13+$0x0], $0xffff;
	[tilespmem:s25+$0xD0] =	vst v18  }
0x100: {  	v11 =	vor.u32 $0x1C06, v60;
	v47 =	vor.u32 v19, v12;
	v15 =	vmovc v46;
	v46 =	vor.u32 v2, v34;
	v2 =	vld [tilespmem:$0x1FFE0];
	[tilespmem:s25+$0xFFFFFE50] =	vst v51  }
0x101: {  	v50 =	vadd.f32 v48, v56;
	v56 =	vmov v11;
	v18 =	vor.u32 v11, v34;
	v11 =	vld [tilespmem:$0x1FC60];
	_ =	sdelay $0x1  }
0x102: {  	v37 =	vld.idx.msk [tilespmem:v52+s13+$0x0], $0xffff  }
0x103: {  	v4 =	vmov v13;
	v31 =	vor.u32 v57, v34;
	v41 =	vld.idx.msk [tilespmem:v17+s13+$0x0], $0xffff  }
0x104: {  	v54 =	vmovc v27;
	v16 =	vmov v29;
	v43 =	vadd.f32 v43, v22;
	v49 =	vadd.f32 v20, v30;
	v39 =	vld.idx.msk [tilespmem:v47+s13+$0x0], $0xffff  }
0x105: {  	s28 =	simm.s32 $0xAB00;
	v42 =	vor.u32 v7, v34;
	v44 =	vld.idx.msk [tilespmem:v44+s13+$0x0], $0xffff;
	v48 =	vor.u32 v2, v34;
	v47 =	vor.u32 v11, v12  }
.LBB2_2:
0x106: {  	v11 =	vld [tilespmem:$0x1FF10];
	_ =	sdelay $0x4  }
0x107: {  	[tilespmem:s25+$0x70] =	vst v50;
	v50 =	vor.u32 v11, v12;
	v11 =	vld [tilespmem:$0x1FD80];
	_ =	sdelay $0x4  }
0x108: {  	v52 =	vor.u32 v11, v12;
	v11 =	vld [tilespmem:$0x1FB50];
	_ =	sdelay $0x3  }
0x109: {  	s26 =	sadd.s32 $0x8, s26  }
0x10a: {  	v34 =	vmov s26;
	[tilespmem:s2+$0x190] =	vst v49;
	v23 =	vadd.f32 v23, v15;
	v49 =	vor.u32 v11, v12;
	v11 =	vld [tilespmem:$0x1FB70]  }
0x10b: {  	v34 =	vshrl.u32 v34, $0x3  }
0x10c: {  	[tilespmem:s25+$0xFFFFFFD0] =	vst v23;
	v23 =	vadd.f32 v37, v24;
	v24 =	vshll.u32 v34, $0x3  }
0x10d: {  	v34 =	vbroadcast v24, $0x0;
	_ =	sdelay $0x1  }
0x10e: {  	v7 =	vmovc v53;
	v3 =	vadd.f32 v41, v8;
	v41 =	vadd.f32 v38, v53;
	v53 =	vor.u32 v11, v34;
	v11 =	vld [tilespmem:$0x1FBB0];
	_ =	sdelay $0x2  }
0x10f: {  	v42 =	vld.idx.msk [tilespmem:v42+s13+$0x0], $0xffff;
	v36 =	vadd.f32 v36, v1  }
0x110: {  	v2 =	vld [tilespmem:$0x1FBA0]  }
0x111: {  	[tilespmem:s2+$0x110] =	vst v36;
	v36 =	vor.u32 v11, v34;
	v11 =	vld [tilespmem:$0x1FF70];
	_ =	sdelay $0x2  }
0x112: {  	v37 =	vadd.f32 v39, v28  }
0x113: {  	v48 =	vld.idx.msk [tilespmem:v48+s13+$0x0], $0xffff  }
0x114: {  	v45 =	vadd.f32 v45, v25;
	[tilespmem:s2+$0xFFFFFEA0] =	vst v37;
	v37 =	vadd.f32 v42, v21;
	v42 =	vor.u32 v11, v34;
	v11 =	vld [tilespmem:$0x1FB60];
	_ =	sdelay $0x1  }
0x115: {  	v32 =	vld.idx.msk [tilespmem:v32+s13+$0x0], $0xffff;
	[tilespmem:s25+$0xFFFFFF60] =	vst v45  }
0x116: {  	v51 =	vor.u32 v61, v12;
	[tilespmem:s25+$0x160] =	vst v3;
	v38 =	vld.idx.msk [tilespmem:v2+s13+$0x0], $0xffff;
	v2 =	vmov v55  }
0x117: {  	[tilespmem:$0x1FBA0] =	vst v2;
	v2 =	vadd.f32 v48, v15;
	v48 =	vld.idx.msk [tilespmem:v49+s13+$0x0], $0xffff  }
0x118: {  	v49 =	vor.u32 v11, v12;
	v11 =	vld [tilespmem:$0x1FE60];
	_ =	sdelay $0x1  }
0x119: {  	v46 =	vld.idx.msk [tilespmem:v46+s13+$0x0], $0xffff  }
0x11a: {  	v55 =	vld.idx.msk [tilespmem:v51+s13+$0x0], $0xffff;
	v51 =	vadd.f32 v44, v5  }
0x11b: {  	v45 =	vld.idx.msk [tilespmem:v50+s13+$0x0], $0xffff  }
0x11c: {  	[tilespmem:s25+$0xE0] =	vst v51;
	v51 =	vor.u32 v11, v34;
	v11 =	vld [tilespmem:$0x1FEA0];
	_ =	sdelay $0x3  }
0x11d: {  	v24 =	vmov v30;
	v30 =	vadd.f32 v46, v26;
	v46 =	vor.u32 v58, v34  }
0x11e: {  	v50 =	vor.u32 v11, v12;
	v11 =	vld [tilespmem:$0x1FB80];
	_ =	sdelay $0x3  }
0x11f: {  	v25 =	vadd.f32 v38, v25;
	v38 =	vld.idx.msk [tilespmem:v46+s13+$0x0], $0xffff  }
0x120: {  	v46 =	vor.u32 v11, v12;
	v11 =	vld [tilespmem:$0x1FDD0];
	_ =	sdelay $0x4  }
0x121: {  	v19 =	vadd.f32 v48, v1;
	v48 =	vor.u32 v11, v34;
	v11 =	vld [tilespmem:$0x1FE30];
	_ =	sdelay $0x1  }
0x122: {  	[tilespmem:s2+$0x10] =	vst v43;
	v47 =	vld.idx.msk [tilespmem:v47+s13+$0x0], $0xffff  }
0x123: {  	v33 =	vld.idx.msk [tilespmem:v33+s13+$0x0], $0xffff  }
0x124: {  	v32 =	vadd.f32 v32, v54;
	v18 =	vld.idx.msk [tilespmem:v18+s13+$0x0], $0xffff  }
0x125: {  	v21 =	vmov v28;
	[tilespmem:s25+$0xFFFFFE60] =	vst v30;
	v28 =	vadd.f32 v55, v4;
	v55 =	vor.u32 v11, v34;
	v11 =	vld [tilespmem:$0x1FE70]  }
0x126: {  	[tilespmem:s2+$0xFFFFFF20] =	vst v32;
	v32 =	vld.idx.msk [tilespmem:v31+s13+$0x0], $0xffff  }
0x127: {  	v43 =	vadd.f32 v47, v24;
	[tilespmem:s25+$0xFFFFFFE0] =	vst v2  }
0x128: {  	v29 =	vld.idx.msk [tilespmem:v35+s13+$0x0], $0xffff;
	[tilespmem:s25+$0xFFFFFF70] =	vst v25  }
0x129: {  	v31 =	vadd.f32 v33, v22;
	[tilespmem:s2+$0x1A0] =	vst v43;
	v35 =	vor.u32 v62, v12;
	v43 =	vld.idx.msk [tilespmem:v42+s13+$0x0], $0xffff  }
0x12a: {  	v42 =	vor.u32 v11, v34;
	v11 =	vld [tilespmem:$0x1FF00]  }
0x12b: {  	v40 =	vld.idx.msk [tilespmem:v40+s13+$0x0], $0xffff;
	v18 =	vadd.f32 v18, v8;
	[tilespmem:s2+$0x20] =	vst v31;
	v8 =	vmov v1;
	v1 =	vadd.f32 v32, v26  }
0x12c: {  	[tilespmem:s2+$0xFFFFFE10] =	vst v28;
	v28 =	vld.idx.msk [tilespmem:v50+s13+$0x0], $0xffff  }
0x12d: {  	[tilespmem:s25+$0xFFFFFE70] =	vst v1;
	v50 =	vld.idx.msk [tilespmem:v53+s13+$0x0], $0xffff  }
0x12e: {  	[tilespmem:s25+$0x170] =	vst v18;
	v18 =	vld.idx.msk [tilespmem:v35+s13+$0x0], $0xffff  }
0x12f: {  	v35 =	vor.u32 v11, v12;
	v11 =	vld [tilespmem:$0x1FB90];
	_ =	sdelay $0x1  }
0x130: {  	[tilespmem:s25+$0x1F0] =	vst v23;
	v47 =	vor.u32 $0x3, v34  }
0x131: {  	v40 =	vadd.f32 v40, v5;
	v49 =	vld.idx.msk [tilespmem:v49+s13+$0x0], $0xffff;
	_ =	sdelay $0x1  }
0x132: {  	[tilespmem:s25+$0xF0] =	vst v40;
	v40 =	vor.u32 v11, v12;
	v11 =	vld [tilespmem:$0x1FEC0]  }
0x133: {  	v52 =	vld.idx.msk [tilespmem:v52+s13+$0x0], $0xffff  }
0x134: {  	v27 =	vadd.f32 v29, v15;
	v15 =	vmov v7;
	v7 =	vld.idx.msk [tilespmem:v47+s9+$0x0], $0xffff  }
0x135: {  	[tilespmem:s25+$0xFFFFFEF0] =	vst v37;
	v1 =	vld [tilespmem:$0x1FC30];
	v49 =	vadd.f32 v49, v24  }
0x136: {  	v33 =	vor.u32 $0x5, v34;
	v47 =	vld.idx.msk [tilespmem:v51+s13+$0x0], $0xffff;
	[tilespmem:s25+$0xFFFFFFF0] =	vst v27;
	s25 =	smov.u32 s28  }
0x137: {  	[tilespmem:s25+$0x1B0] =	vst v49;
	v49 =	vor.u32 v11, v34;
	v11 =	vld [tilespmem:$0x1FD90];
	_ =	sdelay $0x3  }
0x138: {  	v30 =	vadd.f32 v45, v9;
	v5 =	vmov v9;
	v9 =	vld.idx.msk [tilespmem:v33+s9+$0x0], $0xffff  }
0x139: {  	v33 =	vor.u32 v11, v12;
	v11 =	vld [tilespmem:$0x1FF20];
	_ =	sdelay $0x2  }
0x13a: {  	v27 =	vld.idx.msk [tilespmem:v1+s13+$0x0], $0xffff;
	[tilespmem:s25+$0x120] =	vst v19  }
0x13b: {  	v46 =	vld.idx.msk [tilespmem:v46+s13+$0x0], $0xffff  }
0x13c: {  	v25 =	vmov v54;
	v54 =	vadd.f32 v52, v21;
	v52 =	vor.u32 v11, v12;
	v11 =	vld [tilespmem:$0x1FBC0];
	_ =	sdelay $0x2  }
0x13d: {  	v27 =	vadd.f32 v27, v25  }
0x13e: {  	v2 =	vld [tilespmem:$0x1FEB0];
	v29 =	vor.u32 $0x6, v34  }
0x13f: {  	[tilespmem:s25+$0xFFFFFF30] =	vst v27;
	v27 =	vadd.f32 v46, v8;
	v46 =	vor.u32 v11, v12;
	v11 =	vld [tilespmem:$0x1FEE0];
	_ =	sdelay $0x1  }
0x140: {  	v23 =	vor.u32 v14, v34;
	_ =	sdelay $0x1  }
0x141: {  	v44 =	vor.u32 $0x2, v34;
	v17 =	vor.u32 v2, v34;
	v2 =	vld.idx.msk [tilespmem:v29+s9+$0x0], $0xffff  }
0x142: {  	v28 =	vadd.f32 v28, v22;
	[tilespmem:s25+$0x130] =	vst v27;
	v27 =	vor.u32 v11, v12;
	v11 =	vld [tilespmem:$0x1FE00];
	_ =	sdelay $0x1  }
0x143: {  	v23 =	vld.idx.msk [tilespmem:v23+s13+$0x0], $0xffff;
	[tilespmem:s25+$0x30] =	vst v28  }
0x144: {  	v35 =	vld.idx.msk [tilespmem:v35+s13+$0x0], $0xffff  }
0x145: {  	[tilespmem:s25+$0xFFFFFEB0] =	vst v54;
	v54 =	vld.idx.msk [tilespmem:v44+s9+$0x0], $0xffff;
	v28 =	vor.u32 v63, v12  }
0x146: {  	v26 =	vmov v4;
	v44 =	vor.u32 v11, v12;
	v11 =	vld [tilespmem:$0x1FF30]  }
0x147: {  	v19 =	vadd.f32 v18, v26;
	_ =	sdelay $0x1  }
0x148: {  	v17 =	vld.idx.msk [tilespmem:v17+s13+$0x0], $0xffff;
	[tilespmem:s25+$0xFFFFFE20] =	vst v19;
	v35 =	vadd.f32 v35, v22  }
0x149: {  	v29 =	vld.idx.msk [tilespmem:v28+s13+$0x0], $0xffff  }
0x14a: {  	[tilespmem:s25+$0x40] =	vst v35;
	v35 =	vor.u32 v11, v12;
	v11 =	vld [tilespmem:$0x1FBD0];
	_ =	sdelay $0x2  }
0x14b: {  	v39 =	vor.u32 $0x1, v34;
	v17 =	vadd.f32 v17, v9;
	v19 =	vld.idx.msk [tilespmem:v33+s13+$0x0], $0xffff  }
0x14c: {  	s2 =	sadd.s32 $0x400, s2  }
0x14d: {  	[tilespmem:s2+$0x80] =	vst v17;
	v17 =	vadd.f32 v29, v26;
	v29 =	vor.u32 v11, v12;
	v11 =	vld [tilespmem:$0x1FDA0];
	_ =	sdelay $0x2  }
0x14e: {  	v53 =	vor.u32 v60, v34;
	v28 =	vld.idx.msk [tilespmem:v39+s9+$0x0], $0xffff;
	v19 =	vadd.f32 v19, v21  }
0x14f: {  	v20 =	vld.idx.msk [tilespmem:v40+s13+$0x0], $0xffff  }
0x150: {  	[tilespmem:s25+$0xFFFFFEC0] =	vst v19;
	v19 =	vor.u32 v11, v12;
	v11 =	vld [tilespmem:$0x1FBE0];
	_ =	sdelay $0x1  }
0x151: {  	v45 =	vor.u32 $0x4, v34  }
0x152: {  	v53 =	vld.idx.msk [tilespmem:v53+s13+$0x0], $0xffff  }
0x153: {  	[tilespmem:s25+$0xFFFFFE30] =	vst v17;
	v17 =	vld.idx.msk [tilespmem:v44+s13+$0x0], $0xffff  }
0x154: {  	v20 =	vadd.f32 v20, v24;
	v44 =	vor.u32 v11, v12;
	v11 =	vld [tilespmem:$0x1FEF0]  }
0x155: {  	v1 =	vld [tilespmem:$0x1FDE0];
	[tilespmem:s25+$0xFFFFFFA0] =	vst v41  }
0x156: {  	v41 =	vld.idx.msk [tilespmem:v45+s9+$0x0], $0xffff;
	[tilespmem:s25+$0x1C0] =	vst v20  }
0x157: {  	v45 =	vld.idx.msk [tilespmem:v36+s13+$0x0], $0xffff  }
0x158: {  	v52 =	vld.idx.msk [tilespmem:v52+s13+$0x0], $0xffff  }
0x159: {  	v36 =	vor.u32 v11, v12;
	v11 =	vld [tilespmem:$0x1FFB0];
	_ =	sdelay $0x1  }
0x15a: {  	v3 =	vor.u32 v1, v34;
	v1 =	vld [tilespmem:$0x1FBF0]  }
0x15b: {  	v27 =	vld.idx.msk [tilespmem:v27+s13+$0x0], $0xffff  }
0x15c: {  	v49 =	vld.idx.msk [tilespmem:v49+s13+$0x0], $0xffff  }
0x15d: {  	[tilespmem:s25+$0xB0] =	vst v30;
	v30 =	vadd.f32 v52, v15;
	v52 =	vor.u32 v11, v12;
	v11 =	vld [tilespmem:$0x1FE10];
	_ =	sdelay $0x1  }
0x15e: {  	v32 =	vor.u32 v1, v34;
	v1 =	vld [tilespmem:$0x1FC10]  }
0x15f: {  	v27 =	vadd.f32 v27, v22  }
0x160: {  	v51 =	vor.u32 $0x7, v34;
	v46 =	vld.idx.msk [tilespmem:v46+s13+$0x0], $0xffff  }
0x161: {  	[tilespmem:s25+$0x50] =	vst v27;
	v27 =	vor.u32 v11, v12;
	v11 =	vld [tilespmem:$0x1FDB0];
	_ =	sdelay $0x1  }
0x162: {  	v18 =	vor.u32 v1, v34;
	v1 =	vld [tilespmem:$0x1FE90]  }
0x163: {  	v29 =	vld.idx.msk [tilespmem:v29+s13+$0x0], $0xffff  }
0x164: {  	[tilespmem:s25+$0xFFFFFFB0] =	vst v30;
	v30 =	vld.idx.msk [tilespmem:v51+s9+$0x0], $0xffff;
	v20 =	vadd.f32 v46, v8  }
0x165: {  	v51 =	vor.u32 v11, v12;
	v11 =	vld [tilespmem:$0x1FC20]  }
0x166: {  	[tilespmem:s25+$0x140] =	vst v20;
	v20 =	vadd.f32 v47, v7;
	v19 =	vld.idx.msk [tilespmem:v19+s13+$0x0], $0xffff  }
0x167: {  	v13 =	vmovc v14;
	v14 =	vmov v10;
	v37 =	vor.u32 v10, v34;
	v10 =	vor.u32 v1, v34;
	v1 =	vld [tilespmem:$0x1FD70]  }
0x168: {  	[tilespmem:s2+$0xFFFFFF80] =	vst v20;
	v29 =	vadd.f32 v29, v24;
	v20 =	vld.idx.msk [tilespmem:v44+s13+$0x0], $0xffff  }
0x169: {  	v31 =	vor.u32 v59, v34;
	v44 =	vld.idx.msk [tilespmem:v36+s13+$0x0], $0xffff  }
0x16a: {  	v38 =	vadd.f32 v38, v28;
	[tilespmem:s25+$0x1D0] =	vst v29;
	v29 =	vor.u32 v11, v12;
	v11 =	vld [tilespmem:$0x1FF50]  }
0x16b: {  	v19 =	vadd.f32 v19, v21  }
0x16c: {  	v39 =	vor.u32 v1, v34;
	v1 =	vld [tilespmem:$0x1FED0];
	[tilespmem:s2+$0xFFFFFE80] =	vst v38  }
0x16d: {  	v46 =	vadd.f32 v49, v9;
	v49 =	vld.idx.msk [tilespmem:v34+s9+$0x0], $0xffff;
	[tilespmem:s25+$0xFFFFFED0] =	vst v19  }
0x16e: {  	v19 =	vadd.f32 v20, v8;
	v20 =	vld.idx.msk [tilespmem:v31+s13+$0x0], $0xffff  }
0x16f: {  	v31 =	vadd.f32 v44, v22;
	v44 =	vor.u32 v11, v12;
	v11 =	vld [tilespmem:$0x1FFD0];
	_ =	sdelay $0x1  }
0x170: {  	v33 =	vor.u32 v1, v34  }
0x171: {  	v1 =	vor.u32 v0, v34;
	v35 =	vld.idx.msk [tilespmem:v35+s13+$0x0], $0xffff  }
0x172: {  	[tilespmem:$0x1FC30] =	vst v1  }
0x173: {  	v4 =	vmovc v49;
	v53 =	vadd.f32 v53, v49;
	v17 =	vadd.f32 v17, v25;
	v49 =	vor.u32 v11, v12;
	v11 =	vld [tilespmem:$0x1FF90]  }
0x174: {  	v1 =	vld [tilespmem:$0x1FF40];
	[tilespmem:s2+$0x90] =	vst v46  }
0x175: {  	[tilespmem:s25+$0xFFFFFF40] =	vst v17;
	v17 =	vld.idx.msk [tilespmem:v33+s13+$0x0], $0xffff  }
0x176: {  	v35 =	vadd.f32 v35, v5;
	v33 =	vld.idx.msk [tilespmem:v52+s13+$0x0], $0xffff;
	_ =	sdelay $0x1  }
0x177: {  	[tilespmem:s25+$0xC0] =	vst v35;
	v35 =	vor.u32 v11, v12;
	v11 =	vld [tilespmem:$0x1FE20]  }
0x178: {  	v50 =	vadd.f32 v50, v2;
	v42 =	vld.idx.msk [tilespmem:v42+s13+$0x0], $0xffff;
	_ =	sdelay $0x1  }
0x179: {  	[tilespmem:s2+$0x100] =	vst v50;
	v50 =	vor.u32 v1, v12;
	v33 =	vadd.f32 v33, v26  }
0x17a: {  	v43 =	vadd.f32 v43, v54;
	v40 =	vor.u32 v16, v34;
	v1 =	vmov v2;
	v2 =	vld [tilespmem:$0x1FF80]  }
0x17b: {  	[tilespmem:s25+$0xFFFFFE40] =	vst v33;
	v33 =	vor.u32 v11, v12;
	v11 =	vld [tilespmem:$0x1FFA0]  }
0x17c: {  	[tilespmem:s2+$0xFFFFFF00] =	vst v43;
	v42 =	vadd.f32 v42, v7;
	v36 =	vld.idx.msk [tilespmem:v32+s13+$0x0], $0xffff  }
0x17d: {  	v27 =	vld.idx.msk [tilespmem:v27+s13+$0x0], $0xffff  }
0x17e: {  	v32 =	vld.idx.msk [tilespmem:v50+s13+$0x0], $0xffff;
	[tilespmem:s2+$0xFFFFFF90] =	vst v42  }
0x17f: {  	v38 =	vld.idx.msk [tilespmem:v40+s13+$0x0], $0xffff  }
0x180: {  	v40 =	vor.u32 v11, v12;
	v11 =	vld [tilespmem:$0x1FC50]  }
0x181: {  	v50 =	vor.u32 v2, v12;
	v2 =	vld [tilespmem:$0x1FF60]  }
0x182: {  	[tilespmem:s25+$0x150] =	vst v19;
	v52 =	vadd.f32 v45, v30;
	v45 =	vld.idx.msk [tilespmem:v48+s13+$0x0], $0xffff;
	v27 =	vadd.f32 v27, v25  }
0x183: {  	[tilespmem:s2+$0xFFFFFE00] =	vst v53;
	v19 =	vld.idx.msk [tilespmem:v51+s13+$0x0], $0xffff  }
0x184: {  	[tilespmem:s25+$0xFFFFFF50] =	vst v27;
	v27 =	vld.idx.msk [tilespmem:v44+s13+$0x0], $0xffff  }
0x185: {  	[tilespmem:s2+$0x180] =	vst v52;
	v52 =	vor.u32 v11, v12;
	v11 =	vld [tilespmem:$0x1FFC0]  }
0x186: {  	v23 =	vadd.f32 v23, v41;
	v53 =	vmov v7;
	v7 =	vld [tilespmem:$0x1FFF0];
	[tilespmem:s25+$0x60] =	vst v31  }
0x187: {  	v47 =	vld.idx.msk [tilespmem:v50+s13+$0x0], $0xffff  }
0x188: {  	[tilespmem:s2+$0x0] =	vst v23;
	v29 =	vld.idx.msk [tilespmem:v29+s13+$0x0], $0xffff;
	v19 =	vadd.f32 v19, v21  }
0x189: {  	v20 =	vadd.f32 v20, v28;
	v51 =	vld.idx.msk [tilespmem:v37+s13+$0x0], $0xffff  }
0x18a: {  	v17 =	vadd.f32 v17, v9;
	[tilespmem:s25+$0xFFFFFEE0] =	vst v19;
	v19 =	vadd.f32 v27, v5;
	v27 =	vor.u32 v11, v12;
	v11 =	vld [tilespmem:$0x1FDC0]  }
0x18b: {  	v43 =	vor.u32 v6, v12;
	[tilespmem:s2+$0xFFFFFE90] =	vst v20;
	v44 =	vld.idx.msk [tilespmem:v18+s13+$0x0], $0xffff  }
0x18c: {  	v18 =	vor.u32 v2, v12;
	[tilespmem:s2+$0xA0] =	vst v17;
	v17 =	vld.idx.msk [tilespmem:v49+s13+$0x0], $0xffff  }
0x18d: {  	v39 =	vld.idx.msk [tilespmem:v39+s13+$0x0], $0xffff;
	v29 =	vadd.f32 v29, v24  }
0x18e: {  	v32 =	vadd.f32 v32, v15;
	v2 =	vld [tilespmem:$0x1FFE0]  }
0x18f: {  	p0 =	slt.u32 s26, $0x38;
	[tilespmem:s25+$0x1E0] =	vst v29;
	v42 =	vor.u32 v11, v12;
	v11 =	vld [tilespmem:$0x1FC60]  }
.Ltmp0:
0x190: {  	v31 =	vor.u32 v57, v12;
	[tilespmem:s25+$0xFFFFFFC0] =	vst v32;
	v50 =	vadd.f32 v47, v22;
	v22 =	vmov v41;
	v37 =	vld.idx.msk [tilespmem:v43+s13+$0x0], $0xffff;
	(pc) =	sbr.rel @p0 .LBB2_2-.Ltmp0, $4  }
0x191: {  	v46 =	vor.u32 v7, v12;
	v43 =	vadd.f32 v51, v22;
	v23 =	vld.idx.msk [tilespmem:v18+s13+$0x0], $0xffff;
	v17 =	vadd.f32 v17, v26  }
0x192: {  	v32 =	vmov v3;
	v18 =	vadd.f32 v45, v54;
	v49 =	vadd.f32 v44, v30;
	[tilespmem:s25+$0xD0] =	vst v19;
	v45 =	vld.idx.msk [tilespmem:v33+s13+$0x0], $0xffff  }
0x193: {  	v48 =	vor.u32 v2, v12;
	[tilespmem:s25+$0xFFFFFE50] =	vst v17;
	v33 =	vmovc v10;
	v10 =	vmov v14;
	v14 =	vmov v13;
	v41 =	vld.idx.msk [tilespmem:v52+s13+$0x0], $0xffff  }
0x194: {  	s28 =	smov.u32 s2;
	[tilespmem:s2+$0xFFFFFF10] =	vst v18;
	v18 =	vor.u32 v56, v12;
	v44 =	vld.idx.msk [tilespmem:v27+s13+$0x0], $0xffff;
	v12 =	vmov v34;
	v47 =	vor.u32 v11, v34  }
0x195: {  	[tilespmem:s25+$0x70] =	vst v50  }
0x196: {  	[tilespmem:s2+$0x190] =	vst v49;
	v17 =	vadd.f32 v23, v15  }
0x197: {  	v20 =	vadd.f32 v36, v1;
	[tilespmem:s2+$0x10] =	vst v43  }
0x198: {  	[tilespmem:s25+$0xFFFFFFD0] =	vst v17;
	v17 =	vadd.f32 v45, v25  }
0x199: {  	[tilespmem:s2+$0x110] =	vst v20;
	v20 =	vadd.f32 v39, v28  }
0x19a: {  	[tilespmem:s25+$0xFFFFFF60] =	vst v17;
	v17 =	vadd.f32 v41, v8  }
0x19b: {  	[tilespmem:s2+$0xFFFFFEA0] =	vst v20  }
0x19c: {  	v23 =	vld.idx.msk [tilespmem:v46+s13+$0x0], $0xffff;
	[tilespmem:s25+$0x160] =	vst v17  }
0x19d: {  	v2 =	vld [tilespmem:$0x1FBA0]  }
0x19e: {  	v19 =	vor.u32 v61, v12  }
0x19f: {  	v29 =	vld.idx.msk [tilespmem:v32+s13+$0x0], $0xffff  }
0x1a0: {  	v27 =	vld.idx.msk [tilespmem:v48+s13+$0x0], $0xffff  }
0x1a1: {  	v51 =	vld.idx.msk [tilespmem:v33+s13+$0x0], $0xffff  }
0x1a2: {  	v23 =	vadd.f32 v23, v26;
	v17 =	vld.idx.msk [tilespmem:v47+s13+$0x0], $0xffff  }
0x1a3: {  	v50 =	vadd.f32 v44, v5;
	v19 =	vld.idx.msk [tilespmem:v19+s13+$0x0], $0xffff  }
0x1a4: {  	v29 =	vadd.f32 v29, v54;
	[tilespmem:s25+$0xFFFFFE60] =	vst v23;
	v23 =	vld.idx.msk [tilespmem:v42+s13+$0x0], $0xffff  }
0x1a5: {  	[tilespmem:s25+$0xE0] =	vst v50;
	v27 =	vadd.f32 v27, v15;
	v20 =	vld.idx.msk [tilespmem:v2+s13+$0x0], $0xffff  }
0x1a6: {  	v24 =	vadd.f32 v37, v24;
	[tilespmem:s2+$0xFFFFFF20] =	vst v29;
	v52 =	vld.idx.msk [tilespmem:v40+s13+$0x0], $0xffff  }
0x1a7: {  	v31 =	vld.idx.msk [tilespmem:v31+s13+$0x0], $0xffff;
	[tilespmem:s25+$0xFFFFFFE0] =	vst v27;
	v17 =	vadd.f32 v17, v30  }
0x1a8: {  	v45 =	vld [tilespmem:$0x1FB50];
	[tilespmem:s25+$0x1F0] =	vst v24  }
0x1a9: {  	v19 =	vadd.f32 v19, v4;
	v2 =	vld [tilespmem:$0x1FEA0];
	[tilespmem:s2+$0x1A0] =	vst v17  }
0x1aa: {  	v37 =	vld [tilespmem:$0x1FB60];
	v20 =	vadd.f32 v20, v25  }
0x1ab: {  	v32 =	vadd.f32 v51, v22;
	[tilespmem:s2+$0xFFFFFE10] =	vst v19;
	v25 =	vld.idx.msk [tilespmem:v35+s13+$0x0], $0xffff  }
0x1ac: {  	v19 =	vadd.f32 v23, v21;
	[tilespmem:s25+$0xFFFFFF70] =	vst v20  }
0x1ad: {  	v23 =	vadd.f32 v52, v5;
	v3 =	vld [tilespmem:$0x1FD80];
	[tilespmem:s2+$0x20] =	vst v32  }
0x1ae: {  	v40 =	vld [tilespmem:$0x1FF10];
	[tilespmem:s25+$0xFFFFFEF0] =	vst v19;
	v19 =	vadd.f32 v31, v26  }
0x1af: {  	[tilespmem:s25+$0xF0] =	vst v23  }
0x1b0: {  	v27 =	vor.u32 v62, v12;
	v17 =	vld.idx.msk [tilespmem:v18+s13+$0x0], $0xffff;
	v25 =	vadd.f32 v25, v15;
	[tilespmem:s25+$0xFFFFFE70] =	vst v19  }
0x1b1: {  	v39 =	vld [tilespmem:$0x1FF20]  }
0x1b2: {  	v29 =	vor.u32 v45, v12;
	v21 =	vor.u32 v3, v12;
	v3 =	vld [tilespmem:$0x1FB80];
	[tilespmem:s25+$0xFFFFFFF0] =	vst v25  }
0x1b3: {  	v24 =	vor.u32 v2, v12;
	v5 =	vld [tilespmem:$0x1FC30]  }
0x1b4: {  	v18 =	vor.u32 v37, v12  }
0x1b5: {  	v20 =	vld.idx.msk [tilespmem:v27+s13+$0x0], $0xffff;
	_ =	sdelay $0x1  }
0x1b6: {  	v17 =	vadd.f32 v17, v8;
	v29 =	vld.idx.msk [tilespmem:v29+s13+$0x0], $0xffff  }
0x1b7: {  	v24 =	vld.idx.msk [tilespmem:v24+s13+$0x0], $0xffff  }
0x1b8: {  	v18 =	vld.idx.msk [tilespmem:v18+s13+$0x0], $0xffff;
	[tilespmem:s25+$0x170] =	vst v17  }
0x1b9: {  	v20 =	vadd.f32 v20, v4;
	v46 =	vld [tilespmem:$0x1FF00]  }
0x1ba: {  	v31 =	vadd.f32 v38, v53;
	v25 =	vld.idx.msk [tilespmem:v5+s13+$0x0], $0xffff  }
0x1bb: {  	v29 =	vadd.f32 v29, v1;
	v5 =	vld [tilespmem:$0x1FB90];
	[tilespmem:s28+$0xFFFFFE20] =	vst v20  }
0x1bc: {  	v21 =	vld.idx.msk [tilespmem:v21+s13+$0x0], $0xffff;
	v20 =	vadd.f32 v24, v22;
	[tilespmem:s28+$0xFFFFFFA0] =	vst v31  }
0x1bd: {  	v27 =	vor.u32 v40, v12;
	v18 =	vadd.f32 v18, v30;
	v26 =	vor.u32 v3, v12;
	v3 =	vld [tilespmem:$0x1FE00];
	[tilespmem:s28+$0x120] =	vst v29  }
0x1be: {  	v23 =	vor.u32 v63, v12;
	v47 =	vld [tilespmem:$0x1FD90];
	[tilespmem:s28+$0x30] =	vst v20  }
0x1bf: {  	v42 =	vld [tilespmem:$0x1FF30];
	[tilespmem:s28+$0x1B0] =	vst v18  }
0x1c0: {  	v7 =	vld [tilespmem:$0x1FFB0]  }
0x1c1: {  	v19 =	vor.u32 v39, v12;
	v20 =	vadd.f32 v25, v54  }
0x1c2: {  	v27 =	vld.idx.msk [tilespmem:v27+s13+$0x0], $0xffff;
	v21 =	vadd.f32 v21, v28  }
0x1c3: {  	v23 =	vld.idx.msk [tilespmem:v23+s13+$0x0], $0xffff;
	[tilespmem:s28+$0xFFFFFF30] =	vst v20  }
0x1c4: {  	v43 =	vld [tilespmem:$0x1FF40];
	[tilespmem:s28+$0xFFFFFEB0] =	vst v21  }
0x1c5: {  	v18 =	vor.u32 v7, v12;
	v7 =	vld [tilespmem:$0x1FEE0]  }
0x1c6: {  	v17 =	vor.u32 v46, v12;
	v19 =	vld.idx.msk [tilespmem:v19+s13+$0x0], $0xffff  }
0x1c7: {  	v26 =	vld.idx.msk [tilespmem:v26+s13+$0x0], $0xffff;
	v27 =	vadd.f32 v27, v9;
	v36 =	vor.u32 v5, v12;
	_ =	sdelay $0x1  }
0x1c8: {  	v24 =	vor.u32 v3, v12;
	v3 =	vld [tilespmem:$0x1FBC0];
	[tilespmem:s28+$0xB0] =	vst v27  }
0x1c9: {  	v23 =	vadd.f32 v23, v4;
	v38 =	vor.u32 v7, v12;
	v7 =	vld [tilespmem:$0x1FBD0]  }
0x1ca: {  	v17 =	vld.idx.msk [tilespmem:v17+s13+$0x0], $0xffff;
	v19 =	vadd.f32 v19, v53  }
0x1cb: {  	v29 =	vor.u32 v47, v12;
	v26 =	vadd.f32 v26, v1;
	v31 =	vld.idx.msk [tilespmem:v36+s13+$0x0], $0xffff;
	[tilespmem:s28+$0xFFFFFE30] =	vst v23  }
0x1cc: {  	[tilespmem:s28+$0xFFFFFFB0] =	vst v19  }
0x1cd: {  	v21 =	vor.u32 v3, v12;
	v3 =	vld [tilespmem:$0x1FE10];
	[tilespmem:s28+$0x130] =	vst v26  }
0x1ce: {  	v27 =	vor.u32 v7, v12;
	v7 =	vld [tilespmem:$0x1FDA0]  }
0x1cf: {  	v17 =	vadd.f32 v17, v22;
	v24 =	vld.idx.msk [tilespmem:v24+s13+$0x0], $0xffff  }
0x1d0: {  	v29 =	vld.idx.msk [tilespmem:v29+s13+$0x0], $0xffff;
	v23 =	vadd.f32 v31, v30  }
0x1d1: {  	[tilespmem:s28+$0x40] =	vst v17  }
0x1d2: {  	v50 =	vld [tilespmem:$0x1FF50];
	[tilespmem:s28+$0x1C0] =	vst v23  }
0x1d3: {  	v26 =	vor.u32 v7, v12;
	v7 =	vld [tilespmem:$0x1FFD0]  }
0x1d4: {  	v17 =	vld.idx.msk [tilespmem:v21+s13+$0x0], $0xffff;
	v21 =	vadd.f32 v24, v54  }
0x1d5: {  	v25 =	vor.u32 v42, v12;
	v29 =	vadd.f32 v29, v28  }
0x1d6: {  	[tilespmem:s28+$0xFFFFFF40] =	vst v21  }
0x1d7: {  	v52 =	vld [tilespmem:$0x1FF60];
	[tilespmem:s28+$0xFFFFFEC0] =	vst v29  }
0x1d8: {  	v23 =	vor.u32 v7, v12;
	v7 =	vld [tilespmem:$0x1FBE0];
	_ =	sdelay $0x1  }
0x1d9: {  	v25 =	vld.idx.msk [tilespmem:v25+s13+$0x0], $0xffff;
	_ =	sdelay $0x2  }
0x1da: {  	v29 =	vor.u32 v7, v12;
	v7 =	vld [tilespmem:$0x1FEF0]  }
0x1db: {  	v20 =	vor.u32 v43, v12  }
0x1dc: {  	v18 =	vld.idx.msk [tilespmem:v18+s13+$0x0], $0xffff;
	v25 =	vadd.f32 v25, v9;
	_ =	sdelay $0x1  }
0x1dd: {  	[tilespmem:s28+$0xC0] =	vst v25  }
0x1de: {  	v41 =	vor.u32 v7, v12;
	v7 =	vld [tilespmem:$0x1FC20]  }
0x1df: {  	v20 =	vld.idx.msk [tilespmem:v20+s13+$0x0], $0xffff  }
0x1e0: {  	v18 =	vadd.f32 v18, v4  }
0x1e1: {  	v19 =	vor.u32 v3, v12;
	v31 =	vld.idx.msk [tilespmem:v38+s13+$0x0], $0xffff  }
0x1e2: {  	[tilespmem:s28+$0xFFFFFE40] =	vst v18  }
0x1e3: {  	v25 =	vor.u32 v7, v12;
	v7 =	vld [tilespmem:$0x1FE20]  }
0x1e4: {  	v20 =	vadd.f32 v20, v53  }
0x1e5: {  	v27 =	vld.idx.msk [tilespmem:v27+s13+$0x0], $0xffff;
	v17 =	vadd.f32 v17, v1;
	v24 =	vor.u32 v50, v12  }
0x1e6: {  	v19 =	vld.idx.msk [tilespmem:v19+s13+$0x0], $0xffff;
	v18 =	vadd.f32 v31, v22;
	[tilespmem:s28+$0xFFFFFFC0] =	vst v20  }
0x1e7: {  	v26 =	vld.idx.msk [tilespmem:v26+s13+$0x0], $0xffff;
	[tilespmem:s28+$0x140] =	vst v17  }
0x1e8: {  	v31 =	vor.u32 v7, v12;
	v7 =	vld [tilespmem:$0x1FDB0];
	[tilespmem:s28+$0x50] =	vst v18  }
0x1e9: {  	v3 =	vld [tilespmem:$0x1FFC0]  }
0x1ea: {  	v21 =	vor.u32 v52, v12;
	v24 =	vld.idx.msk [tilespmem:v24+s13+$0x0], $0xffff;
	v17 =	vadd.f32 v27, v30  }
0x1eb: {  	v19 =	vadd.f32 v19, v54;
	v23 =	vld.idx.msk [tilespmem:v23+s13+$0x0], $0xffff  }
0x1ec: {  	v18 =	vld.idx.msk [tilespmem:v29+s13+$0x0], $0xffff;
	[tilespmem:s28+$0x1D0] =	vst v17  }
0x1ed: {  	v20 =	vor.u32 v7, v12;
	v7 =	vld [tilespmem:$0x1FFF0];
	[tilespmem:s28+$0xFFFFFF50] =	vst v19  }
0x1ee: {  	v27 =	vor.u32 v3, v12;
	v3 =	vld [tilespmem:$0x1FFE0]  }
0x1ef: {  	v26 =	vadd.f32 v26, v28;
	v21 =	vld.idx.msk [tilespmem:v21+s13+$0x0], $0xffff  }
0x1f0: {  	v29 =	vld.idx.msk [tilespmem:v41+s13+$0x0], $0xffff  }
0x1f1: {  	v19 =	vadd.f32 v24, v9;
	[tilespmem:s28+$0xFFFFFED0] =	vst v26  }
0x1f2: {  	v23 =	vadd.f32 v23, v4;
	v17 =	vor.u32 v7, v12;
	v7 =	vld [tilespmem:$0x1FC50]  }
0x1f3: {  	v18 =	vadd.f32 v18, v1;
	v24 =	vor.u32 v3, v12;
	v3 =	vld [tilespmem:$0x1FF80];
	[tilespmem:s28+$0xD0] =	vst v19  }
0x1f4: {  	v25 =	vld.idx.msk [tilespmem:v25+s13+$0x0], $0xffff;
	v19 =	vadd.f32 v21, v53;
	[tilespmem:s28+$0xFFFFFE50] =	vst v23  }
0x1f5: {  	[tilespmem:s28+$0x150] =	vst v18;
	v23 =	vld.idx.msk [tilespmem:v27+s13+$0x0], $0xffff;
	v27 =	vadd.f32 v29, v22  }
0x1f6: {  	[tilespmem:s28+$0xFFFFFFD0] =	vst v19  }
0x1f7: {  	v26 =	vor.u32 v7, v12;
	v7 =	vld [tilespmem:$0x1FDC0];
	[tilespmem:s28+$0x60] =	vst v27  }
0x1f8: {  	v44 =	vor.u32 v3, v12;
	v3 =	vld [tilespmem:$0x1FFA0];
	_ =	sdelay $0x1  }
0x1f9: {  	v18 =	vadd.f32 v25, v30  }
0x1fa: {  	v31 =	vld.idx.msk [tilespmem:v31+s13+$0x0], $0xffff  }
0x1fb: {  	v20 =	vld.idx.msk [tilespmem:v20+s13+$0x0], $0xffff;
	v21 =	vor.u32 v6, v12;
	[tilespmem:s28+$0x1E0] =	vst v18  }
0x1fc: {  	v25 =	vor.u32 v3, v12;
	v3 =	vld [tilespmem:$0x1FF90]  }
0x1fd: {  	v17 =	vld.idx.msk [tilespmem:v17+s13+$0x0], $0xffff  }
0x1fe: {  	v24 =	vld.idx.msk [tilespmem:v24+s13+$0x0], $0xffff;
	v19 =	vor.u32 v7, v12  }
0x1ff: {  	v27 =	vadd.f32 v31, v54;
	v26 =	vld.idx.msk [tilespmem:v26+s13+$0x0], $0xffff  }
0x200: {  	v29 =	vor.u32 v57, v12;
	v20 =	vadd.f32 v20, v28;
	v21 =	vld.idx.msk [tilespmem:v21+s13+$0x0], $0xffff  }
0x201: {  	v23 =	vadd.f32 v23, v9;
	v31 =	vld.idx.msk [tilespmem:v44+s13+$0x0], $0xffff;
	[tilespmem:s28+$0xFFFFFF60] =	vst v27;
	v18 =	vor.u32 v3, v12  }
0x202: {  	v17 =	vadd.f32 v17, v4;
	[tilespmem:s28+$0xFFFFFEE0] =	vst v20;
	v20 =	vld.idx.msk [tilespmem:v55+s13+$0x0], $0xffff;
	v12 =	vor.u32 v56, v12  }
0x203: {  	v24 =	vadd.f32 v24, v53;
	[tilespmem:s28+$0xE0] =	vst v23;
	v19 =	vld.idx.msk [tilespmem:v19+s13+$0x0], $0xffff  }
0x204: {  	[tilespmem:s28+$0xFFFFFE60] =	vst v17;
	v23 =	vadd.f32 v26, v1;
	v17 =	vld.idx.msk [tilespmem:v25+s13+$0x0], $0xffff  }
0x205: {  	v21 =	vadd.f32 v21, v30;
	[tilespmem:s28+$0xFFFFFFE0] =	vst v24;
	v24 =	vld.idx.msk [tilespmem:v29+s13+$0x0], $0xffff  }
0x206: {  	v22 =	vadd.f32 v31, v22;
	[tilespmem:s28+$0x160] =	vst v23;
	v18 =	vld.idx.msk [tilespmem:v18+s13+$0x0], $0xffff  }
0x207: {  	[tilespmem:s28+$0x1F0] =	vst v21;
	v20 =	vadd.f32 v20, v54;
	v12 =	vld.idx.msk [tilespmem:v12+s13+$0x0], $0xffff  }
0x208: {  	[tilespmem:s28+$0x70] =	vst v22;
	v19 =	vadd.f32 v19, v28  }
0x209: {  	[tilespmem:s28+$0xFFFFFF70] =	vst v20;
	v17 =	vadd.f32 v17, v9  }
0x20a: {  	[tilespmem:s28+$0xFFFFFEF0] =	vst v19;
	v19 =	vadd.f32 v24, v4  }
0x20b: {  	[tilespmem:s28+$0xF0] =	vst v17;
	v18 =	vadd.f32 v18, v53  }
0x20c: {  	[tilespmem:s28+$0xFFFFFE70] =	vst v19;
	v12 =	vadd.f32 v12, v1  }
0x20d: {  	[tilespmem:s28+$0xFFFFFFF0] =	vst v18  }
0x20e: {  	[tilespmem:s28+$0x170] =	vst v12  }
0x20f: {  	v18 =	vld [tilespmem:$0x1FD50];
	_ =	sdelay $0x4  }
0x210: {  	v12 =	vadd.s32 $0x2, v18  }
0x211: {  	[hbm4b:s6+s17] =	stream.strided.scatter [tilespmem:s19], [sflag:$0x3], $0x2000, s18, s17, $0x38;
	[tilespmem:$0xE540] =	vst v63  }
0x212: {  	_ =	swait.ge [sflag:s20], $0x2000  }
0x213: {  	[sflag:s20] =	ssyncset.done $0x0  }
0x214: {  	[sflag:s20] =	ssyncadd.s32 $0xFFFFE000  }
0x215: {  	v12 =	vld.idx.msk [tilespmem:v12+s3+$0x0], $0xffff  }
0x216: {  	v17 =	vadd.s32 $0x322, v18;
	_ =	sdelay $0x3  }
0x217: {  	[tilespmem:$0x6400] =	vst v12  }
0x218: {  	v12 =	vld.idx.msk [tilespmem:v17+s3+$0x0], $0xffff  }
0x219: {  	v17 =	vadd.s32 $0x642, v18;
	_ =	sdelay $0x3  }
0x21a: {  	[tilespmem:$0x6410] =	vst v12  }
0x21b: {  	v12 =	vld.idx.msk [tilespmem:v17+s3+$0x0], $0xffff  }
0x21c: {  	v17 =	vadd.s32 $0x962, v18;
	_ =	sdelay $0x3  }
0x21d: {  	[tilespmem:$0x6420] =	vst v12  }
0x21e: {  	v12 =	vld.idx.msk [tilespmem:v17+s3+$0x0], $0xffff  }
0x21f: {  	v17 =	vadd.s32 $0xC82, v18;
	_ =	sdelay $0x3  }
0x220: {  	[tilespmem:$0x6430] =	vst v12  }
0x221: {  	v12 =	vld.idx.msk [tilespmem:v17+s3+$0x0], $0xffff  }
0x222: {  	v17 =	vadd.s32 $0xFA2, v18;
	_ =	sdelay $0x3  }
0x223: {  	[tilespmem:$0x6440] =	vst v12  }
0x224: {  	v12 =	vld.idx.msk [tilespmem:v17+s3+$0x0], $0xffff  }
0x225: {  	v17 =	vadd.s32 $0x12C2, v18;
	_ =	sdelay $0x3  }
0x226: {  	[tilespmem:$0x6450] =	vst v12  }
0x227: {  	v12 =	vld.idx.msk [tilespmem:v17+s3+$0x0], $0xffff  }
0x228: {  	v17 =	vadd.s32 $0x15E2, v18  }
0x229: {  	s31 =	simm.s32 $0x0  }
0x22a: {  	v18 =	vmov s31  }
0x22b: {  	v41 =	vld [tilespmem:$0x1FBB0];
	v18 =	vshrl.u32 v18, $0x3  }
0x22c: {  	[tilespmem:$0x6460] =	vst v12;
	v12 =	vshll.u32 v18, $0x3  }
0x22d: {  	v17 =	vld.idx.msk [tilespmem:v17+s3+$0x0], $0xffff;
	v21 =	vbroadcast v12, $0x0;
	_ =	sdelay $0x1  }
0x22e: {  	v12 =	vor.u32 $0x7, v21  }
0x22f: {  	v49 =	vld [tilespmem:$0x1FE60];
	v18 =	vor.u32 v41, v21;
	_ =	sdelay $0x1  }
0x230: {  	v51 =	vld [tilespmem:$0x1FC10];
	v19 =	vor.u32 $0x4, v21;
	[tilespmem:$0x6470] =	vst v17  }
0x231: {  	v22 =	vld [tilespmem:$0x1FF70];
	[tilespmem:s13], [sflag:$0x1] =	stream.indirect.gather [hbm4b:s4+s11], $0x40, s12, s11, $0xb8  }
0x232: {  	v20 =	vor.u32 $0x1, v21;
	v1 =	vld.idx.msk [tilespmem:v12+s9+$0x0], $0xffff  }
0x233: {  	v27 =	vor.u32 v49, v21;
	v18 =	vld.idx.msk [tilespmem:v18+s16+$0x0], $0xffff  }
0x234: {  	v38 =	vld [tilespmem:$0x1FB70];
	v12 =	vor.u32 v14, v21  }
0x235: {  	v7 =	vld.idx.msk [tilespmem:v19+s9+$0x0], $0xffff;
	v19 =	vor.u32 $0x2, v21  }
0x236: {  	v25 =	vor.u32 v51, v21;
	v24 =	vld.idx.msk [tilespmem:v21+s9+$0x0], $0xffff  }
0x237: {  	v26 =	vor.u32 v22, v21;
	v9 =	vld.idx.msk [tilespmem:v20+s9+$0x0], $0xffff  }
0x238: {  	v30 =	vld.idx.msk [tilespmem:v27+s16+$0x0], $0xffff;
	v18 =	vadd.f32 v18, v1  }
0x239: {  	s25 =	simm.s32 $0xC700;
	v28 =	vor.u32 $0x5, v21;
	v12 =	vld.idx.msk [tilespmem:v12+s16+$0x0], $0xffff  }
0x23a: {  	v54 =	vld.idx.msk [tilespmem:v19+s9+$0x0], $0xffff;
	v19 =	vor.u32 v60, v21;
	[tilespmem:s25+$0x180] =	vst v18  }
0x23b: {  	v18 =	vor.u32 $0x3, v21;
	v20 =	vld.idx.msk [tilespmem:v25+s16+$0x0], $0xffff  }
0x23c: {  	v25 =	vld.idx.msk [tilespmem:v26+s16+$0x0], $0xffff;
	v26 =	vor.u32 v10, v21  }
0x23d: {  	v4 =	vld [tilespmem:$0x1FEB0]  }
0x23e: {  	v34 =	vld.idx.msk [tilespmem:v28+s9+$0x0], $0xffff;
	v12 =	vadd.f32 v12, v7  }
0x23f: {  	v19 =	vld.idx.msk [tilespmem:v19+s16+$0x0], $0xffff  }
0x240: {  	v28 =	vor.u32 v11, v21;
	v36 =	vld.idx.msk [tilespmem:v18+s9+$0x0], $0xffff;
	[tilespmem:s25+$0x0] =	vst v12;
	v12 =	vadd.f32 v20, v1  }
0x241: {  	v20 =	vld.idx.msk [tilespmem:v26+s16+$0x0], $0xffff  }
0x242: {  	v29 =	vor.u32 v4, v21;
	v27 =	vld [tilespmem:$0x1FDD0];
	[tilespmem:s25+$0x190] =	vst v12  }
0x243: {  	v18 =	vor.u32 $0x6, v21;
	v53 =	vld [tilespmem:$0x1FE70]  }
0x244: {  	v31 =	vor.u32 v58, v21;
	v3 =	vld [tilespmem:$0x1FE90]  }
0x245: {  	v17 =	vor.u32 v38, v21;
	v28 =	vld.idx.msk [tilespmem:v28+s16+$0x0], $0xffff  }
0x246: {  	v48 =	vadd.f32 v25, v54;
	v44 =	vld [tilespmem:$0x1FEC0]  }
0x247: {  	v30 =	vadd.f32 v30, v36;
	v26 =	vor.u32 v27, v21;
	v29 =	vld.idx.msk [tilespmem:v29+s16+$0x0], $0xffff  }
0x248: {  	[tilespmem:s25+$0xFFFFFF00] =	vst v48;
	v25 =	vld.idx.msk [tilespmem:v18+s9+$0x0], $0xffff;
	v18 =	vadd.f32 v20, v7;
	v12 =	vor.u32 v53, v21  }
0x249: {  	v31 =	vld.idx.msk [tilespmem:v31+s16+$0x0], $0xffff;
	[tilespmem:s25+$0xFFFFFF80] =	vst v30;
	v32 =	vor.u32 v3, v21  }
0x24a: {  	v17 =	vld.idx.msk [tilespmem:v17+s16+$0x0], $0xffff;
	[tilespmem:s25+$0x10] =	vst v18  }
0x24b: {  	v55 =	vor.u32 v44, v21;
	v48 =	vld [tilespmem:$0x1FBF0]  }
0x24c: {  	v20 =	vor.u32 v37, v21;
	v29 =	vadd.f32 v29, v34;
	v26 =	vld.idx.msk [tilespmem:v26+s16+$0x0], $0xffff  }
0x24d: {  	v19 =	vadd.f32 v19, v24;
	v18 =	vadd.f32 v28, v1;
	v12 =	vld.idx.msk [tilespmem:v12+s16+$0x0], $0xffff  }
0x24e: {  	v37 =	vor.u32 v59, v21;
	[tilespmem:s25+$0x80] =	vst v29;
	v29 =	vadd.f32 v31, v9;
	v31 =	vld.idx.msk [tilespmem:v32+s16+$0x0], $0xffff  }
0x24f: {  	v28 =	vor.u32 v61, v21;
	v13 =	vld [tilespmem:$0x1FDE0];
	[tilespmem:s25+$0x1A0] =	vst v18  }
0x250: {  	v30 =	vor.u32 v48, v21;
	v35 =	vld.idx.msk [tilespmem:v55+s16+$0x0], $0xffff;
	[tilespmem:s25+$0xFFFFFE00] =	vst v19  }
0x251: {  	v20 =	vld.idx.msk [tilespmem:v20+s16+$0x0], $0xffff;
	[tilespmem:s25+$0xFFFFFE80] =	vst v29  }
0x252: {  	v17 =	vadd.f32 v17, v25;
	v55 =	vmov v2;
	v19 =	vor.u32 v2, v21;
	v2 =	vld [tilespmem:$0x1FED0]  }
0x253: {  	v18 =	vor.u32 v16, v21;
	v29 =	vld.idx.msk [tilespmem:v37+s16+$0x0], $0xffff;
	v26 =	vadd.f32 v26, v54  }
0x254: {  	[tilespmem:s25+$0x100] =	vst v17;
	v17 =	vld.idx.msk [tilespmem:v28+s16+$0x0], $0xffff  }
0x255: {  	s26 =	simm.s32 $0x8;
	[tilespmem:s25+$0xFFFFFF10] =	vst v26;
	v26 =	vor.u32 v5, v21;
	v12 =	vadd.f32 v12, v36;
	v30 =	vld.idx.msk [tilespmem:v30+s16+$0x0], $0xffff  }
0x256: {  	v28 =	vmov s26;
	v32 =	vor.u32 v13, v21;
	v31 =	vadd.f32 v31, v7;
	v23 =	vld [tilespmem:$0x1FD70]  }
0x257: {  	v28 =	vshrl.u32 v28, $0x3;
	v20 =	vadd.f32 v20, v1;
	v33 =	vor.u32 v2, v21;
	[tilespmem:s25+$0xFFFFFF90] =	vst v12  }
0x258: {  	v35 =	vadd.f32 v35, v34;
	v12 =	vshll.u32 v28, $0x3;
	[tilespmem:s25+$0x20] =	vst v31;
	v28 =	vor.u32 v62, v21;
	v18 =	vld.idx.msk [tilespmem:v18+s16+$0x0], $0xffff  }
0x259: {  	v29 =	vadd.f32 v29, v9;
	v12 =	vbroadcast v12, $0x0;
	v31 =	vld.idx.msk [tilespmem:v19+s16+$0x0], $0xffff;
	[tilespmem:s25+$0x1B0] =	vst v20  }
0x25a: {  	[tilespmem:s25+$0x90] =	vst v35;
	v17 =	vadd.f32 v17, v24;
	v26 =	vld.idx.msk [tilespmem:v26+s16+$0x0], $0xffff  }
0x25b: {  	[tilespmem:s25+$0xFFFFFE90] =	vst v29;
	v37 =	vor.u32 v23, v21;
	v32 =	vld.idx.msk [tilespmem:v32+s16+$0x0], $0xffff;
	v30 =	vadd.f32 v30, v25  }
0x25c: {  	v19 =	vor.u32 v45, v21;
	[tilespmem:s25+$0xFFFFFE10] =	vst v17;
	v45 =	vor.u32 v38, v12;
	v20 =	vld.idx.msk [tilespmem:v33+s16+$0x0], $0xffff  }
0x25d: {  	[tilespmem:s25+$0x110] =	vst v30;
	v30 =	vld.idx.msk [tilespmem:v28+s16+$0x0], $0xffff  }
0x25e: {  	v28 =	vor.u32 v40, v21;
	v40 =	vor.u32 v60, v12;
	v8 =	vld [tilespmem:$0x1FD80]  }
0x25f: {  	v29 =	vor.u32 $0x1, v12;
	v2 =	vld.idx.msk [tilespmem:v12+s9+$0x0], $0xffff  }
0x260: {  	v17 =	vld.idx.msk [tilespmem:v37+s16+$0x0], $0xffff  }
0x261: {  	v33 =	vld.idx.msk [tilespmem:v45+s16+$0x0], $0xffff;
	v45 =	vor.u32 v39, v21  }
0x262: {  	v35 =	vor.u32 v0, v21;
	v37 =	vld.idx.msk [tilespmem:v19+s16+$0x0], $0xffff;
	v20 =	vadd.f32 v20, v34  }
0x263: {  	v18 =	vadd.f32 v18, v36;
	v3 =	vld.idx.msk [tilespmem:v40+s16+$0x0], $0xffff;
	v39 =	vor.u32 v8, v21  }
0x264: {  	v32 =	vadd.f32 v32, v54;
	v19 =	vld.idx.msk [tilespmem:v29+s9+$0x0], $0xffff;
	[tilespmem:s25+$0xA0] =	vst v20;
	v20 =	vor.u32 v22, v12  }
0x265: {  	[tilespmem:s25+$0xFFFFFFA0] =	vst v18;
	v17 =	vadd.f32 v17, v9;
	v28 =	vld.idx.msk [tilespmem:v28+s16+$0x0], $0xffff  }
0x266: {  	v18 =	vor.u32 v49, v12;
	[tilespmem:s25+$0xFFFFFF20] =	vst v32;
	v49 =	vld.idx.msk [tilespmem:v45+s16+$0x0], $0xffff  }
0x267: {  	v29 =	vld.idx.msk [tilespmem:v35+s16+$0x0], $0xffff;
	[tilespmem:s25+$0xFFFFFEA0] =	vst v17  }
0x268: {  	v39 =	vld.idx.msk [tilespmem:v39+s16+$0x0], $0xffff;
	[tilespmem:$0x1FB20] =	vst v3  }
0x269: {  	v17 =	vld.idx.msk [tilespmem:v20+s16+$0x0], $0xffff;
	v20 =	vadd.f32 v31, v7  }
0x26a: {  	v32 =	vor.u32 v58, v12;
	v28 =	vadd.f32 v28, v34  }
0x26b: {  	v45 =	vor.u32 $0x5, v12;
	v35 =	vadd.f32 v49, v36;
	[tilespmem:s25+$0x30] =	vst v20  }
0x26c: {  	v46 =	vor.u32 v46, v21;
	[tilespmem:s25+$0xB0] =	vst v28  }
0x26d: {  	v42 =	vor.u32 v42, v21;
	v18 =	vld.idx.msk [tilespmem:v18+s16+$0x0], $0xffff;
	[tilespmem:s25+$0xFFFFFFB0] =	vst v35  }
0x26e: {  	v3 =	vld [tilespmem:$0x1FB80]  }
0x26f: {  	v38 =	vor.u32 v41, v12;
	v5 =	vld.idx.msk [tilespmem:v32+s16+$0x0], $0xffff  }
0x270: {  	v32 =	vor.u32 $0x7, v12;
	v20 =	vld.idx.msk [tilespmem:v45+s9+$0x0], $0xffff  }
0x271: {  	v31 =	vor.u32 v43, v21;
	v40 =	vld.idx.msk [tilespmem:v46+s16+$0x0], $0xffff;
	v39 =	vadd.f32 v39, v9  }
0x272: {  	v37 =	vadd.f32 v37, v25;
	v45 =	vor.u32 v47, v21;
	v35 =	vld.idx.msk [tilespmem:v42+s16+$0x0], $0xffff  }
0x273: {  	v29 =	vadd.f32 v29, v54;
	v43 =	vor.u32 v14, v12;
	v46 =	vor.u32 v3, v21;
	v3 =	vld [tilespmem:$0x1FE00];
	[tilespmem:s25+$0xFFFFFEB0] =	vst v39  }
0x274: {  	v30 =	vadd.f32 v30, v24;
	v38 =	vld.idx.msk [tilespmem:v38+s16+$0x0], $0xffff;
	v49 =	vor.u32 v4, v12;
	[tilespmem:s25+$0x120] =	vst v37  }
0x275: {  	v26 =	vadd.f32 v26, v1;
	v28 =	vld.idx.msk [tilespmem:v32+s9+$0x0], $0xffff;
	[tilespmem:s25+$0xFFFFFF30] =	vst v29  }
0x276: {  	v47 =	vor.u32 $0x3, v12;
	v31 =	vld.idx.msk [tilespmem:v31+s16+$0x0], $0xffff;
	[tilespmem:s25+$0xFFFFFE20] =	vst v30;
	v29 =	vadd.f32 v40, v7  }
0x277: {  	[tilespmem:s25+$0x1C0] =	vst v26;
	v35 =	vadd.f32 v35, v34;
	v45 =	vld.idx.msk [tilespmem:v45+s16+$0x0], $0xffff  }
0x278: {  	v43 =	vld.idx.msk [tilespmem:v43+s16+$0x0], $0xffff;
	[tilespmem:s25+$0x40] =	vst v29;
	v32 =	vor.u32 v3, v21  }
0x279: {  	v39 =	vor.u32 $0x4, v12;
	v37 =	vld.idx.msk [tilespmem:v49+s16+$0x0], $0xffff;
	[tilespmem:s25+$0xC0] =	vst v35  }
0x27a: {  	v38 =	vadd.f32 v38, v28;
	v3 =	vld [tilespmem:$0x1FBC0]  }
0x27b: {  	s2 =	simm.s32 $0xCB00;
	v42 =	vor.u32 v63, v21;
	v26 =	vld.idx.msk [tilespmem:v47+s9+$0x0], $0xffff;
	v31 =	vadd.f32 v31, v36  }
0x27c: {  	v30 =	vor.u32 v51, v12;
	v46 =	vld.idx.msk [tilespmem:v46+s16+$0x0], $0xffff;
	[tilespmem:s2+$0x180] =	vst v38;
	v45 =	vadd.f32 v45, v9  }
0x27d: {  	v50 =	vor.u32 v50, v21;
	[tilespmem:s25+$0xFFFFFFC0] =	vst v31;
	v32 =	vld.idx.msk [tilespmem:v32+s16+$0x0], $0xffff  }
0x27e: {  	v47 =	vor.u32 $0x2, v12;
	v29 =	vld.idx.msk [tilespmem:v39+s9+$0x0], $0xffff;
	[tilespmem:s25+$0xFFFFFEC0] =	vst v45  }
0x27f: {  	v39 =	vor.u32 v3, v21;
	v3 =	vld [tilespmem:$0x1FE10]  }
0x280: {  	v40 =	vor.u32 v52, v21;
	v35 =	vld.idx.msk [tilespmem:v42+s16+$0x0], $0xffff  }
0x281: {  	v51 =	vor.u32 v53, v12;
	v53 =	vld.idx.msk [tilespmem:v30+s16+$0x0], $0xffff;
	v30 =	vadd.f32 v46, v25  }
0x282: {  	v50 =	vld.idx.msk [tilespmem:v50+s16+$0x0], $0xffff;
	v32 =	vadd.f32 v32, v54  }
0x283: {  	v15 =	vmov v4;
	v31 =	vld.idx.msk [tilespmem:v47+s9+$0x0], $0xffff;
	[tilespmem:s25+$0x130] =	vst v30  }
0x284: {  	v4 =	vor.u32 v23, v12;
	v30 =	vadd.f32 v43, v29;
	v45 =	vor.u32 v3, v21;
	v3 =	vld [tilespmem:$0x1FFC0];
	[tilespmem:s25+$0xFFFFFF40] =	vst v32  }
0x285: {  	v37 =	vadd.f32 v37, v20;
	v40 =	vld.idx.msk [tilespmem:v40+s16+$0x0], $0xffff;
	[tilespmem:$0x1FB10] =	vst v4  }
0x286: {  	[tilespmem:s2+$0x0] =	vst v30  }
0x287: {  	[tilespmem:s2+$0x80] =	vst v37  }
0x288: {  	v4 =	vld [tilespmem:$0x1FFB0];
	_ =	sdelay $0x1  }
0x289: {  	v32 =	vadd.f32 v50, v34  }
0x28a: {  	v42 =	vor.u32 $0x6, v12  }
0x28b: {  	v38 =	vor.u32 v10, v12;
	v53 =	vadd.f32 v53, v28;
	v39 =	vld.idx.msk [tilespmem:v39+s16+$0x0], $0xffff;
	[tilespmem:s25+$0xD0] =	vst v32  }
0x28c: {  	v50 =	vor.u32 v4, v21;
	v4 =	vld [tilespmem:$0x1FBE0]  }
0x28d: {  	[tilespmem:s2+$0x190] =	vst v53  }
0x28e: {  	v40 =	vadd.f32 v40, v36;
	v43 =	vor.u32 v3, v21;
	v3 =	vld [tilespmem:$0x1FFE0]  }
0x28f: {  	v35 =	vadd.f32 v35, v24;
	v30 =	vld.idx.msk [tilespmem:v42+s9+$0x0], $0xffff  }
0x290: {  	v38 =	vld.idx.msk [tilespmem:v38+s16+$0x0], $0xffff;
	v39 =	vadd.f32 v39, v25;
	[tilespmem:s25+$0xFFFFFFD0] =	vst v40  }
0x291: {  	v52 =	vor.u32 v44, v12;
	v42 =	vor.u32 v4, v21;
	v4 =	vld [tilespmem:$0x1FEE0];
	[tilespmem:s25+$0xFFFFFE30] =	vst v35  }
0x292: {  	[tilespmem:s25+$0x140] =	vst v39  }
0x293: {  	v37 =	vor.u32 v3, v21;
	v3 =	vld [tilespmem:$0x1FE90]  }
0x294: {  	v46 =	vor.u32 v11, v12;
	v33 =	vadd.f32 v33, v30;
	v43 =	vld.idx.msk [tilespmem:v43+s16+$0x0], $0xffff  }
0x295: {  	v38 =	vadd.f32 v38, v29  }
0x296: {  	v23 =	vld.idx.msk [tilespmem:v52+s16+$0x0], $0xffff;
	[tilespmem:s2+$0x100] =	vst v33  }
0x297: {  	v47 =	vld.idx.msk [tilespmem:v50+s16+$0x0], $0xffff;
	[tilespmem:s2+$0x10] =	vst v38  }
0x298: {  	v50 =	vadd.f32 v17, v31;
	v39 =	vor.u32 v3, v12;
	v3 =	vld [tilespmem:$0x1FFA0]  }
0x299: {  	v46 =	vld.idx.msk [tilespmem:v46+s16+$0x0], $0xffff;
	v52 =	vadd.f32 v43, v34;
	v53 =	vor.u32 v4, v21  }
0x29a: {  	v18 =	vadd.f32 v18, v26;
	[tilespmem:s2+$0xFFFFFF00] =	vst v50  }
0x29b: {  	v48 =	vor.u32 v48, v12;
	[tilespmem:s25+$0xE0] =	vst v52  }
0x29c: {  	v4 =	vld [tilespmem:$0x1FFD0];
	[tilespmem:s2+$0xFFFFFF80] =	vst v18  }
0x29d: {  	v38 =	vor.u32 v3, v21;
	v3 =	vld [tilespmem:$0x1FB60]  }
0x29e: {  	v33 =	vld.idx.msk [tilespmem:v53+s16+$0x0], $0xffff;
	v53 =	vadd.f32 v46, v28  }
0x29f: {  	v41 =	vld.idx.msk [tilespmem:v42+s16+$0x0], $0xffff;
	v18 =	vadd.f32 v47, v24  }
0x2a0: {  	v32 =	vld.idx.msk [tilespmem:v48+s16+$0x0], $0xffff;
	[tilespmem:s2+$0x1A0] =	vst v53  }
0x2a1: {  	v48 =	vor.u32 v4, v21;
	v4 =	vld [tilespmem:$0x1FBD0];
	[tilespmem:s25+$0xFFFFFE40] =	vst v18  }
0x2a2: {  	v50 =	vor.u32 v3, v12;
	v3 =	vld [tilespmem:$0x1FF90];
	_ =	sdelay $0x1  }
0x2a3: {  	v41 =	vadd.f32 v41, v25;
	_ =	sdelay $0x1  }
0x2a4: {  	[tilespmem:s25+$0x150] =	vst v41  }
0x2a5: {  	v47 =	vor.u32 v3, v21;
	v3 =	vld [tilespmem:$0x1FED0];
	_ =	sdelay $0x1  }
0x2a6: {  	v53 =	vadd.f32 v5, v19;
	_ =	sdelay $0x1  }
0x2a7: {  	v49 =	vor.u32 v27, v12;
	[tilespmem:s2+$0xFFFFFE80] =	vst v53  }
0x2a8: {  	v18 =	vor.u32 v3, v12;
	v3 =	vld [tilespmem:$0x1FB20];
	_ =	sdelay $0x1  }
0x2a9: {  	v45 =	vld.idx.msk [tilespmem:v45+s16+$0x0], $0xffff  }
0x2aa: {  	v37 =	vld.idx.msk [tilespmem:v37+s16+$0x0], $0xffff  }
0x2ab: {  	v46 =	vld.idx.msk [tilespmem:v49+s16+$0x0], $0xffff  }
0x2ac: {  	v17 =	vadd.f32 v3, v2;
	v3 =	vld.idx.msk [tilespmem:v50+s16+$0x0], $0xffff  }
0x2ad: {  	v39 =	vld.idx.msk [tilespmem:v39+s16+$0x0], $0xffff  }
0x2ae: {  	v38 =	vld.idx.msk [tilespmem:v38+s16+$0x0], $0xffff  }
0x2af: {  	v52 =	vor.u32 v4, v21;
	v4 =	vld [tilespmem:$0x1FE20]  }
0x2b0: {  	v37 =	vadd.f32 v37, v36;
	v41 =	vld.idx.msk [tilespmem:v51+s16+$0x0], $0xffff  }
0x2b1: {  	v45 =	vadd.f32 v45, v54;
	v42 =	vld.idx.msk [tilespmem:v48+s16+$0x0], $0xffff;
	[tilespmem:$0x1FB40] =	vst v3  }
0x2b2: {  	[tilespmem:s25+$0xFFFFFFE0] =	vst v37  }
0x2b3: {  	[tilespmem:s25+$0xFFFFFF50] =	vst v45  }
0x2b4: {  	v44 =	vor.u32 v4, v21;
	v4 =	vld [tilespmem:$0x1FDA0];
	_ =	sdelay $0x4  }
0x2b5: {  	v33 =	vadd.f32 v33, v7;
	[tilespmem:s2+$0xFFFFFE00] =	vst v17;
	v43 =	vor.u32 v4, v21;
	v4 =	vor.u32 v8, v12  }
0x2b6: {  	v51 =	vld.idx.msk [tilespmem:v52+s16+$0x0], $0xffff;
	[tilespmem:$0x1FB30] =	vst v4  }
0x2b7: {  	[tilespmem:s25+$0x50] =	vst v33  }
0x2b8: {  	v4 =	vld [tilespmem:$0x1FC50];
	_ =	sdelay $0x1  }
0x2b9: {  	v17 =	vadd.f32 v46, v31;
	_ =	sdelay $0x1  }
0x2ba: {  	[tilespmem:s2+$0xFFFFFF10] =	vst v17  }
0x2bb: {  	v45 =	vor.u32 v4, v21;
	v4 =	vld [tilespmem:$0x1FFF0];
	_ =	sdelay $0x2  }
0x2bc: {  	v39 =	vadd.f32 v39, v29  }
0x2bd: {  	v17 =	vadd.f32 v42, v24  }
0x2be: {  	v48 =	vor.u32 v4, v21;
	v4 =	vld [tilespmem:$0x1FC20];
	[tilespmem:s2+$0x20] =	vst v39  }
0x2bf: {  	v22 =	vor.u32 v59, v12;
	v3 =	vld [tilespmem:$0x1FDF0];
	[tilespmem:s25+$0xFFFFFE50] =	vst v17  }
0x2c0: {  	v5 =	vmov v1;
	v33 =	vadd.f32 v51, v1;
	v1 =	vld [tilespmem:$0x1FEF0];
	_ =	sdelay $0x2  }
0x2c1: {  	v37 =	vor.u32 v61, v12;
	v46 =	vld.idx.msk [tilespmem:v47+s16+$0x0], $0xffff  }
0x2c2: {  	v47 =	vld.idx.msk [tilespmem:v22+s16+$0x0], $0xffff;
	[tilespmem:s25+$0x1D0] =	vst v33  }
0x2c3: {  	v50 =	vor.u32 v1, v21;
	v1 =	vld [tilespmem:$0x1FDC0]  }
0x2c4: {  	v52 =	vadd.f32 v41, v26  }
0x2c5: {  	v40 =	vor.u32 v55, v12;
	v55 =	vadd.f32 v32, v30  }
0x2c6: {  	v8 =	vmov v9;
	v9 =	vld.idx.msk [tilespmem:v37+s16+$0x0], $0xffff;
	[tilespmem:s2+$0xFFFFFF90] =	vst v52  }
0x2c7: {  	v32 =	vadd.f32 v47, v19;
	v37 =	vor.u32 v4, v21;
	v4 =	vmov v19;
	v19 =	vld [tilespmem:$0x1FE30];
	[tilespmem:s2+$0x110] =	vst v55  }
0x2c8: {  	v17 =	vadd.f32 v46, v36;
	v36 =	vor.u32 v1, v21;
	v1 =	vld [tilespmem:$0x1FDB0];
	_ =	sdelay $0x1  }
0x2c9: {  	v27 =	vor.u32 v13, v12  }
0x2ca: {  	v49 =	vld.idx.msk [tilespmem:v44+s16+$0x0], $0xffff  }
0x2cb: {  	v44 =	vld.idx.msk [tilespmem:v48+s16+$0x0], $0xffff  }
0x2cc: {  	v48 =	vor.u32 v1, v21;
	v1 =	vld [tilespmem:$0x1FB40];
	_ =	sdelay $0x1  }
0x2cd: {  	v13 =	vor.u32 v16, v12;
	v35 =	vadd.f32 v38, v34;
	v38 =	vld.idx.msk [tilespmem:v27+s16+$0x0], $0xffff  }
0x2ce: {  	v53 =	vld.idx.msk [tilespmem:v43+s16+$0x0], $0xffff  }
0x2cf: {  	v41 =	vld.idx.msk [tilespmem:v45+s16+$0x0], $0xffff;
	[tilespmem:s2+$0xFFFFFE90] =	vst v32  }
0x2d0: {  	v33 =	vadd.f32 v49, v54;
	v49 =	vadd.f32 v1, v28;
	v1 =	vld [tilespmem:$0x1FB90]  }
0x2d1: {  	v40 =	vld.idx.msk [tilespmem:v40+s16+$0x0], $0xffff  }
0x2d2: {  	v42 =	vld.idx.msk [tilespmem:v13+s16+$0x0], $0xffff  }
0x2d3: {  	v47 =	vadd.f32 v23, v20;
	v43 =	vld.idx.msk [tilespmem:v37+s16+$0x0], $0xffff  }
0x2d4: {  	v51 =	vadd.f32 v53, v8;
	v45 =	vor.u32 v57, v21;
	v34 =	vor.u32 v3, v12;
	v46 =	vld.idx.msk [tilespmem:v50+s16+$0x0], $0xffff  }
0x2d5: {  	s28 =	simm.s32 $0xCB00;
	v50 =	vadd.f32 v9, v2;
	v39 =	vor.u32 v19, v21;
	[tilespmem:s25+$0xFFFFFF60] =	vst v33;
	v37 =	vor.u32 v1, v12  }
.LBB2_4:
0x2d6: {  	v1 =	vld [tilespmem:$0x1FF80]  }
0x2d7: {  	v19 =	vld [tilespmem:$0x1FB50];
	_ =	sdelay $0x1  }
0x2d8: {  	[tilespmem:s25+$0xFFFFFED0] =	vst v51  }
0x2d9: {  	[tilespmem:s2+$0xFFFFFE10] =	vst v50;
	v50 =	vor.u32 v56, v21;
	v48 =	vld.idx.msk [tilespmem:v48+s16+$0x0], $0xffff  }
0x2da: {  	v41 =	vadd.f32 v41, v25;
	v33 =	vor.u32 v6, v21;
	[tilespmem:s2+$0x1B0] =	vst v49;
	v51 =	vor.u32 v1, v21;
	v1 =	vld [tilespmem:$0x1FB10]  }
0x2db: {  	s26 =	sadd.s32 $0x8, s26;
	[tilespmem:s2+$0x90] =	vst v47;
	v43 =	vadd.f32 v43, v5;
	v47 =	vor.u32 v19, v12;
	v19 =	vld [tilespmem:$0x1FF10]  }
0x2dc: {  	v53 =	vor.u32 v62, v12;
	v52 =	vmov s26;
	[tilespmem:s25+$0x160] =	vst v41;
	v42 =	vadd.f32 v42, v26;
	v21 =	vmovc v12;
	v12 =	vld [tilespmem:$0x1FB70]  }
0x2dd: {  	v32 =	vshrl.u32 v52, $0x3;
	v37 =	vld.idx.msk [tilespmem:v37+s16+$0x0], $0xffff;
	v44 =	vadd.f32 v44, v24;
	[tilespmem:s25+$0x1E0] =	vst v43  }
0x2de: {  	v49 =	vshll.u32 v32, $0x3;
	[tilespmem:s2+$0xFFFFFFA0] =	vst v42;
	v42 =	vadd.f32 v48, v8;
	v48 =	vld.idx.msk [tilespmem:v50+s16+$0x0], $0xffff  }
0x2df: {  	v49 =	vbroadcast v49, $0x0;
	[tilespmem:s25+$0xFFFFFE60] =	vst v44;
	v44 =	vld.idx.msk [tilespmem:v33+s16+$0x0], $0xffff  }
0x2e0: {  	v33 =	vor.u32 v19, v21;
	v19 =	vld [tilespmem:$0x1FF70]  }
0x2e1: {  	v39 =	vld.idx.msk [tilespmem:v39+s16+$0x0], $0xffff;
	v52 =	vor.u32 v12, v49  }
0x2e2: {  	v47 =	vld.idx.msk [tilespmem:v47+s16+$0x0], $0xffff  }
0x2e3: {  	v32 =	vld.idx.msk [tilespmem:v1+s16+$0x0], $0xffff;
	[tilespmem:s25+$0xFFFFFEE0] =	vst v42  }
0x2e4: {  	v38 =	vadd.f32 v38, v31;
	v12 =	vmov v49;
	v36 =	vld.idx.msk [tilespmem:v36+s16+$0x0], $0xffff  }
0x2e5: {  	[tilespmem:s25+$0xFFFFFFF0] =	vst v17;
	v17 =	vadd.f32 v48, v25;
	v50 =	vor.u32 v19, v12;
	v19 =	vld [tilespmem:$0x1FE60]  }
0x2e6: {  	[tilespmem:s2+$0xFFFFFF20] =	vst v38;
	v38 =	vld.idx.msk [tilespmem:v52+s16+$0x0], $0xffff  }
0x2e7: {  	[tilespmem:s25+$0x170] =	vst v17;
	v17 =	vld [tilespmem:$0x1FDD0];
	_ =	sdelay $0x1  }
0x2e8: {  	v3 =	vld [tilespmem:$0x1FD70];
	v39 =	vadd.f32 v39, v54  }
0x2e9: {  	v18 =	vld.idx.msk [tilespmem:v18+s16+$0x0], $0xffff  }
0x2ea: {  	[tilespmem:s25+$0xFFFFFF70] =	vst v39;
	v39 =	vor.u32 v19, v12;
	v19 =	vld [tilespmem:$0x1FF20]  }
0x2eb: {  	v55 =	vadd.f32 v36, v8;
	v36 =	vor.u32 v17, v12;
	v17 =	vld [tilespmem:$0x1FF00]  }
0x2ec: {  	v46 =	vadd.f32 v46, v7;
	v45 =	vld.idx.msk [tilespmem:v45+s16+$0x0], $0xffff  }
0x2ed: {  	v53 =	vld.idx.msk [tilespmem:v53+s16+$0x0], $0xffff  }
0x2ee: {  	[tilespmem:s25+$0x60] =	vst v46;
	v18 =	vadd.f32 v18, v20;
	v34 =	vld.idx.msk [tilespmem:v34+s16+$0x0], $0xffff  }
0x2ef: {  	v42 =	vld.idx.msk [tilespmem:v51+s16+$0x0], $0xffff;
	v52 =	vor.u32 v19, v21  }
0x2f0: {  	[tilespmem:s2+$0xA0] =	vst v18;
	v18 =	vadd.f32 v44, v5;
	v5 =	vor.u32 v3, v12;
	v46 =	vor.u32 v17, v21;
	v17 =	vld [tilespmem:$0x1FF30]  }
0x2f1: {  	v43 =	vor.u32 $0x1, v12;
	[tilespmem:$0x1FB10] =	vst v5;
	v5 =	vld [tilespmem:$0x1FBF0]  }
0x2f2: {  	v1 =	vmov v4;
	v44 =	vld.idx.msk [tilespmem:v33+s16+$0x0], $0xffff  }
0x2f3: {  	v40 =	vadd.f32 v40, v29;
	v8 =	vmov v1;
	v1 =	vld [tilespmem:$0x1FB30]  }
0x2f4: {  	v41 =	vor.u32 v60, v49;
	v45 =	vadd.f32 v45, v24;
	v24 =	vmovc v2;
	v2 =	vmov v29;
	v29 =	vld.idx.msk [tilespmem:v52+s16+$0x0], $0xffff  }
0x2f5: {  	v52 =	vor.u32 v17, v21;
	v17 =	vld [tilespmem:$0x1FE70]  }
0x2f6: {  	v25 =	vmov v30;
	v30 =	vld.idx.msk [tilespmem:v43+s9+$0x0], $0xffff  }
0x2f7: {  	v9 =	vmov v28;
	v28 =	vor.u32 $0x5, v12;
	v32 =	vadd.f32 v32, v4;
	v4 =	vld.idx.msk [tilespmem:v12+s9+$0x0], $0xffff  }
0x2f8: {  	[tilespmem:s25+$0xFFFFFE70] =	vst v45;
	v42 =	vadd.f32 v42, v7;
	v7 =	vld [tilespmem:$0x1FDE0]  }
0x2f9: {  	v41 =	vld.idx.msk [tilespmem:v41+s16+$0x0], $0xffff  }
0x2fa: {  	[tilespmem:s25+$0xF0] =	vst v35;
	v35 =	vor.u32 v17, v12;
	v17 =	vld [tilespmem:$0x1FBB0]  }
0x2fb: {  	v43 =	vld.idx.msk [tilespmem:v39+s16+$0x0], $0xffff  }
0x2fc: {  	v49 =	vor.u32 v58, v12;
	[tilespmem:s2+$0xFFFFFEA0] =	vst v32;
	v39 =	vld.idx.msk [tilespmem:v28+s9+$0x0], $0xffff  }
0x2fd: {  	v33 =	vld.idx.msk [tilespmem:v1+s16+$0x0], $0xffff  }
0x2fe: {  	[tilespmem:s25+$0x1F0] =	vst v18;
	v18 =	vor.u32 v15, v12;
	v1 =	vld [tilespmem:$0x1FF40]  }
0x2ff: {  	v44 =	vadd.f32 v44, v20;
	[tilespmem:s25+$0x70] =	vst v42;
	v28 =	vadd.f32 v29, v26;
	v29 =	vor.u32 v17, v12;
	v17 =	vld [tilespmem:$0x1FD90]  }
0x300: {  	v54 =	vmov v31;
	v31 =	vor.u32 $0x2, v12;
	v47 =	vadd.f32 v47, v25;
	v48 =	vld.idx.msk [tilespmem:v50+s16+$0x0], $0xffff;
	[tilespmem:s25+$0xFFFFFEF0] =	vst v55;
	s25 =	smov.u32 s28  }
0x301: {  	v49 =	vld.idx.msk [tilespmem:v49+s16+$0x0], $0xffff;
	[tilespmem:s25+$0xB0] =	vst v44  }
0x302: {  	v34 =	vadd.f32 v34, v54;
	[tilespmem:s25+$0x120] =	vst v47;
	v47 =	vor.u32 v5, v12;
	v5 =	vld [tilespmem:$0x1FE90]  }
0x303: {  	v23 =	vld.idx.msk [tilespmem:v18+s16+$0x0], $0xffff;
	v32 =	vor.u32 v1, v21  }
0x304: {  	[tilespmem:s25+$0xFFFFFF30] =	vst v34;
	v42 =	vor.u32 v17, v21;
	v17 =	vld [tilespmem:$0x1FEC0]  }
0x305: {  	[tilespmem:s2+$0x30] =	vst v40;
	v40 =	vor.u32 v14, v12;
	v31 =	vld.idx.msk [tilespmem:v31+s9+$0x0], $0xffff  }
0x306: {  	v34 =	vld.idx.msk [tilespmem:v46+s16+$0x0], $0xffff;
	v33 =	vadd.f32 v33, v8  }
0x307: {  	v1 =	vmov v30;
	v30 =	vor.u32 $0x7, v12;
	v44 =	vld.idx.msk [tilespmem:v52+s16+$0x0], $0xffff;
	[tilespmem:s25+$0xFFFFFFB0] =	vst v28  }
0x308: {  	[tilespmem:s25+$0xFFFFFEB0] =	vst v33;
	v33 =	vld.idx.msk [tilespmem:v32+s16+$0x0], $0xffff  }
0x309: {  	v37 =	vadd.f32 v37, v9;
	v46 =	vor.u32 v17, v12;
	v17 =	vld [tilespmem:$0x1FB80]  }
0x30a: {  	v52 =	vld.idx.msk [tilespmem:v40+s16+$0x0], $0xffff  }
0x30b: {  	[tilespmem:s25+$0x1C0] =	vst v37;
	v40 =	vor.u32 v7, v12;
	v7 =	vld [tilespmem:$0x1FF60]  }
0x30c: {  	v55 =	vld.idx.msk [tilespmem:v30+s9+$0x0], $0xffff  }
0x30d: {  	v45 =	vadd.f32 v53, v24;
	v19 =	vor.u32 $0x4, v12;
	v28 =	vld [tilespmem:$0x1FE10]  }
0x30e: {  	v18 =	vadd.f32 v33, v26;
	v33 =	vadd.f32 v44, v20;
	v53 =	vor.u32 v17, v21;
	v17 =	vld [tilespmem:$0x1FE00]  }
0x30f: {  	v22 =	vld.idx.msk [tilespmem:v29+s16+$0x0], $0xffff;
	v29 =	vadd.f32 v34, v2  }
0x310: {  	v51 =	vor.u32 $0x3, v12;
	[tilespmem:s25+$0xC0] =	vst v33;
	v33 =	vld [tilespmem:$0x1FBC0]  }
0x311: {  	[tilespmem:s25+$0x40] =	vst v29;
	v32 =	vld.idx.msk [tilespmem:v42+s16+$0x0], $0xffff  }
0x312: {  	v29 =	vld.idx.msk [tilespmem:v19+s9+$0x0], $0xffff  }
0x313: {  	v30 =	vor.u32 v17, v21;
	v17 =	vld [tilespmem:$0x1FF50]  }
0x314: {  	v44 =	vld.idx.msk [tilespmem:v53+s16+$0x0], $0xffff  }
0x315: {  	v42 =	vld.idx.msk [tilespmem:v51+s9+$0x0], $0xffff;
	v51 =	vor.u32 v28, v21;
	v28 =	vor.u32 v7, v21  }
0x316: {  	[tilespmem:s25+$0xFFFFFE20] =	vst v45;
	v45 =	vor.u32 v10, v12;
	v19 =	vadd.f32 v22, v55;
	v22 =	vld [tilespmem:$0x1FD80];
	v32 =	vadd.f32 v32, v8  }
0x317: {  	v33 =	vor.u32 v33, v21;
	v7 =	vld [tilespmem:$0x1FFE0]  }
0x318: {  	[tilespmem:s25+$0xFFFFFEC0] =	vst v32;
	v32 =	vadd.f32 v52, v29;
	v27 =	vor.u32 v17, v21;
	v17 =	vor.u32 v5, v12;
	v5 =	vld [tilespmem:$0x1FC10]  }
0x319: {  	s2 =	sadd.s32 $0x400, s2;
	[tilespmem:s25+$0xFFFFFFC0] =	vst v18;
	v30 =	vld.idx.msk [tilespmem:v30+s16+$0x0], $0xffff;
	v44 =	vadd.f32 v44, v25  }
0x31a: {  	v28 =	vld.idx.msk [tilespmem:v28+s16+$0x0], $0xffff;
	[tilespmem:s2+$0x0] =	vst v32  }
0x31b: {  	v45 =	vld.idx.msk [tilespmem:v45+s16+$0x0], $0xffff;
	[tilespmem:s25+$0x130] =	vst v44  }
0x31c: {  	v23 =	vadd.f32 v23, v39;
	v33 =	vld.idx.msk [tilespmem:v33+s16+$0x0], $0xffff  }
0x31d: {  	[tilespmem:s2+$0x180] =	vst v19;
	v53 =	vor.u32 v5, v12;
	v5 =	vld [tilespmem:$0x1FED0]  }
0x31e: {  	v19 =	vld.idx.msk [tilespmem:v27+s16+$0x0], $0xffff;
	v30 =	vadd.f32 v30, v54;
	[tilespmem:s2+$0x80] =	vst v23  }
0x31f: {  	v46 =	vld.idx.msk [tilespmem:v46+s16+$0x0], $0xffff  }
0x320: {  	v48 =	vadd.f32 v48, v31;
	v34 =	vor.u32 v63, v21;
	[tilespmem:s25+$0xFFFFFF40] =	vst v30;
	v30 =	vld [tilespmem:$0x1FFC0]  }
0x321: {  	v51 =	vld.idx.msk [tilespmem:v51+s16+$0x0], $0xffff  }
0x322: {  	[tilespmem:s2+$0xFFFFFF00] =	vst v48;
	v48 =	vld [tilespmem:$0x1FBD0]  }
0x323: {  	v50 =	vor.u32 $0x6, v12;
	v36 =	vld.idx.msk [tilespmem:v36+s16+$0x0], $0xffff  }
0x324: {  	v28 =	vadd.f32 v28, v26;
	v27 =	vld.idx.msk [tilespmem:v53+s16+$0x0], $0xffff  }
0x325: {  	v18 =	vor.u32 v5, v12;
	v5 =	vor.u32 v22, v12;
	v22 =	vld.idx.msk [tilespmem:v34+s16+$0x0], $0xffff;
	v19 =	vadd.f32 v19, v20  }
0x326: {  	[tilespmem:s25+$0xFFFFFFD0] =	vst v28;
	v53 =	vor.u32 v7, v21;
	v7 =	vld [tilespmem:$0x1FFF0]  }
0x327: {  	v28 =	vadd.f32 v33, v25;
	v44 =	vor.u32 v30, v21;
	[tilespmem:s25+$0xD0] =	vst v19;
	v19 =	vld [tilespmem:$0x1FBE0]  }
0x328: {  	v30 =	vld.idx.msk [tilespmem:v50+s9+$0x0], $0xffff  }
0x329: {  	v52 =	vor.u32 v11, v12;
	[tilespmem:s25+$0x140] =	vst v28;
	v28 =	vadd.f32 v49, v1;
	v49 =	vld [tilespmem:$0x1FB60];
	v23 =	vadd.f32 v27, v55  }
0x32a: {  	v27 =	vld [tilespmem:$0x1FFB0]  }
0x32b: {  	v22 =	vadd.f32 v22, v24;
	[tilespmem:s2+$0x190] =	vst v23;
	v23 =	vld [tilespmem:$0x1FEE0]  }
0x32c: {  	v19 =	vor.u32 v19, v21;
	v44 =	vld.idx.msk [tilespmem:v44+s16+$0x0], $0xffff  }
0x32d: {  	[tilespmem:s25+$0xFFFFFE30] =	vst v22;
	v22 =	vld.idx.msk [tilespmem:v53+s16+$0x0], $0xffff  }
0x32e: {  	v50 =	vld.idx.msk [tilespmem:v52+s16+$0x0], $0xffff  }
0x32f: {  	v53 =	vadd.f32 v45, v29;
	v45 =	vld [tilespmem:$0x1FFA0];
	v52 =	vadd.f32 v38, v30  }
0x330: {  	v33 =	vor.u32 v49, v12;
	v49 =	vld [tilespmem:$0x1FDA0];
	v27 =	vor.u32 v27, v21  }
0x331: {  	v43 =	vadd.f32 v43, v42;
	v23 =	vor.u32 v23, v21;
	v19 =	vld.idx.msk [tilespmem:v19+s16+$0x0], $0xffff;
	[tilespmem:s2+$0x100] =	vst v52  }
0x332: {  	v44 =	vadd.f32 v44, v20;
	v32 =	vld.idx.msk [tilespmem:v47+s16+$0x0], $0xffff  }
0x333: {  	[tilespmem:s2+$0xFFFFFF80] =	vst v43;
	v52 =	vadd.f32 v50, v55;
	v50 =	vld [tilespmem:$0x1FF90]  }
0x334: {  	v22 =	vadd.f32 v22, v26;
	[tilespmem:s25+$0xE0] =	vst v44;
	v44 =	vor.u32 v48, v21;
	v48 =	vld.idx.msk [tilespmem:v35+s16+$0x0], $0xffff  }
0x335: {  	v38 =	vor.u32 v45, v21;
	v27 =	vld.idx.msk [tilespmem:v27+s16+$0x0], $0xffff  }
0x336: {  	[tilespmem:s25+$0xFFFFFFE0] =	vst v22;
	v23 =	vld.idx.msk [tilespmem:v23+s16+$0x0], $0xffff  }
0x337: {  	[tilespmem:s2+$0x10] =	vst v53;
	v53 =	vld [tilespmem:$0x1FFD0]  }
0x338: {  	v13 =	vor.u32 v59, v12;
	v22 =	vld [tilespmem:$0x1FC50];
	[tilespmem:s2+$0x1A0] =	vst v52  }
0x339: {  	v33 =	vld.idx.msk [tilespmem:v33+s16+$0x0], $0xffff  }
0x33a: {  	v38 =	vld.idx.msk [tilespmem:v38+s16+$0x0], $0xffff  }
0x33b: {  	v19 =	vadd.f32 v19, v25;
	v17 =	vld.idx.msk [tilespmem:v17+s16+$0x0], $0xffff;
	v35 =	vor.u32 v50, v21  }
0x33c: {  	[tilespmem:s2+$0xFFFFFE80] =	vst v28;
	v28 =	vld.idx.msk [tilespmem:v44+s16+$0x0], $0xffff;
	v27 =	vadd.f32 v27, v24;
	v47 =	vor.u32 v53, v21  }
0x33d: {  	[tilespmem:s25+$0x150] =	vst v19;
	v44 =	vld.idx.msk [tilespmem:v13+s16+$0x0], $0xffff  }
0x33e: {  	v19 =	vadd.f32 v51, v54;
	[tilespmem:s25+$0xFFFFFE40] =	vst v27;
	v27 =	vld [tilespmem:$0x1FE20]  }
0x33f: {  	v23 =	vadd.f32 v23, v2;
	v53 =	vld [tilespmem:$0x1FDC0]  }
0x340: {  	v41 =	vadd.f32 v41, v4;
	v43 =	vor.u32 v49, v21;
	[tilespmem:s25+$0xFFFFFF50] =	vst v19;
	v19 =	vld.idx.msk [tilespmem:v35+s16+$0x0], $0xffff  }
0x341: {  	v45 =	vor.u32 v61, v12;
	v17 =	vadd.f32 v17, v29;
	[tilespmem:s25+$0x50] =	vst v23;
	v47 =	vld.idx.msk [tilespmem:v47+s16+$0x0], $0xffff  }
0x342: {  	[tilespmem:s2+$0xFFFFFE00] =	vst v41;
	v41 =	vld [tilespmem:$0x1FE30]  }
0x343: {  	[tilespmem:s2+$0x20] =	vst v17;
	v17 =	vld [tilespmem:$0x1FEA0]  }
0x344: {  	v23 =	vld [tilespmem:$0x1FC20];
	v27 =	vor.u32 v27, v21  }
0x345: {  	v22 =	vor.u32 v22, v21;
	v51 =	vld.idx.msk [tilespmem:v43+s16+$0x0], $0xffff  }
0x346: {  	v37 =	vor.u32 v16, v12;
	v52 =	vadd.f32 v36, v31;
	v49 =	vadd.f32 v48, v42;
	v45 =	vld.idx.msk [tilespmem:v45+s16+$0x0], $0xffff  }
0x347: {  	v35 =	vadd.f32 v38, v20;
	v20 =	vmovc v39;
	v39 =	vor.u32 v41, v21;
	v41 =	vadd.f32 v47, v24;
	v47 =	vld [tilespmem:$0x1FEF0]  }
0x348: {  	[tilespmem:$0x1FB30] =	vst v5;
	v36 =	vor.u32 v53, v21;
	v53 =	vor.u32 v17, v12;
	v17 =	vadd.f32 v19, v26;
	v19 =	vld [tilespmem:$0x1FDB0]  }
0x349: {  	[tilespmem:s2+$0xFFFFFF90] =	vst v49;
	v23 =	vor.u32 v23, v21;
	v27 =	vld.idx.msk [tilespmem:v27+s16+$0x0], $0xffff  }
0x34a: {  	[tilespmem:s25+$0xFFFFFE50] =	vst v41;
	v41 =	vld.idx.msk [tilespmem:v22+s16+$0x0], $0xffff;
	v22 =	vadd.f32 v32, v30  }
0x34b: {  	v50 =	vor.u32 v7, v21;
	v3 =	vadd.f32 v28, v9;
	v26 =	vmov v42;
	v42 =	vld.idx.msk [tilespmem:v37+s16+$0x0], $0xffff;
	[tilespmem:s2+$0xFFFFFF10] =	vst v52  }
0x34c: {  	p0 =	slt.u32 s26, $0x38;
	[tilespmem:s2+$0x110] =	vst v22;
	v22 =	vld [tilespmem:$0x1FB90];
	v52 =	vor.u32 v47, v21  }
.Ltmp1:
0x34d: {  	v34 =	vor.u32 v0, v12;
	v5 =	vmov v9;
	[tilespmem:s25+$0x1D0] =	vst v3;
	v38 =	vld.idx.msk [tilespmem:v40+s16+$0x0], $0xffff;
	(pc) =	sbr.rel @p0 .LBB2_4-.Ltmp1, $4  }
0x34e: {  	v7 =	vmovc v2;
	v2 =	vmov v4;
	v49 =	vadd.f32 v33, v55;
	v43 =	vld.idx.msk [tilespmem:v23+s16+$0x0], $0xffff;
	v47 =	vadd.f32 v44, v1  }
0x34f: {  	v51 =	vadd.f32 v51, v8;
	v48 =	vor.u32 v19, v21;
	v40 =	vld.idx.msk [tilespmem:v53+s16+$0x0], $0xffff;
	v19 =	vadd.f32 v27, v54  }
0x350: {  	v4 =	vmov v1;
	v44 =	vld.idx.msk [tilespmem:v50+s16+$0x0], $0xffff;
	v50 =	vadd.f32 v45, v2;
	v45 =	vor.u32 v57, v21;
	[tilespmem:s2+$0xFFFFFE90] =	vst v47  }
0x351: {  	s28 =	smov.u32 s2;
	v28 =	vmov v55;
	v47 =	vadd.f32 v46, v20;
	[tilespmem:s25+$0xFFFFFF60] =	vst v19;
	v37 =	vor.u32 v22, v12;
	v46 =	vld.idx.msk [tilespmem:v52+s16+$0x0], $0xffff  }
0x352: {  	[tilespmem:s25+$0xFFFFFED0] =	vst v51  }
0x353: {  	[tilespmem:s2+$0x1B0] =	vst v49  }
0x354: {  	[tilespmem:s2+$0xFFFFFE10] =	vst v50;
	v23 =	vadd.f32 v41, v25  }
0x355: {  	[tilespmem:s2+$0x90] =	vst v47;
	v19 =	vadd.f32 v44, v24  }
0x356: {  	v22 =	vld.idx.msk [tilespmem:v48+s16+$0x0], $0xffff;
	v43 =	vadd.f32 v43, v5;
	[tilespmem:s25+$0x160] =	vst v23  }
0x357: {  	[tilespmem:s25+$0xFFFFFE60] =	vst v19;
	v19 =	vld.idx.msk [tilespmem:v39+s16+$0x0], $0xffff  }
0x358: {  	v27 =	vor.u32 v62, v12;
	v32 =	vadd.f32 v42, v26;
	[tilespmem:s25+$0x1E0] =	vst v43  }
0x359: {  	v33 =	vadd.f32 v46, v7;
	v1 =	vld [tilespmem:$0x1FB50]  }
0x35a: {  	v49 =	vadd.f32 v38, v31;
	[tilespmem:s2+$0xFFFFFFA0] =	vst v32  }
0x35b: {  	v22 =	vadd.f32 v22, v8;
	[tilespmem:s25+$0x60] =	vst v33  }
0x35c: {  	v18 =	vld.idx.msk [tilespmem:v18+s16+$0x0], $0xffff;
	[tilespmem:s2+$0xFFFFFF20] =	vst v49;
	v19 =	vadd.f32 v19, v54  }
0x35d: {  	v44 =	vor.u32 v6, v21;
	v27 =	vld.idx.msk [tilespmem:v27+s16+$0x0], $0xffff;
	[tilespmem:s25+$0xFFFFFEE0] =	vst v22  }
0x35e: {  	v48 =	vld.idx.msk [tilespmem:v45+s16+$0x0], $0xffff;
	v46 =	vor.u32 v1, v12;
	[tilespmem:s25+$0xFFFFFF70] =	vst v19  }
0x35f: {  	v0 =	vld [tilespmem:$0x1FB10]  }
0x360: {  	v47 =	vor.u32 v56, v21;
	v50 =	vadd.f32 v40, v29  }
0x361: {  	v18 =	vadd.f32 v18, v20;
	v40 =	vld [tilespmem:$0x1FF20];
	[tilespmem:s25+$0xFFFFFFF0] =	vst v17  }
0x362: {  	v19 =	vld.idx.msk [tilespmem:v44+s16+$0x0], $0xffff;
	[tilespmem:s2+$0x30] =	vst v50  }
0x363: {  	[tilespmem:s2+$0xA0] =	vst v18;
	v51 =	vld.idx.msk [tilespmem:v46+s16+$0x0], $0xffff  }
0x364: {  	v54 =	vadd.f32 v48, v24;
	v18 =	vadd.f32 v27, v2;
	v27 =	vld [tilespmem:$0x1FB80]  }
0x365: {  	v55 =	vld.idx.msk [tilespmem:v47+s16+$0x0], $0xffff  }
0x366: {  	v39 =	vmov v56;
	v56 =	vld.idx.msk [tilespmem:v36+s16+$0x0], $0xffff;
	[tilespmem:s25+$0xFFFFFE70] =	vst v54  }
0x367: {  	[tilespmem:s28+$0xFFFFFE20] =	vst v18;
	v19 =	vadd.f32 v19, v5;
	v52 =	vor.u32 v40, v12;
	v53 =	vld.idx.msk [tilespmem:v0+s16+$0x0], $0xffff  }
0x368: {  	v17 =	vor.u32 v63, v12;
	v44 =	vld [tilespmem:$0x1FF10];
	v22 =	vadd.f32 v51, v30  }
0x369: {  	v36 =	vld.idx.msk [tilespmem:v34+s16+$0x0], $0xffff;
	v33 =	vor.u32 v27, v12;
	[tilespmem:s25+$0x1F0] =	vst v19  }
0x36a: {  	v49 =	vld [tilespmem:$0x1FF80];
	[tilespmem:s28+$0x120] =	vst v22  }
0x36b: {  	v10 =	vld [tilespmem:$0x1FE00]  }
0x36c: {  	v41 =	vmov v28;
	v28 =	vld.idx.msk [tilespmem:v52+s16+$0x0], $0xffff;
	v46 =	vadd.f32 v53, v4  }
0x36d: {  	v17 =	vld.idx.msk [tilespmem:v17+s16+$0x0], $0xffff;
	v18 =	vor.u32 v44, v12  }
0x36e: {  	v23 =	vadd.f32 v55, v25;
	v27 =	vld.idx.msk [tilespmem:v33+s16+$0x0], $0xffff;
	[tilespmem:s2+$0xFFFFFEA0] =	vst v46  }
0x36f: {  	v42 =	vadd.f32 v56, v8;
	v48 =	vld [tilespmem:$0x1FB30]  }
0x370: {  	v52 =	vadd.f32 v36, v31;
	v47 =	vor.u32 v10, v12;
	v50 =	vld [tilespmem:$0x1FF40];
	[tilespmem:s25+$0x170] =	vst v23  }
0x371: {  	v54 =	vadd.f32 v28, v26;
	v16 =	vld [tilespmem:$0x1FFB0];
	[tilespmem:s25+$0xFFFFFEF0] =	vst v42  }
0x372: {  	v18 =	vld.idx.msk [tilespmem:v18+s16+$0x0], $0xffff;
	[tilespmem:s28+$0xFFFFFF30] =	vst v52  }
0x373: {  	v17 =	vadd.f32 v17, v2;
	v55 =	vld [tilespmem:$0x1FBC0];
	[tilespmem:s28+$0xFFFFFFB0] =	vst v54  }
0x374: {  	v36 =	vld [tilespmem:$0x1FD90]  }
0x375: {  	v19 =	vor.u32 v49, v21;
	[tilespmem:s28+$0xFFFFFE30] =	vst v17;
	v22 =	vld.idx.msk [tilespmem:v47+s16+$0x0], $0xffff  }
0x376: {  	v47 =	vld [tilespmem:$0x1FF30]  }
0x377: {  	v43 =	vor.u32 v50, v12;
	[tilespmem:s25+$0xF0] =	vst v35;
	v51 =	vld.idx.msk [tilespmem:v48+s16+$0x0], $0xffff  }
0x378: {  	v27 =	vadd.f32 v27, v30;
	v53 =	vor.u32 v16, v12;
	v42 =	vld [tilespmem:$0x1FF00]  }
0x379: {  	v46 =	vld.idx.msk [tilespmem:v37+s16+$0x0], $0xffff;
	v56 =	vor.u32 v55, v12  }
0x37a: {  	v19 =	vld.idx.msk [tilespmem:v19+s16+$0x0], $0xffff;
	[tilespmem:s28+$0x130] =	vst v27  }
0x37b: {  	v9 =	vld [tilespmem:$0x1FE10];
	v38 =	vor.u32 v36, v12  }
0x37c: {  	v25 =	vld.idx.msk [tilespmem:v43+s16+$0x0], $0xffff;
	v32 =	vadd.f32 v51, v4  }
0x37d: {  	v45 =	vor.u32 v42, v12;
	v24 =	vld.idx.msk [tilespmem:v53+s16+$0x0], $0xffff  }
0x37e: {  	v18 =	vadd.f32 v18, v20;
	v23 =	vld.idx.msk [tilespmem:v56+s16+$0x0], $0xffff;
	[tilespmem:s28+$0xFFFFFEB0] =	vst v32  }
0x37f: {  	v17 =	vor.u32 v47, v12;
	v53 =	vld [tilespmem:$0x1FF60]  }
0x380: {  	v19 =	vadd.f32 v19, v7;
	[tilespmem:s28+$0xB0] =	vst v18;
	v18 =	vld.idx.msk [tilespmem:v38+s16+$0x0], $0xffff  }
0x381: {  	v36 =	vor.u32 v9, v12;
	v51 =	vld [tilespmem:$0x1FFD0]  }
0x382: {  	v48 =	vadd.f32 v22, v31;
	v28 =	vld.idx.msk [tilespmem:v45+s16+$0x0], $0xffff;
	[tilespmem:s25+$0x70] =	vst v19  }
0x383: {  	v38 =	vld [tilespmem:$0x1FBD0]  }
0x384: {  	v17 =	vld.idx.msk [tilespmem:v17+s16+$0x0], $0xffff;
	v19 =	vadd.f32 v25, v26;
	[tilespmem:s28+$0xFFFFFF40] =	vst v48;
	v37 =	vor.u32 v53, v12  }
0x385: {  	v24 =	vadd.f32 v24, v2;
	v43 =	vld [tilespmem:$0x1FBE0]  }
0x386: {  	[tilespmem:s28+$0xFFFFFFC0] =	vst v19;
	v19 =	vld.idx.msk [tilespmem:v36+s16+$0x0], $0xffff;
	v56 =	vor.u32 v51, v12  }
0x387: {  	v33 =	vadd.f32 v46, v41;
	v45 =	vld [tilespmem:$0x1FDA0];
	[tilespmem:s28+$0xFFFFFE40] =	vst v24  }
0x388: {  	v51 =	vld [tilespmem:$0x1FF50];
	v25 =	vor.u32 v38, v12  }
0x389: {  	v23 =	vadd.f32 v23, v30;
	[tilespmem:s28+$0x1C0] =	vst v33;
	v32 =	vld.idx.msk [tilespmem:v37+s16+$0x0], $0xffff  }
0x38a: {  	v21 =	vor.u32 v43, v12;
	v37 =	vld [tilespmem:$0x1FEE0]  }
0x38b: {  	v18 =	vadd.f32 v18, v4;
	[tilespmem:s28+$0x140] =	vst v23;
	v22 =	vld.idx.msk [tilespmem:v56+s16+$0x0], $0xffff  }
0x38c: {  	v46 =	vor.u32 v45, v12;
	v43 =	vld [tilespmem:$0x1FE20]  }
0x38d: {  	v17 =	vadd.f32 v17, v20;
	[tilespmem:s28+$0xFFFFFEC0] =	vst v18;
	v25 =	vld.idx.msk [tilespmem:v25+s16+$0x0], $0xffff  }
0x38e: {  	v15 =	vld [tilespmem:$0x1FFE0]  }
0x38f: {  	v28 =	vadd.f32 v28, v29;
	v36 =	vor.u32 v51, v12;
	[tilespmem:s28+$0xC0] =	vst v17;
	v21 =	vld.idx.msk [tilespmem:v21+s16+$0x0], $0xffff  }
0x390: {  	v17 =	vadd.f32 v19, v31;
	v7 =	vld [tilespmem:$0x1FFF0]  }
0x391: {  	[tilespmem:s28+$0x40] =	vst v28;
	v27 =	vld.idx.msk [tilespmem:v46+s16+$0x0], $0xffff  }
0x392: {  	v8 =	vmov v2;
	v48 =	vld [tilespmem:$0x1FC20];
	[tilespmem:s28+$0xFFFFFF50] =	vst v17;
	v38 =	vor.u32 v37, v12;
	v46 =	vadd.f32 v32, v26  }
0x393: {  	v54 =	vld [tilespmem:$0x1FC50];
	v45 =	vor.u32 v43, v12;
	v22 =	vadd.f32 v22, v8  }
0x394: {  	v24 =	vld.idx.msk [tilespmem:v36+s16+$0x0], $0xffff;
	v18 =	vor.u32 v15, v12;
	[tilespmem:s28+$0xFFFFFFD0] =	vst v46  }
0x395: {  	v19 =	vor.u32 v7, v12;
	v55 =	vld [tilespmem:$0x1FDB0];
	[tilespmem:s28+$0xFFFFFE50] =	vst v22  }
0x396: {  	v3 =	vld [tilespmem:$0x1FFC0]  }
0x397: {  	v33 =	vld.idx.msk [tilespmem:v38+s16+$0x0], $0xffff  }
0x398: {  	v25 =	vadd.f32 v25, v41;
	v23 =	vld.idx.msk [tilespmem:v45+s16+$0x0], $0xffff  }
0x399: {  	v11 =	vmov v4;
	v21 =	vadd.f32 v21, v30;
	v18 =	vld.idx.msk [tilespmem:v18+s16+$0x0], $0xffff  }
0x39a: {  	v52 =	vor.u32 v48, v12;
	[tilespmem:s28+$0x1D0] =	vst v25;
	v27 =	vadd.f32 v27, v11;
	v19 =	vld.idx.msk [tilespmem:v19+s16+$0x0], $0xffff  }
0x39b: {  	v17 =	vor.u32 v54, v12;
	v4 =	vld [tilespmem:$0x1FEF0];
	[tilespmem:s28+$0x150] =	vst v21;
	v24 =	vadd.f32 v24, v20  }
0x39c: {  	v13 =	vld [tilespmem:$0x1FE30];
	[tilespmem:s28+$0xFFFFFED0] =	vst v27;
	v33 =	vadd.f32 v33, v29  }
0x39d: {  	v14 =	vld [tilespmem:$0x1FF90];
	[tilespmem:s28+$0xD0] =	vst v24;
	v23 =	vadd.f32 v23, v31  }
0x39e: {  	v56 =	vor.u32 v55, v12;
	v18 =	vadd.f32 v18, v26;
	[tilespmem:s28+$0x50] =	vst v33  }
0x39f: {  	v36 =	vor.u32 v3, v12;
	v32 =	vld.idx.msk [tilespmem:v52+s16+$0x0], $0xffff;
	[tilespmem:s28+$0xFFFFFF60] =	vst v23;
	v19 =	vadd.f32 v19, v8  }
0x3a0: {  	v37 =	vor.u32 v4, v12;
	v17 =	vld.idx.msk [tilespmem:v17+s16+$0x0], $0xffff;
	[tilespmem:s28+$0xFFFFFFE0] =	vst v18  }
0x3a1: {  	v38 =	vor.u32 v13, v12;
	v52 =	vld [tilespmem:$0x1FDC0];
	[tilespmem:s28+$0xFFFFFE60] =	vst v19  }
0x3a2: {  	v45 =	vor.u32 v57, v12;
	v5 =	vld [tilespmem:$0x1FFA0]  }
0x3a3: {  	v43 =	vor.u32 v14, v12;
	v28 =	vld.idx.msk [tilespmem:v56+s16+$0x0], $0xffff  }
0x3a4: {  	v46 =	vor.u32 v6, v12;
	v22 =	vld.idx.msk [tilespmem:v36+s16+$0x0], $0xffff  }
0x3a5: {  	v48 =	vor.u32 v39, v12;
	v25 =	vld.idx.msk [tilespmem:v37+s16+$0x0], $0xffff  }
0x3a6: {  	v32 =	vadd.f32 v32, v41;
	v21 =	vld.idx.msk [tilespmem:v38+s16+$0x0], $0xffff;
	v18 =	vor.u32 v52, v12  }
0x3a7: {  	v17 =	vadd.f32 v17, v30;
	v24 =	vld.idx.msk [tilespmem:v45+s16+$0x0], $0xffff;
	v19 =	vor.u32 v5, v12  }
0x3a8: {  	[tilespmem:s28+$0x1E0] =	vst v32;
	v27 =	vld.idx.msk [tilespmem:v43+s16+$0x0], $0xffff;
	v28 =	vadd.f32 v28, v11;
	v12 =	vor.u32 v49, v12  }
0x3a9: {  	[tilespmem:s28+$0x160] =	vst v17;
	v54 =	vld.idx.msk [tilespmem:v46+s16+$0x0], $0xffff;
	v17 =	vadd.f32 v22, v20  }
0x3aa: {  	v23 =	vld.idx.msk [tilespmem:v48+s16+$0x0], $0xffff;
	[tilespmem:s28+$0xFFFFFEE0] =	vst v28;
	v25 =	vadd.f32 v25, v29  }
0x3ab: {  	[tilespmem:s28+$0xE0] =	vst v17;
	v17 =	vadd.f32 v21, v31;
	v18 =	vld.idx.msk [tilespmem:v18+s16+$0x0], $0xffff  }
0x3ac: {  	v24 =	vadd.f32 v24, v8;
	[tilespmem:s28+$0x60] =	vst v25;
	v19 =	vld.idx.msk [tilespmem:v19+s16+$0x0], $0xffff  }
0x3ad: {  	v55 =	vadd.f32 v27, v26;
	[tilespmem:s28+$0xFFFFFF70] =	vst v17;
	v12 =	vld.idx.msk [tilespmem:v12+s16+$0x0], $0xffff  }
0x3ae: {  	v17 =	vadd.f32 v54, v41;
	[tilespmem:s28+$0xFFFFFE70] =	vst v24  }
0x3af: {  	v56 =	vadd.f32 v23, v30;
	[tilespmem:s28+$0xFFFFFFF0] =	vst v55  }
0x3b0: {  	[tilespmem:s28+$0x1F0] =	vst v17;
	v17 =	vadd.f32 v18, v11  }
0x3b1: {  	[tilespmem:s28+$0x170] =	vst v56;
	v18 =	vadd.f32 v19, v20  }
0x3b2: {  	v12 =	vadd.f32 v12, v29;
	[tilespmem:s28+$0xFFFFFEF0] =	vst v17  }
0x3b3: {  	[tilespmem:s28+$0xF0] =	vst v18  }
0x3b4: {  	[tilespmem:s28+$0x70] =	vst v12  }
0x3b5: {  	[hbm4b:s7+s17] =	stream.strided.scatter [tilespmem:s21], [sflag:$0x4], $0x2000, s18, s17, $0x38;
	v13 =	vld [tilespmem:$0x1FF70]  }
0x3b6: {  	v18 =	vld [tilespmem:$0x1FE70];
	[tilespmem:$0x1FAF0] =	vst v6  }
0x3b7: {  	s25 =	simm.s32 $0x1;
	v38 =	vmov v44;
	v11 =	vmov v39;
	v45 =	vld [tilespmem:$0x1FE60];
	[tilespmem:$0x1FB00] =	vst v39  }
.LBB2_6:
0x3b8: {  	s26 =	sshllo.u32 s25, $0x1  }
0x3b9: {  	s2 =	smul.u32 $0x29, s26;
	_ =	sdelay $0x1  }
0x3ba: {  	s28 =	smul.u32 $0x52, s25;
	s2 =	sshrl.u32 s2, $0xB  }
0x3bb: {  	s2 =	sand.u32 $0x1F, s2  }
0x3bc: {  	s28 =	sshrl.u32 s28, $0xB;
	v1 =	vmov v18;
	v18 =	vld [tilespmem:$0x1FD50];
	s2 =	smul.u32 $0x32, s2  }
0x3bd: {  	s28 =	sand.u32 $0x1F, s28  }
0x3be: {  	s28 =	smul.u32 $0x1900, s28;
	s2 =	ssub.s32 s26, s2  }
0x3bf: {  	s2 =	sand.u32 $0xFF, s2  }
0x3c0: {  	s2 =	sor.u32 s2, s28  }
0x3c1: {  	v12 =	vadd.s32 s2, v18;
	_ =	sdelay $0x1  }
0x3c2: {  	_ =	swait.ge [sflag:s14], $0x2000  }
0x3c3: {  	[sflag:s14] =	ssyncset.done $0x0  }
0x3c4: {  	[sflag:s14] =	ssyncadd.s32 $0xFFFFE000  }
0x3c5: {  	s28 =	sadd.s32 $0x320, s2;
	v12 =	vld.idx.msk [tilespmem:v12+s3+$0x0], $0xffff  }
0x3c6: {  	v17 =	vadd.s32 s28, v18;
	_ =	sdelay $0x3  }
0x3c7: {  	[tilespmem:$0x6480] =	vst v12  }
0x3c8: {  	s28 =	sadd.s32 $0x640, s2;
	v12 =	vld.idx.msk [tilespmem:v17+s3+$0x0], $0xffff  }
0x3c9: {  	v17 =	vadd.s32 s28, v18;
	_ =	sdelay $0x3  }
0x3ca: {  	[tilespmem:$0x6490] =	vst v12  }
0x3cb: {  	s28 =	sadd.s32 $0x960, s2;
	v12 =	vld.idx.msk [tilespmem:v17+s3+$0x0], $0xffff  }
0x3cc: {  	v17 =	vadd.s32 s28, v18;
	_ =	sdelay $0x3  }
0x3cd: {  	[tilespmem:$0x64A0] =	vst v12  }
0x3ce: {  	s28 =	sadd.s32 $0xC80, s2;
	v12 =	vld.idx.msk [tilespmem:v17+s3+$0x0], $0xffff  }
0x3cf: {  	v17 =	vadd.s32 s28, v18;
	_ =	sdelay $0x3  }
0x3d0: {  	[tilespmem:$0x64B0] =	vst v12  }
0x3d1: {  	s28 =	sadd.s32 $0xFA0, s2;
	v12 =	vld.idx.msk [tilespmem:v17+s3+$0x0], $0xffff  }
0x3d2: {  	v17 =	vadd.s32 s28, v18;
	_ =	sdelay $0x3  }
0x3d3: {  	[tilespmem:$0x64C0] =	vst v12  }
0x3d4: {  	s28 =	sadd.s32 $0x12C0, s2;
	v12 =	vld.idx.msk [tilespmem:v17+s3+$0x0], $0xffff  }
0x3d5: {  	v17 =	vadd.s32 s28, v18;
	_ =	sdelay $0x3  }
0x3d6: {  	[tilespmem:$0x64D0] =	vst v12  }
0x3d7: {  	s2 =	sadd.s32 $0x15E0, s2;
	v12 =	vld.idx.msk [tilespmem:v17+s3+$0x0], $0xffff  }
0x3d8: {  	v17 =	vadd.s32 s2, v18;
	_ =	sdelay $0x3  }
0x3d9: {  	s1 =	simm.s32 $0x0;
	[tilespmem:$0x64E0] =	vst v12  }
0x3da: {  	v12 =	vld.idx.msk [tilespmem:v17+s3+$0x0], $0xffff;
	v17 =	vmov s1  }
0x3db: {  	v14 =	vld [tilespmem:$0x1FBB0];
	v17 =	vshrl.u32 v17, $0x3  }
0x3dc: {  	v17 =	vshll.u32 v17, $0x3  }
0x3dd: {  	v21 =	vbroadcast v17, $0x0;
	_ =	sdelay $0x1  }
0x3de: {  	[tilespmem:$0x64F0] =	vst v12;
	v12 =	vor.u32 $0x7, v21  }
0x3df: {  	v17 =	vor.u32 v14, v21;
	[tilespmem:s16], [sflag:$0x2] =	stream.indirect.gather [hbm4b:s4+s11], $0x40, s15, s11, $0xb8;
	[tilespmem:$0xE540] =	vst v63  }
0x3e0: {  	_ =	swait.ge [sflag:s22], $0x2000  }
0x3e1: {  	[sflag:s22] =	ssyncset.done $0x0;
	v46 =	vld [tilespmem:$0x1FE50]  }
0x3e2: {  	v20 =	vor.u32 $0x1, v21;
	v7 =	vld [tilespmem:$0x1FB70];
	[sflag:s22] =	ssyncadd.s32 $0xFFFFE000  }
0x3e3: {  	v26 =	vor.u32 v13, v21;
	v22 =	vld.idx.msk [tilespmem:v12+s9+$0x0], $0xffff  }
0x3e4: {  	v27 =	vor.u32 v45, v21;
	v17 =	vld.idx.msk [tilespmem:v17+s13+$0x0], $0xffff  }
0x3e5: {  	v19 =	vor.u32 $0x4, v21;
	v15 =	vld [tilespmem:$0x1FC10]  }
0x3e6: {  	v24 =	vld.idx.msk [tilespmem:v21+s9+$0x0], $0xffff;
	v12 =	vor.u32 v46, v21  }
0x3e7: {  	v23 =	vld.idx.msk [tilespmem:v20+s9+$0x0], $0xffff  }
0x3e8: {  	v26 =	vld.idx.msk [tilespmem:v26+s13+$0x0], $0xffff  }
0x3e9: {  	v29 =	vor.u32 $0x5, v21;
	v31 =	vld.idx.msk [tilespmem:v27+s13+$0x0], $0xffff;
	v28 =	vadd.f32 v17, v22  }
0x3ea: {  	s28 =	simm.s32 $0xA700;
	v32 =	vor.u32 v58, v21;
	v17 =	vld.idx.msk [tilespmem:v19+s9+$0x0], $0xffff  }
0x3eb: {  	v25 =	vor.u32 v15, v21;
	[tilespmem:s28+$0x180] =	vst v28;
	v12 =	vld.idx.msk [tilespmem:v12+s13+$0x0], $0xffff  }
0x3ec: {  	v20 =	vor.u32 $0x3, v21;
	v49 =	vld [tilespmem:$0x1FE80]  }
0x3ed: {  	v48 =	vld [tilespmem:$0x1FEB0]  }
0x3ee: {  	v34 =	vld.idx.msk [tilespmem:v29+s9+$0x0], $0xffff;
	v18 =	vor.u32 v7, v21  }
0x3ef: {  	v32 =	vld.idx.msk [tilespmem:v32+s13+$0x0], $0xffff;
	v19 =	vor.u32 $0x2, v21  }
0x3f0: {  	v25 =	vld.idx.msk [tilespmem:v25+s13+$0x0], $0xffff  }
0x3f1: {  	v3 =	vld.idx.msk [tilespmem:v20+s9+$0x0], $0xffff;
	v28 =	vor.u32 v49, v21  }
0x3f2: {  	v8 =	vld [tilespmem:$0x1FC60];
	v30 =	vor.u32 v48, v21;
	v12 =	vadd.f32 v12, v17  }
0x3f3: {  	v18 =	vld.idx.msk [tilespmem:v18+s13+$0x0], $0xffff  }
0x3f4: {  	v27 =	vld.idx.msk [tilespmem:v19+s9+$0x0], $0xffff;
	[tilespmem:s28+$0x0] =	vst v12  }
0x3f5: {  	v19 =	vor.u32 v60, v21;
	v12 =	vadd.f32 v25, v22;
	v10 =	vld [tilespmem:$0x1FDD0]  }
0x3f6: {  	v28 =	vld.idx.msk [tilespmem:v28+s13+$0x0], $0xffff  }
0x3f7: {  	v29 =	vor.u32 v8, v21;
	[tilespmem:s28+$0x190] =	vst v12;
	v30 =	vld.idx.msk [tilespmem:v30+s13+$0x0], $0xffff  }
0x3f8: {  	v20 =	vor.u32 $0x6, v21;
	v56 =	vld [tilespmem:$0x1FE90]  }
0x3f9: {  	v12 =	vor.u32 v1, v21;
	v16 =	vld [tilespmem:$0x1FEC0]  }
0x3fa: {  	v19 =	vld.idx.msk [tilespmem:v19+s13+$0x0], $0xffff;
	v33 =	vor.u32 v10, v21  }
0x3fb: {  	v31 =	vadd.f32 v31, v3;
	v55 =	vld [tilespmem:$0x1FB60]  }
0x3fc: {  	v26 =	vadd.f32 v26, v27;
	v29 =	vld.idx.msk [tilespmem:v29+s13+$0x0], $0xffff  }
0x3fd: {  	v25 =	vld.idx.msk [tilespmem:v20+s9+$0x0], $0xffff;
	[tilespmem:s28+$0xFFFFFF80] =	vst v31;
	v35 =	vor.u32 v56, v21;
	v20 =	vadd.f32 v28, v17  }
0x3fe: {  	[tilespmem:s28+$0xFFFFFF00] =	vst v26;
	v12 =	vld.idx.msk [tilespmem:v12+s13+$0x0], $0xffff;
	v36 =	vor.u32 v16, v21;
	v30 =	vadd.f32 v30, v34  }
0x3ff: {  	[tilespmem:s28+$0x10] =	vst v20;
	v33 =	vld.idx.msk [tilespmem:v33+s13+$0x0], $0xffff  }
0x400: {  	v28 =	vor.u32 v55, v21;
	v1 =	vld [tilespmem:$0x1FBF0];
	[tilespmem:s28+$0x80] =	vst v30  }
0x401: {  	v20 =	vadd.f32 v29, v22;
	v4 =	vld [tilespmem:$0x1FDE0]  }
0x402: {  	v30 =	vadd.f32 v32, v23;
	v41 =	vld.idx.msk [tilespmem:v35+s13+$0x0], $0xffff  }
0x403: {  	v19 =	vadd.f32 v19, v24;
	v29 =	vor.u32 v61, v21;
	[tilespmem:s28+$0x1A0] =	vst v20;
	v36 =	vld.idx.msk [tilespmem:v36+s13+$0x0], $0xffff  }
0x404: {  	v2 =	vld [tilespmem:$0x1FE40];
	[tilespmem:s28+$0xFFFFFE80] =	vst v30  }
0x405: {  	v18 =	vadd.f32 v18, v25;
	v28 =	vld.idx.msk [tilespmem:v28+s13+$0x0], $0xffff;
	[tilespmem:s28+$0xFFFFFE00] =	vst v19  }
0x406: {  	v26 =	vor.u32 v59, v21;
	v0 =	vld [tilespmem:$0x1FEA0];
	v30 =	vadd.f32 v33, v27  }
0x407: {  	v44 =	vld [tilespmem:$0x1FED0];
	[tilespmem:s28+$0x100] =	vst v18;
	v31 =	vor.u32 v1, v21  }
0x408: {  	v12 =	vadd.f32 v12, v3;
	v18 =	vld.idx.msk [tilespmem:v29+s13+$0x0], $0xffff;
	[tilespmem:s28+$0xFFFFFF10] =	vst v30  }
0x409: {  	s29 =	simm.s32 $0x8;
	v52 =	vor.u32 v4, v21;
	v32 =	vadd.f32 v41, v17;
	v5 =	vld [tilespmem:$0x1FB90]  }
0x40a: {  	v29 =	vmov s29;
	v20 =	vor.u32 v2, v21;
	v36 =	vadd.f32 v36, v34;
	v9 =	vld [tilespmem:$0x1FD70];
	[tilespmem:s28+$0xFFFFFF90] =	vst v12  }
0x40b: {  	v26 =	vld.idx.msk [tilespmem:v26+s13+$0x0], $0xffff;
	v29 =	vshrl.u32 v29, $0x3;
	v19 =	vor.u32 v0, v21;
	[tilespmem:s28+$0x20] =	vst v32  }
0x40c: {  	v54 =	vor.u32 v44, v21;
	v12 =	vshll.u32 v29, $0x3;
	[tilespmem:s28+$0x90] =	vst v36;
	v31 =	vld.idx.msk [tilespmem:v31+s13+$0x0], $0xffff  }
0x40d: {  	v29 =	vor.u32 v62, v21;
	v12 =	vbroadcast v12, $0x0;
	v41 =	vld [tilespmem:$0x1FB50]  }
0x40e: {  	v28 =	vadd.f32 v28, v22;
	v35 =	vld.idx.msk [tilespmem:v52+s13+$0x0], $0xffff  }
0x40f: {  	v18 =	vadd.f32 v18, v24;
	v20 =	vld.idx.msk [tilespmem:v20+s13+$0x0], $0xffff;
	v30 =	vor.u32 v5, v21  }
0x410: {  	[tilespmem:s28+$0x1B0] =	vst v28;
	v37 =	vor.u32 v9, v21;
	v32 =	vld.idx.msk [tilespmem:v19+s13+$0x0], $0xffff  }
0x411: {  	[tilespmem:s28+$0xFFFFFE10] =	vst v18;
	v28 =	vld.idx.msk [tilespmem:v54+s13+$0x0], $0xffff  }
0x412: {  	v26 =	vadd.f32 v26, v23;
	v29 =	vld.idx.msk [tilespmem:v29+s13+$0x0], $0xffff  }
0x413: {  	v43 =	vor.u32 v7, v12;
	v31 =	vadd.f32 v31, v25;
	v18 =	vld.idx.msk [tilespmem:v12+s9+$0x0], $0xffff  }
0x414: {  	[tilespmem:s28+$0xFFFFFE90] =	vst v26;
	v19 =	vor.u32 v41, v21;
	v26 =	vld.idx.msk [tilespmem:v30+s13+$0x0], $0xffff  }
0x415: {  	v36 =	vor.u32 $0x1, v12;
	[tilespmem:s28+$0x110] =	vst v31;
	v20 =	vadd.f32 v20, v3;
	v30 =	vld.idx.msk [tilespmem:v37+s13+$0x0], $0xffff  }
0x416: {  	v31 =	vor.u32 v38, v21;
	v54 =	vld [tilespmem:$0x1FDF0]  }
0x417: {  	v52 =	vld [tilespmem:$0x1FD80];
	[tilespmem:s28+$0xFFFFFFA0] =	vst v20;
	v20 =	vor.u32 v45, v12  }
0x418: {  	v39 =	vld.idx.msk [tilespmem:v43+s13+$0x0], $0xffff;
	v28 =	vadd.f32 v28, v34;
	v45 =	vor.u32 v46, v12  }
0x419: {  	v33 =	vor.u32 v40, v21;
	v38 =	vld.idx.msk [tilespmem:v19+s13+$0x0], $0xffff  }
0x41a: {  	v41 =	vor.u32 v60, v12;
	v19 =	vld.idx.msk [tilespmem:v36+s9+$0x0], $0xffff;
	[tilespmem:s28+$0xA0] =	vst v28  }
0x41b: {  	v31 =	vld.idx.msk [tilespmem:v31+s13+$0x0], $0xffff;
	v37 =	vor.u32 v54, v21  }
0x41c: {  	v0 =	vor.u32 v52, v21;
	v28 =	vadd.f32 v30, v23;
	v7 =	vld.idx.msk [tilespmem:v20+s13+$0x0], $0xffff  }
0x41d: {  	v35 =	vadd.f32 v35, v27;
	v30 =	vor.u32 v13, v12;
	v45 =	vld.idx.msk [tilespmem:v45+s13+$0x0], $0xffff  }
0x41e: {  	[tilespmem:s28+$0xFFFFFEA0] =	vst v28;
	v28 =	vld.idx.msk [tilespmem:v33+s13+$0x0], $0xffff  }
0x41f: {  	[tilespmem:s28+$0xFFFFFF20] =	vst v35;
	v32 =	vadd.f32 v32, v17;
	v36 =	vor.u32 v58, v12;
	v33 =	vld.idx.msk [tilespmem:v41+s13+$0x0], $0xffff  }
0x420: {  	v43 =	vor.u32 v50, v21;
	v50 =	vor.u32 $0x7, v12;
	v31 =	vadd.f32 v31, v34;
	v35 =	vld.idx.msk [tilespmem:v37+s13+$0x0], $0xffff  }
0x421: {  	[tilespmem:s28+$0x30] =	vst v32;
	v37 =	vor.u32 $0x5, v12;
	v40 =	vld.idx.msk [tilespmem:v0+s13+$0x0], $0xffff  }
0x422: {  	v0 =	vor.u32 v42, v21;
	v42 =	vld.idx.msk [tilespmem:v30+s13+$0x0], $0xffff;
	[tilespmem:s28+$0xB0] =	vst v31  }
0x423: {  	v30 =	vor.u32 v47, v21;
	v28 =	vadd.f32 v28, v3;
	v46 =	vld [tilespmem:$0x1FD90]  }
0x424: {  	v36 =	vld.idx.msk [tilespmem:v36+s13+$0x0], $0xffff  }
0x425: {  	[tilespmem:s28+$0xFFFFFFB0] =	vst v28;
	v28 =	vld.idx.msk [tilespmem:v50+s9+$0x0], $0xffff  }
0x426: {  	v31 =	vor.u32 v14, v12;
	v20 =	vld.idx.msk [tilespmem:v37+s9+$0x0], $0xffff  }
0x427: {  	v37 =	vld.idx.msk [tilespmem:v0+s13+$0x0], $0xffff  }
0x428: {  	v30 =	vld.idx.msk [tilespmem:v30+s13+$0x0], $0xffff;
	v41 =	vor.u32 v46, v21  }
0x429: {  	v43 =	vld.idx.msk [tilespmem:v43+s13+$0x0], $0xffff  }
0x42a: {  	v40 =	vadd.f32 v40, v23;
	v47 =	vld [tilespmem:$0x1FB80]  }
0x42b: {  	v31 =	vld.idx.msk [tilespmem:v31+s13+$0x0], $0xffff  }
0x42c: {  	v38 =	vadd.f32 v38, v25;
	v50 =	vor.u32 v59, v12;
	v46 =	vor.u32 v48, v12;
	v48 =	vld [tilespmem:$0x1FE00];
	[tilespmem:s28+$0xFFFFFEB0] =	vst v40  }
0x42d: {  	v35 =	vadd.f32 v35, v27;
	v41 =	vld.idx.msk [tilespmem:v41+s13+$0x0], $0xffff;
	[tilespmem:$0x1FAE0] =	vst v50  }
0x42e: {  	v29 =	vadd.f32 v29, v24;
	[tilespmem:s28+$0x120] =	vst v38  }
0x42f: {  	v26 =	vadd.f32 v26, v22;
	[tilespmem:s28+$0xFFFFFF30] =	vst v35  }
0x430: {  	[tilespmem:s28+$0xFFFFFE20] =	vst v29  }
0x431: {  	[tilespmem:s28+$0x1C0] =	vst v26  }
0x432: {  	v0 =	vmov v5;
	v5 =	vld [tilespmem:$0x1FE70]  }
0x433: {  	v40 =	vor.u32 $0x4, v12;
	v30 =	vadd.f32 v30, v34  }
0x434: {  	v47 =	vor.u32 v47, v21;
	v29 =	vadd.f32 v37, v17  }
0x435: {  	[tilespmem:s28+$0xC0] =	vst v30  }
0x436: {  	v32 =	vor.u32 v48, v21;
	[tilespmem:s28+$0x40] =	vst v29  }
0x437: {  	v31 =	vadd.f32 v31, v28;
	v14 =	vor.u32 v5, v12;
	v5 =	vld [tilespmem:$0x1FBC0]  }
0x438: {  	s2 =	simm.s32 $0xAB00;
	v29 =	vld.idx.msk [tilespmem:v40+s9+$0x0], $0xffff;
	v40 =	vadd.f32 v43, v3  }
0x439: {  	v47 =	vld.idx.msk [tilespmem:v47+s13+$0x0], $0xffff;
	[tilespmem:s2+$0x180] =	vst v31;
	v31 =	vadd.f32 v41, v23  }
0x43a: {  	[tilespmem:s28+$0xFFFFFFC0] =	vst v40  }
0x43b: {  	v32 =	vld.idx.msk [tilespmem:v32+s13+$0x0], $0xffff;
	[tilespmem:s28+$0xFFFFFEC0] =	vst v31  }
0x43c: {  	v30 =	vor.u32 v5, v21;
	v5 =	vld [tilespmem:$0x1FE10];
	_ =	sdelay $0x1  }
0x43d: {  	v38 =	vld.idx.msk [tilespmem:v46+s13+$0x0], $0xffff;
	v35 =	vor.u32 v51, v21;
	v41 =	vadd.f32 v47, v25;
	_ =	sdelay $0x1  }
0x43e: {  	[tilespmem:s28+$0x130] =	vst v41  }
0x43f: {  	v32 =	vadd.f32 v32, v27;
	v47 =	vor.u32 v5, v21;
	v5 =	vld [tilespmem:$0x1FFC0]  }
0x440: {  	v48 =	vor.u32 $0x3, v12;
	v41 =	vadd.f32 v45, v29  }
0x441: {  	v37 =	vor.u32 v15, v12;
	v35 =	vld.idx.msk [tilespmem:v35+s13+$0x0], $0xffff;
	v38 =	vadd.f32 v38, v20;
	[tilespmem:s28+$0xFFFFFF40] =	vst v32  }
0x442: {  	[tilespmem:s2+$0x0] =	vst v41  }
0x443: {  	v46 =	vor.u32 v63, v21;
	[tilespmem:s2+$0x80] =	vst v38  }
0x444: {  	v45 =	vor.u32 v5, v21;
	v5 =	vld [tilespmem:$0x1FFB0]  }
0x445: {  	v51 =	vor.u32 $0x2, v12;
	v26 =	vld.idx.msk [tilespmem:v48+s9+$0x0], $0xffff  }
0x446: {  	v48 =	vor.u32 v53, v21;
	v37 =	vld.idx.msk [tilespmem:v37+s13+$0x0], $0xffff;
	v35 =	vadd.f32 v35, v34;
	_ =	sdelay $0x1  }
0x447: {  	v43 =	vld.idx.msk [tilespmem:v46+s13+$0x0], $0xffff;
	v46 =	vor.u32 $0x6, v12;
	[tilespmem:s28+$0xD0] =	vst v35  }
0x448: {  	v38 =	vor.u32 v5, v21;
	v5 =	vld [tilespmem:$0x1FBE0]  }
0x449: {  	v53 =	vor.u32 v49, v12;
	v31 =	vld.idx.msk [tilespmem:v51+s9+$0x0], $0xffff  }
0x44a: {  	v40 =	vor.u32 v16, v12;
	v48 =	vld.idx.msk [tilespmem:v48+s13+$0x0], $0xffff;
	v37 =	vadd.f32 v37, v28  }
0x44b: {  	v51 =	vld.idx.msk [tilespmem:v30+s13+$0x0], $0xffff  }
0x44c: {  	v30 =	vld.idx.msk [tilespmem:v46+s9+$0x0], $0xffff;
	[tilespmem:s2+$0x190] =	vst v37  }
0x44d: {  	v35 =	vor.u32 v5, v21;
	v5 =	vld [tilespmem:$0x1FFE0]  }
0x44e: {  	v41 =	vor.u32 v8, v12;
	v46 =	vld.idx.msk [tilespmem:v53+s13+$0x0], $0xffff  }
0x44f: {  	v48 =	vadd.f32 v48, v3;
	v8 =	vld.idx.msk [tilespmem:v40+s13+$0x0], $0xffff  }
0x450: {  	v43 =	vadd.f32 v43, v24;
	v47 =	vld.idx.msk [tilespmem:v47+s13+$0x0], $0xffff  }
0x451: {  	v45 =	vld.idx.msk [tilespmem:v45+s13+$0x0], $0xffff;
	[tilespmem:s28+$0xFFFFFFD0] =	vst v48;
	v48 =	vadd.f32 v51, v25  }
0x452: {  	v53 =	vor.u32 v1, v12;
	v39 =	vadd.f32 v39, v30;
	v37 =	vor.u32 v5, v21;
	v5 =	vld [tilespmem:$0x1FEE0];
	[tilespmem:s28+$0xFFFFFE30] =	vst v43  }
0x453: {  	v56 =	vor.u32 v56, v12;
	v46 =	vadd.f32 v46, v29;
	v41 =	vld.idx.msk [tilespmem:v41+s13+$0x0], $0xffff;
	[tilespmem:s28+$0x140] =	vst v48  }
0x454: {  	[tilespmem:s2+$0x100] =	vst v39;
	v38 =	vld.idx.msk [tilespmem:v38+s13+$0x0], $0xffff  }
0x455: {  	v50 =	vor.u32 v10, v12;
	v42 =	vadd.f32 v42, v31;
	[tilespmem:s2+$0x10] =	vst v46;
	v35 =	vld.idx.msk [tilespmem:v35+s13+$0x0], $0xffff  }
0x456: {  	v45 =	vadd.f32 v45, v34;
	v49 =	vld [tilespmem:$0x1FFA0]  }
0x457: {  	v51 =	vadd.f32 v7, v26;
	[tilespmem:s2+$0xFFFFFF00] =	vst v42;
	v7 =	vld.idx.msk [tilespmem:v53+s13+$0x0], $0xffff  }
0x458: {  	[tilespmem:s28+$0xE0] =	vst v45;
	v45 =	vld.idx.msk [tilespmem:v56+s13+$0x0], $0xffff  }
0x459: {  	v41 =	vadd.f32 v41, v28;
	v53 =	vld [tilespmem:$0x1FFD0]  }
0x45a: {  	[tilespmem:s2+$0xFFFFFF80] =	vst v51;
	v48 =	vld.idx.msk [tilespmem:v50+s13+$0x0], $0xffff;
	v40 =	vor.u32 v5, v21  }
0x45b: {  	v42 =	vor.u32 v55, v12;
	[tilespmem:s2+$0x1A0] =	vst v41;
	v37 =	vld.idx.msk [tilespmem:v37+s13+$0x0], $0xffff;
	v38 =	vadd.f32 v38, v24  }
0x45c: {  	v5 =	vld [tilespmem:$0x1FBD0]  }
0x45d: {  	v46 =	vor.u32 v49, v21;
	v35 =	vadd.f32 v35, v25;
	v49 =	vld.idx.msk [tilespmem:v14+s13+$0x0], $0xffff;
	[tilespmem:s28+$0xFFFFFE40] =	vst v38  }
0x45e: {  	v56 =	vadd.f32 v36, v19;
	v43 =	vor.u32 v53, v21;
	v53 =	vld [tilespmem:$0x1FF90]  }
0x45f: {  	[tilespmem:s28+$0x150] =	vst v35;
	v40 =	vld.idx.msk [tilespmem:v40+s13+$0x0], $0xffff  }
0x460: {  	v47 =	vadd.f32 v47, v27;
	v14 =	vld.idx.msk [tilespmem:v42+s13+$0x0], $0xffff;
	[tilespmem:s2+$0xFFFFFE80] =	vst v56  }
0x461: {  	v42 =	vor.u32 v61, v12;
	v41 =	vor.u32 v5, v21;
	v55 =	vadd.f32 v37, v3;
	v5 =	vld [tilespmem:$0x1FE20]  }
0x462: {  	v33 =	vadd.f32 v33, v18;
	[tilespmem:s28+$0xFFFFFF50] =	vst v47;
	v46 =	vld.idx.msk [tilespmem:v46+s13+$0x0], $0xffff  }
0x463: {  	v43 =	vld.idx.msk [tilespmem:v43+s13+$0x0], $0xffff;
	[tilespmem:s28+$0xFFFFFFE0] =	vst v55  }
0x464: {  	v1 =	vld [tilespmem:$0x1FDA0];
	[tilespmem:s2+$0xFFFFFE00] =	vst v33;
	v38 =	vor.u32 v53, v21;
	v56 =	vadd.f32 v40, v17  }
0x465: {  	v55 =	vld [tilespmem:$0x1FAE0]  }
0x466: {  	v39 =	vor.u32 v4, v12;
	v33 =	vor.u32 v52, v12;
	v52 =	vld.idx.msk [tilespmem:v42+s13+$0x0], $0xffff;
	[tilespmem:s28+$0x50] =	vst v56  }
0x467: {  	v53 =	vadd.f32 v48, v31;
	v37 =	vor.u32 v5, v21;
	v5 =	vld [tilespmem:$0x1FC50]  }
0x468: {  	v40 =	vld.idx.msk [tilespmem:v41+s13+$0x0], $0xffff  }
0x469: {  	[tilespmem:s2+$0xFFFFFF10] =	vst v53;
	v38 =	vld.idx.msk [tilespmem:v38+s13+$0x0], $0xffff  }
0x46a: {  	v45 =	vadd.f32 v45, v29;
	v56 =	vld [tilespmem:$0x1FFF0]  }
0x46b: {  	v4 =	vor.u32 v2, v12;
	v2 =	vadd.f32 v43, v24;
	v47 =	vor.u32 v1, v21;
	v39 =	vld.idx.msk [tilespmem:v39+s13+$0x0], $0xffff  }
0x46c: {  	v50 =	vor.u32 v5, v21;
	v5 =	vld [tilespmem:$0x1FC20];
	[tilespmem:s2+$0x20] =	vst v45  }
0x46d: {  	v48 =	vld.idx.msk [tilespmem:v55+s13+$0x0], $0xffff;
	[tilespmem:s28+$0xFFFFFE50] =	vst v2  }
0x46e: {  	v55 =	vld [tilespmem:$0x1FEF0]  }
0x46f: {  	v51 =	vld.idx.msk [tilespmem:v37+s13+$0x0], $0xffff;
	v42 =	vadd.f32 v40, v22  }
0x470: {  	v53 =	vld.idx.msk [tilespmem:v47+s13+$0x0], $0xffff;
	v41 =	vor.u32 v56, v21  }
0x471: {  	v35 =	vadd.f32 v46, v34;
	v34 =	vor.u32 v54, v12;
	v56 =	vadd.f32 v49, v26;
	v54 =	vld [tilespmem:$0x1FEA0];
	[tilespmem:s28+$0x1D0] =	vst v42  }
0x472: {  	v36 =	vor.u32 v44, v12;
	v40 =	vadd.f32 v38, v3;
	v3 =	vld [tilespmem:$0x1FDC0];
	v44 =	vor.u32 v5, v21  }
0x473: {  	[tilespmem:s2+$0xFFFFFF90] =	vst v56;
	v43 =	vld.idx.msk [tilespmem:v50+s13+$0x0], $0xffff;
	v47 =	vor.u32 v55, v21;
	v55 =	vadd.f32 v7, v30  }
0x474: {  	v5 =	vld [tilespmem:$0x1FE30]  }
0x475: {  	v48 =	vadd.f32 v48, v19;
	v46 =	vld.idx.msk [tilespmem:v41+s13+$0x0], $0xffff;
	[tilespmem:s2+$0x110] =	vst v55  }
0x476: {  	v56 =	vadd.f32 v51, v27;
	v15 =	vor.u32 v54, v12;
	v2 =	vld [tilespmem:$0x1FDB0]  }
0x477: {  	v32 =	vor.u32 v9, v12;
	[tilespmem:s2+$0xFFFFFE90] =	vst v48;
	v45 =	vld.idx.msk [tilespmem:v44+s13+$0x0], $0xffff  }
0x478: {  	v52 =	vadd.f32 v52, v18;
	v38 =	vor.u32 v0, v12;
	[tilespmem:s28+$0xFFFFFF60] =	vst v56;
	v44 =	vld.idx.msk [tilespmem:v4+s13+$0x0], $0xffff  }
0x479: {  	v49 =	vor.u32 v57, v21;
	v51 =	vadd.f32 v14, v28;
	v53 =	vadd.f32 v53, v23;
	v7 =	vld [tilespmem:$0x1FD90]  }
0x47a: {  	v37 =	vor.u32 v3, v21;
	v48 =	vadd.f32 v8, v20;
	v42 =	vor.u32 v5, v21;
	v47 =	vld.idx.msk [tilespmem:v47+s13+$0x0], $0xffff  }
0x47b: {  	s31 =	sshll.u32 s25, $0x1;
	s30 =	simm.s32 $0xAB00;
	v16 =	vmovc v54;
	v5 =	vmovc v3;
	v41 =	vld.idx.msk [tilespmem:v15+s13+$0x0], $0xffff;
	v15 =	vmov v1;
	v50 =	vor.u32 v2, v21;
	v14 =	vmov v2  }
.LBB2_7:
0x47c: {  	v0 =	vld [tilespmem:$0x1FF80];
	_ =	sdelay $0x3  }
0x47d: {  	s29 =	sadd.s32 $0x8, s29  }
0x47e: {  	[tilespmem:s28+$0xFFFFFED0] =	vst v53;
	v54 =	vmov s29;
	v53 =	vor.u32 v0, v21;
	v0 =	vld [tilespmem:$0x1FB70]  }
0x47f: {  	v56 =	vshrl.u32 v54, $0x3  }
0x480: {  	[tilespmem:s2+$0x1B0] =	vst v51;
	v51 =	vshll.u32 v56, $0x3  }
0x481: {  	v51 =	vbroadcast v51, $0x0;
	_ =	sdelay $0x1  }
0x482: {  	v54 =	vor.u32 v0, v51;
	v0 =	vld [tilespmem:$0x1FF10];
	_ =	sdelay $0x1  }
0x483: {  	v46 =	vadd.f32 v46, v24  }
0x484: {  	[tilespmem:s2+$0xFFFFFE10] =	vst v52;
	v50 =	vld.idx.msk [tilespmem:v50+s13+$0x0], $0xffff;
	v47 =	vadd.f32 v47, v17  }
0x485: {  	v1 =	vld [tilespmem:$0x1FB50];
	v52 =	vor.u32 v11, v21;
	[tilespmem:s28+$0xFFFFFE60] =	vst v46;
	v46 =	vor.u32 v6, v21;
	v21 =	vmov v12  }
0x486: {  	[tilespmem:s28+$0x60] =	vst v47;
	v47 =	vor.u32 v0, v21;
	v0 =	vld [tilespmem:$0x1FE60];
	_ =	sdelay $0x1  }
0x487: {  	v42 =	vld.idx.msk [tilespmem:v42+s13+$0x0], $0xffff  }
0x488: {  	v32 =	vld.idx.msk [tilespmem:v32+s13+$0x0], $0xffff;
	v56 =	vadd.f32 v50, v23  }
0x489: {  	v55 =	vor.u32 v62, v12;
	[tilespmem:s2+$0x90] =	vst v48;
	v48 =	vld.idx.msk [tilespmem:v49+s13+$0x0], $0xffff;
	v49 =	vor.u32 v1, v12;
	v12 =	vmov v51  }
0x48a: {  	[tilespmem:s28+$0xFFFFFEE0] =	vst v56;
	v56 =	vor.u32 v0, v12;
	v0 =	vld [tilespmem:$0x1FF20];
	_ =	sdelay $0x2  }
0x48b: {  	v42 =	vadd.f32 v42, v27;
	_ =	sdelay $0x1  }
0x48c: {  	[tilespmem:s28+$0xFFFFFF70] =	vst v42;
	v42 =	vor.u32 v0, v21;
	v0 =	vld [tilespmem:$0x1FE50];
	_ =	sdelay $0x1  }
0x48d: {  	v44 =	vadd.f32 v44, v26  }
0x48e: {  	v41 =	vadd.f32 v41, v29  }
0x48f: {  	[tilespmem:s2+$0xFFFFFFA0] =	vst v44;
	v44 =	vld.idx.msk [tilespmem:v53+s13+$0x0], $0xffff  }
0x490: {  	[tilespmem:s2+$0x30] =	vst v41;
	v41 =	vor.u32 v0, v12;
	v0 =	vld [tilespmem:$0x1FEB0];
	_ =	sdelay $0x4  }
0x491: {  	v44 =	vadd.f32 v44, v17;
	v17 =	vmov v29;
	v29 =	vor.u32 v0, v12;
	v0 =	vld [tilespmem:$0x1FF00]  }
0x492: {  	v38 =	vld.idx.msk [tilespmem:v38+s13+$0x0], $0xffff  }
0x493: {  	v36 =	vld.idx.msk [tilespmem:v36+s13+$0x0], $0xffff;
	v43 =	vadd.f32 v43, v25  }
0x494: {  	v55 =	vld.idx.msk [tilespmem:v55+s13+$0x0], $0xffff;
	v48 =	vadd.f32 v48, v24  }
0x495: {  	v45 =	vadd.f32 v45, v22;
	[tilespmem:s28+$0x160] =	vst v43;
	v24 =	vmov v18;
	v18 =	vld.idx.msk [tilespmem:v12+s9+$0x0], $0xffff  }
0x496: {  	[tilespmem:s28+$0xFFFFFE70] =	vst v48;
	v48 =	vor.u32 v0, v21;
	v0 =	vld [tilespmem:$0x1FF40]  }
0x497: {  	[tilespmem:s28+$0x1E0] =	vst v45;
	v50 =	vld.idx.msk [tilespmem:v52+s13+$0x0], $0xffff  }
0x498: {  	v45 =	vor.u32 $0x1, v12;
	v46 =	vld.idx.msk [tilespmem:v46+s13+$0x0], $0xffff  }
0x499: {  	v36 =	vadd.f32 v36, v20;
	v37 =	vld.idx.msk [tilespmem:v37+s13+$0x0], $0xffff;
	_ =	sdelay $0x1  }
0x49a: {  	[tilespmem:s2+$0xA0] =	vst v36;
	v36 =	vor.u32 v0, v21;
	v0 =	vld [tilespmem:$0x1FF30]  }
0x49b: {  	v32 =	vadd.f32 v32, v19  }
0x49c: {  	[tilespmem:s28+$0xFFFFFFF0] =	vst v40;
	v40 =	vadd.f32 v50, v25;
	v25 =	vmov v30;
	v30 =	vld.idx.msk [tilespmem:v45+s9+$0x0], $0xffff;
	v50 =	vadd.f32 v46, v22  }
0x49d: {  	[tilespmem:s2+$0xFFFFFEA0] =	vst v32;
	v46 =	vld.idx.msk [tilespmem:v47+s13+$0x0], $0xffff;
	v47 =	vadd.f32 v55, v24;
	v55 =	vadd.f32 v37, v23  }
0x49e: {  	v33 =	vld.idx.msk [tilespmem:v33+s13+$0x0], $0xffff  }
0x49f: {  	[tilespmem:s28+$0xFFFFFEF0] =	vst v55;
	v55 =	vor.u32 v0, v21;
	v0 =	vld [tilespmem:$0x1FE70];
	_ =	sdelay $0x3  }
0x4a0: {  	v39 =	vadd.f32 v39, v31;
	v43 =	vor.u32 v60, v51  }
0x4a1: {  	[tilespmem:s28+$0xF0] =	vst v35;
	v35 =	vor.u32 v0, v12;
	v0 =	vld [tilespmem:$0x1FE80]  }
0x4a2: {  	[tilespmem:s2+$0xFFFFFF20] =	vst v39;
	v49 =	vld.idx.msk [tilespmem:v49+s13+$0x0], $0xffff  }
0x4a3: {  	v39 =	vld.idx.msk [tilespmem:v54+s13+$0x0], $0xffff;
	[tilespmem:s28+$0x170] =	vst v40  }
0x4a4: {  	[tilespmem:s28+$0x70] =	vst v44;
	v32 =	vld.idx.msk [tilespmem:v42+s13+$0x0], $0xffff  }
0x4a5: {  	[tilespmem:s28+$0x1F0] =	vst v50;
	s28 =	smov.u32 s30;
	v42 =	vld.idx.msk [tilespmem:v43+s13+$0x0], $0xffff  }
0x4a6: {  	[tilespmem:s28+$0xFFFFFE20] =	vst v47;
	v47 =	vor.u32 v0, v12;
	v0 =	vld [tilespmem:$0x1FBB0];
	_ =	sdelay $0x4  }
0x4a7: {  	v44 =	vor.u32 v0, v12;
	v0 =	vld [tilespmem:$0x1FEC0];
	_ =	sdelay $0x1  }
0x4a8: {  	v22 =	vmov v28;
	v28 =	vor.u32 $0x5, v12  }
0x4a9: {  	v23 =	vmov v19;
	v45 =	vld.idx.msk [tilespmem:v56+s13+$0x0], $0xffff  }
0x4aa: {  	v56 =	vadd.f32 v33, v23;
	v33 =	vld.idx.msk [tilespmem:v48+s13+$0x0], $0xffff  }
0x4ab: {  	v46 =	vadd.f32 v46, v20;
	v48 =	vor.u32 v0, v12;
	v0 =	vld [tilespmem:$0x1FDE0];
	_ =	sdelay $0x1  }
0x4ac: {  	v40 =	vld.idx.msk [tilespmem:v28+s9+$0x0], $0xffff;
	[tilespmem:s28+$0xB0] =	vst v46  }
0x4ad: {  	v46 =	vld.idx.msk [tilespmem:v55+s13+$0x0], $0xffff  }
0x4ae: {  	v19 =	vmov v30;
	v30 =	vor.u32 $0x7, v12;
	v55 =	vld.idx.msk [tilespmem:v41+s13+$0x0], $0xffff  }
0x4af: {  	v41 =	vor.u32 v0, v12;
	v0 =	vld [tilespmem:$0x1FE00]  }
0x4b0: {  	v38 =	vadd.f32 v38, v22  }
0x4b1: {  	v28 =	vadd.f32 v32, v26  }
0x4b2: {  	[tilespmem:s28+$0x1C0] =	vst v38  }
0x4b3: {  	[tilespmem:s28+$0xFFFFFFB0] =	vst v28;
	v28 =	vld.idx.msk [tilespmem:v30+s9+$0x0], $0xffff  }
0x4b4: {  	v30 =	vor.u32 v0, v21;
	v0 =	vld [tilespmem:$0x1FBF0];
	_ =	sdelay $0x2  }
0x4b5: {  	v49 =	vadd.f32 v49, v25;
	_ =	sdelay $0x1  }
0x4b6: {  	[tilespmem:s28+$0x120] =	vst v49;
	v49 =	vor.u32 v0, v12;
	v0 =	vld [tilespmem:$0x1FE40];
	_ =	sdelay $0x3  }
0x4b7: {  	v1 =	vld [tilespmem:$0x1FB80];
	v51 =	vor.u32 v58, v12  }
0x4b8: {  	v38 =	vor.u32 v0, v12;
	v0 =	vld [tilespmem:$0x1FF50];
	_ =	sdelay $0x3  }
0x4b9: {  	v51 =	vld.idx.msk [tilespmem:v51+s13+$0x0], $0xffff  }
0x4ba: {  	[tilespmem:s28+$0xFFFFFEB0] =	vst v56;
	v56 =	vor.u32 v1, v21;
	v1 =	vmov v60;
	v60 =	vor.u32 v0, v21;
	v0 =	vld [tilespmem:$0x1FE90];
	_ =	sdelay $0x4  }
0x4bb: {  	v2 =	vmov v61;
	v61 =	vor.u32 v0, v12;
	v0 =	vld [tilespmem:$0x1FC10];
	_ =	sdelay $0x3  }
0x4bc: {  	v53 =	vor.u32 $0x3, v12  }
0x4bd: {  	v3 =	vmov v62;
	v62 =	vor.u32 v0, v12;
	v0 =	vld [tilespmem:$0x1FE10];
	_ =	sdelay $0x2  }
0x4be: {  	v8 =	vmov v57;
	v57 =	vld.idx.msk [tilespmem:v44+s13+$0x0], $0xffff  }
0x4bf: {  	v44 =	vld.idx.msk [tilespmem:v53+s9+$0x0], $0xffff  }
0x4c0: {  	v53 =	vor.u32 v0, v21;
	v0 =	vld [tilespmem:$0x1FF60];
	_ =	sdelay $0x3  }
0x4c1: {  	v4 =	vmov v63;
	v37 =	vor.u32 v59, v12;
	v36 =	vld.idx.msk [tilespmem:v36+s13+$0x0], $0xffff  }
0x4c2: {  	v43 =	vor.u32 v10, v12;
	v10 =	vmovc v59;
	v59 =	vor.u32 v63, v21;
	v63 =	vor.u32 v0, v21;
	v0 =	vld [tilespmem:$0x1FED0]  }
0x4c3: {  	v34 =	vld.idx.msk [tilespmem:v34+s13+$0x0], $0xffff;
	_ =	sdelay $0x1  }
0x4c4: {  	v52 =	vor.u32 v13, v12  }
0x4c5: {  	v32 =	vor.u32 v9, v12;
	v9 =	vmov v58;
	v58 =	vld.idx.msk [tilespmem:v29+s13+$0x0], $0xffff  }
0x4c6: {  	v27 =	vmov v31;
	v29 =	vadd.f32 v36, v26;
	v36 =	vor.u32 v0, v12;
	v0 =	vld [tilespmem:$0x1FD80]  }
0x4c7: {  	v34 =	vadd.f32 v34, v27;
	_ =	sdelay $0x1  }
0x4c8: {  	v50 =	vld.idx.msk [tilespmem:v52+s13+$0x0], $0xffff;
	[tilespmem:s28+$0xFFFFFF30] =	vst v34;
	v34 =	vor.u32 v7, v21;
	v33 =	vadd.f32 v33, v17;
	_ =	sdelay $0x1  }
0x4c9: {  	[tilespmem:s28+$0x40] =	vst v33;
	v33 =	vor.u32 v0, v12;
	v0 =	vmovc v13;
	v13 =	vmov v11;
	v11 =	vmov v6;
	v6 =	vld [tilespmem:$0x1FBC0];
	_ =	sdelay $0x1  }
0x4ca: {  	v46 =	vadd.f32 v46, v20  }
0x4cb: {  	v34 =	vld.idx.msk [tilespmem:v34+s13+$0x0], $0xffff  }
0x4cc: {  	v54 =	vor.u32 $0x4, v12;
	[tilespmem:s28+$0xC0] =	vst v46;
	v46 =	vld.idx.msk [tilespmem:v59+s13+$0x0], $0xffff  }
0x4cd: {  	v59 =	vor.u32 v6, v21;
	v6 =	vld [tilespmem:$0x1FDF0];
	_ =	sdelay $0x2  }
0x4ce: {  	v56 =	vld.idx.msk [tilespmem:v56+s13+$0x0], $0xffff  }
0x4cf: {  	[tilespmem:s28+$0xFFFFFFC0] =	vst v29;
	v29 =	vld.idx.msk [tilespmem:v54+s9+$0x0], $0xffff  }
0x4d0: {  	v54 =	vadd.f32 v57, v28;
	v57 =	vadd.f32 v34, v23;
	v34 =	vor.u32 v6, v12;
	v6 =	vld [tilespmem:$0x1FFC0];
	_ =	sdelay $0x2  }
0x4d1: {  	v56 =	vadd.f32 v56, v25;
	_ =	sdelay $0x1  }
0x4d2: {  	[tilespmem:s28+$0x130] =	vst v56;
	v56 =	vor.u32 v6, v21;
	v6 =	vld [tilespmem:$0x1FC60];
	_ =	sdelay $0x1  }
0x4d3: {  	s2 =	sadd.s32 $0x400, s2;
	v30 =	vld.idx.msk [tilespmem:v30+s13+$0x0], $0xffff  }
0x4d4: {  	v31 =	vor.u32 $0x2, v12;
	[tilespmem:s2+$0x180] =	vst v54;
	v54 =	vld.idx.msk [tilespmem:v60+s13+$0x0], $0xffff  }
0x4d5: {  	v52 =	vor.u32 $0x6, v12;
	v60 =	vld.idx.msk [tilespmem:v62+s13+$0x0], $0xffff  }
0x4d6: {  	v62 =	vor.u32 v6, v12;
	v6 =	vld [tilespmem:$0x1FFE0];
	_ =	sdelay $0x1  }
0x4d7: {  	v30 =	vadd.f32 v30, v27  }
0x4d8: {  	v31 =	vld.idx.msk [tilespmem:v31+s9+$0x0], $0xffff  }
0x4d9: {  	[tilespmem:s28+$0xFFFFFF40] =	vst v30;
	v30 =	vld.idx.msk [tilespmem:v52+s9+$0x0], $0xffff  }
0x4da: {  	v52 =	vor.u32 v6, v21;
	v6 =	vld [tilespmem:$0x1FFB0];
	_ =	sdelay $0x2  }
0x4db: {  	v58 =	vadd.f32 v58, v40;
	_ =	sdelay $0x1  }
0x4dc: {  	[tilespmem:s2+$0x80] =	vst v58;
	v58 =	vor.u32 v6, v21;
	v6 =	vld [tilespmem:$0x1FBE0];
	_ =	sdelay $0x2  }
0x4dd: {  	v54 =	vadd.f32 v54, v20  }
0x4de: {  	v48 =	vld.idx.msk [tilespmem:v48+s13+$0x0], $0xffff  }
0x4df: {  	[tilespmem:s28+$0xD0] =	vst v54;
	v54 =	vor.u32 v6, v21;
	v6 =	vld [tilespmem:$0x1FEE0]  }
0x4e0: {  	[tilespmem:s28+$0xFFFFFEC0] =	vst v57;
	v57 =	vld.idx.msk [tilespmem:v63+s13+$0x0], $0xffff;
	_ =	sdelay $0x1  }
0x4e1: {  	v55 =	vadd.f32 v55, v29;
	v59 =	vld.idx.msk [tilespmem:v59+s13+$0x0], $0xffff;
	_ =	sdelay $0x1  }
0x4e2: {  	[tilespmem:s2+$0x0] =	vst v55;
	v55 =	vor.u32 v6, v21;
	v6 =	vld [tilespmem:$0x1FFA0]  }
0x4e3: {  	v57 =	vadd.f32 v57, v26  }
0x4e4: {  	v47 =	vld.idx.msk [tilespmem:v47+s13+$0x0], $0xffff  }
0x4e5: {  	[tilespmem:s28+$0xFFFFFFD0] =	vst v57;
	v57 =	vadd.f32 v59, v25;
	_ =	sdelay $0x1  }
0x4e6: {  	[tilespmem:s28+$0x140] =	vst v57;
	v57 =	vor.u32 v6, v21;
	v6 =	vld [tilespmem:$0x1FB60]  }
0x4e7: {  	v39 =	vadd.f32 v39, v30  }
0x4e8: {  	v47 =	vadd.f32 v47, v29;
	v54 =	vld.idx.msk [tilespmem:v54+s13+$0x0], $0xffff  }
0x4e9: {  	[tilespmem:s2+$0x100] =	vst v39;
	v39 =	vld.idx.msk [tilespmem:v55+s13+$0x0], $0xffff  }
0x4ea: {  	[tilespmem:s2+$0x10] =	vst v47;
	v47 =	vld.idx.msk [tilespmem:v49+s13+$0x0], $0xffff  }
0x4eb: {  	v49 =	vor.u32 v6, v12;
	v6 =	vld [tilespmem:$0x1FFD0]  }
0x4ec: {  	v46 =	vadd.f32 v46, v24  }
0x4ed: {  	v56 =	vld.idx.msk [tilespmem:v56+s13+$0x0], $0xffff  }
0x4ee: {  	[tilespmem:s28+$0xFFFFFE30] =	vst v46;
	v46 =	vld.idx.msk [tilespmem:v52+s13+$0x0], $0xffff  }
0x4ef: {  	v52 =	vld.idx.msk [tilespmem:v58+s13+$0x0], $0xffff  }
0x4f0: {  	v58 =	vor.u32 v6, v21;
	v6 =	vld [tilespmem:$0x1FBD0];
	_ =	sdelay $0x2  }
0x4f1: {  	v55 =	vadd.f32 v56, v20;
	_ =	sdelay $0x1  }
0x4f2: {  	[tilespmem:s28+$0xE0] =	vst v55;
	v55 =	vor.u32 v6, v21;
	v6 =	vld [tilespmem:$0x1FF90]  }
0x4f3: {  	v45 =	vadd.f32 v45, v44;
	_ =	sdelay $0x1  }
0x4f4: {  	[tilespmem:s2+$0xFFFFFF80] =	vst v45  }
0x4f5: {  	v59 =	vld.idx.msk [tilespmem:v35+s13+$0x0], $0xffff  }
0x4f6: {  	v35 =	vor.u32 v6, v21;
	v6 =	vld [tilespmem:$0x1FE20];
	_ =	sdelay $0x2  }
0x4f7: {  	v45 =	vadd.f32 v52, v24;
	_ =	sdelay $0x1  }
0x4f8: {  	[tilespmem:s28+$0xFFFFFE40] =	vst v45;
	v45 =	vor.u32 v6, v21;
	v6 =	vld [tilespmem:$0x1FC50];
	_ =	sdelay $0x1  }
0x4f9: {  	v53 =	vld.idx.msk [tilespmem:v53+s13+$0x0], $0xffff;
	v60 =	vadd.f32 v60, v28  }
0x4fa: {  	v46 =	vadd.f32 v46, v26  }
0x4fb: {  	v51 =	vadd.f32 v51, v19;
	[tilespmem:s2+$0x190] =	vst v60;
	v57 =	vld.idx.msk [tilespmem:v57+s13+$0x0], $0xffff  }
0x4fc: {  	v50 =	vadd.f32 v50, v31;
	[tilespmem:s28+$0xFFFFFFE0] =	vst v46;
	v46 =	vor.u32 v6, v21;
	v6 =	vld [tilespmem:$0x1FFF0]  }
0x4fd: {  	[tilespmem:s2+$0xFFFFFE80] =	vst v51;
	v60 =	vld.idx.msk [tilespmem:v62+s13+$0x0], $0xffff  }
0x4fe: {  	[tilespmem:s2+$0xFFFFFF00] =	vst v50;
	v51 =	vadd.f32 v53, v27;
	v52 =	vor.u32 v15, v21  }
0x4ff: {  	v43 =	vld.idx.msk [tilespmem:v43+s13+$0x0], $0xffff  }
0x500: {  	[tilespmem:s28+$0xFFFFFF50] =	vst v51;
	v51 =	vld.idx.msk [tilespmem:v35+s13+$0x0], $0xffff  }
0x501: {  	v35 =	vadd.f32 v57, v20;
	v20 =	vmov v40;
	v40 =	vor.u32 v6, v21;
	v6 =	vld [tilespmem:$0x1FE30]  }
0x502: {  	v56 =	vadd.f32 v60, v28  }
0x503: {  	v52 =	vld.idx.msk [tilespmem:v52+s13+$0x0], $0xffff  }
0x504: {  	v42 =	vadd.f32 v42, v18;
	[tilespmem:s2+$0x1A0] =	vst v56;
	v56 =	vor.u32 v2, v12;
	v58 =	vld.idx.msk [tilespmem:v58+s13+$0x0], $0xffff  }
0x505: {  	v53 =	vld.idx.msk [tilespmem:v55+s13+$0x0], $0xffff  }
0x506: {  	v54 =	vadd.f32 v54, v25;
	[tilespmem:s2+$0xFFFFFE00] =	vst v42;
	v42 =	vor.u32 v6, v21;
	v6 =	vld [tilespmem:$0x1FC20]  }
0x507: {  	v50 =	vld.idx.msk [tilespmem:v61+s13+$0x0], $0xffff  }
0x508: {  	v43 =	vadd.f32 v43, v31;
	[tilespmem:s28+$0x150] =	vst v54;
	v54 =	vld.idx.msk [tilespmem:v37+s13+$0x0], $0xffff  }
0x509: {  	v55 =	vld.idx.msk [tilespmem:v56+s13+$0x0], $0xffff  }
0x50a: {  	v39 =	vadd.f32 v39, v17;
	v45 =	vld.idx.msk [tilespmem:v45+s13+$0x0], $0xffff;
	[tilespmem:s2+$0xFFFFFF10] =	vst v43;
	v43 =	vadd.f32 v58, v24  }
0x50b: {  	v58 =	vadd.f32 v53, v22;
	v56 =	vor.u32 v6, v21;
	v6 =	vmovc v11;
	v11 =	vmovc v13;
	v13 =	vmov v0;
	v0 =	vld [tilespmem:$0x1FEF0]  }
0x50c: {  	v49 =	vld.idx.msk [tilespmem:v49+s13+$0x0], $0xffff  }
0x50d: {  	[tilespmem:s28+$0x50] =	vst v39;
	v39 =	vld.idx.msk [tilespmem:v41+s13+$0x0], $0xffff  }
0x50e: {  	v53 =	vadd.f32 v54, v19;
	v54 =	vor.u32 v16, v12;
	v41 =	vadd.f32 v59, v44;
	v59 =	vmovc v10;
	v10 =	vld [tilespmem:$0x1FDD0]  }
0x50f: {  	v50 =	vadd.f32 v50, v29;
	[tilespmem:s28+$0x1D0] =	vst v58;
	v58 =	vmov v9;
	v9 =	vld [tilespmem:$0x1FD70]  }
0x510: {  	v57 =	vor.u32 v0, v21;
	v0 =	vadd.f32 v45, v27;
	v45 =	vld.idx.msk [tilespmem:v56+s13+$0x0], $0xffff  }
0x511: {  	p0 =	slt.u32 s29, $0x38;
	v63 =	vmov v4;
	[tilespmem:s2+$0x20] =	vst v50;
	v56 =	vld [tilespmem:$0x1FB90]  }
.Ltmp2:
0x512: {  	v62 =	vmov v3;
	v37 =	vor.u32 v5, v21;
	v47 =	vadd.f32 v47, v30;
	[tilespmem:s28+$0xFFFFFE50] =	vst v43;
	v43 =	vld.idx.msk [tilespmem:v46+s13+$0x0], $0xffff;
	(pc) =	sbr.rel @p0 .LBB2_7-.Ltmp2, $4  }
0x513: {  	v60 =	vmov v1;
	v50 =	vor.u32 v14, v21;
	v48 =	vadd.f32 v48, v20;
	[tilespmem:s2+$0xFFFFFF90] =	vst v41;
	v41 =	vld.idx.msk [tilespmem:v54+s13+$0x0], $0xffff  }
0x514: {  	v61 =	vmov v2;
	[tilespmem:s2+$0xFFFFFE90] =	vst v53;
	v53 =	vadd.f32 v52, v23;
	v52 =	vadd.f32 v55, v18;
	v46 =	vld.idx.msk [tilespmem:v40+s13+$0x0], $0xffff  }
0x515: {  	[tilespmem:s2+$0x110] =	vst v47;
	v40 =	vadd.f32 v51, v26;
	v26 =	vmov v44;
	v44 =	vld.idx.msk [tilespmem:v38+s13+$0x0], $0xffff;
	v51 =	vadd.f32 v49, v28  }
0x516: {  	s30 =	smov.u32 s2;
	v49 =	vor.u32 v8, v21;
	[tilespmem:s28+$0xFFFFFF60] =	vst v0;
	v38 =	vor.u32 v56, v12;
	v47 =	vld.idx.msk [tilespmem:v57+s13+$0x0], $0xffff;
	v57 =	vmov v8  }
0x517: {  	[tilespmem:s28+$0xFFFFFED0] =	vst v53  }
0x518: {  	[tilespmem:s2+$0x1B0] =	vst v51  }
0x519: {  	[tilespmem:s2+$0xFFFFFE10] =	vst v52;
	v43 =	vadd.f32 v43, v25  }
0x51a: {  	[tilespmem:s2+$0x90] =	vst v48;
	v46 =	vadd.f32 v46, v24  }
0x51b: {  	[tilespmem:s28+$0x160] =	vst v43  }
0x51c: {  	[tilespmem:s28+$0xFFFFFE60] =	vst v46  }
0x51d: {  	v53 =	vld [tilespmem:$0x1FB50];
	_ =	sdelay $0x1  }
0x51e: {  	v42 =	vld.idx.msk [tilespmem:v42+s13+$0x0], $0xffff  }
0x51f: {  	v45 =	vadd.f32 v45, v22;
	v48 =	vor.u32 v6, v21;
	v50 =	vld.idx.msk [tilespmem:v50+s13+$0x0], $0xffff  }
0x520: {  	v44 =	vadd.f32 v44, v26;
	v46 =	vor.u32 v62, v12  }
0x521: {  	v39 =	vadd.f32 v39, v31;
	v43 =	vadd.f32 v47, v17;
	[tilespmem:s28+$0x1E0] =	vst v45;
	v47 =	vor.u32 v53, v12  }
0x522: {  	v36 =	vld.idx.msk [tilespmem:v36+s13+$0x0], $0xffff;
	[tilespmem:s2+$0xFFFFFFA0] =	vst v44  }
0x523: {  	v49 =	vld.idx.msk [tilespmem:v49+s13+$0x0], $0xffff;
	v27 =	vadd.f32 v42, v27;
	[tilespmem:s2+$0xFFFFFF20] =	vst v39  }
0x524: {  	v52 =	vadd.f32 v50, v23;
	[tilespmem:s28+$0x60] =	vst v43;
	v48 =	vld.idx.msk [tilespmem:v48+s13+$0x0], $0xffff  }
0x525: {  	[tilespmem:s28+$0xFFFFFF70] =	vst v27;
	v55 =	vld.idx.msk [tilespmem:v46+s13+$0x0], $0xffff  }
0x526: {  	v27 =	vadd.f32 v41, v29;
	[tilespmem:s28+$0xFFFFFEE0] =	vst v52;
	v50 =	vld.idx.msk [tilespmem:v47+s13+$0x0], $0xffff  }
0x527: {  	v54 =	vor.u32 v11, v21;
	v36 =	vadd.f32 v36, v20;
	v47 =	vld [tilespmem:$0x1FF20];
	[tilespmem:s28+$0xFFFFFFF0] =	vst v40  }
0x528: {  	[tilespmem:s2+$0x30] =	vst v27  }
0x529: {  	v32 =	vld.idx.msk [tilespmem:v32+s13+$0x0], $0xffff;
	[tilespmem:s2+$0xA0] =	vst v36  }
0x52a: {  	v24 =	vadd.f32 v49, v24;
	v0 =	vld [tilespmem:$0x1FB80]  }
0x52b: {  	v52 =	vadd.f32 v55, v18  }
0x52c: {  	v44 =	vld.idx.msk [tilespmem:v54+s13+$0x0], $0xffff;
	v22 =	vadd.f32 v48, v22;
	[tilespmem:s28+$0xFFFFFE70] =	vst v24  }
0x52d: {  	v45 =	vld [tilespmem:$0x1FF10];
	[tilespmem:s30+$0xFFFFFE20] =	vst v52  }
0x52e: {  	v32 =	vadd.f32 v32, v19;
	v48 =	vld [tilespmem:$0x1FF80];
	[tilespmem:s28+$0x1F0] =	vst v22;
	v51 =	vor.u32 v47, v12  }
0x52f: {  	v42 =	vadd.f32 v50, v30;
	v54 =	vor.u32 v0, v12;
	v0 =	vld [tilespmem:$0x1FE00]  }
0x530: {  	v40 =	vor.u32 v63, v12;
	v27 =	vld.idx.msk [tilespmem:v37+s13+$0x0], $0xffff;
	[tilespmem:s2+$0xFFFFFEA0] =	vst v32  }
0x531: {  	v25 =	vadd.f32 v44, v25;
	v24 =	vld.idx.msk [tilespmem:v34+s13+$0x0], $0xffff;
	[tilespmem:s30+$0x120] =	vst v42  }
0x532: {  	v46 =	vld [tilespmem:$0x1FF40]  }
0x533: {  	[tilespmem:s28+$0x170] =	vst v25;
	v41 =	vld.idx.msk [tilespmem:v51+s13+$0x0], $0xffff  }
0x534: {  	v43 =	vor.u32 v0, v12;
	v0 =	vld [tilespmem:$0x1FFB0]  }
0x535: {  	v22 =	vld.idx.msk [tilespmem:v40+s13+$0x0], $0xffff;
	v23 =	vadd.f32 v27, v23  }
0x536: {  	v24 =	vadd.f32 v24, v31  }
0x537: {  	[tilespmem:s28+$0xFFFFFEF0] =	vst v23  }
0x538: {  	v33 =	vld.idx.msk [tilespmem:v33+s13+$0x0], $0xffff;
	[tilespmem:s30+$0xFFFFFF30] =	vst v24  }
0x539: {  	v23 =	vadd.f32 v41, v26;
	v25 =	vor.u32 v0, v12;
	v0 =	vld [tilespmem:$0x1FBC0]  }
0x53a: {  	v22 =	vadd.f32 v22, v18;
	v44 =	vld.idx.msk [tilespmem:v54+s13+$0x0], $0xffff  }
0x53b: {  	v55 =	vor.u32 v45, v12;
	[tilespmem:s30+$0xFFFFFFB0] =	vst v23;
	v23 =	vld.idx.msk [tilespmem:v43+s13+$0x0], $0xffff  }
0x53c: {  	v51 =	vld [tilespmem:$0x1FF30];
	[tilespmem:s30+$0xFFFFFE30] =	vst v22  }
0x53d: {  	v21 =	vor.u32 v48, v21;
	v43 =	vld [tilespmem:$0x1FF00];
	[tilespmem:s28+$0xF0] =	vst v35  }
0x53e: {  	v24 =	vor.u32 v0, v12;
	v0 =	vld [tilespmem:$0x1FE10]  }
0x53f: {  	v32 =	vadd.f32 v44, v30  }
0x540: {  	v34 =	vld.idx.msk [tilespmem:v55+s13+$0x0], $0xffff;
	v33 =	vadd.f32 v33, v19  }
0x541: {  	[tilespmem:s30+$0x130] =	vst v32  }
0x542: {  	v21 =	vld.idx.msk [tilespmem:v21+s13+$0x0], $0xffff;
	[tilespmem:s30+$0xFFFFFEB0] =	vst v33  }
0x543: {  	v41 =	vor.u32 v0, v12;
	v0 =	vld [tilespmem:$0x1FF60];
	_ =	sdelay $0x1  }
0x544: {  	v34 =	vadd.f32 v34, v20;
	_ =	sdelay $0x1  }
0x545: {  	v27 =	vor.u32 v46, v12;
	[tilespmem:s30+$0xB0] =	vst v34  }
0x546: {  	v17 =	vadd.f32 v21, v17;
	v21 =	vor.u32 v0, v12;
	v0 =	vld [tilespmem:$0x1FFD0];
	_ =	sdelay $0x3  }
0x547: {  	v27 =	vld.idx.msk [tilespmem:v27+s13+$0x0], $0xffff;
	[tilespmem:s28+$0x70] =	vst v17  }
0x548: {  	v44 =	vor.u32 v0, v12;
	v0 =	vld [tilespmem:$0x1FBD0]  }
0x549: {  	v25 =	vld.idx.msk [tilespmem:v25+s13+$0x0], $0xffff  }
0x54a: {  	v40 =	vld.idx.msk [tilespmem:v38+s13+$0x0], $0xffff;
	v23 =	vadd.f32 v23, v31;
	_ =	sdelay $0x1  }
0x54b: {  	[tilespmem:s30+$0xFFFFFF40] =	vst v23  }
0x54c: {  	v27 =	vadd.f32 v27, v26;
	v49 =	vor.u32 v0, v12;
	v0 =	vld [tilespmem:$0x1FBE0]  }
0x54d: {  	v25 =	vadd.f32 v25, v18  }
0x54e: {  	v54 =	vor.u32 v7, v12;
	v35 =	vadd.f32 v40, v28;
	v24 =	vld.idx.msk [tilespmem:v24+s13+$0x0], $0xffff;
	[tilespmem:s30+$0xFFFFFFC0] =	vst v27  }
0x54f: {  	v52 =	vld [tilespmem:$0x1FF50];
	[tilespmem:s30+$0xFFFFFE40] =	vst v25  }
0x550: {  	[tilespmem:s30+$0x1C0] =	vst v35  }
0x551: {  	v23 =	vor.u32 v0, v12;
	v0 =	vld [tilespmem:$0x1FEE0];
	_ =	sdelay $0x1  }
0x552: {  	v42 =	vld.idx.msk [tilespmem:v54+s13+$0x0], $0xffff;
	v55 =	vor.u32 v51, v12;
	v24 =	vadd.f32 v24, v30;
	_ =	sdelay $0x1  }
0x553: {  	[tilespmem:s30+$0x140] =	vst v24  }
0x554: {  	v40 =	vor.u32 v0, v12;
	v0 =	vld [tilespmem:$0x1FE20];
	_ =	sdelay $0x1  }
0x555: {  	v22 =	vor.u32 v43, v12;
	v17 =	vld.idx.msk [tilespmem:v55+s13+$0x0], $0xffff;
	v25 =	vadd.f32 v42, v19;
	_ =	sdelay $0x1  }
0x556: {  	[tilespmem:s30+$0xFFFFFEC0] =	vst v25  }
0x557: {  	v24 =	vor.u32 v0, v12;
	v0 =	vld [tilespmem:$0x1FFE0];
	_ =	sdelay $0x1  }
0x558: {  	v22 =	vld.idx.msk [tilespmem:v22+s13+$0x0], $0xffff;
	v17 =	vadd.f32 v17, v20;
	_ =	sdelay $0x1  }
0x559: {  	v27 =	vld.idx.msk [tilespmem:v41+s13+$0x0], $0xffff;
	[tilespmem:s30+$0xC0] =	vst v17  }
0x55a: {  	v25 =	vor.u32 v0, v12;
	v0 =	vld [tilespmem:$0x1FFF0];
	_ =	sdelay $0x1  }
0x55b: {  	v22 =	vadd.f32 v22, v29;
	_ =	sdelay $0x1  }
0x55c: {  	[tilespmem:s30+$0x40] =	vst v22  }
0x55d: {  	v17 =	vadd.f32 v27, v31;
	v27 =	vor.u32 v0, v12;
	v0 =	vld [tilespmem:$0x1FC20];
	_ =	sdelay $0x1  }
0x55e: {  	v21 =	vld.idx.msk [tilespmem:v21+s13+$0x0], $0xffff;
	_ =	sdelay $0x2  }
0x55f: {  	v42 =	vor.u32 v0, v12;
	v0 =	vld [tilespmem:$0x1FC50];
	_ =	sdelay $0x1  }
0x560: {  	v33 =	vld.idx.msk [tilespmem:v44+s13+$0x0], $0xffff;
	v21 =	vadd.f32 v21, v26  }
0x561: {  	[tilespmem:s30+$0xFFFFFF50] =	vst v17  }
0x562: {  	v50 =	vor.u32 v15, v12;
	[tilespmem:s30+$0xFFFFFFD0] =	vst v21  }
0x563: {  	v44 =	vor.u32 v0, v12;
	v0 =	vld [tilespmem:$0x1FFC0]  }
0x564: {  	v34 =	vld.idx.msk [tilespmem:v49+s13+$0x0], $0xffff  }
0x565: {  	v23 =	vld.idx.msk [tilespmem:v23+s13+$0x0], $0xffff;
	v17 =	vadd.f32 v33, v18  }
0x566: {  	v55 =	vor.u32 v52, v12  }
0x567: {  	v41 =	vld.idx.msk [tilespmem:v50+s13+$0x0], $0xffff;
	[tilespmem:s30+$0xFFFFFE50] =	vst v17  }
0x568: {  	v50 =	vor.u32 v0, v12;
	v0 =	vld [tilespmem:$0x1FEF0]  }
0x569: {  	v21 =	vld.idx.msk [tilespmem:v24+s13+$0x0], $0xffff;
	v24 =	vadd.f32 v34, v28  }
0x56a: {  	v23 =	vadd.f32 v23, v30  }
0x56b: {  	v22 =	vld.idx.msk [tilespmem:v55+s13+$0x0], $0xffff;
	[tilespmem:s30+$0x1D0] =	vst v24  }
0x56c: {  	v32 =	vld.idx.msk [tilespmem:v40+s13+$0x0], $0xffff;
	[tilespmem:s30+$0x150] =	vst v23  }
0x56d: {  	v17 =	vor.u32 v0, v12;
	v0 =	vld [tilespmem:$0x1FE30];
	_ =	sdelay $0x1  }
0x56e: {  	v25 =	vld.idx.msk [tilespmem:v25+s13+$0x0], $0xffff  }
0x56f: {  	v24 =	vadd.f32 v41, v19  }
0x570: {  	v22 =	vadd.f32 v22, v20  }
0x571: {  	v32 =	vadd.f32 v32, v29;
	v23 =	vor.u32 v0, v12;
	v0 =	vld [tilespmem:$0x1FF90];
	[tilespmem:s30+$0xFFFFFED0] =	vst v24  }
0x572: {  	v49 =	vor.u32 v14, v12;
	v21 =	vadd.f32 v21, v31;
	[tilespmem:s30+$0xD0] =	vst v22  }
0x573: {  	v27 =	vld.idx.msk [tilespmem:v27+s13+$0x0], $0xffff;
	v25 =	vadd.f32 v25, v26;
	[tilespmem:s30+$0x50] =	vst v32  }
0x574: {  	v54 =	vld.idx.msk [tilespmem:v42+s13+$0x0], $0xffff;
	[tilespmem:s30+$0xFFFFFF60] =	vst v21  }
0x575: {  	v37 =	vld.idx.msk [tilespmem:v44+s13+$0x0], $0xffff;
	[tilespmem:s30+$0xFFFFFFE0] =	vst v25  }
0x576: {  	v22 =	vor.u32 v57, v12;
	v55 =	vor.u32 v0, v12;
	v0 =	vld [tilespmem:$0x1FFA0]  }
0x577: {  	v41 =	vor.u32 v6, v12;
	v24 =	vld.idx.msk [tilespmem:v49+s13+$0x0], $0xffff  }
0x578: {  	v21 =	vadd.f32 v27, v18;
	v27 =	vor.u32 v11, v12;
	v40 =	vld.idx.msk [tilespmem:v50+s13+$0x0], $0xffff  }
0x579: {  	v42 =	vadd.f32 v54, v28;
	v17 =	vld.idx.msk [tilespmem:v17+s13+$0x0], $0xffff  }
0x57a: {  	v37 =	vadd.f32 v37, v30;
	v25 =	vor.u32 v5, v12;
	v23 =	vld.idx.msk [tilespmem:v23+s13+$0x0], $0xffff;
	[tilespmem:s30+$0xFFFFFE60] =	vst v21  }
0x57b: {  	[tilespmem:s30+$0x1E0] =	vst v42;
	v21 =	vld.idx.msk [tilespmem:v22+s13+$0x0], $0xffff;
	v44 =	vor.u32 v0, v12  }
0x57c: {  	[tilespmem:s30+$0x160] =	vst v37;
	v22 =	vadd.f32 v24, v19;
	v32 =	vld.idx.msk [tilespmem:v41+s13+$0x0], $0xffff;
	v12 =	vor.u32 v48, v12  }
0x57d: {  	v24 =	vadd.f32 v40, v20;
	v27 =	vld.idx.msk [tilespmem:v27+s13+$0x0], $0xffff  }
0x57e: {  	v17 =	vadd.f32 v17, v29;
	[tilespmem:s30+$0xFFFFFEE0] =	vst v22;
	v36 =	vld.idx.msk [tilespmem:v55+s13+$0x0], $0xffff  }
0x57f: {  	[tilespmem:s30+$0xE0] =	vst v24;
	v22 =	vadd.f32 v23, v31;
	v23 =	vld.idx.msk [tilespmem:v25+s13+$0x0], $0xffff  }
0x580: {  	[tilespmem:s30+$0x60] =	vst v17;
	v17 =	vadd.f32 v21, v18;
	v24 =	vld.idx.msk [tilespmem:v44+s13+$0x0], $0xffff  }
0x581: {  	v18 =	vadd.f32 v32, v28;
	[tilespmem:s30+$0xFFFFFF70] =	vst v22;
	v12 =	vld.idx.msk [tilespmem:v12+s13+$0x0], $0xffff  }
0x582: {  	v21 =	vadd.f32 v27, v30;
	[tilespmem:s30+$0xFFFFFE70] =	vst v17  }
0x583: {  	[tilespmem:s30+$0x1F0] =	vst v18;
	v25 =	vadd.f32 v36, v26  }
0x584: {  	[tilespmem:s30+$0x170] =	vst v21;
	v17 =	vadd.f32 v23, v19  }
0x585: {  	[tilespmem:s30+$0xFFFFFFF0] =	vst v25;
	v18 =	vadd.f32 v24, v20  }
0x586: {  	s1 =	smulhi.u32 $0x51EB851F, s31;
	s28 =	smin.u32 s31, $0xC5;
	[tilespmem:s30+$0xFFFFFEF0] =	vst v17;
	v12 =	vadd.f32 v12, v29  }
0x587: {  	s0 =	smulhi.u32 $0x51EB851F, s25;
	s28 =	sadd.s32 $0x2, s28;
	[tilespmem:s30+$0xF0] =	vst v18  }
0x588: {  	s2 =	sshrl.u32 s1, $0x4;
	s29 =	smulhi.u32 $0x51EB852, s28;
	[tilespmem:s30+$0x70] =	vst v12  }
0x589: {  	s2 =	smul.u32 $0x32, s2;
	v18 =	vld [tilespmem:$0x1FD50]  }
0x58a: {  	s1 =	smul.u32 $0x32, s29  }
0x58b: {  	s0 =	sshll.u32 s0, $0x4;
	s29 =	smul.u32 $0x1900, s29  }
0x58c: {  	s0 =	sand.u32 $0xFFFFFF80, s0;
	s2 =	ssub.s32 s31, s2;
	s1 =	ssub.s32 s28, s1  }
0x58d: {  	s2 =	sshll.u32 s2, $0x11;
	s28 =	sadd.s32 s6, s0;
	s0 =	sor.u32 s1, s29  }
0x58e: {  	s2 =	sadd.s32 s2, s28;
	v12 =	vadd.s32 s0, v18  }
0x58f: {  	[hbm4b:s2+s17] =	stream.strided.scatter [tilespmem:s19], [sflag:$0x3], $0x2000, s18, s17, $0x38;
	[tilespmem:$0xE540] =	vst v63  }
0x590: {  	_ =	swait.ge [sflag:s20], $0x2000  }
0x591: {  	[sflag:s20] =	ssyncset.done $0x0  }
0x592: {  	[sflag:s20] =	ssyncadd.s32 $0xFFFFE000  }
0x593: {  	s2 =	sadd.s32 $0x320, s0;
	v12 =	vld.idx.msk [tilespmem:v12+s3+$0x0], $0xffff  }
0x594: {  	v17 =	vadd.s32 s2, v18;
	_ =	sdelay $0x3  }
0x595: {  	[tilespmem:$0x6400] =	vst v12  }
0x596: {  	s2 =	sadd.s32 $0x640, s0;
	v12 =	vld.idx.msk [tilespmem:v17+s3+$0x0], $0xffff  }
0x597: {  	v17 =	vadd.s32 s2, v18;
	_ =	sdelay $0x3  }
0x598: {  	[tilespmem:$0x6410] =	vst v12  }
0x599: {  	s2 =	sadd.s32 $0x960, s0;
	v12 =	vld.idx.msk [tilespmem:v17+s3+$0x0], $0xffff  }
0x59a: {  	v17 =	vadd.s32 s2, v18;
	_ =	sdelay $0x3  }
0x59b: {  	[tilespmem:$0x6420] =	vst v12  }
0x59c: {  	s2 =	sadd.s32 $0xC80, s0;
	v12 =	vld.idx.msk [tilespmem:v17+s3+$0x0], $0xffff  }
0x59d: {  	v17 =	vadd.s32 s2, v18;
	_ =	sdelay $0x3  }
0x59e: {  	[tilespmem:$0x6430] =	vst v12  }
0x59f: {  	s2 =	sadd.s32 $0xFA0, s0;
	v12 =	vld.idx.msk [tilespmem:v17+s3+$0x0], $0xffff  }
0x5a0: {  	v17 =	vadd.s32 s2, v18;
	_ =	sdelay $0x3  }
0x5a1: {  	[tilespmem:$0x6440] =	vst v12  }
0x5a2: {  	s2 =	sadd.s32 $0x12C0, s0;
	v12 =	vld.idx.msk [tilespmem:v17+s3+$0x0], $0xffff  }
0x5a3: {  	v17 =	vadd.s32 s2, v18;
	_ =	sdelay $0x3  }
0x5a4: {  	[tilespmem:$0x6450] =	vst v12  }
0x5a5: {  	s0 =	sadd.s32 $0x15E0, s0;
	v12 =	vld.idx.msk [tilespmem:v17+s3+$0x0], $0xffff  }
0x5a6: {  	v17 =	vadd.s32 s0, v18;
	_ =	sdelay $0x3  }
0x5a7: {  	[tilespmem:$0x6460] =	vst v12  }
0x5a8: {  	s2 =	simm.s32 $0x0;
	v12 =	vld.idx.msk [tilespmem:v17+s3+$0x0], $0xffff  }
0x5a9: {  	v17 =	vmov s2  }
0x5aa: {  	v48 =	vld [tilespmem:$0x1FBB0];
	v17 =	vshrl.u32 v17, $0x3  }
0x5ab: {  	v17 =	vshll.u32 v17, $0x3  }
0x5ac: {  	v21 =	vbroadcast v17, $0x0  }
0x5ad: {  	[tilespmem:$0x6470] =	vst v12  }
0x5ae: {  	v12 =	vor.u32 $0x7, v21;
	[tilespmem:s13], [sflag:$0x1] =	stream.indirect.gather [hbm4b:s4+s11], $0x40, s12, s11, $0xb8;
	[tilespmem:$0xE540] =	vst v63  }
0x5af: {  	v17 =	vor.u32 v48, v21;
	_ =	swait.ge [sflag:s23], $0x2000  }
0x5b0: {  	v20 =	vor.u32 $0x1, v21;
	v50 =	vld [tilespmem:$0x1FE50]  }
0x5b1: {  	[sflag:s23] =	ssyncset.done $0x0;
	v57 =	vld [tilespmem:$0x1FC10]  }
0x5b2: {  	v0 =	vld [tilespmem:$0x1FE60];
	[sflag:s23] =	ssyncadd.s32 $0xFFFFE000  }
0x5b3: {  	v22 =	vld.idx.msk [tilespmem:v12+s9+$0x0], $0xffff  }
0x5b4: {  	v19 =	vor.u32 $0x4, v21;
	v17 =	vld.idx.msk [tilespmem:v17+s16+$0x0], $0xffff  }
0x5b5: {  	v23 =	vld.idx.msk [tilespmem:v20+s9+$0x0], $0xffff;
	v20 =	vor.u32 $0x3, v21  }
0x5b6: {  	v12 =	vor.u32 v50, v21  }
0x5b7: {  	v38 =	vld [tilespmem:$0x1FB70];
	v25 =	vor.u32 v57, v21  }
0x5b8: {  	v24 =	vld.idx.msk [tilespmem:v21+s9+$0x0], $0xffff  }
0x5b9: {  	v28 =	vadd.f32 v17, v22;
	v17 =	vld.idx.msk [tilespmem:v19+s9+$0x0], $0xffff  }
0x5ba: {  	s29 =	simm.s32 $0xC700;
	v27 =	vor.u32 v0, v21;
	v7 =	vld.idx.msk [tilespmem:v20+s9+$0x0], $0xffff  }
0x5bb: {  	v19 =	vor.u32 $0x2, v21;
	[tilespmem:s29+$0x180] =	vst v28;
	v12 =	vld.idx.msk [tilespmem:v12+s16+$0x0], $0xffff  }
0x5bc: {  	v25 =	vld.idx.msk [tilespmem:v25+s16+$0x0], $0xffff  }
0x5bd: {  	v26 =	vor.u32 v13, v21;
	v44 =	vld [tilespmem:$0x1FE80]  }
0x5be: {  	v29 =	vor.u32 $0x5, v21;
	v6 =	vld [tilespmem:$0x1FEB0]  }
0x5bf: {  	v49 =	vor.u32 v58, v21;
	v31 =	vld.idx.msk [tilespmem:v27+s16+$0x0], $0xffff  }
0x5c0: {  	v27 =	vld.idx.msk [tilespmem:v19+s9+$0x0], $0xffff;
	v19 =	vor.u32 v60, v21  }
0x5c1: {  	v20 =	vor.u32 $0x6, v21;
	v5 =	vld [tilespmem:$0x1FC60]  }
0x5c2: {  	v26 =	vld.idx.msk [tilespmem:v26+s16+$0x0], $0xffff;
	v28 =	vor.u32 v44, v21  }
0x5c3: {  	v34 =	vld.idx.msk [tilespmem:v29+s9+$0x0], $0xffff;
	v12 =	vadd.f32 v12, v17  }
0x5c4: {  	v32 =	vld.idx.msk [tilespmem:v49+s16+$0x0], $0xffff;
	v30 =	vor.u32 v6, v21  }
0x5c5: {  	[tilespmem:s29+$0x0] =	vst v12;
	v12 =	vadd.f32 v25, v22;
	v19 =	vld.idx.msk [tilespmem:v19+s16+$0x0], $0xffff  }
0x5c6: {  	v29 =	vor.u32 v5, v21;
	v25 =	vld.idx.msk [tilespmem:v20+s9+$0x0], $0xffff  }
0x5c7: {  	[tilespmem:s29+$0x190] =	vst v12;
	v28 =	vld.idx.msk [tilespmem:v28+s16+$0x0], $0xffff  }
0x5c8: {  	v5 =	vld [tilespmem:$0x1FE90]  }
0x5c9: {  	v18 =	vor.u32 v38, v21;
	v30 =	vld.idx.msk [tilespmem:v30+s16+$0x0], $0xffff  }
0x5ca: {  	v54 =	vor.u32 v10, v21;
	v39 =	vld [tilespmem:$0x1FE70]  }
0x5cb: {  	v26 =	vadd.f32 v26, v27;
	v29 =	vld.idx.msk [tilespmem:v29+s16+$0x0], $0xffff  }
0x5cc: {  	v31 =	vadd.f32 v31, v7;
	v42 =	vld [tilespmem:$0x1FEC0]  }
0x5cd: {  	v55 =	vor.u32 v5, v21;
	v20 =	vadd.f32 v28, v17;
	v5 =	vld [tilespmem:$0x1FB60];
	[tilespmem:s29+$0xFFFFFF00] =	vst v26  }
0x5ce: {  	v18 =	vld.idx.msk [tilespmem:v18+s16+$0x0], $0xffff;
	v30 =	vadd.f32 v30, v34;
	[tilespmem:s29+$0xFFFFFF80] =	vst v31  }
0x5cf: {  	v12 =	vor.u32 v39, v21;
	v33 =	vld.idx.msk [tilespmem:v54+s16+$0x0], $0xffff;
	[tilespmem:s29+$0x10] =	vst v20  }
0x5d0: {  	v20 =	vadd.f32 v29, v22;
	v49 =	vld [tilespmem:$0x1FBF0];
	[tilespmem:s29+$0x80] =	vst v30  }
0x5d1: {  	v30 =	vadd.f32 v32, v23;
	v54 =	vld [tilespmem:$0x1FDE0]  }
0x5d2: {  	v19 =	vadd.f32 v19, v24;
	v41 =	vor.u32 v42, v21;
	[tilespmem:s29+$0x1A0] =	vst v20;
	v40 =	vld.idx.msk [tilespmem:v55+s16+$0x0], $0xffff  }
0x5d3: {  	v28 =	vor.u32 v5, v21;
	v55 =	vld [tilespmem:$0x1FE40];
	[tilespmem:s29+$0xFFFFFE80] =	vst v30  }
0x5d4: {  	v12 =	vld.idx.msk [tilespmem:v12+s16+$0x0], $0xffff;
	[tilespmem:s29+$0xFFFFFE00] =	vst v19  }
0x5d5: {  	v29 =	vor.u32 v61, v21;
	v14 =	vld [tilespmem:$0x1FED0];
	_ =	sdelay $0x1  }
0x5d6: {  	v26 =	vor.u32 v59, v21;
	v36 =	vld.idx.msk [tilespmem:v41+s16+$0x0], $0xffff  }
0x5d7: {  	v18 =	vadd.f32 v18, v25;
	v28 =	vld.idx.msk [tilespmem:v28+s16+$0x0], $0xffff  }
0x5d8: {  	s30 =	simm.s32 $0x8;
	v30 =	vadd.f32 v33, v27;
	v31 =	vor.u32 v49, v21  }
0x5d9: {  	[tilespmem:s29+$0x100] =	vst v18;
	v18 =	vld.idx.msk [tilespmem:v29+s16+$0x0], $0xffff;
	v29 =	vmov s30;
	v12 =	vadd.f32 v12, v7;
	v41 =	vor.u32 v14, v21  }
0x5da: {  	v19 =	vor.u32 v16, v21;
	[tilespmem:s29+$0xFFFFFF10] =	vst v30;
	v29 =	vshrl.u32 v29, $0x3;
	v32 =	vadd.f32 v40, v17  }
0x5db: {  	v26 =	vld.idx.msk [tilespmem:v26+s16+$0x0], $0xffff;
	v35 =	vor.u32 v54, v21;
	v36 =	vadd.f32 v36, v34;
	[tilespmem:s29+$0xFFFFFF90] =	vst v12;
	v12 =	vshll.u32 v29, $0x3  }
0x5dc: {  	v20 =	vor.u32 v55, v21;
	[tilespmem:s29+$0x20] =	vst v32;
	v12 =	vbroadcast v12, $0x0;
	v28 =	vadd.f32 v28, v22  }
0x5dd: {  	v30 =	vor.u32 v56, v21;
	[tilespmem:s29+$0x90] =	vst v36;
	v31 =	vld.idx.msk [tilespmem:v31+s16+$0x0], $0xffff  }
0x5de: {  	[tilespmem:s29+$0x1B0] =	vst v28;
	v28 =	vld.idx.msk [tilespmem:v41+s16+$0x0], $0xffff;
	v41 =	vor.u32 v38, v12  }
0x5df: {  	v40 =	vor.u32 v9, v21;
	v32 =	vld.idx.msk [tilespmem:v19+s16+$0x0], $0xffff  }
0x5e0: {  	v26 =	vadd.f32 v26, v23;
	v35 =	vld.idx.msk [tilespmem:v35+s16+$0x0], $0xffff  }
0x5e1: {  	v18 =	vadd.f32 v18, v24;
	v20 =	vld.idx.msk [tilespmem:v20+s16+$0x0], $0xffff  }
0x5e2: {  	v29 =	vor.u32 v62, v21;
	[tilespmem:s29+$0xFFFFFE90] =	vst v26;
	v31 =	vadd.f32 v31, v25;
	v26 =	vld.idx.msk [tilespmem:v30+s16+$0x0], $0xffff  }
0x5e3: {  	v19 =	vor.u32 v53, v21;
	[tilespmem:s29+$0xFFFFFE10] =	vst v18;
	v5 =	vld.idx.msk [tilespmem:v41+s16+$0x0], $0xffff  }
0x5e4: {  	v30 =	vld.idx.msk [tilespmem:v40+s16+$0x0], $0xffff;
	[tilespmem:s29+$0x110] =	vst v31  }
0x5e5: {  	v53 =	vor.u32 v47, v21;
	v47 =	vor.u32 v60, v12;
	v15 =	vld [tilespmem:$0x1FDF0]  }
0x5e6: {  	v31 =	vor.u32 v45, v21;
	v11 =	vld [tilespmem:$0x1FD80]  }
0x5e7: {  	v29 =	vld.idx.msk [tilespmem:v29+s16+$0x0], $0xffff;
	v28 =	vadd.f32 v28, v34  }
0x5e8: {  	v20 =	vadd.f32 v20, v7;
	v38 =	vld.idx.msk [tilespmem:v19+s16+$0x0], $0xffff;
	[tilespmem:$0x1FAC0] =	vst v5  }
0x5e9: {  	v36 =	vor.u32 $0x1, v12;
	[tilespmem:s29+$0xA0] =	vst v28  }
0x5ea: {  	v37 =	vor.u32 v15, v21;
	[tilespmem:s29+$0xFFFFFFA0] =	vst v20;
	v20 =	vor.u32 v0, v12;
	v0 =	vld.idx.msk [tilespmem:v47+s16+$0x0], $0xffff  }
0x5eb: {  	v45 =	vor.u32 v11, v21;
	v28 =	vadd.f32 v30, v23;
	v31 =	vld.idx.msk [tilespmem:v31+s16+$0x0], $0xffff  }
0x5ec: {  	v35 =	vadd.f32 v35, v27;
	v18 =	vld.idx.msk [tilespmem:v12+s9+$0x0], $0xffff;
	v30 =	vor.u32 v13, v12  }
0x5ed: {  	[tilespmem:s29+$0xFFFFFEA0] =	vst v28;
	v28 =	vld.idx.msk [tilespmem:v53+s16+$0x0], $0xffff  }
0x5ee: {  	v19 =	vld.idx.msk [tilespmem:v36+s9+$0x0], $0xffff;
	[tilespmem:s29+$0xFFFFFF20] =	vst v35  }
0x5ef: {  	v32 =	vadd.f32 v32, v17;
	v35 =	vld.idx.msk [tilespmem:v37+s16+$0x0], $0xffff;
	v37 =	vor.u32 $0x5, v12  }
0x5f0: {  	v40 =	vld.idx.msk [tilespmem:v45+s16+$0x0], $0xffff;
	[tilespmem:$0x1FAD0] =	vst v0;
	v31 =	vadd.f32 v31, v34  }
0x5f1: {  	v41 =	vor.u32 v43, v21;
	v0 =	vld.idx.msk [tilespmem:v30+s16+$0x0], $0xffff;
	[tilespmem:s29+$0x30] =	vst v32  }
0x5f2: {  	v53 =	vor.u32 v46, v21;
	v33 =	vld.idx.msk [tilespmem:v20+s16+$0x0], $0xffff;
	v28 =	vadd.f32 v28, v7;
	[tilespmem:s29+$0xB0] =	vst v31  }
0x5f3: {  	v30 =	vor.u32 v51, v21;
	v5 =	vld [tilespmem:$0x1FD90]  }
0x5f4: {  	v51 =	vor.u32 $0x7, v12;
	v20 =	vld.idx.msk [tilespmem:v37+s9+$0x0], $0xffff;
	[tilespmem:s29+$0xFFFFFFB0] =	vst v28  }
0x5f5: {  	v46 =	vor.u32 v6, v12;
	v6 =	vld [tilespmem:$0x1FB80]  }
0x5f6: {  	v31 =	vor.u32 v48, v12;
	v37 =	vld.idx.msk [tilespmem:v41+s16+$0x0], $0xffff  }
0x5f7: {  	v50 =	vor.u32 v50, v12;
	v43 =	vld.idx.msk [tilespmem:v53+s16+$0x0], $0xffff  }
0x5f8: {  	v40 =	vadd.f32 v40, v23;
	v30 =	vld.idx.msk [tilespmem:v30+s16+$0x0], $0xffff;
	v41 =	vor.u32 v5, v21  }
0x5f9: {  	v38 =	vadd.f32 v38, v25;
	v53 =	vor.u32 $0x3, v12;
	v28 =	vld.idx.msk [tilespmem:v51+s9+$0x0], $0xffff  }
0x5fa: {  	v35 =	vadd.f32 v35, v27;
	v47 =	vor.u32 v6, v21;
	v6 =	vld [tilespmem:$0x1FE00];
	[tilespmem:s29+$0xFFFFFEB0] =	vst v40  }
0x5fb: {  	v29 =	vadd.f32 v29, v24;
	v31 =	vld.idx.msk [tilespmem:v31+s16+$0x0], $0xffff;
	[tilespmem:s29+$0x120] =	vst v38  }
0x5fc: {  	v26 =	vadd.f32 v26, v22;
	v45 =	vld.idx.msk [tilespmem:v50+s16+$0x0], $0xffff;
	[tilespmem:s29+$0xFFFFFF30] =	vst v35  }
0x5fd: {  	[tilespmem:s29+$0xFFFFFE20] =	vst v29;
	v29 =	vadd.f32 v37, v17;
	v41 =	vld.idx.msk [tilespmem:v41+s16+$0x0], $0xffff  }
0x5fe: {  	v40 =	vor.u32 $0x4, v12;
	[tilespmem:s29+$0x1C0] =	vst v26;
	v26 =	vld.idx.msk [tilespmem:v53+s9+$0x0], $0xffff;
	v30 =	vadd.f32 v30, v34  }
0x5ff: {  	v53 =	vld [tilespmem:$0x1FF60];
	[tilespmem:s29+$0x40] =	vst v29;
	v32 =	vor.u32 v6, v21  }
0x600: {  	v38 =	vld.idx.msk [tilespmem:v46+s16+$0x0], $0xffff;
	v31 =	vadd.f32 v31, v28;
	[tilespmem:s29+$0xC0] =	vst v30  }
0x601: {  	s2 =	simm.s32 $0xCB00;
	v46 =	vor.u32 v63, v21;
	v37 =	vor.u32 v57, v12;
	v57 =	vadd.f32 v43, v7;
	v30 =	vld [tilespmem:$0x1FBC0]  }
0x602: {  	v35 =	vor.u32 v52, v21;
	v47 =	vld.idx.msk [tilespmem:v47+s16+$0x0], $0xffff;
	[tilespmem:s2+$0x180] =	vst v31;
	v31 =	vadd.f32 v41, v23  }
0x603: {  	[tilespmem:s29+$0xFFFFFFC0] =	vst v57;
	v29 =	vld.idx.msk [tilespmem:v40+s9+$0x0], $0xffff  }
0x604: {  	v48 =	vor.u32 v53, v21;
	v32 =	vld.idx.msk [tilespmem:v32+s16+$0x0], $0xffff;
	[tilespmem:s29+$0xFFFFFEC0] =	vst v31  }
0x605: {  	v51 =	vor.u32 $0x2, v12;
	v31 =	vld [tilespmem:$0x1FE10]  }
0x606: {  	v43 =	vld.idx.msk [tilespmem:v46+s16+$0x0], $0xffff  }
0x607: {  	v35 =	vld.idx.msk [tilespmem:v35+s16+$0x0], $0xffff;
	v30 =	vor.u32 v30, v21  }
0x608: {  	v37 =	vld.idx.msk [tilespmem:v37+s16+$0x0], $0xffff;
	v57 =	vadd.f32 v47, v25  }
0x609: {  	v48 =	vld.idx.msk [tilespmem:v48+s16+$0x0], $0xffff;
	v32 =	vadd.f32 v32, v27  }
0x60a: {  	v41 =	vadd.f32 v45, v29;
	[tilespmem:s29+$0x130] =	vst v57;
	v47 =	vor.u32 v31, v21;
	v31 =	vld.idx.msk [tilespmem:v51+s9+$0x0], $0xffff  }
0x60b: {  	v38 =	vadd.f32 v38, v20;
	v51 =	vld [tilespmem:$0x1FFC0];
	[tilespmem:s29+$0xFFFFFF40] =	vst v32  }
0x60c: {  	v35 =	vadd.f32 v35, v34;
	v57 =	vld.idx.msk [tilespmem:v30+s16+$0x0], $0xffff;
	[tilespmem:s2+$0x0] =	vst v41  }
0x60d: {  	v46 =	vor.u32 $0x6, v12;
	v37 =	vadd.f32 v37, v28;
	v30 =	vld [tilespmem:$0x1FC60];
	[tilespmem:s2+$0x80] =	vst v38  }
0x60e: {  	v48 =	vadd.f32 v48, v7;
	v38 =	vld [tilespmem:$0x1FFB0];
	[tilespmem:s29+$0xD0] =	vst v35  }
0x60f: {  	v53 =	vor.u32 v44, v12;
	v35 =	vld [tilespmem:$0x1FBE0];
	[tilespmem:s2+$0x190] =	vst v37  }
0x610: {  	v43 =	vadd.f32 v43, v24;
	v37 =	vld [tilespmem:$0x1FFE0];
	[tilespmem:s29+$0xFFFFFFD0] =	vst v48  }
0x611: {  	v48 =	vld [tilespmem:$0x1FEE0]  }
0x612: {  	[tilespmem:s29+$0xFFFFFE30] =	vst v43;
	v41 =	vor.u32 v30, v12;
	v30 =	vld.idx.msk [tilespmem:v46+s9+$0x0], $0xffff  }
0x613: {  	v43 =	vor.u32 v49, v12;
	v49 =	vld [tilespmem:$0x1FAC0]  }
0x614: {  	v57 =	vadd.f32 v57, v25;
	v45 =	vor.u32 v51, v21;
	v46 =	vld.idx.msk [tilespmem:v53+s16+$0x0], $0xffff;
	_ =	sdelay $0x1  }
0x615: {  	[tilespmem:s29+$0x140] =	vst v57  }
0x616: {  	v51 =	vld [tilespmem:$0x1FE90]  }
0x617: {  	v52 =	vor.u32 v39, v12;
	v39 =	vadd.f32 v49, v30  }
0x618: {  	v45 =	vld.idx.msk [tilespmem:v45+s16+$0x0], $0xffff;
	v46 =	vadd.f32 v46, v29  }
0x619: {  	[tilespmem:s2+$0x100] =	vst v39  }
0x61a: {  	[tilespmem:s2+$0x10] =	vst v46  }
0x61b: {  	v57 =	vor.u32 v51, v12;
	v51 =	vadd.f32 v0, v31;
	v0 =	vld [tilespmem:$0x1FFA0];
	_ =	sdelay $0x1  }
0x61c: {  	v45 =	vadd.f32 v45, v34  }
0x61d: {  	[tilespmem:s2+$0xFFFFFF00] =	vst v51  }
0x61e: {  	[tilespmem:s29+$0xE0] =	vst v45  }
0x61f: {  	v39 =	vor.u32 v54, v12;
	v54 =	vor.u32 v0, v21;
	v0 =	vld [tilespmem:$0x1FFD0];
	_ =	sdelay $0x1  }
0x620: {  	v38 =	vor.u32 v38, v21;
	v41 =	vld.idx.msk [tilespmem:v41+s16+$0x0], $0xffff;
	v51 =	vor.u32 v55, v12;
	v55 =	vadd.f32 v33, v26;
	_ =	sdelay $0x1  }
0x621: {  	v44 =	vld.idx.msk [tilespmem:v43+s16+$0x0], $0xffff;
	[tilespmem:s2+$0xFFFFFF80] =	vst v55  }
0x622: {  	v43 =	vor.u32 v0, v21;
	v0 =	vld [tilespmem:$0x1FB60]  }
0x623: {  	v35 =	vor.u32 v35, v21  }
0x624: {  	v36 =	vor.u32 v58, v12;
	v38 =	vld.idx.msk [tilespmem:v38+s16+$0x0], $0xffff;
	v41 =	vadd.f32 v41, v28;
	_ =	sdelay $0x1  }
0x625: {  	[tilespmem:s2+$0x1A0] =	vst v41  }
0x626: {  	v40 =	vor.u32 v42, v12;
	v42 =	vor.u32 v0, v12;
	v0 =	vld [tilespmem:$0x1FBD0]  }
0x627: {  	v35 =	vld.idx.msk [tilespmem:v35+s16+$0x0], $0xffff  }
0x628: {  	v36 =	vld.idx.msk [tilespmem:v36+s16+$0x0], $0xffff;
	v38 =	vadd.f32 v38, v24;
	_ =	sdelay $0x1  }
0x629: {  	v37 =	vor.u32 v37, v21;
	[tilespmem:s29+$0xFFFFFE40] =	vst v38  }
0x62a: {  	v41 =	vor.u32 v0, v21;
	v0 =	vld [tilespmem:$0x1FF90]  }
0x62b: {  	v35 =	vadd.f32 v35, v25  }
0x62c: {  	v45 =	vld.idx.msk [tilespmem:v57+s16+$0x0], $0xffff;
	v57 =	vadd.f32 v36, v19  }
0x62d: {  	v53 =	vld.idx.msk [tilespmem:v40+s16+$0x0], $0xffff;
	[tilespmem:s29+$0x150] =	vst v35  }
0x62e: {  	v40 =	vor.u32 v48, v21;
	v37 =	vld.idx.msk [tilespmem:v37+s16+$0x0], $0xffff;
	[tilespmem:s2+$0xFFFFFE80] =	vst v57  }
0x62f: {  	v38 =	vor.u32 v0, v21;
	v0 =	vld [tilespmem:$0x1FE20];
	_ =	sdelay $0x2  }
0x630: {  	v47 =	vld.idx.msk [tilespmem:v47+s16+$0x0], $0xffff  }
0x631: {  	v40 =	vld.idx.msk [tilespmem:v40+s16+$0x0], $0xffff  }
0x632: {  	v50 =	vor.u32 v10, v12;
	v49 =	vadd.f32 v37, v7;
	v37 =	vor.u32 v0, v21;
	v0 =	vld [tilespmem:$0x1FAD0];
	_ =	sdelay $0x2  }
0x633: {  	v47 =	vadd.f32 v47, v27  }
0x634: {  	v55 =	vadd.f32 v40, v17;
	[tilespmem:s29+$0xFFFFFFE0] =	vst v49  }
0x635: {  	v48 =	vld.idx.msk [tilespmem:v50+s16+$0x0], $0xffff;
	[tilespmem:s29+$0xFFFFFF50] =	vst v47;
	v50 =	vadd.f32 v0, v18  }
0x636: {  	v36 =	vor.u32 v14, v12;
	v14 =	vld [tilespmem:$0x1FDA0];
	[tilespmem:s29+$0x50] =	vst v55  }
0x637: {  	[tilespmem:s2+$0xFFFFFE00] =	vst v50  }
0x638: {  	v0 =	vld [tilespmem:$0x1FC50];
	_ =	sdelay $0x1  }
0x639: {  	v57 =	vadd.f32 v48, v31  }
0x63a: {  	v46 =	vld.idx.msk [tilespmem:v54+s16+$0x0], $0xffff  }
0x63b: {  	v54 =	vld.idx.msk [tilespmem:v42+s16+$0x0], $0xffff;
	[tilespmem:s2+$0xFFFFFF10] =	vst v57  }
0x63c: {  	v42 =	vor.u32 v61, v12;
	v61 =	vor.u32 v0, v21;
	v0 =	vld [tilespmem:$0x1FFF0]  }
0x63d: {  	v43 =	vld.idx.msk [tilespmem:v43+s16+$0x0], $0xffff  }
0x63e: {  	v6 =	vor.u32 v59, v12  }
0x63f: {  	v40 =	vld.idx.msk [tilespmem:v41+s16+$0x0], $0xffff  }
0x640: {  	v38 =	vld.idx.msk [tilespmem:v38+s16+$0x0], $0xffff  }
0x641: {  	v45 =	vadd.f32 v45, v29;
	v41 =	vor.u32 v0, v21;
	v0 =	vld [tilespmem:$0x1FC20]  }
0x642: {  	v52 =	vld.idx.msk [tilespmem:v52+s16+$0x0], $0xffff;
	v50 =	vadd.f32 v43, v24  }
0x643: {  	v48 =	vld.idx.msk [tilespmem:v6+s16+$0x0], $0xffff;
	[tilespmem:s2+$0x20] =	vst v45  }
0x644: {  	v6 =	vmov v56;
	v56 =	vld.idx.msk [tilespmem:v42+s16+$0x0], $0xffff;
	[tilespmem:s29+$0xFFFFFE50] =	vst v50  }
0x645: {  	v42 =	vadd.f32 v40, v22;
	v40 =	vadd.f32 v38, v7;
	v7 =	vld [tilespmem:$0x1FEA0]  }
0x646: {  	v57 =	vor.u32 v0, v21;
	v0 =	vld [tilespmem:$0x1FEF0]  }
0x647: {  	v55 =	vld.idx.msk [tilespmem:v37+s16+$0x0], $0xffff  }
0x648: {  	v52 =	vadd.f32 v52, v26;
	v47 =	vor.u32 v14, v21;
	v50 =	vld [tilespmem:$0x1FDB0]  }
0x649: {  	v37 =	vld [tilespmem:$0x1FDC0];
	[tilespmem:s29+$0x1D0] =	vst v42  }
0x64a: {  	[tilespmem:s2+$0xFFFFFF90] =	vst v52  }
0x64b: {  	v5 =	vmovc v58;
	v58 =	vor.u32 v0, v21;
	v0 =	vmov v59;
	v59 =	vor.u32 v7, v12;
	v7 =	vld [tilespmem:$0x1FE30];
	_ =	sdelay $0x1  }
0x64c: {  	v47 =	vld.idx.msk [tilespmem:v47+s16+$0x0], $0xffff  }
0x64d: {  	v32 =	vor.u32 v9, v12;
	v39 =	vld.idx.msk [tilespmem:v39+s16+$0x0], $0xffff  }
0x64e: {  	v33 =	vor.u32 v11, v12;
	v35 =	vadd.f32 v46, v34;
	v34 =	vor.u32 v15, v12;
	v43 =	vld.idx.msk [tilespmem:v61+s16+$0x0], $0xffff  }
0x64f: {  	v48 =	vadd.f32 v48, v19;
	v61 =	vadd.f32 v44, v30;
	v46 =	vld.idx.msk [tilespmem:v41+s16+$0x0], $0xffff;
	v42 =	vor.u32 v7, v21  }
0x650: {  	v49 =	vadd.f32 v53, v20;
	v38 =	vor.u32 v6, v12;
	v55 =	vadd.f32 v55, v27;
	v44 =	vld.idx.msk [tilespmem:v51+s16+$0x0], $0xffff  }
0x651: {  	v53 =	vadd.f32 v47, v23;
	v47 =	vor.u32 v8, v21;
	[tilespmem:s2+$0x110] =	vst v61;
	v45 =	vld.idx.msk [tilespmem:v57+s16+$0x0], $0xffff  }
0x652: {  	v52 =	vadd.f32 v56, v18;
	v37 =	vor.u32 v37, v21;
	[tilespmem:s2+$0xFFFFFE90] =	vst v48;
	v48 =	vld.idx.msk [tilespmem:v58+s16+$0x0], $0xffff  }
0x653: {  	s31 =	simm.s32 $0xCB00;
	v50 =	vor.u32 v50, v21;
	v51 =	vadd.f32 v54, v28;
	[tilespmem:s29+$0xFFFFFF60] =	vst v55;
	v41 =	vld.idx.msk [tilespmem:v59+s16+$0x0], $0xffff  }
.LBB2_9:
0x654: {  	v42 =	vld.idx.msk [tilespmem:v42+s16+$0x0], $0xffff  }
0x655: {  	v61 =	vld [tilespmem:$0x1FF80]  }
0x656: {  	v56 =	vld [tilespmem:$0x1FB00]  }
0x657: {  	v57 =	vld [tilespmem:$0x1FAF0];
	[tilespmem:s29+$0xFFFFFED0] =	vst v53  }
0x658: {  	[tilespmem:s2+$0x1B0] =	vst v51;
	v50 =	vld.idx.msk [tilespmem:v50+s16+$0x0], $0xffff  }
0x659: {  	v38 =	vld.idx.msk [tilespmem:v38+s16+$0x0], $0xffff  }
0x65a: {  	v55 =	vor.u32 v62, v12;
	[tilespmem:s2+$0x90] =	vst v49;
	v32 =	vld.idx.msk [tilespmem:v32+s16+$0x0], $0xffff;
	v46 =	vadd.f32 v46, v24  }
0x65b: {  	[tilespmem:s2+$0xFFFFFE10] =	vst v52;
	v36 =	vld.idx.msk [tilespmem:v36+s16+$0x0], $0xffff;
	v44 =	vadd.f32 v44, v26  }
0x65c: {  	v39 =	vadd.f32 v39, v31;
	v53 =	vor.u32 v61, v21;
	v61 =	vld [tilespmem:$0x1FF10];
	[tilespmem:s29+$0xFFFFFE60] =	vst v46  }
0x65d: {  	v52 =	vor.u32 v56, v21;
	v42 =	vadd.f32 v42, v27;
	v46 =	vor.u32 v57, v21;
	v21 =	vld [tilespmem:$0x1FB50];
	[tilespmem:s2+$0xFFFFFFA0] =	vst v44  }
0x65e: {  	v48 =	vadd.f32 v48, v17;
	[tilespmem:s2+$0xFFFFFF20] =	vst v39;
	v47 =	vld.idx.msk [tilespmem:v47+s16+$0x0], $0xffff  }
0x65f: {  	s30 =	sadd.s32 $0x8, s30;
	v55 =	vld.idx.msk [tilespmem:v55+s16+$0x0], $0xffff;
	v59 =	vadd.f32 v50, v23;
	[tilespmem:s29+$0xFFFFFF70] =	vst v42  }
0x660: {  	v54 =	vmov s30;
	[tilespmem:s29+$0x60] =	vst v48;
	v34 =	vld.idx.msk [tilespmem:v34+s16+$0x0], $0xffff  }
0x661: {  	v62 =	vshrl.u32 v54, $0x3;
	[tilespmem:s29+$0xFFFFFEE0] =	vst v59;
	v44 =	vld.idx.msk [tilespmem:v53+s16+$0x0], $0xffff  }
0x662: {  	v51 =	vshll.u32 v62, $0x3;
	v43 =	vadd.f32 v43, v25;
	v37 =	vld.idx.msk [tilespmem:v37+s16+$0x0], $0xffff  }
0x663: {  	v45 =	vadd.f32 v45, v22;
	v51 =	vbroadcast v51, $0x0;
	v58 =	vor.u32 v21, v12;
	v21 =	vmovc v12;
	v12 =	vld [tilespmem:$0x1FB70]  }
0x664: {  	[tilespmem:s29+$0x160] =	vst v43;
	v47 =	vadd.f32 v47, v24;
	v24 =	vmov v18;
	v18 =	vld [tilespmem:$0x1FE60]  }
0x665: {  	v43 =	vor.u32 v60, v51;
	[tilespmem:s29+$0x1E0] =	vst v45;
	v60 =	vld.idx.msk [tilespmem:v52+s16+$0x0], $0xffff  }
0x666: {  	v41 =	vadd.f32 v41, v29;
	v32 =	vadd.f32 v32, v19;
	v46 =	vld.idx.msk [tilespmem:v46+s16+$0x0], $0xffff  }
0x667: {  	v48 =	vor.u32 v61, v21;
	v61 =	vadd.f32 v55, v24;
	v44 =	vadd.f32 v44, v17;
	v17 =	vmovc v29;
	v29 =	vld [tilespmem:$0x1FEB0]  }
0x668: {  	v55 =	vadd.f32 v37, v23;
	v23 =	vmovc v19;
	v19 =	vld [tilespmem:$0x1FF00];
	v62 =	vor.u32 v12, v51;
	v12 =	vmov v51  }
0x669: {  	v36 =	vadd.f32 v36, v20;
	v56 =	vor.u32 v18, v12;
	v18 =	vld [tilespmem:$0x1FF20]  }
0x66a: {  	v49 =	vld.idx.msk [tilespmem:v58+s16+$0x0], $0xffff  }
0x66b: {  	[tilespmem:s2+$0xA0] =	vst v36;
	v58 =	vld [tilespmem:$0x1FE50]  }
0x66c: {  	v57 =	vadd.f32 v60, v25;
	v45 =	vor.u32 $0x1, v12;
	v60 =	vld.idx.msk [tilespmem:v48+s16+$0x0], $0xffff  }
0x66d: {  	v52 =	vor.u32 v13, v12;
	[tilespmem:s29+$0x70] =	vst v44;
	v44 =	vld [tilespmem:$0x1FC10]  }
0x66e: {  	v39 =	vld.idx.msk [tilespmem:v62+s16+$0x0], $0xffff;
	v62 =	vor.u32 v18, v21  }
0x66f: {  	v48 =	vor.u32 v19, v21;
	v19 =	vld [tilespmem:$0x1FF40]  }
0x670: {  	v18 =	vld.idx.msk [tilespmem:v12+s9+$0x0], $0xffff  }
0x671: {  	v25 =	vmovc v30;
	v59 =	vadd.f32 v46, v22;
	v22 =	vmov v28;
	v28 =	vor.u32 $0x5, v12;
	v30 =	vld.idx.msk [tilespmem:v45+s9+$0x0], $0xffff  }
0x672: {  	[tilespmem:s29+$0xFFFFFFF0] =	vst v40;
	v50 =	vld.idx.msk [tilespmem:v52+s16+$0x0], $0xffff  }
0x673: {  	[tilespmem:s2+$0x30] =	vst v41;
	v62 =	vld.idx.msk [tilespmem:v62+s16+$0x0], $0xffff  }
0x674: {  	[tilespmem:s29+$0xF0] =	vst v35;
	v45 =	vld.idx.msk [tilespmem:v56+s16+$0x0], $0xffff  }
0x675: {  	[tilespmem:s29+$0x1F0] =	vst v59;
	v46 =	vadd.f32 v60, v20;
	v60 =	vld [tilespmem:$0x1FE80]  }
0x676: {  	[tilespmem:s29+$0x170] =	vst v57;
	v40 =	vld.idx.msk [tilespmem:v28+s9+$0x0], $0xffff  }
0x677: {  	v41 =	vor.u32 v58, v12;
	[tilespmem:s2+$0xFFFFFEA0] =	vst v32;
	v57 =	vor.u32 v19, v21;
	v19 =	vld [tilespmem:$0x1FF30]  }
0x678: {  	[tilespmem:s29+$0xFFFFFE70] =	vst v47;
	v33 =	vld.idx.msk [tilespmem:v33+s16+$0x0], $0xffff;
	v28 =	vadd.f32 v62, v26  }
0x679: {  	v42 =	vld.idx.msk [tilespmem:v43+s16+$0x0], $0xffff;
	[tilespmem:s29+$0xFFFFFEF0] =	vst v55;
	s29 =	smov.u32 s31  }
0x67a: {  	[tilespmem:s29+$0xFFFFFFB0] =	vst v28;
	v28 =	vld [tilespmem:$0x1FEC0]  }
0x67b: {  	[tilespmem:s29+$0xFFFFFE20] =	vst v61;
	v61 =	vld [tilespmem:$0x1FBB0]  }
0x67c: {  	v55 =	vld.idx.msk [tilespmem:v41+s16+$0x0], $0xffff;
	v58 =	vor.u32 v19, v21  }
0x67d: {  	v29 =	vor.u32 v29, v12;
	v59 =	vadd.f32 v33, v23;
	v33 =	vld.idx.msk [tilespmem:v48+s16+$0x0], $0xffff  }
0x67e: {  	v19 =	vld [tilespmem:$0x1FE70]  }
0x67f: {  	v48 =	vor.u32 v28, v12;
	v28 =	vld [tilespmem:$0x1FB80]  }
0x680: {  	[tilespmem:s29+$0xB0] =	vst v46;
	v47 =	vor.u32 v60, v12;
	v60 =	vld [tilespmem:$0x1FD90]  }
0x681: {  	v46 =	vld.idx.msk [tilespmem:v58+s16+$0x0], $0xffff  }
0x682: {  	v62 =	vor.u32 v61, v12;
	v58 =	vld.idx.msk [tilespmem:v29+s16+$0x0], $0xffff  }
0x683: {  	v38 =	vadd.f32 v38, v22;
	v29 =	vld [tilespmem:$0x1FF50]  }
0x684: {  	v35 =	vor.u32 v19, v12;
	v19 =	vmovc v30;
	v30 =	vor.u32 $0x7, v12;
	v56 =	vor.u32 v28, v21;
	v28 =	vld [tilespmem:$0x1FDE0]  }
0x685: {  	v27 =	vmov v31;
	v61 =	vld [tilespmem:$0x1FBF0]  }
0x686: {  	v34 =	vadd.f32 v34, v27;
	[tilespmem:s29+$0x1C0] =	vst v38;
	v36 =	vld.idx.msk [tilespmem:v57+s16+$0x0], $0xffff  }
0x687: {  	v57 =	vld.idx.msk [tilespmem:v62+s16+$0x0], $0xffff  }
0x688: {  	[tilespmem:s29+$0xFFFFFF30] =	vst v34;
	v34 =	vor.u32 v60, v21;
	v60 =	vor.u32 v29, v21;
	v29 =	vld [tilespmem:$0x1FE90]  }
0x689: {  	v51 =	vor.u32 v5, v12;
	v41 =	vor.u32 v28, v12;
	v28 =	vld.idx.msk [tilespmem:v30+s9+$0x0], $0xffff  }
0x68a: {  	v30 =	vld [tilespmem:$0x1FE00]  }
0x68b: {  	v53 =	vor.u32 $0x3, v12;
	v62 =	vld [tilespmem:$0x1FE40]  }
0x68c: {  	v49 =	vadd.f32 v49, v25  }
0x68d: {  	v31 =	vor.u32 $0x2, v12  }
0x68e: {  	v51 =	vld.idx.msk [tilespmem:v51+s16+$0x0], $0xffff;
	[tilespmem:s29+$0x120] =	vst v49;
	v49 =	vor.u32 v61, v12  }
0x68f: {  	v7 =	vld [tilespmem:$0x1FED0];
	[tilespmem:s29+$0xFFFFFEB0] =	vst v59;
	v61 =	vor.u32 v29, v12;
	v29 =	vadd.f32 v36, v26;
	v30 =	vor.u32 v30, v21  }
0x690: {  	v59 =	vor.u32 v63, v21;
	v38 =	vor.u32 v62, v12;
	v62 =	vor.u32 v44, v12;
	v44 =	vld.idx.msk [tilespmem:v53+s9+$0x0], $0xffff  }
0x691: {  	v54 =	vor.u32 $0x4, v12;
	[tilespmem:s29+$0xFFFFFFC0] =	vst v29;
	v29 =	vld [tilespmem:$0x1FF60]  }
0x692: {  	v31 =	vld.idx.msk [tilespmem:v31+s9+$0x0], $0xffff;
	v33 =	vadd.f32 v33, v17  }
0x693: {  	v34 =	vld.idx.msk [tilespmem:v34+s16+$0x0], $0xffff;
	v46 =	vadd.f32 v46, v20  }
0x694: {  	[tilespmem:s29+$0x40] =	vst v33;
	v30 =	vld.idx.msk [tilespmem:v30+s16+$0x0], $0xffff  }
0x695: {  	[tilespmem:s29+$0xC0] =	vst v46;
	v46 =	vld.idx.msk [tilespmem:v59+s16+$0x0], $0xffff  }
0x696: {  	v63 =	vor.u32 v29, v21;
	v29 =	vld.idx.msk [tilespmem:v54+s9+$0x0], $0xffff;
	v54 =	vadd.f32 v57, v28  }
0x697: {  	s2 =	sadd.s32 $0x400, s2;
	v56 =	vld.idx.msk [tilespmem:v56+s16+$0x0], $0xffff  }
0x698: {  	[tilespmem:s2+$0x180] =	vst v54;
	v54 =	vld.idx.msk [tilespmem:v60+s16+$0x0], $0xffff  }
0x699: {  	v60 =	vld.idx.msk [tilespmem:v62+s16+$0x0], $0xffff;
	v30 =	vadd.f32 v30, v27  }
0x69a: {  	v59 =	vld [tilespmem:$0x1FBC0]  }
0x69b: {  	[tilespmem:s29+$0xFFFFFF40] =	vst v30;
	v30 =	vld [tilespmem:$0x1FFC0]  }
0x69c: {  	v55 =	vadd.f32 v55, v29  }
0x69d: {  	v53 =	vld [tilespmem:$0x1FE10];
	v57 =	vadd.f32 v34, v23  }
0x69e: {  	v56 =	vadd.f32 v56, v25;
	[tilespmem:s2+$0x0] =	vst v55;
	v55 =	vadd.f32 v60, v28;
	v60 =	vld [tilespmem:$0x1FBE0]  }
0x69f: {  	v58 =	vadd.f32 v58, v40;
	v36 =	vor.u32 v7, v12;
	v7 =	vld [tilespmem:$0x1FDF0];
	v59 =	vor.u32 v59, v21;
	[tilespmem:s29+$0xFFFFFEC0] =	vst v57  }
0x6a0: {  	v52 =	vor.u32 $0x6, v12;
	[tilespmem:s29+$0x130] =	vst v56;
	v56 =	vor.u32 v30, v21;
	v30 =	vld [tilespmem:$0x1FC60]  }
0x6a1: {  	[tilespmem:s2+$0x80] =	vst v58;
	v57 =	vld.idx.msk [tilespmem:v63+s16+$0x0], $0xffff;
	v54 =	vadd.f32 v54, v20  }
0x6a2: {  	v48 =	vld.idx.msk [tilespmem:v48+s16+$0x0], $0xffff  }
0x6a3: {  	[tilespmem:s29+$0xD0] =	vst v54;
	v54 =	vor.u32 v60, v21;
	v60 =	vld [tilespmem:$0x1FEE0]  }
0x6a4: {  	v59 =	vld.idx.msk [tilespmem:v59+s16+$0x0], $0xffff  }
0x6a5: {  	v53 =	vor.u32 v53, v21;
	v62 =	vor.u32 v30, v12;
	v30 =	vld.idx.msk [tilespmem:v52+s9+$0x0], $0xffff  }
0x6a6: {  	v47 =	vld.idx.msk [tilespmem:v47+s16+$0x0], $0xffff  }
0x6a7: {  	v34 =	vor.u32 v7, v12;
	v7 =	vld [tilespmem:$0x1FFB0];
	v57 =	vadd.f32 v57, v26  }
0x6a8: {  	[tilespmem:s2+$0x190] =	vst v55;
	v55 =	vor.u32 v60, v21;
	v52 =	vld [tilespmem:$0x1FFE0]  }
0x6a9: {  	[tilespmem:s29+$0xFFFFFFD0] =	vst v57;
	v57 =	vadd.f32 v59, v25;
	v59 =	vld [tilespmem:$0x1FB60]  }
0x6aa: {  	v53 =	vld.idx.msk [tilespmem:v53+s16+$0x0], $0xffff;
	v39 =	vadd.f32 v39, v30  }
0x6ab: {  	v47 =	vadd.f32 v47, v29;
	v56 =	vld.idx.msk [tilespmem:v56+s16+$0x0], $0xffff;
	[tilespmem:s29+$0x140] =	vst v57  }
0x6ac: {  	v50 =	vadd.f32 v50, v31;
	v54 =	vld.idx.msk [tilespmem:v54+s16+$0x0], $0xffff;
	[tilespmem:s2+$0x100] =	vst v39  }
0x6ad: {  	v52 =	vor.u32 v52, v21;
	v39 =	vld.idx.msk [tilespmem:v55+s16+$0x0], $0xffff;
	[tilespmem:s2+$0x10] =	vst v47  }
0x6ae: {  	v58 =	vor.u32 v7, v21;
	[tilespmem:s2+$0xFFFFFF00] =	vst v50;
	v50 =	vld.idx.msk [tilespmem:v61+s16+$0x0], $0xffff  }
0x6af: {  	v61 =	vld [tilespmem:$0x1FFD0]  }
0x6b0: {  	v46 =	vadd.f32 v46, v24;
	v60 =	vld.idx.msk [tilespmem:v62+s16+$0x0], $0xffff  }
0x6b1: {  	v57 =	vld [tilespmem:$0x1FFA0]  }
0x6b2: {  	[tilespmem:s29+$0xFFFFFE30] =	vst v46;
	v46 =	vld.idx.msk [tilespmem:v52+s16+$0x0], $0xffff  }
0x6b3: {  	v43 =	vor.u32 v10, v12;
	v52 =	vld.idx.msk [tilespmem:v58+s16+$0x0], $0xffff  }
0x6b4: {  	v51 =	vadd.f32 v51, v19;
	v58 =	vor.u32 v61, v21;
	v61 =	vld [tilespmem:$0x1FBD0]  }
0x6b5: {  	v37 =	vor.u32 v0, v12;
	v55 =	vadd.f32 v56, v20;
	v47 =	vld.idx.msk [tilespmem:v49+s16+$0x0], $0xffff;
	v56 =	vadd.f32 v60, v28  }
0x6b6: {  	[tilespmem:s2+$0xFFFFFE80] =	vst v51;
	v57 =	vor.u32 v57, v21;
	v54 =	vadd.f32 v54, v25;
	v49 =	vor.u32 v59, v12;
	v59 =	vld [tilespmem:$0x1FDA0]  }
0x6b7: {  	[tilespmem:s2+$0x1A0] =	vst v56;
	v56 =	vld [tilespmem:$0x1FE20]  }
0x6b8: {  	v45 =	vadd.f32 v45, v44;
	v43 =	vld.idx.msk [tilespmem:v43+s16+$0x0], $0xffff;
	[tilespmem:s29+$0x150] =	vst v54  }
0x6b9: {  	[tilespmem:s29+$0xE0] =	vst v55;
	v55 =	vor.u32 v61, v21;
	v61 =	vld [tilespmem:$0x1FF90]  }
0x6ba: {  	v54 =	vld.idx.msk [tilespmem:v37+s16+$0x0], $0xffff;
	[tilespmem:s2+$0xFFFFFF80] =	vst v45;
	v45 =	vadd.f32 v52, v24  }
0x6bb: {  	v57 =	vld.idx.msk [tilespmem:v57+s16+$0x0], $0xffff  }
0x6bc: {  	v52 =	vor.u32 v59, v21;
	v59 =	vld.idx.msk [tilespmem:v35+s16+$0x0], $0xffff;
	[tilespmem:s29+$0xFFFFFE40] =	vst v45;
	v45 =	vor.u32 v56, v21  }
0x6bd: {  	v51 =	vadd.f32 v53, v27;
	v58 =	vld.idx.msk [tilespmem:v58+s16+$0x0], $0xffff  }
0x6be: {  	v42 =	vadd.f32 v42, v18;
	v35 =	vor.u32 v61, v21;
	v53 =	vld.idx.msk [tilespmem:v55+s16+$0x0], $0xffff  }
0x6bf: {  	[tilespmem:s29+$0xFFFFFF50] =	vst v51;
	v56 =	vor.u32 v2, v12;
	v55 =	vld [tilespmem:$0x1FDC0]  }
0x6c0: {  	v46 =	vadd.f32 v46, v26;
	[tilespmem:s2+$0xFFFFFE00] =	vst v42;
	v42 =	vld [tilespmem:$0x1FFF0]  }
0x6c1: {  	v45 =	vld.idx.msk [tilespmem:v45+s16+$0x0], $0xffff  }
0x6c2: {  	[tilespmem:s29+$0xFFFFFFE0] =	vst v46;
	v61 =	vld [tilespmem:$0x1FC50]  }
0x6c3: {  	v51 =	vld.idx.msk [tilespmem:v35+s16+$0x0], $0xffff  }
0x6c4: {  	v37 =	vor.u32 v55, v21;
	v55 =	vld.idx.msk [tilespmem:v56+s16+$0x0], $0xffff  }
0x6c5: {  	v43 =	vadd.f32 v43, v31;
	v56 =	vld [tilespmem:$0x1FE30]  }
0x6c6: {  	v35 =	vadd.f32 v57, v20;
	v57 =	vld [tilespmem:$0x1FC20]  }
0x6c7: {  	v39 =	vadd.f32 v39, v17;
	[tilespmem:s2+$0xFFFFFF10] =	vst v43;
	v43 =	vadd.f32 v58, v24;
	v58 =	vld [tilespmem:$0x1FEF0]  }
0x6c8: {  	v50 =	vadd.f32 v50, v29;
	v46 =	vor.u32 v61, v21  }
0x6c9: {  	v49 =	vld.idx.msk [tilespmem:v49+s16+$0x0], $0xffff;
	[tilespmem:s29+$0x50] =	vst v39;
	v20 =	vmov v40;
	v40 =	vor.u32 v42, v21  }
0x6ca: {  	[tilespmem:s2+$0x20] =	vst v50;
	v52 =	vld.idx.msk [tilespmem:v52+s16+$0x0], $0xffff;
	v61 =	vadd.f32 v59, v44  }
0x6cb: {  	v32 =	vor.u32 v9, v12;
	[tilespmem:s29+$0xFFFFFE50] =	vst v43;
	v59 =	vld [tilespmem:$0x1FDB0];
	v42 =	vor.u32 v56, v21;
	v56 =	vor.u32 v57, v21  }
0x6cc: {  	v39 =	vld.idx.msk [tilespmem:v41+s16+$0x0], $0xffff;
	[tilespmem:s2+$0xFFFFFF90] =	vst v61;
	v61 =	vadd.f32 v45, v27;
	v57 =	vor.u32 v58, v21  }
0x6cd: {  	p0 =	slt.u32 s30, $0x38;
	v58 =	vadd.f32 v53, v22;
	v53 =	vadd.f32 v54, v19;
	v54 =	vor.u32 v16, v12;
	v43 =	vld.idx.msk [tilespmem:v46+s16+$0x0], $0xffff  }
.Ltmp3:
0x6ce: {  	v33 =	vor.u32 v11, v12;
	v47 =	vadd.f32 v47, v30;
	[tilespmem:s29+$0xFFFFFF60] =	vst v61;
	v46 =	vld.idx.msk [tilespmem:v40+s16+$0x0], $0xffff;
	(pc) =	sbr.rel @p0 .LBB2_9-.Ltmp3, $4  }
0x6cf: {  	v63 =	vmov v4;
	v40 =	vadd.f32 v51, v26;
	v26 =	vmov v44;
	v44 =	vld.idx.msk [tilespmem:v38+s16+$0x0], $0xffff;
	[tilespmem:s29+$0x1D0] =	vst v58  }
0x6d0: {  	v62 =	vmov v3;
	v50 =	vor.u32 v59, v21;
	[tilespmem:s2+$0x110] =	vst v47;
	v51 =	vadd.f32 v49, v28;
	v45 =	vld.idx.msk [tilespmem:v56+s16+$0x0], $0xffff  }
0x6d1: {  	v38 =	vor.u32 v6, v12;
	v49 =	vadd.f32 v48, v20;
	v47 =	vor.u32 v8, v21;
	v48 =	vld.idx.msk [tilespmem:v57+s16+$0x0], $0xffff  }
0x6d2: {  	s31 =	smov.u32 s2;
	v60 =	vmov v1;
	[tilespmem:s2+$0xFFFFFE90] =	vst v53;
	v53 =	vadd.f32 v52, v23;
	v52 =	vadd.f32 v55, v18;
	v41 =	vld.idx.msk [tilespmem:v54+s16+$0x0], $0xffff  }
0x6d3: {  	_ = 	snop  }
0x6d4: {  	[tilespmem:s2+$0x1B0] =	vst v51  }
0x6d5: {  	[tilespmem:s2+$0x90] =	vst v49  }
0x6d6: {  	v46 =	vadd.f32 v46, v24;
	[tilespmem:s29+$0xFFFFFED0] =	vst v53  }
0x6d7: {  	v42 =	vld.idx.msk [tilespmem:v42+s16+$0x0], $0xffff;
	v43 =	vadd.f32 v43, v25;
	[tilespmem:s2+$0xFFFFFE10] =	vst v52  }
0x6d8: {  	v58 =	vor.u32 v62, v12;
	v36 =	vld.idx.msk [tilespmem:v36+s16+$0x0], $0xffff;
	[tilespmem:s29+$0xFFFFFE60] =	vst v46  }
0x6d9: {  	v50 =	vld.idx.msk [tilespmem:v50+s16+$0x0], $0xffff;
	v45 =	vadd.f32 v45, v22;
	[tilespmem:s29+$0x160] =	vst v43  }
0x6da: {  	v44 =	vadd.f32 v44, v26;
	v6 =	vld [tilespmem:$0x1FAF0]  }
0x6db: {  	v48 =	vadd.f32 v48, v17;
	v47 =	vld.idx.msk [tilespmem:v47+s16+$0x0], $0xffff;
	[tilespmem:s29+$0x1E0] =	vst v45  }
0x6dc: {  	v39 =	vadd.f32 v39, v31;
	v1 =	vld [tilespmem:$0x1FB50];
	[tilespmem:s2+$0xFFFFFFA0] =	vst v44  }
0x6dd: {  	v27 =	vadd.f32 v42, v27;
	[tilespmem:s29+$0x60] =	vst v48;
	v55 =	vld.idx.msk [tilespmem:v58+s16+$0x0], $0xffff  }
0x6de: {  	v11 =	vld [tilespmem:$0x1FB00];
	[tilespmem:s2+$0xFFFFFF20] =	vst v39;
	v53 =	vadd.f32 v50, v23  }
0x6df: {  	[tilespmem:s29+$0xFFFFFF70] =	vst v27  }
0x6e0: {  	v41 =	vadd.f32 v41, v29;
	v59 =	vor.u32 v6, v21;
	[tilespmem:s29+$0xFFFFFEE0] =	vst v53  }
0x6e1: {  	v36 =	vadd.f32 v36, v20;
	v4 =	vld [tilespmem:$0x1FF20];
	[tilespmem:s29+$0xFFFFFFF0] =	vst v40  }
0x6e2: {  	v46 =	vadd.f32 v47, v24;
	v52 =	vor.u32 v1, v12;
	[tilespmem:s2+$0x30] =	vst v41  }
0x6e3: {  	[tilespmem:s2+$0xA0] =	vst v36;
	v50 =	vadd.f32 v55, v18  }
0x6e4: {  	v51 =	vld [tilespmem:$0x1FB80];
	[tilespmem:s29+$0xFFFFFE70] =	vst v46  }
0x6e5: {  	[tilespmem:s31+$0xFFFFFE20] =	vst v50;
	v56 =	vld.idx.msk [tilespmem:v59+s16+$0x0], $0xffff  }
0x6e6: {  	v54 =	vor.u32 v11, v21;
	v3 =	vld [tilespmem:$0x1FF10]  }
0x6e7: {  	v45 =	vor.u32 v63, v12;
	v58 =	vld.idx.msk [tilespmem:v52+s16+$0x0], $0xffff  }
0x6e8: {  	v32 =	vld.idx.msk [tilespmem:v32+s16+$0x0], $0xffff;
	v59 =	vor.u32 v4, v12  }
0x6e9: {  	v53 =	vld.idx.msk [tilespmem:v34+s16+$0x0], $0xffff  }
0x6ea: {  	v37 =	vld.idx.msk [tilespmem:v37+s16+$0x0], $0xffff  }
0x6eb: {  	v47 =	vld.idx.msk [tilespmem:v54+s16+$0x0], $0xffff;
	v42 =	vor.u32 v51, v12;
	v52 =	vadd.f32 v56, v22  }
0x6ec: {  	v43 =	vld.idx.msk [tilespmem:v45+s16+$0x0], $0xffff;
	v54 =	vor.u32 v3, v12;
	v56 =	vadd.f32 v58, v30  }
0x6ed: {  	v55 =	vld.idx.msk [tilespmem:v59+s16+$0x0], $0xffff;
	[tilespmem:s29+$0x1F0] =	vst v52  }
0x6ee: {  	v49 =	vld [tilespmem:$0x1FF80];
	[tilespmem:s31+$0x120] =	vst v56  }
0x6ef: {  	v59 =	vadd.f32 v32, v19;
	v45 =	vld [tilespmem:$0x1FE00]  }
0x6f0: {  	v44 =	vadd.f32 v47, v25;
	v51 =	vld.idx.msk [tilespmem:v42+s16+$0x0], $0xffff  }
0x6f1: {  	v24 =	vadd.f32 v53, v31;
	v47 =	vadd.f32 v37, v23;
	[tilespmem:s2+$0xFFFFFEA0] =	vst v59;
	v53 =	vld.idx.msk [tilespmem:v54+s16+$0x0], $0xffff  }
0x6f2: {  	v50 =	vld [tilespmem:$0x1FF40];
	[tilespmem:s29+$0x170] =	vst v44  }
0x6f3: {  	v39 =	vld [tilespmem:$0x1FFB0];
	[tilespmem:s29+$0xFFFFFEF0] =	vst v47;
	v54 =	vadd.f32 v55, v26  }
0x6f4: {  	v33 =	vld.idx.msk [tilespmem:v33+s16+$0x0], $0xffff;
	[tilespmem:s31+$0xFFFFFF30] =	vst v24  }
0x6f5: {  	v32 =	vadd.f32 v43, v18;
	v58 =	vor.u32 v49, v21;
	v55 =	vld [tilespmem:$0x1FBC0];
	[tilespmem:s31+$0xFFFFFFB0] =	vst v54  }
0x6f6: {  	v46 =	vor.u32 v45, v12;
	v56 =	vld [tilespmem:$0x1FD90]  }
0x6f7: {  	[tilespmem:s31+$0xFFFFFE30] =	vst v32;
	v45 =	vld.idx.msk [tilespmem:v38+s16+$0x0], $0xffff  }
0x6f8: {  	v48 =	vor.u32 v50, v12;
	v47 =	vld [tilespmem:$0x1FF30];
	[tilespmem:s29+$0xF0] =	vst v35  }
0x6f9: {  	v61 =	vmov v2;
	v2 =	vadd.f32 v51, v30;
	v42 =	vld [tilespmem:$0x1FF00]  }
0x6fa: {  	v52 =	vor.u32 v39, v12;
	v21 =	vld.idx.msk [tilespmem:v58+s16+$0x0], $0xffff  }
0x6fb: {  	v33 =	vadd.f32 v33, v19;
	[tilespmem:s31+$0x130] =	vst v2;
	v24 =	vor.u32 v55, v12;
	v59 =	vld.idx.msk [tilespmem:v46+s16+$0x0], $0xffff  }
0x6fc: {  	v58 =	vor.u32 v56, v12;
	v46 =	vld [tilespmem:$0x1FE10]  }
0x6fd: {  	[tilespmem:s31+$0xFFFFFEB0] =	vst v33;
	v23 =	vld.idx.msk [tilespmem:v48+s16+$0x0], $0xffff  }
0x6fe: {  	v22 =	vadd.f32 v53, v20;
	v32 =	vor.u32 v47, v12;
	v53 =	vld [tilespmem:$0x1FF60]  }
0x6ff: {  	v25 =	vld.idx.msk [tilespmem:v52+s16+$0x0], $0xffff  }
0x700: {  	v44 =	vor.u32 v42, v12;
	v24 =	vld.idx.msk [tilespmem:v24+s16+$0x0], $0xffff  }
0x701: {  	[tilespmem:s31+$0xB0] =	vst v22;
	v17 =	vadd.f32 v21, v17;
	v41 =	vld.idx.msk [tilespmem:v58+s16+$0x0], $0xffff  }
0x702: {  	v58 =	vld [tilespmem:$0x1FFD0]  }
0x703: {  	v48 =	vor.u32 v46, v12;
	v56 =	vadd.f32 v59, v31;
	[tilespmem:s29+$0x70] =	vst v17;
	v17 =	vld.idx.msk [tilespmem:v32+s16+$0x0], $0xffff  }
0x704: {  	v23 =	vadd.f32 v23, v26;
	v43 =	vld [tilespmem:$0x1FBD0]  }
0x705: {  	v40 =	vor.u32 v53, v12;
	v34 =	vld.idx.msk [tilespmem:v44+s16+$0x0], $0xffff;
	[tilespmem:s31+$0xFFFFFF40] =	vst v56  }
0x706: {  	v25 =	vadd.f32 v25, v18;
	v44 =	vld [tilespmem:$0x1FBE0];
	[tilespmem:s31+$0xFFFFFFC0] =	vst v23  }
0x707: {  	v52 =	vld [tilespmem:$0x1FDA0]  }
0x708: {  	v45 =	vadd.f32 v45, v28;
	[tilespmem:s31+$0xFFFFFE40] =	vst v25;
	v46 =	vld.idx.msk [tilespmem:v48+s16+$0x0], $0xffff  }
0x709: {  	v24 =	vadd.f32 v24, v30;
	v51 =	vld [tilespmem:$0x1FF50]  }
0x70a: {  	v59 =	vor.u32 v58, v12;
	[tilespmem:s31+$0x1C0] =	vst v45;
	v22 =	vadd.f32 v41, v19;
	v21 =	vld.idx.msk [tilespmem:v40+s16+$0x0], $0xffff  }
0x70b: {  	v32 =	vor.u32 v43, v12;
	v43 =	vld [tilespmem:$0x1FEE0];
	v17 =	vadd.f32 v17, v20;
	[tilespmem:s31+$0x140] =	vst v24  }
0x70c: {  	v58 =	vld [tilespmem:$0x1FE20];
	[tilespmem:s31+$0xFFFFFEC0] =	vst v22  }
0x70d: {  	v34 =	vadd.f32 v34, v29;
	v27 =	vor.u32 v44, v12;
	v15 =	vld [tilespmem:$0x1FFE0];
	[tilespmem:s31+$0xC0] =	vst v17  }
0x70e: {  	v41 =	vld [tilespmem:$0x1FFF0]  }
0x70f: {  	v54 =	vor.u32 v52, v12;
	[tilespmem:s31+$0x40] =	vst v34;
	v33 =	vld.idx.msk [tilespmem:v59+s16+$0x0], $0xffff  }
0x710: {  	v55 =	vor.u32 v51, v12;
	v17 =	vadd.f32 v46, v31;
	v45 =	vld [tilespmem:$0x1FC20]  }
0x711: {  	v32 =	vld.idx.msk [tilespmem:v32+s16+$0x0], $0xffff  }
0x712: {  	v56 =	vor.u32 v43, v12;
	[tilespmem:s31+$0xFFFFFF50] =	vst v17;
	v27 =	vld.idx.msk [tilespmem:v27+s16+$0x0], $0xffff  }
0x713: {  	v21 =	vadd.f32 v21, v26;
	v59 =	vor.u32 v58, v12;
	v48 =	vld [tilespmem:$0x1FC50]  }
0x714: {  	v36 =	vld.idx.msk [tilespmem:v54+s16+$0x0], $0xffff  }
0x715: {  	v40 =	vor.u32 v15, v12;
	[tilespmem:s31+$0xFFFFFFD0] =	vst v21;
	v25 =	vld.idx.msk [tilespmem:v55+s16+$0x0], $0xffff  }
0x716: {  	v44 =	vor.u32 v41, v12;
	v33 =	vadd.f32 v33, v18;
	v55 =	vld [tilespmem:$0x1FDB0]  }
0x717: {  	v35 =	vld.idx.msk [tilespmem:v56+s16+$0x0], $0xffff  }
0x718: {  	v52 =	vld.idx.msk [tilespmem:v59+s16+$0x0], $0xffff;
	[tilespmem:s31+$0xFFFFFE50] =	vst v33  }
0x719: {  	v57 =	vmov v8;
	v54 =	vadd.f32 v32, v28;
	v8 =	vld [tilespmem:$0x1FFC0]  }
0x71a: {  	v22 =	vld.idx.msk [tilespmem:v40+s16+$0x0], $0xffff;
	v27 =	vadd.f32 v27, v30  }
0x71b: {  	v46 =	vor.u32 v45, v12;
	[tilespmem:s31+$0x1D0] =	vst v54;
	v23 =	vld.idx.msk [tilespmem:v44+s16+$0x0], $0xffff;
	v36 =	vadd.f32 v36, v19  }
0x71c: {  	v17 =	vor.u32 v48, v12;
	v14 =	vld [tilespmem:$0x1FEF0];
	v25 =	vadd.f32 v25, v20;
	[tilespmem:s31+$0x150] =	vst v27  }
0x71d: {  	v38 =	vld [tilespmem:$0x1FE30];
	[tilespmem:s31+$0xFFFFFED0] =	vst v36;
	v35 =	vadd.f32 v35, v29  }
0x71e: {  	v16 =	vld [tilespmem:$0x1FF90];
	[tilespmem:s31+$0xD0] =	vst v25;
	v21 =	vadd.f32 v52, v31  }
0x71f: {  	v56 =	vor.u32 v55, v12;
	v22 =	vadd.f32 v22, v26;
	[tilespmem:s31+$0x50] =	vst v35  }
0x720: {  	v34 =	vld.idx.msk [tilespmem:v46+s16+$0x0], $0xffff;
	v58 =	vor.u32 v8, v12;
	[tilespmem:s31+$0xFFFFFF60] =	vst v21;
	v46 =	vadd.f32 v23, v18  }
0x721: {  	v17 =	vld.idx.msk [tilespmem:v17+s16+$0x0], $0xffff;
	v59 =	vor.u32 v14, v12;
	[tilespmem:s31+$0xFFFFFFE0] =	vst v22  }
0x722: {  	v44 =	vor.u32 v57, v12;
	v52 =	vld [tilespmem:$0x1FDC0];
	[tilespmem:s31+$0xFFFFFE60] =	vst v46  }
0x723: {  	v40 =	vor.u32 v38, v12;
	v55 =	vld [tilespmem:$0x1FFA0]  }
0x724: {  	v48 =	vor.u32 v11, v12;
	v32 =	vld.idx.msk [tilespmem:v56+s16+$0x0], $0xffff  }
0x725: {  	v45 =	vor.u32 v6, v12;
	v33 =	vld.idx.msk [tilespmem:v58+s16+$0x0], $0xffff  }
0x726: {  	v41 =	vor.u32 v16, v12;
	v17 =	vadd.f32 v17, v30;
	v24 =	vld.idx.msk [tilespmem:v59+s16+$0x0], $0xffff  }
0x727: {  	v34 =	vadd.f32 v34, v28;
	v25 =	vld.idx.msk [tilespmem:v44+s16+$0x0], $0xffff;
	v54 =	vor.u32 v52, v12  }
0x728: {  	[tilespmem:s31+$0x160] =	vst v17;
	v27 =	vld.idx.msk [tilespmem:v40+s16+$0x0], $0xffff;
	v56 =	vor.u32 v55, v12  }
0x729: {  	[tilespmem:s31+$0x1E0] =	vst v34;
	v32 =	vadd.f32 v32, v19;
	v23 =	vld.idx.msk [tilespmem:v48+s16+$0x0], $0xffff;
	v12 =	vor.u32 v49, v12  }
0x72a: {  	v58 =	vld.idx.msk [tilespmem:v45+s16+$0x0], $0xffff;
	v17 =	vadd.f32 v33, v20  }
0x72b: {  	v36 =	vld.idx.msk [tilespmem:v41+s16+$0x0], $0xffff;
	[tilespmem:s31+$0xFFFFFEE0] =	vst v32;
	v24 =	vadd.f32 v24, v29  }
0x72c: {  	v18 =	vadd.f32 v25, v18;
	[tilespmem:s31+$0xE0] =	vst v17;
	v22 =	vld.idx.msk [tilespmem:v54+s16+$0x0], $0xffff  }
0x72d: {  	v17 =	vadd.f32 v27, v31;
	[tilespmem:s31+$0x60] =	vst v24;
	v21 =	vld.idx.msk [tilespmem:v56+s16+$0x0], $0xffff  }
0x72e: {  	[tilespmem:s31+$0xFFFFFE70] =	vst v18;
	v23 =	vadd.f32 v23, v30;
	v12 =	vld.idx.msk [tilespmem:v12+s16+$0x0], $0xffff  }
0x72f: {  	s0 =	smulhi.u32 $0x51EB851F, s26;
	[tilespmem:s31+$0xFFFFFF70] =	vst v17;
	v17 =	vadd.f32 v58, v28  }
0x730: {  	v59 =	vadd.f32 v36, v26;
	[tilespmem:s31+$0x170] =	vst v23  }
0x731: {  	s25 =	sadd.s32 $0x1, s25;
	s0 =	sshrl.u32 s0, $0x4;
	[tilespmem:s31+$0x1F0] =	vst v17;
	v17 =	vadd.f32 v22, v19  }
0x732: {  	p0 =	sne.s32 s25, $0x64;
	s0 =	smul.u32 $0x32, s0;
	[tilespmem:s31+$0xFFFFFFF0] =	vst v59;
	v18 =	vadd.f32 v21, v20  }
.Ltmp4:
0x733: {  	v12 =	vadd.f32 v12, v29;
	[tilespmem:s31+$0xFFFFFEF0] =	vst v17;
	(pc) =	sbr.rel @p0 .LBB2_6-.Ltmp4, $4  }
0x734: {  	s0 =	ssub.s32 s26, s0;
	[tilespmem:s31+$0xF0] =	vst v18  }
0x735: {  	s0 =	sshll.u32 s0, $0x11;
	[tilespmem:s31+$0x70] =	vst v12  }
0x736: {  	s0 =	sadd.s32 s0, s28;
	v45 =	vld [tilespmem:$0x1FE60]  }
0x737: {  	v38 =	vmovc v3;
	v40 =	vmov v4;
	v58 =	vmov v5;
	v59 =	vmov v0;
	[hbm4b:s0+s17] =	stream.strided.scatter [tilespmem:s21], [sflag:$0x4], $0x2000, s18, s17, $0x38;
	v18 =	vld [tilespmem:$0x1FE70]  }
0x738: {  	_ =	swait.ge [sflag:s14], $0x2000  }
0x739: {  	[sflag:s14] =	ssyncset.done $0x0  }
0x73a: {  	[sflag:s14] =	ssyncadd.s32 $0xFFFFE000  }
0x73b: {  	_ =	swait.ge [sflag:s22], $0x2000  }
0x73c: {  	[sflag:s22] =	ssyncset.done $0x0  }
0x73d: {  	[sflag:s22] =	ssyncadd.s32 $0xFFFFE000  }
0x73e: {  	s24 =	sadd.s32 $0x1, s24;
	_ =	swait.ge [sflag:s23], $0x2000  }
0x73f: {  	p0 =	sne.s32 s24, s8;
	v52 =	vld [tilespmem:$0x1FE80]  }
.Ltmp5:
0x740: {  	v22 =	vld [tilespmem:$0x1FE90];
	(pc) =	sbr.rel @p0 .LBB2_1-.Ltmp5, $4  }
0x741: {  	v29 =	vld [tilespmem:$0x1FEA0]  }
0x742: {  	v32 =	vld [tilespmem:$0x1FEB0]  }
0x743: {  	v48 =	vmov v13;
	[sflag:s23] =	ssyncset.done $0x0;
	v13 =	vld [tilespmem:$0x1FEC0]  }
0x744: {  	v31 =	vmov v39;
	v5 =	vmov v45;
	v17 =	vld [tilespmem:$0x1FED0];
	[sflag:s23] =	ssyncadd.s32 $0xFFFFE000  }
0x745: {  	_ =	sfence.sel $0x180000  }
0x746: {  	[bflag:$0x0] =	sbarrier.arrive $0xFFFF  }
0x747: {  	_ =	strace $0x90000047  }
0x748: {  	s0 =	stileid.u32;
	[bflag:$0x2] =	sbarrier.arrive $0xFFFF  }
0x749: {  	p0 =	sne.s32 s0, $0x0;
	s0 =	rddreg [dreg:$0x3]  }
0x74a: {  	s0 =	sadd.s32 @!p0 $0x100000, s0  }
0x74b: {  	[sflag:s0] =	ssyncadd.tile.s32 @!p0 $0x1;
	_ =	shalt  }
.Lfunc_end2:
_tile_overlayer_lowered:
.L_overlay_start_2:
0x74c: {  	(tag) =	ssettag $0x2  }
0x74d: {  	s0 =	rddreg [dreg:$0x0];
	s2 =	stileid.u32  }
0x74e: {  	s1 =	rddreg [dreg:$0x1];
	p0 =	sne.s32 s2, $0x0  }
0x74f: {  	s3 =	rddreg [dreg:$0x2];
	[bflag:$0x3] =	sbarrier.arrive $0xFFFF;
	s2 =	simm.s32 @!p0 $0x1C05  }
0x750: {  	[timem:s3], [sflag:s2] =	dma.local @!p0 [hbm:s0], s1  }
0x751: {  	s0 =	simm.s32 @!p0 $0x5  }
0x752: {  	_ =	swait.ge @!p0 [sflag:s0], s1  }
0x753: {  	s1 =	ssub.s32 @!p0 $0x0, s1;
	[sflag:s0] =	ssyncset.done @!p0 $0x0  }
0x754: {  	[sflag:s0] =	ssyncadd.s32 @!p0 s1  }
0x755: {  	[bflag:$0x3] =	sbarrier.arrive $0xFFFF  }
0x756: {  	_ =	shalt  }

</sc_bundles>
